<compile_context>
chip_gen: v7x
topology: tpu7x:2x2x1
jax: 0.10.2.dev20260603
libtpu: 0.0.44.dev20260713+nightly
codegen_flags: <defaults>
</compile_context>

<pallas_src>
import functools

import jax
import jax.numpy as jnp
from jax import lax
from jax.experimental import pallas as pl
from jax.experimental.pallas import tpu as pltpu
from jax.experimental.pallas import tpu_sc as plsc

B = 16384
L = 200
DIM = 32
N = B * L

NC = 2
NS = 16
NW = NC * NS
BW = B // NW

TS = 129
OUT_ROWS = L * 4 * 128 * 8

_mesh = plsc.VectorSubcoreMesh(core_axis_name="c", subcore_axis_name="s")


@functools.partial(
    pl.kernel,
    mesh=_mesh,
    out_type=jax.ShapeDtypeStruct((OUT_ROWS, 128), jnp.float32),
    scratch_types=[
        pltpu.VMEM((BW,), jnp.int32),
        pltpu.VMEM((BW,), jnp.int32),
        pltpu.VMEM((BW, DIM), jnp.float32),
        pltpu.VMEM((BW, DIM), jnp.float32),
        pltpu.VMEM((128, TS), jnp.float32),
        pltpu.VMEM((128, TS), jnp.float32),
        pltpu.SemaphoreType.DMA,
        pltpu.SemaphoreType.DMA,
        pltpu.SemaphoreType.DMA,
        pltpu.SemaphoreType.DMA,
        pltpu.SemaphoreType.DMA,
        pltpu.SemaphoreType.DMA,
    ],
    compiler_params=pltpu.CompilerParams(
        use_tc_tiling_on_sc=False, needs_layout_passes=False,
        disable_bounds_checks=True),
)
def _gather_kernel(x4_hbm, table_hbm, out_hbm,
                   idx_v0, idx_v1, rows_v0, rows_v1, t_v0, t_v1,
                   sem_i0, sem_i1, sem_g0, sem_g1, sem_o0, sem_o1):
    w = lax.axis_index("s") * NC + lax.axis_index("c")
    idx_v = [idx_v0, idx_v1]
    rows_v = [rows_v0, rows_v1]
    t_v = [t_v0, t_v1]
    sems_i = [sem_i0, sem_i1]
    sems_g = [sem_g0, sem_g1]
    sems_o = [sem_o0, sem_o1]

    iota16 = lax.iota(jnp.int32, 16)

    def idx_copies(l, p):
        return [pltpu.make_async_copy(
            x4_hbm.at[l >> 3, 4 * w + c, l & 7],
            idx_v[p].at[pl.ds(128 * c, 128)], sems_i[p]) for c in range(4)]

    def idx_start(l, p):
        for cp in idx_copies(l, p):
            cp.start()

    def idx_wait(l, p):
        for cp in idx_copies(l, p):
            cp.wait()

    def gather_copy(p):
        return pltpu.make_async_copy(
            table_hbm.at[idx_v[p]], rows_v[p], sems_g[p])

    def out_copy(l, r, cp, p):
        row0 = ((l * 4 + r) * 128 + 4 * w + cp) * 8
        return pltpu.make_async_copy(
            t_v[p].at[pl.ds(cp * 32 + 8 * r, 8), pl.ds(0, 128)],
            out_hbm.at[pl.ds(row0, 8), :], sems_o[p])

    idx_start(0, 0)
    idx_start(1, 1)
    idx_wait(0, 0)
    gather_copy(0).start()

    def transpose(p):
        def blk(jo, carry2):
            rows_a = iota16 + ((jo >> 3) << 5)
            rows_b = rows_a + 16
            colbase = (jo & 7) << 4
            for jj in range(16):
                j = jo * 16 + jj
                colv = jnp.full((16,), colbase + jj, jnp.int32)
                lo = rows_v[p][j, pl.ds(0, 16)]
                hi = rows_v[p][j, pl.ds(16, 16)]
                plsc.store_scatter(t_v[p], [rows_a, colv], lo)
                plsc.store_scatter(t_v[p], [rows_b, colv], hi)
            return carry2

        lax.fori_loop(0, BW // 16, blk, 0)

    def body(lo_i, carry):
        def stage(l, p, cond_fire, cond_prefetch, cond_prev):
            gather_copy(p).wait()

            def fire():
                idx_wait(l + 1, 1 - p)
                gather_copy(1 - p).start()

                @pl.when(cond_prefetch)
                def _():
                    idx_start(l + 2, p)

            if cond_fire is True:
                fire()
            else:
                pl.when(cond_fire)(fire)

            @pl.when(cond_prev)
            def _():
                for r in range(4):
                    for cp in range(4):
                        out_copy(l - 2, r, cp, p).wait()

            transpose(p)

            for r in range(4):
                for cp in range(4):
                    out_copy(l, r, cp, p).start()

        l0 = 2 * lo_i
        half = L // 2
        last = lo_i < half - 1
        stage(l0, 0, True, last, lo_i > 0)
        stage(l0 + 1, 1, last, last, lo_i > 0)
        return carry

    lax.fori_loop(0, L // 2, body, 0)

    for l in (L - 2, L - 1):
        for r in range(4):
            for cp in range(4):
                out_copy(l, r, cp, l % 2).wait()


def kernel(x, table):
    x4 = (x.T.astype(jnp.int32).reshape(25, 8, 128, 128)
          .transpose(0, 2, 1, 3))
    out2 = _gather_kernel(x4, table)
    out5 = out2.reshape(L, 4, 128, 8, 128)
    return out5.transpose(2, 4, 0, 1, 3).reshape(B, L, DIM)

# --- scband reference (transcript-rebuilt; emitter-appended) ---
"""Pipeline reference for scband-embedder-6992206758456 (READ-ONLY COPY).

The authoritative reference and input builder live on the scoring server;
editing this copy changes nothing except your own understanding.
"""

import jax, jax.numpy as jnp
import numpy as np

VOCAB = 1000000
DIM = 32
B = 16384
L = 200

def setup_inputs(seed: int = 0) -> dict:
    key = jax.random.key(seed)
    k_idx, k_tab = jax.random.split(key)
    x = jax.random.randint(k_idx, (B, L), 0, VOCAB, dtype=jnp.int64 if jax.config.jax_enable_x64 else jnp.int32)
    table = jax.random.normal(k_tab, (VOCAB, DIM), dtype=jnp.float32)
    return {"x": x, "table": table}

def reference(x, table):
    # torch.nn.Embedding forward: gather rows of the table by index
    return jnp.take(table, x, axis=0)

if __name__ == "__main__":
    import jax
    _d = setup_inputs()
    print(jax.jit(kernel)(*tuple(_d.values())))

</pallas_src>

<mosaic_0001>
#map = affine_map<(d0, d1) -> (0, 0, 0, 0)>
#map1 = affine_map<(d0, d1) -> (0, 0)>
module attributes {stable_mosaic.version = 14 : i64} {
  func.func @_gather_kernel(%arg0: i32, %arg1: i32, %arg2: memref<25x128x8x128xi32, #tpu.memory_space<hbm>>, %arg3: memref<1000000x32xf32, #tpu.memory_space<hbm>>, %arg4: memref<819200x128xf32, #tpu.memory_space<hbm>>, %arg5: memref<512xi32, #tpu.memory_space<vmem>>, %arg6: memref<512xi32, #tpu.memory_space<vmem>>, %arg7: memref<512x32xf32, #tpu.memory_space<vmem>>, %arg8: memref<512x32xf32, #tpu.memory_space<vmem>>, %arg9: memref<128x129xf32, #tpu.memory_space<vmem>>, %arg10: memref<128x129xf32, #tpu.memory_space<vmem>>, %arg11: memref<!tpu.dma_semaphore, #tpu.memory_space<semaphore_mem>>, %arg12: memref<!tpu.dma_semaphore, #tpu.memory_space<semaphore_mem>>, %arg13: memref<!tpu.dma_semaphore, #tpu.memory_space<semaphore_mem>>, %arg14: memref<!tpu.dma_semaphore, #tpu.memory_space<semaphore_mem>>, %arg15: memref<!tpu.dma_semaphore, #tpu.memory_space<semaphore_mem>>, %arg16: memref<!tpu.dma_semaphore, #tpu.memory_space<semaphore_mem>>) attributes {dimension_semantics = [#tpu.dimension_semantics<core_parallel>, #tpu.dimension_semantics<subcore_parallel>], iteration_bounds = array<i64: 2, 16>, scalar_prefetch = 0 : i64, scratch_operands = 12 : i64, tpu.core_type = #tpu.core_type<sc_vector_subcore>, window_params = [{transform_indices = #map}, {transform_indices = #map1}, {transform_indices = #map1}]} {
    %mul3A = arith.constant 2 : i32
    %mul3A_0 = arith.muli %arg1, %mul3A : i32
    %add3A = arith.addi %mul3A_0, %arg0 : i32
    %iota3A = tpu.iota {dimensions = array<i32: 0>} : vector<16xi32>
    %mul3A_1 = arith.constant 4 : i32
    %mul3A_2 = arith.muli %mul3A_1, %add3A : i32
    %add3A_3 = arith.constant 0 : i32
    %add3A_4 = arith.addi %mul3A_2, %add3A_3 : i32
    %mul3A_5 = arith.constant 4 : i32
    %mul3A_6 = arith.muli %mul3A_5, %add3A : i32
    %add3A_7 = arith.constant 1 : i32
    %add3A_8 = arith.addi %mul3A_6, %add3A_7 : i32
    %mul3A_9 = arith.constant 4 : i32
    %mul3A_10 = arith.muli %mul3A_9, %add3A : i32
    %add3A_11 = arith.constant 2 : i32
    %add3A_12 = arith.addi %mul3A_10, %add3A_11 : i32
    %mul3A_13 = arith.constant 4 : i32
    %mul3A_14 = arith.muli %mul3A_13, %add3A : i32
    %add3A_15 = arith.constant 3 : i32
    %add3A_16 = arith.addi %mul3A_14, %add3A_15 : i32
    %dma_start3A = arith.constant 0 : i32
    %dma_start3A_17 = arith.constant 0 : i32
    %dma_start3A_18 = arith.constant 0 : i32
    %dma_start3A_19 = tpu.memref_slice %arg5[%dma_start3A_18] : memref<512xi32, #tpu.memory_space<vmem>> -> memref<128xi32, #tpu.memory_space<vmem>>
    %dma_start3A_20 = arith.constant 0 : i32
    %dma_start3A_21 = tpu.memref_slice %arg2[%dma_start3A, %add3A_4, %dma_start3A_17, %dma_start3A_20] : memref<25x128x8x128xi32, #tpu.memory_space<hbm>> -> memref<1x1x1x128xi32, #tpu.memory_space<hbm>>
    %dma_start3A_22 = tpu.memref_squeeze %dma_start3A_21 : memref<1x1x1x128xi32, #tpu.memory_space<hbm>> -> memref<128xi32, #tpu.memory_space<hbm>>
    %dma_start3A_23 = arith.constant 0 : i32
    %dma_start3A_24 = tpu.memref_slice %arg5[%dma_start3A_23] : memref<512xi32, #tpu.memory_space<vmem>> -> memref<128xi32, #tpu.memory_space<vmem>>
    %dma_start3A_25 = arith.constant 0 : i32
    %dma_start3A_26 = tpu.memref_slice %arg2[%dma_start3A, %add3A_4, %dma_start3A_17, %dma_start3A_25] : memref<25x128x8x128xi32, #tpu.memory_space<hbm>> -> memref<1x1x1x128xi32, #tpu.memory_space<hbm>>
    %dma_start3A_27 = tpu.memref_squeeze %dma_start3A_26 : memref<1x1x1x128xi32, #tpu.memory_space<hbm>> -> memref<128xi32, #tpu.memory_space<hbm>>
    tpu.enqueue_dma source(%dma_start3A_27 : memref<128xi32, #tpu.memory_space<hbm>>) target(%dma_start3A_24 : memref<128xi32, #tpu.memory_space<vmem>>) target_semaphore(%arg11 : memref<!tpu.dma_semaphore, #tpu.memory_space<semaphore_mem>>)
    %dma_start3A_28 = arith.constant 0 : i32
    %dma_start3A_29 = arith.constant 0 : i32
    %dma_start3A_30 = arith.constant 128 : i32
    %dma_start3A_31 = tpu.memref_slice %arg5[%dma_start3A_30] : memref<512xi32, #tpu.memory_space<vmem>> -> memref<128xi32, #tpu.memory_space<vmem>>
    %dma_start3A_32 = arith.constant 0 : i32
    %dma_start3A_33 = tpu.memref_slice %arg2[%dma_start3A_28, %add3A_8, %dma_start3A_29, %dma_start3A_32] : memref<25x128x8x128xi32, #tpu.memory_space<hbm>> -> memref<1x1x1x128xi32, #tpu.memory_space<hbm>>
    %dma_start3A_34 = tpu.memref_squeeze %dma_start3A_33 : memref<1x1x1x128xi32, #tpu.memory_space<hbm>> -> memref<128xi32, #tpu.memory_space<hbm>>
    %dma_start3A_35 = arith.constant 128 : i32
    %dma_start3A_36 = tpu.memref_slice %arg5[%dma_start3A_35] : memref<512xi32, #tpu.memory_space<vmem>> -> memref<128xi32, #tpu.memory_space<vmem>>
    %dma_start3A_37 = arith.constant 0 : i32
    %dma_start3A_38 = tpu.memref_slice %arg2[%dma_start3A_28, %add3A_8, %dma_start3A_29, %dma_start3A_37] : memref<25x128x8x128xi32, #tpu.memory_space<hbm>> -> memref<1x1x1x128xi32, #tpu.memory_space<hbm>>
    %dma_start3A_39 = tpu.memref_squeeze %dma_start3A_38 : memref<1x1x1x128xi32, #tpu.memory_space<hbm>> -> memref<128xi32, #tpu.memory_space<hbm>>
    tpu.enqueue_dma source(%dma_start3A_39 : memref<128xi32, #tpu.memory_space<hbm>>) target(%dma_start3A_36 : memref<128xi32, #tpu.memory_space<vmem>>) target_semaphore(%arg11 : memref<!tpu.dma_semaphore, #tpu.memory_space<semaphore_mem>>)
    %dma_start3A_40 = arith.constant 0 : i32
    %dma_start3A_41 = arith.constant 0 : i32
    %dma_start3A_42 = arith.constant 256 : i32
    %dma_start3A_43 = tpu.memref_slice %arg5[%dma_start3A_42] : memref<512xi32, #tpu.memory_space<vmem>> -> memref<128xi32, #tpu.memory_space<vmem>>
    %dma_start3A_44 = arith.constant 0 : i32
    %dma_start3A_45 = tpu.memref_slice %arg2[%dma_start3A_40, %add3A_12, %dma_start3A_41, %dma_start3A_44] : memref<25x128x8x128xi32, #tpu.memory_space<hbm>> -> memref<1x1x1x128xi32, #tpu.memory_space<hbm>>
    %dma_start3A_46 = tpu.memref_squeeze %dma_start3A_45 : memref<1x1x1x128xi32, #tpu.memory_space<hbm>> -> memref<128xi32, #tpu.memory_space<hbm>>
    %dma_start3A_47 = arith.constant 256 : i32
    %dma_start3A_48 = tpu.memref_slice %arg5[%dma_start3A_47] : memref<512xi32, #tpu.memory_space<vmem>> -> memref<128xi32, #tpu.memory_space<vmem>>
    %dma_start3A_49 = arith.constant 0 : i32
    %dma_start3A_50 = tpu.memref_slice %arg2[%dma_start3A_40, %add3A_12, %dma_start3A_41, %dma_start3A_49] : memref<25x128x8x128xi32, #tpu.memory_space<hbm>> -> memref<1x1x1x128xi32, #tpu.memory_space<hbm>>
    %dma_start3A_51 = tpu.memref_squeeze %dma_start3A_50 : memref<1x1x1x128xi32, #tpu.memory_space<hbm>> -> memref<128xi32, #tpu.memory_space<hbm>>
    tpu.enqueue_dma source(%dma_start3A_51 : memref<128xi32, #tpu.memory_space<hbm>>) target(%dma_start3A_48 : memref<128xi32, #tpu.memory_space<vmem>>) target_semaphore(%arg11 : memref<!tpu.dma_semaphore, #tpu.memory_space<semaphore_mem>>)
    %dma_start3A_52 = arith.constant 0 : i32
    %dma_start3A_53 = arith.constant 0 : i32
    %dma_start3A_54 = arith.constant 384 : i32
    %dma_start3A_55 = tpu.memref_slice %arg5[%dma_start3A_54] : memref<512xi32, #tpu.memory_space<vmem>> -> memref<128xi32, #tpu.memory_space<vmem>>
    %dma_start3A_56 = arith.constant 0 : i32
    %dma_start3A_57 = tpu.memref_slice %arg2[%dma_start3A_52, %add3A_16, %dma_start3A_53, %dma_start3A_56] : memref<25x128x8x128xi32, #tpu.memory_space<hbm>> -> memref<1x1x1x128xi32, #tpu.memory_space<hbm>>
    %dma_start3A_58 = tpu.memref_squeeze %dma_start3A_57 : memref<1x1x1x128xi32, #tpu.memory_space<hbm>> -> memref<128xi32, #tpu.memory_space<hbm>>
    %dma_start3A_59 = arith.constant 384 : i32
    %dma_start3A_60 = tpu.memref_slice %arg5[%dma_start3A_59] : memref<512xi32, #tpu.memory_space<vmem>> -> memref<128xi32, #tpu.memory_space<vmem>>
    %dma_start3A_61 = arith.constant 0 : i32
    %dma_start3A_62 = tpu.memref_slice %arg2[%dma_start3A_52, %add3A_16, %dma_start3A_53, %dma_start3A_61] : memref<25x128x8x128xi32, #tpu.memory_space<hbm>> -> memref<1x1x1x128xi32, #tpu.memory_space<hbm>>
    %dma_start3A_63 = tpu.memref_squeeze %dma_start3A_62 : memref<1x1x1x128xi32, #tpu.memory_space<hbm>> -> memref<128xi32, #tpu.memory_space<hbm>>
    tpu.enqueue_dma source(%dma_start3A_63 : memref<128xi32, #tpu.memory_space<hbm>>) target(%dma_start3A_60 : memref<128xi32, #tpu.memory_space<vmem>>) target_semaphore(%arg11 : memref<!tpu.dma_semaphore, #tpu.memory_space<semaphore_mem>>)
    %mul3A_64 = arith.constant 4 : i32
    %mul3A_65 = arith.muli %mul3A_64, %add3A : i32
    %add3A_66 = arith.constant 0 : i32
    %add3A_67 = arith.addi %mul3A_65, %add3A_66 : i32
    %mul3A_68 = arith.constant 4 : i32
    %mul3A_69 = arith.muli %mul3A_68, %add3A : i32
    %add3A_70 = arith.constant 1 : i32
    %add3A_71 = arith.addi %mul3A_69, %add3A_70 : i32
    %mul3A_72 = arith.constant 4 : i32
    %mul3A_73 = arith.muli %mul3A_72, %add3A : i32
    %add3A_74 = arith.constant 2 : i32
    %add3A_75 = arith.addi %mul3A_73, %add3A_74 : i32
    %mul3A_76 = arith.constant 4 : i32
    %mul3A_77 = arith.muli %mul3A_76, %add3A : i32
    %add3A_78 = arith.constant 3 : i32
    %add3A_79 = arith.addi %mul3A_77, %add3A_78 : i32
    %dma_start3A_80 = arith.constant 0 : i32
    %dma_start3A_81 = arith.constant 1 : i32
    %dma_start3A_82 = arith.constant 0 : i32
    %dma_start3A_83 = tpu.memref_slice %arg6[%dma_start3A_82] : memref<512xi32, #tpu.memory_space<vmem>> -> memref<128xi32, #tpu.memory_space<vmem>>
    %dma_start3A_84 = arith.constant 0 : i32
    %dma_start3A_85 = tpu.memref_slice %arg2[%dma_start3A_80, %add3A_67, %dma_start3A_81, %dma_start3A_84] : memref<25x128x8x128xi32, #tpu.memory_space<hbm>> -> memref<1x1x1x128xi32, #tpu.memory_space<hbm>>
    %dma_start3A_86 = tpu.memref_squeeze %dma_start3A_85 : memref<1x1x1x128xi32, #tpu.memory_space<hbm>> -> memref<128xi32, #tpu.memory_space<hbm>>
    %dma_start3A_87 = arith.constant 0 : i32
    %dma_start3A_88 = tpu.memref_slice %arg6[%dma_start3A_87] : memref<512xi32, #tpu.memory_space<vmem>> -> memref<128xi32, #tpu.memory_space<vmem>>
    %dma_start3A_89 = arith.constant 0 : i32
    %dma_start3A_90 = tpu.memref_slice %arg2[%dma_start3A_80, %add3A_67, %dma_start3A_81, %dma_start3A_89] : memref<25x128x8x128xi32, #tpu.memory_space<hbm>> -> memref<1x1x1x128xi32, #tpu.memory_space<hbm>>
    %dma_start3A_91 = tpu.memref_squeeze %dma_start3A_90 : memref<1x1x1x128xi32, #tpu.memory_space<hbm>> -> memref<128xi32, #tpu.memory_space<hbm>>
    tpu.enqueue_dma source(%dma_start3A_91 : memref<128xi32, #tpu.memory_space<hbm>>) target(%dma_start3A_88 : memref<128xi32, #tpu.memory_space<vmem>>) target_semaphore(%arg12 : memref<!tpu.dma_semaphore, #tpu.memory_space<semaphore_mem>>)
    %dma_start3A_92 = arith.constant 0 : i32
    %dma_start3A_93 = arith.constant 1 : i32
    %dma_start3A_94 = arith.constant 128 : i32
    %dma_start3A_95 = tpu.memref_slice %arg6[%dma_start3A_94] : memref<512xi32, #tpu.memory_space<vmem>> -> memref<128xi32, #tpu.memory_space<vmem>>
    %dma_start3A_96 = arith.constant 0 : i32
    %dma_start3A_97 = tpu.memref_slice %arg2[%dma_start3A_92, %add3A_71, %dma_start3A_93, %dma_start3A_96] : memref<25x128x8x128xi32, #tpu.memory_space<hbm>> -> memref<1x1x1x128xi32, #tpu.memory_space<hbm>>
    %dma_start3A_98 = tpu.memref_squeeze %dma_start3A_97 : memref<1x1x1x128xi32, #tpu.memory_space<hbm>> -> memref<128xi32, #tpu.memory_space<hbm>>
    %dma_start3A_99 = arith.constant 128 : i32
    %dma_start3A_100 = tpu.memref_slice %arg6[%dma_start3A_99] : memref<512xi32, #tpu.memory_space<vmem>> -> memref<128xi32, #tpu.memory_space<vmem>>
    %dma_start3A_101 = arith.constant 0 : i32
    %dma_start3A_102 = tpu.memref_slice %arg2[%dma_start3A_92, %add3A_71, %dma_start3A_93, %dma_start3A_101] : memref<25x128x8x128xi32, #tpu.memory_space<hbm>> -> memref<1x1x1x128xi32, #tpu.memory_space<hbm>>
    %dma_start3A_103 = tpu.memref_squeeze %dma_start3A_102 : memref<1x1x1x128xi32, #tpu.memory_space<hbm>> -> memref<128xi32, #tpu.memory_space<hbm>>
    tpu.enqueue_dma source(%dma_start3A_103 : memref<128xi32, #tpu.memory_space<hbm>>) target(%dma_start3A_100 : memref<128xi32, #tpu.memory_space<vmem>>) target_semaphore(%arg12 : memref<!tpu.dma_semaphore, #tpu.memory_space<semaphore_mem>>)
    %dma_start3A_104 = arith.constant 0 : i32
    %dma_start3A_105 = arith.constant 1 : i32
    %dma_start3A_106 = arith.constant 256 : i32
    %dma_start3A_107 = tpu.memref_slice %arg6[%dma_start3A_106] : memref<512xi32, #tpu.memory_space<vmem>> -> memref<128xi32, #tpu.memory_space<vmem>>
    %dma_start3A_108 = arith.constant 0 : i32
    %dma_start3A_109 = tpu.memref_slice %arg2[%dma_start3A_104, %add3A_75, %dma_start3A_105, %dma_start3A_108] : memref<25x128x8x128xi32, #tpu.memory_space<hbm>> -> memref<1x1x1x128xi32, #tpu.memory_space<hbm>>
    %dma_start3A_110 = tpu.memref_squeeze %dma_start3A_109 : memref<1x1x1x128xi32, #tpu.memory_space<hbm>> -> memref<128xi32, #tpu.memory_space<hbm>>
    %dma_start3A_111 = arith.constant 256 : i32
    %dma_start3A_112 = tpu.memref_slice %arg6[%dma_start3A_111] : memref<512xi32, #tpu.memory_space<vmem>> -> memref<128xi32, #tpu.memory_space<vmem>>
    %dma_start3A_113 = arith.constant 0 : i32
    %dma_start3A_114 = tpu.memref_slice %arg2[%dma_start3A_104, %add3A_75, %dma_start3A_105, %dma_start3A_113] : memref<25x128x8x128xi32, #tpu.memory_space<hbm>> -> memref<1x1x1x128xi32, #tpu.memory_space<hbm>>
    %dma_start3A_115 = tpu.memref_squeeze %dma_start3A_114 : memref<1x1x1x128xi32, #tpu.memory_space<hbm>> -> memref<128xi32, #tpu.memory_space<hbm>>
    tpu.enqueue_dma source(%dma_start3A_115 : memref<128xi32, #tpu.memory_space<hbm>>) target(%dma_start3A_112 : memref<128xi32, #tpu.memory_space<vmem>>) target_semaphore(%arg12 : memref<!tpu.dma_semaphore, #tpu.memory_space<semaphore_mem>>)
    %dma_start3A_116 = arith.constant 0 : i32
    %dma_start3A_117 = arith.constant 1 : i32
    %dma_start3A_118 = arith.constant 384 : i32
    %dma_start3A_119 = tpu.memref_slice %arg6[%dma_start3A_118] : memref<512xi32, #tpu.memory_space<vmem>> -> memref<128xi32, #tpu.memory_space<vmem>>
    %dma_start3A_120 = arith.constant 0 : i32
    %dma_start3A_121 = tpu.memref_slice %arg2[%dma_start3A_116, %add3A_79, %dma_start3A_117, %dma_start3A_120] : memref<25x128x8x128xi32, #tpu.memory_space<hbm>> -> memref<1x1x1x128xi32, #tpu.memory_space<hbm>>
    %dma_start3A_122 = tpu.memref_squeeze %dma_start3A_121 : memref<1x1x1x128xi32, #tpu.memory_space<hbm>> -> memref<128xi32, #tpu.memory_space<hbm>>
    %dma_start3A_123 = arith.constant 384 : i32
    %dma_start3A_124 = tpu.memref_slice %arg6[%dma_start3A_123] : memref<512xi32, #tpu.memory_space<vmem>> -> memref<128xi32, #tpu.memory_space<vmem>>
    %dma_start3A_125 = arith.constant 0 : i32
    %dma_start3A_126 = tpu.memref_slice %arg2[%dma_start3A_116, %add3A_79, %dma_start3A_117, %dma_start3A_125] : memref<25x128x8x128xi32, #tpu.memory_space<hbm>> -> memref<1x1x1x128xi32, #tpu.memory_space<hbm>>
    %dma_start3A_127 = tpu.memref_squeeze %dma_start3A_126 : memref<1x1x1x128xi32, #tpu.memory_space<hbm>> -> memref<128xi32, #tpu.memory_space<hbm>>
    tpu.enqueue_dma source(%dma_start3A_127 : memref<128xi32, #tpu.memory_space<hbm>>) target(%dma_start3A_124 : memref<128xi32, #tpu.memory_space<vmem>>) target_semaphore(%arg12 : memref<!tpu.dma_semaphore, #tpu.memory_space<semaphore_mem>>)
    %mul3A_128 = arith.constant 4 : i32
    %mul3A_129 = arith.muli %mul3A_128, %add3A : i32
    %add3A_130 = arith.constant 0 : i32
    %add3A_131 = arith.addi %mul3A_129, %add3A_130 : i32
    %mul3A_132 = arith.constant 4 : i32
    %mul3A_133 = arith.muli %mul3A_132, %add3A : i32
    %add3A_134 = arith.constant 1 : i32
    %add3A_135 = arith.addi %mul3A_133, %add3A_134 : i32
    %mul3A_136 = arith.constant 4 : i32
    %mul3A_137 = arith.muli %mul3A_136, %add3A : i32
    %add3A_138 = arith.constant 2 : i32
    %add3A_139 = arith.addi %mul3A_137, %add3A_138 : i32
    %mul3A_140 = arith.constant 4 : i32
    %mul3A_141 = arith.muli %mul3A_140, %add3A : i32
    %add3A_142 = arith.constant 3 : i32
    %add3A_143 = arith.addi %mul3A_141, %add3A_142 : i32
    %dma_wait3A = arith.constant 0 : i32
    %dma_wait3A_144 = arith.constant 0 : i32
    %dma_wait3A_145 = arith.constant 0 : i32
    %dma_wait3A_146 = tpu.memref_slice %arg5[%dma_wait3A_145] : memref<512xi32, #tpu.memory_space<vmem>> -> memref<128xi32, #tpu.memory_space<vmem>>
    %dma_wait3A_147 = arith.constant 0 : i32
    %dma_wait3A_148 = tpu.memref_slice %arg2[%dma_wait3A, %add3A_131, %dma_wait3A_144, %dma_wait3A_147] : memref<25x128x8x128xi32, #tpu.memory_space<hbm>> -> memref<1x1x1x128xi32, #tpu.memory_space<hbm>>
    %dma_wait3A_149 = tpu.memref_squeeze %dma_wait3A_148 : memref<1x1x1x128xi32, #tpu.memory_space<hbm>> -> memref<128xi32, #tpu.memory_space<hbm>>
    %dma_wait3A_150 = arith.constant 0 : i32
    %dma_wait3A_151 = tpu.memref_slice %arg5[%dma_wait3A_150] : memref<512xi32, #tpu.memory_space<vmem>> -> memref<128xi32, #tpu.memory_space<vmem>>
    %dma_wait3A_152 = arith.constant 0 : i32
    %dma_wait3A_153 = tpu.memref_slice %arg2[%dma_wait3A, %add3A_131, %dma_wait3A_144, %dma_wait3A_152] : memref<25x128x8x128xi32, #tpu.memory_space<hbm>> -> memref<1x1x1x128xi32, #tpu.memory_space<hbm>>
    %dma_wait3A_154 = tpu.memref_squeeze %dma_wait3A_153 : memref<1x1x1x128xi32, #tpu.memory_space<hbm>> -> memref<128xi32, #tpu.memory_space<hbm>>
    tpu.wait_dma2 semaphore(%arg11 : memref<!tpu.dma_semaphore, #tpu.memory_space<semaphore_mem>>) src(%dma_wait3A_154 : memref<128xi32, #tpu.memory_space<hbm>>) dst(%dma_wait3A_151 : memref<128xi32, #tpu.memory_space<vmem>>)
    %dma_wait3A_155 = arith.constant 0 : i32
    %dma_wait3A_156 = arith.constant 0 : i32
    %dma_wait3A_157 = arith.constant 128 : i32
    %dma_wait3A_158 = tpu.memref_slice %arg5[%dma_wait3A_157] : memref<512xi32, #tpu.memory_space<vmem>> -> memref<128xi32, #tpu.memory_space<vmem>>
    %dma_wait3A_159 = arith.constant 0 : i32
    %dma_wait3A_160 = tpu.memref_slice %arg2[%dma_wait3A_155, %add3A_135, %dma_wait3A_156, %dma_wait3A_159] : memref<25x128x8x128xi32, #tpu.memory_space<hbm>> -> memref<1x1x1x128xi32, #tpu.memory_space<hbm>>
    %dma_wait3A_161 = tpu.memref_squeeze %dma_wait3A_160 : memref<1x1x1x128xi32, #tpu.memory_space<hbm>> -> memref<128xi32, #tpu.memory_space<hbm>>
    %dma_wait3A_162 = arith.constant 128 : i32
    %dma_wait3A_163 = tpu.memref_slice %arg5[%dma_wait3A_162] : memref<512xi32, #tpu.memory_space<vmem>> -> memref<128xi32, #tpu.memory_space<vmem>>
    %dma_wait3A_164 = arith.constant 0 : i32
    %dma_wait3A_165 = tpu.memref_slice %arg2[%dma_wait3A_155, %add3A_135, %dma_wait3A_156, %dma_wait3A_164] : memref<25x128x8x128xi32, #tpu.memory_space<hbm>> -> memref<1x1x1x128xi32, #tpu.memory_space<hbm>>
    %dma_wait3A_166 = tpu.memref_squeeze %dma_wait3A_165 : memref<1x1x1x128xi32, #tpu.memory_space<hbm>> -> memref<128xi32, #tpu.memory_space<hbm>>
    tpu.wait_dma2 semaphore(%arg11 : memref<!tpu.dma_semaphore, #tpu.memory_space<semaphore_mem>>) src(%dma_wait3A_166 : memref<128xi32, #tpu.memory_space<hbm>>) dst(%dma_wait3A_163 : memref<128xi32, #tpu.memory_space<vmem>>)
    %dma_wait3A_167 = arith.constant 0 : i32
    %dma_wait3A_168 = arith.constant 0 : i32
    %dma_wait3A_169 = arith.constant 256 : i32
    %dma_wait3A_170 = tpu.memref_slice %arg5[%dma_wait3A_169] : memref<512xi32, #tpu.memory_space<vmem>> -> memref<128xi32, #tpu.memory_space<vmem>>
    %dma_wait3A_171 = arith.constant 0 : i32
    %dma_wait3A_172 = tpu.memref_slice %arg2[%dma_wait3A_167, %add3A_139, %dma_wait3A_168, %dma_wait3A_171] : memref<25x128x8x128xi32, #tpu.memory_space<hbm>> -> memref<1x1x1x128xi32, #tpu.memory_space<hbm>>
    %dma_wait3A_173 = tpu.memref_squeeze %dma_wait3A_172 : memref<1x1x1x128xi32, #tpu.memory_space<hbm>> -> memref<128xi32, #tpu.memory_space<hbm>>
    %dma_wait3A_174 = arith.constant 256 : i32
    %dma_wait3A_175 = tpu.memref_slice %arg5[%dma_wait3A_174] : memref<512xi32, #tpu.memory_space<vmem>> -> memref<128xi32, #tpu.memory_space<vmem>>
    %dma_wait3A_176 = arith.constant 0 : i32
    %dma_wait3A_177 = tpu.memref_slice %arg2[%dma_wait3A_167, %add3A_139, %dma_wait3A_168, %dma_wait3A_176] : memref<25x128x8x128xi32, #tpu.memory_space<hbm>> -> memref<1x1x1x128xi32, #tpu.memory_space<hbm>>
    %dma_wait3A_178 = tpu.memref_squeeze %dma_wait3A_177 : memref<1x1x1x128xi32, #tpu.memory_space<hbm>> -> memref<128xi32, #tpu.memory_space<hbm>>
    tpu.wait_dma2 semaphore(%arg11 : memref<!tpu.dma_semaphore, #tpu.memory_space<semaphore_mem>>) src(%dma_wait3A_178 : memref<128xi32, #tpu.memory_space<hbm>>) dst(%dma_wait3A_175 : memref<128xi32, #tpu.memory_space<vmem>>)
    %dma_wait3A_179 = arith.constant 0 : i32
    %dma_wait3A_180 = arith.constant 0 : i32
    %dma_wait3A_181 = arith.constant 384 : i32
    %dma_wait3A_182 = tpu.memref_slice %arg5[%dma_wait3A_181] : memref<512xi32, #tpu.memory_space<vmem>> -> memref<128xi32, #tpu.memory_space<vmem>>
    %dma_wait3A_183 = arith.constant 0 : i32
    %dma_wait3A_184 = tpu.memref_slice %arg2[%dma_wait3A_179, %add3A_143, %dma_wait3A_180, %dma_wait3A_183] : memref<25x128x8x128xi32, #tpu.memory_space<hbm>> -> memref<1x1x1x128xi32, #tpu.memory_space<hbm>>
    %dma_wait3A_185 = tpu.memref_squeeze %dma_wait3A_184 : memref<1x1x1x128xi32, #tpu.memory_space<hbm>> -> memref<128xi32, #tpu.memory_space<hbm>>
    %dma_wait3A_186 = arith.constant 384 : i32
    %dma_wait3A_187 = tpu.memref_slice %arg5[%dma_wait3A_186] : memref<512xi32, #tpu.memory_space<vmem>> -> memref<128xi32, #tpu.memory_space<vmem>>
    %dma_wait3A_188 = arith.constant 0 : i32
    %dma_wait3A_189 = tpu.memref_slice %arg2[%dma_wait3A_179, %add3A_143, %dma_wait3A_180, %dma_wait3A_188] : memref<25x128x8x128xi32, #tpu.memory_space<hbm>> -> memref<1x1x1x128xi32, #tpu.memory_space<hbm>>
    %dma_wait3A_190 = tpu.memref_squeeze %dma_wait3A_189 : memref<1x1x1x128xi32, #tpu.memory_space<hbm>> -> memref<128xi32, #tpu.memory_space<hbm>>
    tpu.wait_dma2 semaphore(%arg11 : memref<!tpu.dma_semaphore, #tpu.memory_space<semaphore_mem>>) src(%dma_wait3A_190 : memref<128xi32, #tpu.memory_space<hbm>>) dst(%dma_wait3A_187 : memref<128xi32, #tpu.memory_space<vmem>>)
    %dma_start3A_191 = arith.constant 0 : i32
    %dma_start3A_192 = arith.constant 0 : i32
    %dma_start3A_193 = tpu.memref_slice %arg3[%dma_start3A_191, %dma_start3A_192] : memref<1000000x32xf32, #tpu.memory_space<hbm>> -> memref<1000000x32xf32, #tpu.memory_space<hbm>>
    tpu.enqueue_indirect_dma source(%dma_start3A_193 : memref<1000000x32xf32, #tpu.memory_space<hbm>>) target(%arg7 : memref<512x32xf32, #tpu.memory_space<vmem>>) offsets(%arg5 : memref<512xi32, #tpu.memory_space<vmem>>) semaphore(%arg13 : memref<!tpu.dma_semaphore, #tpu.memory_space<semaphore_mem>>)
    %scan3A = arith.constant 0 : i32
    %scan3A_194 = arith.constant 0 : i32
    %scan3A_195 = arith.constant 100 : i32
    %scan3A_196 = arith.addi %scan3A_194, %scan3A_195 : i32
    %scan3A_197 = arith.constant 1 : i32
    scf.for %scan3A_775 = %scan3A_194 to %scan3A_196 step %scan3A_197  : i32 {
      %mul3A_776 = arith.constant 2 : i32
      %mul3A_777 = arith.muli %mul3A_776, %scan3A_775 : i32
      %lt3A = arith.constant 99 : i32
      %lt3A_778 = arith.cmpi slt, %scan3A_775, %lt3A : i32
      %gt3A = arith.constant 0 : i32
      %gt3A_779 = arith.cmpi sgt, %scan3A_775, %gt3A : i32
      %dma_wait3A_780 = arith.constant 0 : i32
      %dma_wait3A_781 = arith.constant 0 : i32
      %dma_wait3A_782 = tpu.memref_slice %arg3[%dma_wait3A_780, %dma_wait3A_781] : memref<1000000x32xf32, #tpu.memory_space<hbm>> -> memref<1000000x32xf32, #tpu.memory_space<hbm>>
      tpu.wait_indirect_dma semaphore(%arg13 : memref<!tpu.dma_semaphore, #tpu.memory_space<semaphore_mem>>) src(%dma_wait3A_782 : memref<1000000x32xf32, #tpu.memory_space<hbm>>) dst(%arg7 : memref<512x32xf32, #tpu.memory_space<vmem>>)
      %add3A_783 = arith.constant 1 : i32
      %add3A_784 = arith.addi %mul3A_777, %add3A_783 : i32
      %shift_right_arithmetic3A = arith.constant 3 : i32
      %shift_right_arithmetic3A_785 = arith.shrsi %add3A_784, %shift_right_arithmetic3A : i32
      %mul3A_786 = arith.constant 4 : i32
      %mul3A_787 = arith.muli %mul3A_786, %add3A : i32
      %add3A_788 = arith.constant 0 : i32
      %add3A_789 = arith.addi %mul3A_787, %add3A_788 : i32
      %and3A = arith.constant 7 : i32
      %and3A_790 = arith.andi %add3A_784, %and3A : i32
      %shift_right_arithmetic3A_791 = arith.constant 3 : i32
      %shift_right_arithmetic3A_792 = arith.shrsi %add3A_784, %shift_right_arithmetic3A_791 : i32
      %mul3A_793 = arith.constant 4 : i32
      %mul3A_794 = arith.muli %mul3A_793, %add3A : i32
      %add3A_795 = arith.constant 1 : i32
      %add3A_796 = arith.addi %mul3A_794, %add3A_795 : i32
      %and3A_797 = arith.constant 7 : i32
      %and3A_798 = arith.andi %add3A_784, %and3A_797 : i32
      %shift_right_arithmetic3A_799 = arith.constant 3 : i32
      %shift_right_arithmetic3A_800 = arith.shrsi %add3A_784, %shift_right_arithmetic3A_799 : i32
      %mul3A_801 = arith.constant 4 : i32
      %mul3A_802 = arith.muli %mul3A_801, %add3A : i32
      %add3A_803 = arith.constant 2 : i32
      %add3A_804 = arith.addi %mul3A_802, %add3A_803 : i32
      %and3A_805 = arith.constant 7 : i32
      %and3A_806 = arith.andi %add3A_784, %and3A_805 : i32
      %shift_right_arithmetic3A_807 = arith.constant 3 : i32
      %shift_right_arithmetic3A_808 = arith.shrsi %add3A_784, %shift_right_arithmetic3A_807 : i32
      %mul3A_809 = arith.constant 4 : i32
      %mul3A_810 = arith.muli %mul3A_809, %add3A : i32
      %add3A_811 = arith.constant 3 : i32
      %add3A_812 = arith.addi %mul3A_810, %add3A_811 : i32
      %and3A_813 = arith.constant 7 : i32
      %and3A_814 = arith.andi %add3A_784, %and3A_813 : i32
      %dma_wait3A_815 = arith.constant 0 : i32
      %dma_wait3A_816 = tpu.memref_slice %arg6[%dma_wait3A_815] : memref<512xi32, #tpu.memory_space<vmem>> -> memref<128xi32, #tpu.memory_space<vmem>>
      %dma_wait3A_817 = arith.constant 0 : i32
      %dma_wait3A_818 = tpu.memref_slice %arg2[%shift_right_arithmetic3A_785, %add3A_789, %and3A_790, %dma_wait3A_817] : memref<25x128x8x128xi32, #tpu.memory_space<hbm>> -> memref<1x1x1x128xi32, #tpu.memory_space<hbm>>
      %dma_wait3A_819 = tpu.memref_squeeze %dma_wait3A_818 : memref<1x1x1x128xi32, #tpu.memory_space<hbm>> -> memref<128xi32, #tpu.memory_space<hbm>>
      %dma_wait3A_820 = arith.constant 0 : i32
      %dma_wait3A_821 = tpu.memref_slice %arg6[%dma_wait3A_820] : memref<512xi32, #tpu.memory_space<vmem>> -> memref<128xi32, #tpu.memory_space<vmem>>
      %dma_wait3A_822 = arith.constant 0 : i32
      %dma_wait3A_823 = tpu.memref_slice %arg2[%shift_right_arithmetic3A_785, %add3A_789, %and3A_790, %dma_wait3A_822] : memref<25x128x8x128xi32, #tpu.memory_space<hbm>> -> memref<1x1x1x128xi32, #tpu.memory_space<hbm>>
      %dma_wait3A_824 = tpu.memref_squeeze %dma_wait3A_823 : memref<1x1x1x128xi32, #tpu.memory_space<hbm>> -> memref<128xi32, #tpu.memory_space<hbm>>
      tpu.wait_dma2 semaphore(%arg12 : memref<!tpu.dma_semaphore, #tpu.memory_space<semaphore_mem>>) src(%dma_wait3A_824 : memref<128xi32, #tpu.memory_space<hbm>>) dst(%dma_wait3A_821 : memref<128xi32, #tpu.memory_space<vmem>>)
      %dma_wait3A_825 = arith.constant 128 : i32
      %dma_wait3A_826 = tpu.memref_slice %arg6[%dma_wait3A_825] : memref<512xi32, #tpu.memory_space<vmem>> -> memref<128xi32, #tpu.memory_space<vmem>>
      %dma_wait3A_827 = arith.constant 0 : i32
      %dma_wait3A_828 = tpu.memref_slice %arg2[%shift_right_arithmetic3A_792, %add3A_796, %and3A_798, %dma_wait3A_827] : memref<25x128x8x128xi32, #tpu.memory_space<hbm>> -> memref<1x1x1x128xi32, #tpu.memory_space<hbm>>
      %dma_wait3A_829 = tpu.memref_squeeze %dma_wait3A_828 : memref<1x1x1x128xi32, #tpu.memory_space<hbm>> -> memref<128xi32, #tpu.memory_space<hbm>>
      %dma_wait3A_830 = arith.constant 128 : i32
      %dma_wait3A_831 = tpu.memref_slice %arg6[%dma_wait3A_830] : memref<512xi32, #tpu.memory_space<vmem>> -> memref<128xi32, #tpu.memory_space<vmem>>
      %dma_wait3A_832 = arith.constant 0 : i32
      %dma_wait3A_833 = tpu.memref_slice %arg2[%shift_right_arithmetic3A_792, %add3A_796, %and3A_798, %dma_wait3A_832] : memref<25x128x8x128xi32, #tpu.memory_space<hbm>> -> memref<1x1x1x128xi32, #tpu.memory_space<hbm>>
      %dma_wait3A_834 = tpu.memref_squeeze %dma_wait3A_833 : memref<1x1x1x128xi32, #tpu.memory_space<hbm>> -> memref<128xi32, #tpu.memory_space<hbm>>
      tpu.wait_dma2 semaphore(%arg12 : memref<!tpu.dma_semaphore, #tpu.memory_space<semaphore_mem>>) src(%dma_wait3A_834 : memref<128xi32, #tpu.memory_space<hbm>>) dst(%dma_wait3A_831 : memref<128xi32, #tpu.memory_space<vmem>>)
      %dma_wait3A_835 = arith.constant 256 : i32
      %dma_wait3A_836 = tpu.memref_slice %arg6[%dma_wait3A_835] : memref<512xi32, #tpu.memory_space<vmem>> -> memref<128xi32, #tpu.memory_space<vmem>>
      %dma_wait3A_837 = arith.constant 0 : i32
      %dma_wait3A_838 = tpu.memref_slice %arg2[%shift_right_arithmetic3A_800, %add3A_804, %and3A_806, %dma_wait3A_837] : memref<25x128x8x128xi32, #tpu.memory_space<hbm>> -> memref<1x1x1x128xi32, #tpu.memory_space<hbm>>
      %dma_wait3A_839 = tpu.memref_squeeze %dma_wait3A_838 : memref<1x1x1x128xi32, #tpu.memory_space<hbm>> -> memref<128xi32, #tpu.memory_space<hbm>>
      %dma_wait3A_840 = arith.constant 256 : i32
      %dma_wait3A_841 = tpu.memref_slice %arg6[%dma_wait3A_840] : memref<512xi32, #tpu.memory_space<vmem>> -> memref<128xi32, #tpu.memory_space<vmem>>
      %dma_wait3A_842 = arith.constant 0 : i32
      %dma_wait3A_843 = tpu.memref_slice %arg2[%shift_right_arithmetic3A_800, %add3A_804, %and3A_806, %dma_wait3A_842] : memref<25x128x8x128xi32, #tpu.memory_space<hbm>> -> memref<1x1x1x128xi32, #tpu.memory_space<hbm>>
      %dma_wait3A_844 = tpu.memref_squeeze %dma_wait3A_843 : memref<1x1x1x128xi32, #tpu.memory_space<hbm>> -> memref<128xi32, #tpu.memory_space<hbm>>
      tpu.wait_dma2 semaphore(%arg12 : memref<!tpu.dma_semaphore, #tpu.memory_space<semaphore_mem>>) src(%dma_wait3A_844 : memref<128xi32, #tpu.memory_space<hbm>>) dst(%dma_wait3A_841 : memref<128xi32, #tpu.memory_space<vmem>>)
      %dma_wait3A_845 = arith.constant 384 : i32
      %dma_wait3A_846 = tpu.memref_slice %arg6[%dma_wait3A_845] : memref<512xi32, #tpu.memory_space<vmem>> -> memref<128xi32, #tpu.memory_space<vmem>>
      %dma_wait3A_847 = arith.constant 0 : i32
      %dma_wait3A_848 = tpu.memref_slice %arg2[%shift_right_arithmetic3A_808, %add3A_812, %and3A_814, %dma_wait3A_847] : memref<25x128x8x128xi32, #tpu.memory_space<hbm>> -> memref<1x1x1x128xi32, #tpu.memory_space<hbm>>
      %dma_wait3A_849 = tpu.memref_squeeze %dma_wait3A_848 : memref<1x1x1x128xi32, #tpu.memory_space<hbm>> -> memref<128xi32, #tpu.memory_space<hbm>>
      %dma_wait3A_850 = arith.constant 384 : i32
      %dma_wait3A_851 = tpu.memref_slice %arg6[%dma_wait3A_850] : memref<512xi32, #tpu.memory_space<vmem>> -> memref<128xi32, #tpu.memory_space<vmem>>
      %dma_wait3A_852 = arith.constant 0 : i32
      %dma_wait3A_853 = tpu.memref_slice %arg2[%shift_right_arithmetic3A_808, %add3A_812, %and3A_814, %dma_wait3A_852] : memref<25x128x8x128xi32, #tpu.memory_space<hbm>> -> memref<1x1x1x128xi32, #tpu.memory_space<hbm>>
      %dma_wait3A_854 = tpu.memref_squeeze %dma_wait3A_853 : memref<1x1x1x128xi32, #tpu.memory_space<hbm>> -> memref<128xi32, #tpu.memory_space<hbm>>
      tpu.wait_dma2 semaphore(%arg12 : memref<!tpu.dma_semaphore, #tpu.memory_space<semaphore_mem>>) src(%dma_wait3A_854 : memref<128xi32, #tpu.memory_space<hbm>>) dst(%dma_wait3A_851 : memref<128xi32, #tpu.memory_space<vmem>>)
      %dma_start3A_855 = arith.constant 0 : i32
      %dma_start3A_856 = arith.constant 0 : i32
      %dma_start3A_857 = tpu.memref_slice %arg3[%dma_start3A_855, %dma_start3A_856] : memref<1000000x32xf32, #tpu.memory_space<hbm>> -> memref<1000000x32xf32, #tpu.memory_space<hbm>>
      tpu.enqueue_indirect_dma source(%dma_start3A_857 : memref<1000000x32xf32, #tpu.memory_space<hbm>>) target(%arg8 : memref<512x32xf32, #tpu.memory_space<vmem>>) offsets(%arg6 : memref<512xi32, #tpu.memory_space<vmem>>) semaphore(%arg14 : memref<!tpu.dma_semaphore, #tpu.memory_space<semaphore_mem>>)
      %convert_element_type3A = arith.extui %lt3A_778 : i1 to i32
      %cond3A = arith.constant 0 : i32
      %cond3A_858 = arith.cmpi ne, %convert_element_type3A, %cond3A : i32
      scf.if %cond3A_858 {
        %add3A_1623 = arith.constant 2 : i32
        %add3A_1624 = arith.addi %mul3A_777, %add3A_1623 : i32
        %shift_right_arithmetic3A_1625 = arith.constant 3 : i32
        %shift_right_arithmetic3A_1626 = arith.shrsi %add3A_1624, %shift_right_arithmetic3A_1625 : i32
        %mul3A_1627 = arith.constant 4 : i32
        %mul3A_1628 = arith.muli %mul3A_1627, %add3A : i32
        %add3A_1629 = arith.constant 0 : i32
        %add3A_1630 = arith.addi %mul3A_1628, %add3A_1629 : i32
        %and3A_1631 = arith.constant 7 : i32
        %and3A_1632 = arith.andi %add3A_1624, %and3A_1631 : i32
        %shift_right_arithmetic3A_1633 = arith.constant 3 : i32
        %shift_right_arithmetic3A_1634 = arith.shrsi %add3A_1624, %shift_right_arithmetic3A_1633 : i32
        %mul3A_1635 = arith.constant 4 : i32
        %mul3A_1636 = arith.muli %mul3A_1635, %add3A : i32
        %add3A_1637 = arith.constant 1 : i32
        %add3A_1638 = arith.addi %mul3A_1636, %add3A_1637 : i32
        %and3A_1639 = arith.constant 7 : i32
        %and3A_1640 = arith.andi %add3A_1624, %and3A_1639 : i32
        %shift_right_arithmetic3A_1641 = arith.constant 3 : i32
        %shift_right_arithmetic3A_1642 = arith.shrsi %add3A_1624, %shift_right_arithmetic3A_1641 : i32
        %mul3A_1643 = arith.constant 4 : i32
        %mul3A_1644 = arith.muli %mul3A_1643, %add3A : i32
        %add3A_1645 = arith.constant 2 : i32
        %add3A_1646 = arith.addi %mul3A_1644, %add3A_1645 : i32
        %and3A_1647 = arith.constant 7 : i32
        %and3A_1648 = arith.andi %add3A_1624, %and3A_1647 : i32
        %shift_right_arithmetic3A_1649 = arith.constant 3 : i32
        %shift_right_arithmetic3A_1650 = arith.shrsi %add3A_1624, %shift_right_arithmetic3A_1649 : i32
        %mul3A_1651 = arith.constant 4 : i32
        %mul3A_1652 = arith.muli %mul3A_1651, %add3A : i32
        %add3A_1653 = arith.constant 3 : i32
        %add3A_1654 = arith.addi %mul3A_1652, %add3A_1653 : i32
        %and3A_1655 = arith.constant 7 : i32
        %and3A_1656 = arith.andi %add3A_1624, %and3A_1655 : i32
        %dma_start3A_1657 = arith.constant 0 : i32
        %dma_start3A_1658 = tpu.memref_slice %arg5[%dma_start3A_1657] : memref<512xi32, #tpu.memory_space<vmem>> -> memref<128xi32, #tpu.memory_space<vmem>>
        %dma_start3A_1659 = arith.constant 0 : i32
        %dma_start3A_1660 = tpu.memref_slice %arg2[%shift_right_arithmetic3A_1626, %add3A_1630, %and3A_1632, %dma_start3A_1659] : memref<25x128x8x128xi32, #tpu.memory_space<hbm>> -> memref<1x1x1x128xi32, #tpu.memory_space<hbm>>
        %dma_start3A_1661 = tpu.memref_squeeze %dma_start3A_1660 : memref<1x1x1x128xi32, #tpu.memory_space<hbm>> -> memref<128xi32, #tpu.memory_space<hbm>>
        %dma_start3A_1662 = arith.constant 0 : i32
        %dma_start3A_1663 = tpu.memref_slice %arg5[%dma_start3A_1662] : memref<512xi32, #tpu.memory_space<vmem>> -> memref<128xi32, #tpu.memory_space<vmem>>
        %dma_start3A_1664 = arith.constant 0 : i32
        %dma_start3A_1665 = tpu.memref_slice %arg2[%shift_right_arithmetic3A_1626, %add3A_1630, %and3A_1632, %dma_start3A_1664] : memref<25x128x8x128xi32, #tpu.memory_space<hbm>> -> memref<1x1x1x128xi32, #tpu.memory_space<hbm>>
        %dma_start3A_1666 = tpu.memref_squeeze %dma_start3A_1665 : memref<1x1x1x128xi32, #tpu.memory_space<hbm>> -> memref<128xi32, #tpu.memory_space<hbm>>
        tpu.enqueue_dma source(%dma_start3A_1666 : memref<128xi32, #tpu.memory_space<hbm>>) target(%dma_start3A_1663 : memref<128xi32, #tpu.memory_space<vmem>>) target_semaphore(%arg11 : memref<!tpu.dma_semaphore, #tpu.memory_space<semaphore_mem>>)
        %dma_start3A_1667 = arith.constant 128 : i32
        %dma_start3A_1668 = tpu.memref_slice %arg5[%dma_start3A_1667] : memref<512xi32, #tpu.memory_space<vmem>> -> memref<128xi32, #tpu.memory_space<vmem>>
        %dma_start3A_1669 = arith.constant 0 : i32
        %dma_start3A_1670 = tpu.memref_slice %arg2[%shift_right_arithmetic3A_1634, %add3A_1638, %and3A_1640, %dma_start3A_1669] : memref<25x128x8x128xi32, #tpu.memory_space<hbm>> -> memref<1x1x1x128xi32, #tpu.memory_space<hbm>>
        %dma_start3A_1671 = tpu.memref_squeeze %dma_start3A_1670 : memref<1x1x1x128xi32, #tpu.memory_space<hbm>> -> memref<128xi32, #tpu.memory_space<hbm>>
        %dma_start3A_1672 = arith.constant 128 : i32
        %dma_start3A_1673 = tpu.memref_slice %arg5[%dma_start3A_1672] : memref<512xi32, #tpu.memory_space<vmem>> -> memref<128xi32, #tpu.memory_space<vmem>>
        %dma_start3A_1674 = arith.constant 0 : i32
        %dma_start3A_1675 = tpu.memref_slice %arg2[%shift_right_arithmetic3A_1634, %add3A_1638, %and3A_1640, %dma_start3A_1674] : memref<25x128x8x128xi32, #tpu.memory_space<hbm>> -> memref<1x1x1x128xi32, #tpu.memory_space<hbm>>
        %dma_start3A_1676 = tpu.memref_squeeze %dma_start3A_1675 : memref<1x1x1x128xi32, #tpu.memory_space<hbm>> -> memref<128xi32, #tpu.memory_space<hbm>>
        tpu.enqueue_dma source(%dma_start3A_1676 : memref<128xi32, #tpu.memory_space<hbm>>) target(%dma_start3A_1673 : memref<128xi32, #tpu.memory_space<vmem>>) target_semaphore(%arg11 : memref<!tpu.dma_semaphore, #tpu.memory_space<semaphore_mem>>)
        %dma_start3A_1677 = arith.constant 256 : i32
        %dma_start3A_1678 = tpu.memref_slice %arg5[%dma_start3A_1677] : memref<512xi32, #tpu.memory_space<vmem>> -> memref<128xi32, #tpu.memory_space<vmem>>
        %dma_start3A_1679 = arith.constant 0 : i32
        %dma_start3A_1680 = tpu.memref_slice %arg2[%shift_right_arithmetic3A_1642, %add3A_1646, %and3A_1648, %dma_start3A_1679] : memref<25x128x8x128xi32, #tpu.memory_space<hbm>> -> memref<1x1x1x128xi32, #tpu.memory_space<hbm>>
        %dma_start3A_1681 = tpu.memref_squeeze %dma_start3A_1680 : memref<1x1x1x128xi32, #tpu.memory_space<hbm>> -> memref<128xi32, #tpu.memory_space<hbm>>
        %dma_start3A_1682 = arith.constant 256 : i32
        %dma_start3A_1683 = tpu.memref_slice %arg5[%dma_start3A_1682] : memref<512xi32, #tpu.memory_space<vmem>> -> memref<128xi32, #tpu.memory_space<vmem>>
        %dma_start3A_1684 = arith.constant 0 : i32
        %dma_start3A_1685 = tpu.memref_slice %arg2[%shift_right_arithmetic3A_1642, %add3A_1646, %and3A_1648, %dma_start3A_1684] : memref<25x128x8x128xi32, #tpu.memory_space<hbm>> -> memref<1x1x1x128xi32, #tpu.memory_space<hbm>>
        %dma_start3A_1686 = tpu.memref_squeeze %dma_start3A_1685 : memref<1x1x1x128xi32, #tpu.memory_space<hbm>> -> memref<128xi32, #tpu.memory_space<hbm>>
        tpu.enqueue_dma source(%dma_start3A_1686 : memref<128xi32, #tpu.memory_space<hbm>>) target(%dma_start3A_1683 : memref<128xi32, #tpu.memory_space<vmem>>) target_semaphore(%arg11 : memref<!tpu.dma_semaphore, #tpu.memory_space<semaphore_mem>>)
        %dma_start3A_1687 = arith.constant 384 : i32
        %dma_start3A_1688 = tpu.memref_slice %arg5[%dma_start3A_1687] : memref<512xi32, #tpu.memory_space<vmem>> -> memref<128xi32, #tpu.memory_space<vmem>>
        %dma_start3A_1689 = arith.constant 0 : i32
        %dma_start3A_1690 = tpu.memref_slice %arg2[%shift_right_arithmetic3A_1650, %add3A_1654, %and3A_1656, %dma_start3A_1689] : memref<25x128x8x128xi32, #tpu.memory_space<hbm>> -> memref<1x1x1x128xi32, #tpu.memory_space<hbm>>
        %dma_start3A_1691 = tpu.memref_squeeze %dma_start3A_1690 : memref<1x1x1x128xi32, #tpu.memory_space<hbm>> -> memref<128xi32, #tpu.memory_space<hbm>>
        %dma_start3A_1692 = arith.constant 384 : i32
        %dma_start3A_1693 = tpu.memref_slice %arg5[%dma_start3A_1692] : memref<512xi32, #tpu.memory_space<vmem>> -> memref<128xi32, #tpu.memory_space<vmem>>
        %dma_start3A_1694 = arith.constant 0 : i32
        %dma_start3A_1695 = tpu.memref_slice %arg2[%shift_right_arithmetic3A_1650, %add3A_1654, %and3A_1656, %dma_start3A_1694] : memref<25x128x8x128xi32, #tpu.memory_space<hbm>> -> memref<1x1x1x128xi32, #tpu.memory_space<hbm>>
        %dma_start3A_1696 = tpu.memref_squeeze %dma_start3A_1695 : memref<1x1x1x128xi32, #tpu.memory_space<hbm>> -> memref<128xi32, #tpu.memory_space<hbm>>
        tpu.enqueue_dma source(%dma_start3A_1696 : memref<128xi32, #tpu.memory_space<hbm>>) target(%dma_start3A_1693 : memref<128xi32, #tpu.memory_space<vmem>>) target_semaphore(%arg11 : memref<!tpu.dma_semaphore, #tpu.memory_space<semaphore_mem>>)
      } else {
      }
      %convert_element_type3A_859 = arith.extui %gt3A_779 : i1 to i32
      %cond3A_860 = arith.constant 0 : i32
      %cond3A_861 = arith.cmpi ne, %convert_element_type3A_859, %cond3A_860 : i32
      scf.if %cond3A_861 {
        %sub3A = arith.constant 2 : i32
        %sub3A_1623 = arith.subi %mul3A_777, %sub3A : i32
        %mul3A_1624 = arith.constant 4 : i32
        %mul3A_1625 = arith.muli %sub3A_1623, %mul3A_1624 : i32
        %add3A_1626 = arith.constant 0 : i32
        %add3A_1627 = arith.addi %mul3A_1625, %add3A_1626 : i32
        %mul3A_1628 = arith.constant 128 : i32
        %mul3A_1629 = arith.muli %add3A_1627, %mul3A_1628 : i32
        %mul3A_1630 = arith.constant 4 : i32
        %mul3A_1631 = arith.muli %mul3A_1630, %add3A : i32
        %add3A_1632 = arith.addi %mul3A_1629, %mul3A_1631 : i32
        %add3A_1633 = arith.constant 0 : i32
        %add3A_1634 = arith.addi %add3A_1632, %add3A_1633 : i32
        %mul3A_1635 = arith.constant 8 : i32
        %mul3A_1636 = arith.muli %add3A_1634, %mul3A_1635 : i32
        %dma_wait3A_1637 = arith.constant 0 : i32
        %dma_wait3A_1638 = arith.constant 0 : i32
        %dma_wait3A_1639 = tpu.memref_slice %arg9[%dma_wait3A_1637, %dma_wait3A_1638] : memref<128x129xf32, #tpu.memory_space<vmem>> -> memref<8x128xf32, #tpu.memory_space<vmem>>
        %dma_wait3A_1640 = arith.constant 0 : i32
        %dma_wait3A_1641 = tpu.memref_slice %arg4[%mul3A_1636, %dma_wait3A_1640] : memref<819200x128xf32, #tpu.memory_space<hbm>> -> memref<8x128xf32, #tpu.memory_space<hbm>>
        %dma_wait3A_1642 = arith.constant 0 : i32
        %dma_wait3A_1643 = tpu.memref_slice %arg4[%mul3A_1636, %dma_wait3A_1642] : memref<819200x128xf32, #tpu.memory_space<hbm>> -> memref<8x128xf32, #tpu.memory_space<hbm>>
        %dma_wait3A_1644 = arith.constant 0 : i32
        %dma_wait3A_1645 = arith.constant 0 : i32
        %dma_wait3A_1646 = tpu.memref_slice %arg9[%dma_wait3A_1644, %dma_wait3A_1645] : memref<128x129xf32, #tpu.memory_space<vmem>> -> memref<8x128xf32, #tpu.memory_space<vmem>>
        tpu.wait_dma2 semaphore(%arg15 : memref<!tpu.dma_semaphore, #tpu.memory_space<semaphore_mem>>) src(%dma_wait3A_1646 : memref<8x128xf32, #tpu.memory_space<vmem>>) dst(%dma_wait3A_1643 : memref<8x128xf32, #tpu.memory_space<hbm>>)
        %sub3A_1647 = arith.constant 2 : i32
        %sub3A_1648 = arith.subi %mul3A_777, %sub3A_1647 : i32
        %mul3A_1649 = arith.constant 4 : i32
        %mul3A_1650 = arith.muli %sub3A_1648, %mul3A_1649 : i32
        %add3A_1651 = arith.constant 0 : i32
        %add3A_1652 = arith.addi %mul3A_1650, %add3A_1651 : i32
        %mul3A_1653 = arith.constant 128 : i32
        %mul3A_1654 = arith.muli %add3A_1652, %mul3A_1653 : i32
        %mul3A_1655 = arith.constant 4 : i32
        %mul3A_1656 = arith.muli %mul3A_1655, %add3A : i32
        %add3A_1657 = arith.addi %mul3A_1654, %mul3A_1656 : i32
        %add3A_1658 = arith.constant 1 : i32
        %add3A_1659 = arith.addi %add3A_1657, %add3A_1658 : i32
        %mul3A_1660 = arith.constant 8 : i32
        %mul3A_1661 = arith.muli %add3A_1659, %mul3A_1660 : i32
        %dma_wait3A_1662 = arith.constant 32 : i32
        %dma_wait3A_1663 = arith.constant 0 : i32
        %dma_wait3A_1664 = tpu.memref_slice %arg9[%dma_wait3A_1662, %dma_wait3A_1663] : memref<128x129xf32, #tpu.memory_space<vmem>> -> memref<8x128xf32, #tpu.memory_space<vmem>>
        %dma_wait3A_1665 = arith.constant 0 : i32
        %dma_wait3A_1666 = tpu.memref_slice %arg4[%mul3A_1661, %dma_wait3A_1665] : memref<819200x128xf32, #tpu.memory_space<hbm>> -> memref<8x128xf32, #tpu.memory_space<hbm>>
        %dma_wait3A_1667 = arith.constant 0 : i32
        %dma_wait3A_1668 = tpu.memref_slice %arg4[%mul3A_1661, %dma_wait3A_1667] : memref<819200x128xf32, #tpu.memory_space<hbm>> -> memref<8x128xf32, #tpu.memory_space<hbm>>
        %dma_wait3A_1669 = arith.constant 32 : i32
        %dma_wait3A_1670 = arith.constant 0 : i32
        %dma_wait3A_1671 = tpu.memref_slice %arg9[%dma_wait3A_1669, %dma_wait3A_1670] : memref<128x129xf32, #tpu.memory_space<vmem>> -> memref<8x128xf32, #tpu.memory_space<vmem>>
        tpu.wait_dma2 semaphore(%arg15 : memref<!tpu.dma_semaphore, #tpu.memory_space<semaphore_mem>>) src(%dma_wait3A_1671 : memref<8x128xf32, #tpu.memory_space<vmem>>) dst(%dma_wait3A_1668 : memref<8x128xf32, #tpu.memory_space<hbm>>)
        %sub3A_1672 = arith.constant 2 : i32
        %sub3A_1673 = arith.subi %mul3A_777, %sub3A_1672 : i32
        %mul3A_1674 = arith.constant 4 : i32
        %mul3A_1675 = arith.muli %sub3A_1673, %mul3A_1674 : i32
        %add3A_1676 = arith.constant 0 : i32
        %add3A_1677 = arith.addi %mul3A_1675, %add3A_1676 : i32
        %mul3A_1678 = arith.constant 128 : i32
        %mul3A_1679 = arith.muli %add3A_1677, %mul3A_1678 : i32
        %mul3A_1680 = arith.constant 4 : i32
        %mul3A_1681 = arith.muli %mul3A_1680, %add3A : i32
        %add3A_1682 = arith.addi %mul3A_1679, %mul3A_1681 : i32
        %add3A_1683 = arith.constant 2 : i32
        %add3A_1684 = arith.addi %add3A_1682, %add3A_1683 : i32
        %mul3A_1685 = arith.constant 8 : i32
        %mul3A_1686 = arith.muli %add3A_1684, %mul3A_1685 : i32
        %dma_wait3A_1687 = arith.constant 64 : i32
        %dma_wait3A_1688 = arith.constant 0 : i32
        %dma_wait3A_1689 = tpu.memref_slice %arg9[%dma_wait3A_1687, %dma_wait3A_1688] : memref<128x129xf32, #tpu.memory_space<vmem>> -> memref<8x128xf32, #tpu.memory_space<vmem>>
        %dma_wait3A_1690 = arith.constant 0 : i32
        %dma_wait3A_1691 = tpu.memref_slice %arg4[%mul3A_1686, %dma_wait3A_1690] : memref<819200x128xf32, #tpu.memory_space<hbm>> -> memref<8x128xf32, #tpu.memory_space<hbm>>
        %dma_wait3A_1692 = arith.constant 0 : i32
        %dma_wait3A_1693 = tpu.memref_slice %arg4[%mul3A_1686, %dma_wait3A_1692] : memref<819200x128xf32, #tpu.memory_space<hbm>> -> memref<8x128xf32, #tpu.memory_space<hbm>>
        %dma_wait3A_1694 = arith.constant 64 : i32
        %dma_wait3A_1695 = arith.constant 0 : i32
        %dma_wait3A_1696 = tpu.memref_slice %arg9[%dma_wait3A_1694, %dma_wait3A_1695] : memref<128x129xf32, #tpu.memory_space<vmem>> -> memref<8x128xf32, #tpu.memory_space<vmem>>
        tpu.wait_dma2 semaphore(%arg15 : memref<!tpu.dma_semaphore, #tpu.memory_space<semaphore_mem>>) src(%dma_wait3A_1696 : memref<8x128xf32, #tpu.memory_space<vmem>>) dst(%dma_wait3A_1693 : memref<8x128xf32, #tpu.memory_space<hbm>>)
        %sub3A_1697 = arith.constant 2 : i32
        %sub3A_1698 = arith.subi %mul3A_777, %sub3A_1697 : i32
        %mul3A_1699 = arith.constant 4 : i32
        %mul3A_1700 = arith.muli %sub3A_1698, %mul3A_1699 : i32
        %add3A_1701 = arith.constant 0 : i32
        %add3A_1702 = arith.addi %mul3A_1700, %add3A_1701 : i32
        %mul3A_1703 = arith.constant 128 : i32
        %mul3A_1704 = arith.muli %add3A_1702, %mul3A_1703 : i32
        %mul3A_1705 = arith.constant 4 : i32
        %mul3A_1706 = arith.muli %mul3A_1705, %add3A : i32
        %add3A_1707 = arith.addi %mul3A_1704, %mul3A_1706 : i32
        %add3A_1708 = arith.constant 3 : i32
        %add3A_1709 = arith.addi %add3A_1707, %add3A_1708 : i32
        %mul3A_1710 = arith.constant 8 : i32
        %mul3A_1711 = arith.muli %add3A_1709, %mul3A_1710 : i32
        %dma_wait3A_1712 = arith.constant 96 : i32
        %dma_wait3A_1713 = arith.constant 0 : i32
        %dma_wait3A_1714 = tpu.memref_slice %arg9[%dma_wait3A_1712, %dma_wait3A_1713] : memref<128x129xf32, #tpu.memory_space<vmem>> -> memref<8x128xf32, #tpu.memory_space<vmem>>
        %dma_wait3A_1715 = arith.constant 0 : i32
        %dma_wait3A_1716 = tpu.memref_slice %arg4[%mul3A_1711, %dma_wait3A_1715] : memref<819200x128xf32, #tpu.memory_space<hbm>> -> memref<8x128xf32, #tpu.memory_space<hbm>>
        %dma_wait3A_1717 = arith.constant 0 : i32
        %dma_wait3A_1718 = tpu.memref_slice %arg4[%mul3A_1711, %dma_wait3A_1717] : memref<819200x128xf32, #tpu.memory_space<hbm>> -> memref<8x128xf32, #tpu.memory_space<hbm>>
        %dma_wait3A_1719 = arith.constant 96 : i32
        %dma_wait3A_1720 = arith.constant 0 : i32
        %dma_wait3A_1721 = tpu.memref_slice %arg9[%dma_wait3A_1719, %dma_wait3A_1720] : memref<128x129xf32, #tpu.memory_space<vmem>> -> memref<8x128xf32, #tpu.memory_space<vmem>>
        tpu.wait_dma2 semaphore(%arg15 : memref<!tpu.dma_semaphore, #tpu.memory_space<semaphore_mem>>) src(%dma_wait3A_1721 : memref<8x128xf32, #tpu.memory_space<vmem>>) dst(%dma_wait3A_1718 : memref<8x128xf32, #tpu.memory_space<hbm>>)
        %sub3A_1722 = arith.constant 2 : i32
        %sub3A_1723 = arith.subi %mul3A_777, %sub3A_1722 : i32
        %mul3A_1724 = arith.constant 4 : i32
        %mul3A_1725 = arith.muli %sub3A_1723, %mul3A_1724 : i32
        %add3A_1726 = arith.constant 1 : i32
        %add3A_1727 = arith.addi %mul3A_1725, %add3A_1726 : i32
        %mul3A_1728 = arith.constant 128 : i32
        %mul3A_1729 = arith.muli %add3A_1727, %mul3A_1728 : i32
        %mul3A_1730 = arith.constant 4 : i32
        %mul3A_1731 = arith.muli %mul3A_1730, %add3A : i32
        %add3A_1732 = arith.addi %mul3A_1729, %mul3A_1731 : i32
        %add3A_1733 = arith.constant 0 : i32
        %add3A_1734 = arith.addi %add3A_1732, %add3A_1733 : i32
        %mul3A_1735 = arith.constant 8 : i32
        %mul3A_1736 = arith.muli %add3A_1734, %mul3A_1735 : i32
        %dma_wait3A_1737 = arith.constant 8 : i32
        %dma_wait3A_1738 = arith.constant 0 : i32
        %dma_wait3A_1739 = tpu.memref_slice %arg9[%dma_wait3A_1737, %dma_wait3A_1738] : memref<128x129xf32, #tpu.memory_space<vmem>> -> memref<8x128xf32, #tpu.memory_space<vmem>>
        %dma_wait3A_1740 = arith.constant 0 : i32
        %dma_wait3A_1741 = tpu.memref_slice %arg4[%mul3A_1736, %dma_wait3A_1740] : memref<819200x128xf32, #tpu.memory_space<hbm>> -> memref<8x128xf32, #tpu.memory_space<hbm>>
        %dma_wait3A_1742 = arith.constant 0 : i32
        %dma_wait3A_1743 = tpu.memref_slice %arg4[%mul3A_1736, %dma_wait3A_1742] : memref<819200x128xf32, #tpu.memory_space<hbm>> -> memref<8x128xf32, #tpu.memory_space<hbm>>
        %dma_wait3A_1744 = arith.constant 8 : i32
        %dma_wait3A_1745 = arith.constant 0 : i32
        %dma_wait3A_1746 = tpu.memref_slice %arg9[%dma_wait3A_1744, %dma_wait3A_1745] : memref<128x129xf32, #tpu.memory_space<vmem>> -> memref<8x128xf32, #tpu.memory_space<vmem>>
        tpu.wait_dma2 semaphore(%arg15 : memref<!tpu.dma_semaphore, #tpu.memory_space<semaphore_mem>>) src(%dma_wait3A_1746 : memref<8x128xf32, #tpu.memory_space<vmem>>) dst(%dma_wait3A_1743 : memref<8x128xf32, #tpu.memory_space<hbm>>)
        %sub3A_1747 = arith.constant 2 : i32
        %sub3A_1748 = arith.subi %mul3A_777, %sub3A_1747 : i32
        %mul3A_1749 = arith.constant 4 : i32
        %mul3A_1750 = arith.muli %sub3A_1748, %mul3A_1749 : i32
        %add3A_1751 = arith.constant 1 : i32
        %add3A_1752 = arith.addi %mul3A_1750, %add3A_1751 : i32
        %mul3A_1753 = arith.constant 128 : i32
        %mul3A_1754 = arith.muli %add3A_1752, %mul3A_1753 : i32
        %mul3A_1755 = arith.constant 4 : i32
        %mul3A_1756 = arith.muli %mul3A_1755, %add3A : i32
        %add3A_1757 = arith.addi %mul3A_1754, %mul3A_1756 : i32
        %add3A_1758 = arith.constant 1 : i32
        %add3A_1759 = arith.addi %add3A_1757, %add3A_1758 : i32
        %mul3A_1760 = arith.constant 8 : i32
        %mul3A_1761 = arith.muli %add3A_1759, %mul3A_1760 : i32
        %dma_wait3A_1762 = arith.constant 40 : i32
        %dma_wait3A_1763 = arith.constant 0 : i32
        %dma_wait3A_1764 = tpu.memref_slice %arg9[%dma_wait3A_1762, %dma_wait3A_1763] : memref<128x129xf32, #tpu.memory_space<vmem>> -> memref<8x128xf32, #tpu.memory_space<vmem>>
        %dma_wait3A_1765 = arith.constant 0 : i32
        %dma_wait3A_1766 = tpu.memref_slice %arg4[%mul3A_1761, %dma_wait3A_1765] : memref<819200x128xf32, #tpu.memory_space<hbm>> -> memref<8x128xf32, #tpu.memory_space<hbm>>
        %dma_wait3A_1767 = arith.constant 0 : i32
        %dma_wait3A_1768 = tpu.memref_slice %arg4[%mul3A_1761, %dma_wait3A_1767] : memref<819200x128xf32, #tpu.memory_space<hbm>> -> memref<8x128xf32, #tpu.memory_space<hbm>>
        %dma_wait3A_1769 = arith.constant 40 : i32
        %dma_wait3A_1770 = arith.constant 0 : i32
        %dma_wait3A_1771 = tpu.memref_slice %arg9[%dma_wait3A_1769, %dma_wait3A_1770] : memref<128x129xf32, #tpu.memory_space<vmem>> -> memref<8x128xf32, #tpu.memory_space<vmem>>
        tpu.wait_dma2 semaphore(%arg15 : memref<!tpu.dma_semaphore, #tpu.memory_space<semaphore_mem>>) src(%dma_wait3A_1771 : memref<8x128xf32, #tpu.memory_space<vmem>>) dst(%dma_wait3A_1768 : memref<8x128xf32, #tpu.memory_space<hbm>>)
        %sub3A_1772 = arith.constant 2 : i32
        %sub3A_1773 = arith.subi %mul3A_777, %sub3A_1772 : i32
        %mul3A_1774 = arith.constant 4 : i32
        %mul3A_1775 = arith.muli %sub3A_1773, %mul3A_1774 : i32
        %add3A_1776 = arith.constant 1 : i32
        %add3A_1777 = arith.addi %mul3A_1775, %add3A_1776 : i32
        %mul3A_1778 = arith.constant 128 : i32
        %mul3A_1779 = arith.muli %add3A_1777, %mul3A_1778 : i32
        %mul3A_1780 = arith.constant 4 : i32
        %mul3A_1781 = arith.muli %mul3A_1780, %add3A : i32
        %add3A_1782 = arith.addi %mul3A_1779, %mul3A_1781 : i32
        %add3A_1783 = arith.constant 2 : i32
        %add3A_1784 = arith.addi %add3A_1782, %add3A_1783 : i32
        %mul3A_1785 = arith.constant 8 : i32
        %mul3A_1786 = arith.muli %add3A_1784, %mul3A_1785 : i32
        %dma_wait3A_1787 = arith.constant 72 : i32
        %dma_wait3A_1788 = arith.constant 0 : i32
        %dma_wait3A_1789 = tpu.memref_slice %arg9[%dma_wait3A_1787, %dma_wait3A_1788] : memref<128x129xf32, #tpu.memory_space<vmem>> -> memref<8x128xf32, #tpu.memory_space<vmem>>
        %dma_wait3A_1790 = arith.constant 0 : i32
        %dma_wait3A_1791 = tpu.memref_slice %arg4[%mul3A_1786, %dma_wait3A_1790] : memref<819200x128xf32, #tpu.memory_space<hbm>> -> memref<8x128xf32, #tpu.memory_space<hbm>>
        %dma_wait3A_1792 = arith.constant 0 : i32
        %dma_wait3A_1793 = tpu.memref_slice %arg4[%mul3A_1786, %dma_wait3A_1792] : memref<819200x128xf32, #tpu.memory_space<hbm>> -> memref<8x128xf32, #tpu.memory_space<hbm>>
        %dma_wait3A_1794 = arith.constant 72 : i32
        %dma_wait3A_1795 = arith.constant 0 : i32
        %dma_wait3A_1796 = tpu.memref_slice %arg9[%dma_wait3A_1794, %dma_wait3A_1795] : memref<128x129xf32, #tpu.memory_space<vmem>> -> memref<8x128xf32, #tpu.memory_space<vmem>>
        tpu.wait_dma2 semaphore(%arg15 : memref<!tpu.dma_semaphore, #tpu.memory_space<semaphore_mem>>) src(%dma_wait3A_1796 : memref<8x128xf32, #tpu.memory_space<vmem>>) dst(%dma_wait3A_1793 : memref<8x128xf32, #tpu.memory_space<hbm>>)
        %sub3A_1797 = arith.constant 2 : i32
        %sub3A_1798 = arith.subi %mul3A_777, %sub3A_1797 : i32
        %mul3A_1799 = arith.constant 4 : i32
        %mul3A_1800 = arith.muli %sub3A_1798, %mul3A_1799 : i32
        %add3A_1801 = arith.constant 1 : i32
        %add3A_1802 = arith.addi %mul3A_1800, %add3A_1801 : i32
        %mul3A_1803 = arith.constant 128 : i32
        %mul3A_1804 = arith.muli %add3A_1802, %mul3A_1803 : i32
        %mul3A_1805 = arith.constant 4 : i32
        %mul3A_1806 = arith.muli %mul3A_1805, %add3A : i32
        %add3A_1807 = arith.addi %mul3A_1804, %mul3A_1806 : i32
        %add3A_1808 = arith.constant 3 : i32
        %add3A_1809 = arith.addi %add3A_1807, %add3A_1808 : i32
        %mul3A_1810 = arith.constant 8 : i32
        %mul3A_1811 = arith.muli %add3A_1809, %mul3A_1810 : i32
        %dma_wait3A_1812 = arith.constant 104 : i32
        %dma_wait3A_1813 = arith.constant 0 : i32
        %dma_wait3A_1814 = tpu.memref_slice %arg9[%dma_wait3A_1812, %dma_wait3A_1813] : memref<128x129xf32, #tpu.memory_space<vmem>> -> memref<8x128xf32, #tpu.memory_space<vmem>>
        %dma_wait3A_1815 = arith.constant 0 : i32
        %dma_wait3A_1816 = tpu.memref_slice %arg4[%mul3A_1811, %dma_wait3A_1815] : memref<819200x128xf32, #tpu.memory_space<hbm>> -> memref<8x128xf32, #tpu.memory_space<hbm>>
        %dma_wait3A_1817 = arith.constant 0 : i32
        %dma_wait3A_1818 = tpu.memref_slice %arg4[%mul3A_1811, %dma_wait3A_1817] : memref<819200x128xf32, #tpu.memory_space<hbm>> -> memref<8x128xf32, #tpu.memory_space<hbm>>
        %dma_wait3A_1819 = arith.constant 104 : i32
        %dma_wait3A_1820 = arith.constant 0 : i32
        %dma_wait3A_1821 = tpu.memref_slice %arg9[%dma_wait3A_1819, %dma_wait3A_1820] : memref<128x129xf32, #tpu.memory_space<vmem>> -> memref<8x128xf32, #tpu.memory_space<vmem>>
        tpu.wait_dma2 semaphore(%arg15 : memref<!tpu.dma_semaphore, #tpu.memory_space<semaphore_mem>>) src(%dma_wait3A_1821 : memref<8x128xf32, #tpu.memory_space<vmem>>) dst(%dma_wait3A_1818 : memref<8x128xf32, #tpu.memory_space<hbm>>)
        %sub3A_1822 = arith.constant 2 : i32
        %sub3A_1823 = arith.subi %mul3A_777, %sub3A_1822 : i32
        %mul3A_1824 = arith.constant 4 : i32
        %mul3A_1825 = arith.muli %sub3A_1823, %mul3A_1824 : i32
        %add3A_1826 = arith.constant 2 : i32
        %add3A_1827 = arith.addi %mul3A_1825, %add3A_1826 : i32
        %mul3A_1828 = arith.constant 128 : i32
        %mul3A_1829 = arith.muli %add3A_1827, %mul3A_1828 : i32
        %mul3A_1830 = arith.constant 4 : i32
        %mul3A_1831 = arith.muli %mul3A_1830, %add3A : i32
        %add3A_1832 = arith.addi %mul3A_1829, %mul3A_1831 : i32
        %add3A_1833 = arith.constant 0 : i32
        %add3A_1834 = arith.addi %add3A_1832, %add3A_1833 : i32
        %mul3A_1835 = arith.constant 8 : i32
        %mul3A_1836 = arith.muli %add3A_1834, %mul3A_1835 : i32
        %dma_wait3A_1837 = arith.constant 16 : i32
        %dma_wait3A_1838 = arith.constant 0 : i32
        %dma_wait3A_1839 = tpu.memref_slice %arg9[%dma_wait3A_1837, %dma_wait3A_1838] : memref<128x129xf32, #tpu.memory_space<vmem>> -> memref<8x128xf32, #tpu.memory_space<vmem>>
        %dma_wait3A_1840 = arith.constant 0 : i32
        %dma_wait3A_1841 = tpu.memref_slice %arg4[%mul3A_1836, %dma_wait3A_1840] : memref<819200x128xf32, #tpu.memory_space<hbm>> -> memref<8x128xf32, #tpu.memory_space<hbm>>
        %dma_wait3A_1842 = arith.constant 0 : i32
        %dma_wait3A_1843 = tpu.memref_slice %arg4[%mul3A_1836, %dma_wait3A_1842] : memref<819200x128xf32, #tpu.memory_space<hbm>> -> memref<8x128xf32, #tpu.memory_space<hbm>>
        %dma_wait3A_1844 = arith.constant 16 : i32
        %dma_wait3A_1845 = arith.constant 0 : i32
        %dma_wait3A_1846 = tpu.memref_slice %arg9[%dma_wait3A_1844, %dma_wait3A_1845] : memref<128x129xf32, #tpu.memory_space<vmem>> -> memref<8x128xf32, #tpu.memory_space<vmem>>
        tpu.wait_dma2 semaphore(%arg15 : memref<!tpu.dma_semaphore, #tpu.memory_space<semaphore_mem>>) src(%dma_wait3A_1846 : memref<8x128xf32, #tpu.memory_space<vmem>>) dst(%dma_wait3A_1843 : memref<8x128xf32, #tpu.memory_space<hbm>>)
        %sub3A_1847 = arith.constant 2 : i32
        %sub3A_1848 = arith.subi %mul3A_777, %sub3A_1847 : i32
        %mul3A_1849 = arith.constant 4 : i32
        %mul3A_1850 = arith.muli %sub3A_1848, %mul3A_1849 : i32
        %add3A_1851 = arith.constant 2 : i32
        %add3A_1852 = arith.addi %mul3A_1850, %add3A_1851 : i32
        %mul3A_1853 = arith.constant 128 : i32
        %mul3A_1854 = arith.muli %add3A_1852, %mul3A_1853 : i32
        %mul3A_1855 = arith.constant 4 : i32
        %mul3A_1856 = arith.muli %mul3A_1855, %add3A : i32
        %add3A_1857 = arith.addi %mul3A_1854, %mul3A_1856 : i32
        %add3A_1858 = arith.constant 1 : i32
        %add3A_1859 = arith.addi %add3A_1857, %add3A_1858 : i32
        %mul3A_1860 = arith.constant 8 : i32
        %mul3A_1861 = arith.muli %add3A_1859, %mul3A_1860 : i32
        %dma_wait3A_1862 = arith.constant 48 : i32
        %dma_wait3A_1863 = arith.constant 0 : i32
        %dma_wait3A_1864 = tpu.memref_slice %arg9[%dma_wait3A_1862, %dma_wait3A_1863] : memref<128x129xf32, #tpu.memory_space<vmem>> -> memref<8x128xf32, #tpu.memory_space<vmem>>
        %dma_wait3A_1865 = arith.constant 0 : i32
        %dma_wait3A_1866 = tpu.memref_slice %arg4[%mul3A_1861, %dma_wait3A_1865] : memref<819200x128xf32, #tpu.memory_space<hbm>> -> memref<8x128xf32, #tpu.memory_space<hbm>>
        %dma_wait3A_1867 = arith.constant 0 : i32
        %dma_wait3A_1868 = tpu.memref_slice %arg4[%mul3A_1861, %dma_wait3A_1867] : memref<819200x128xf32, #tpu.memory_space<hbm>> -> memref<8x128xf32, #tpu.memory_space<hbm>>
        %dma_wait3A_1869 = arith.constant 48 : i32
        %dma_wait3A_1870 = arith.constant 0 : i32
        %dma_wait3A_1871 = tpu.memref_slice %arg9[%dma_wait3A_1869, %dma_wait3A_1870] : memref<128x129xf32, #tpu.memory_space<vmem>> -> memref<8x128xf32, #tpu.memory_space<vmem>>
        tpu.wait_dma2 semaphore(%arg15 : memref<!tpu.dma_semaphore, #tpu.memory_space<semaphore_mem>>) src(%dma_wait3A_1871 : memref<8x128xf32, #tpu.memory_space<vmem>>) dst(%dma_wait3A_1868 : memref<8x128xf32, #tpu.memory_space<hbm>>)
        %sub3A_1872 = arith.constant 2 : i32
        %sub3A_1873 = arith.subi %mul3A_777, %sub3A_1872 : i32
        %mul3A_1874 = arith.constant 4 : i32
        %mul3A_1875 = arith.muli %sub3A_1873, %mul3A_1874 : i32
        %add3A_1876 = arith.constant 2 : i32
        %add3A_1877 = arith.addi %mul3A_1875, %add3A_1876 : i32
        %mul3A_1878 = arith.constant 128 : i32
        %mul3A_1879 = arith.muli %add3A_1877, %mul3A_1878 : i32
        %mul3A_1880 = arith.constant 4 : i32
        %mul3A_1881 = arith.muli %mul3A_1880, %add3A : i32
        %add3A_1882 = arith.addi %mul3A_1879, %mul3A_1881 : i32
        %add3A_1883 = arith.constant 2 : i32
        %add3A_1884 = arith.addi %add3A_1882, %add3A_1883 : i32
        %mul3A_1885 = arith.constant 8 : i32
        %mul3A_1886 = arith.muli %add3A_1884, %mul3A_1885 : i32
        %dma_wait3A_1887 = arith.constant 80 : i32
        %dma_wait3A_1888 = arith.constant 0 : i32
        %dma_wait3A_1889 = tpu.memref_slice %arg9[%dma_wait3A_1887, %dma_wait3A_1888] : memref<128x129xf32, #tpu.memory_space<vmem>> -> memref<8x128xf32, #tpu.memory_space<vmem>>
        %dma_wait3A_1890 = arith.constant 0 : i32
        %dma_wait3A_1891 = tpu.memref_slice %arg4[%mul3A_1886, %dma_wait3A_1890] : memref<819200x128xf32, #tpu.memory_space<hbm>> -> memref<8x128xf32, #tpu.memory_space<hbm>>
        %dma_wait3A_1892 = arith.constant 0 : i32
        %dma_wait3A_1893 = tpu.memref_slice %arg4[%mul3A_1886, %dma_wait3A_1892] : memref<819200x128xf32, #tpu.memory_space<hbm>> -> memref<8x128xf32, #tpu.memory_space<hbm>>
        %dma_wait3A_1894 = arith.constant 80 : i32
        %dma_wait3A_1895 = arith.constant 0 : i32
        %dma_wait3A_1896 = tpu.memref_slice %arg9[%dma_wait3A_1894, %dma_wait3A_1895] : memref<128x129xf32, #tpu.memory_space<vmem>> -> memref<8x128xf32, #tpu.memory_space<vmem>>
        tpu.wait_dma2 semaphore(%arg15 : memref<!tpu.dma_semaphore, #tpu.memory_space<semaphore_mem>>) src(%dma_wait3A_1896 : memref<8x128xf32, #tpu.memory_space<vmem>>) dst(%dma_wait3A_1893 : memref<8x128xf32, #tpu.memory_space<hbm>>)
        %sub3A_1897 = arith.constant 2 : i32
        %sub3A_1898 = arith.subi %mul3A_777, %sub3A_1897 : i32
        %mul3A_1899 = arith.constant 4 : i32
        %mul3A_1900 = arith.muli %sub3A_1898, %mul3A_1899 : i32
        %add3A_1901 = arith.constant 2 : i32
        %add3A_1902 = arith.addi %mul3A_1900, %add3A_1901 : i32
        %mul3A_1903 = arith.constant 128 : i32
        %mul3A_1904 = arith.muli %add3A_1902, %mul3A_1903 : i32
        %mul3A_1905 = arith.constant 4 : i32
        %mul3A_1906 = arith.muli %mul3A_1905, %add3A : i32
        %add3A_1907 = arith.addi %mul3A_1904, %mul3A_1906 : i32
        %add3A_1908 = arith.constant 3 : i32
        %add3A_1909 = arith.addi %add3A_1907, %add3A_1908 : i32
        %mul3A_1910 = arith.constant 8 : i32
        %mul3A_1911 = arith.muli %add3A_1909, %mul3A_1910 : i32
        %dma_wait3A_1912 = arith.constant 112 : i32
        %dma_wait3A_1913 = arith.constant 0 : i32
        %dma_wait3A_1914 = tpu.memref_slice %arg9[%dma_wait3A_1912, %dma_wait3A_1913] : memref<128x129xf32, #tpu.memory_space<vmem>> -> memref<8x128xf32, #tpu.memory_space<vmem>>
        %dma_wait3A_1915 = arith.constant 0 : i32
        %dma_wait3A_1916 = tpu.memref_slice %arg4[%mul3A_1911, %dma_wait3A_1915] : memref<819200x128xf32, #tpu.memory_space<hbm>> -> memref<8x128xf32, #tpu.memory_space<hbm>>
        %dma_wait3A_1917 = arith.constant 0 : i32
        %dma_wait3A_1918 = tpu.memref_slice %arg4[%mul3A_1911, %dma_wait3A_1917] : memref<819200x128xf32, #tpu.memory_space<hbm>> -> memref<8x128xf32, #tpu.memory_space<hbm>>
        %dma_wait3A_1919 = arith.constant 112 : i32
        %dma_wait3A_1920 = arith.constant 0 : i32
        %dma_wait3A_1921 = tpu.memref_slice %arg9[%dma_wait3A_1919, %dma_wait3A_1920] : memref<128x129xf32, #tpu.memory_space<vmem>> -> memref<8x128xf32, #tpu.memory_space<vmem>>
        tpu.wait_dma2 semaphore(%arg15 : memref<!tpu.dma_semaphore, #tpu.memory_space<semaphore_mem>>) src(%dma_wait3A_1921 : memref<8x128xf32, #tpu.memory_space<vmem>>) dst(%dma_wait3A_1918 : memref<8x128xf32, #tpu.memory_space<hbm>>)
        %sub3A_1922 = arith.constant 2 : i32
        %sub3A_1923 = arith.subi %mul3A_777, %sub3A_1922 : i32
        %mul3A_1924 = arith.constant 4 : i32
        %mul3A_1925 = arith.muli %sub3A_1923, %mul3A_1924 : i32
        %add3A_1926 = arith.constant 3 : i32
        %add3A_1927 = arith.addi %mul3A_1925, %add3A_1926 : i32
        %mul3A_1928 = arith.constant 128 : i32
        %mul3A_1929 = arith.muli %add3A_1927, %mul3A_1928 : i32
        %mul3A_1930 = arith.constant 4 : i32
        %mul3A_1931 = arith.muli %mul3A_1930, %add3A : i32
        %add3A_1932 = arith.addi %mul3A_1929, %mul3A_1931 : i32
        %add3A_1933 = arith.constant 0 : i32
        %add3A_1934 = arith.addi %add3A_1932, %add3A_1933 : i32
        %mul3A_1935 = arith.constant 8 : i32
        %mul3A_1936 = arith.muli %add3A_1934, %mul3A_1935 : i32
        %dma_wait3A_1937 = arith.constant 24 : i32
        %dma_wait3A_1938 = arith.constant 0 : i32
        %dma_wait3A_1939 = tpu.memref_slice %arg9[%dma_wait3A_1937, %dma_wait3A_1938] : memref<128x129xf32, #tpu.memory_space<vmem>> -> memref<8x128xf32, #tpu.memory_space<vmem>>
        %dma_wait3A_1940 = arith.constant 0 : i32
        %dma_wait3A_1941 = tpu.memref_slice %arg4[%mul3A_1936, %dma_wait3A_1940] : memref<819200x128xf32, #tpu.memory_space<hbm>> -> memref<8x128xf32, #tpu.memory_space<hbm>>
        %dma_wait3A_1942 = arith.constant 0 : i32
        %dma_wait3A_1943 = tpu.memref_slice %arg4[%mul3A_1936, %dma_wait3A_1942] : memref<819200x128xf32, #tpu.memory_space<hbm>> -> memref<8x128xf32, #tpu.memory_space<hbm>>
        %dma_wait3A_1944 = arith.constant 24 : i32
        %dma_wait3A_1945 = arith.constant 0 : i32
        %dma_wait3A_1946 = tpu.memref_slice %arg9[%dma_wait3A_1944, %dma_wait3A_1945] : memref<128x129xf32, #tpu.memory_space<vmem>> -> memref<8x128xf32, #tpu.memory_space<vmem>>
        tpu.wait_dma2 semaphore(%arg15 : memref<!tpu.dma_semaphore, #tpu.memory_space<semaphore_mem>>) src(%dma_wait3A_1946 : memref<8x128xf32, #tpu.memory_space<vmem>>) dst(%dma_wait3A_1943 : memref<8x128xf32, #tpu.memory_space<hbm>>)
        %sub3A_1947 = arith.constant 2 : i32
        %sub3A_1948 = arith.subi %mul3A_777, %sub3A_1947 : i32
        %mul3A_1949 = arith.constant 4 : i32
        %mul3A_1950 = arith.muli %sub3A_1948, %mul3A_1949 : i32
        %add3A_1951 = arith.constant 3 : i32
        %add3A_1952 = arith.addi %mul3A_1950, %add3A_1951 : i32
        %mul3A_1953 = arith.constant 128 : i32
        %mul3A_1954 = arith.muli %add3A_1952, %mul3A_1953 : i32
        %mul3A_1955 = arith.constant 4 : i32
        %mul3A_1956 = arith.muli %mul3A_1955, %add3A : i32
        %add3A_1957 = arith.addi %mul3A_1954, %mul3A_1956 : i32
        %add3A_1958 = arith.constant 1 : i32
        %add3A_1959 = arith.addi %add3A_1957, %add3A_1958 : i32
        %mul3A_1960 = arith.constant 8 : i32
        %mul3A_1961 = arith.muli %add3A_1959, %mul3A_1960 : i32
        %dma_wait3A_1962 = arith.constant 56 : i32
        %dma_wait3A_1963 = arith.constant 0 : i32
        %dma_wait3A_1964 = tpu.memref_slice %arg9[%dma_wait3A_1962, %dma_wait3A_1963] : memref<128x129xf32, #tpu.memory_space<vmem>> -> memref<8x128xf32, #tpu.memory_space<vmem>>
        %dma_wait3A_1965 = arith.constant 0 : i32
        %dma_wait3A_1966 = tpu.memref_slice %arg4[%mul3A_1961, %dma_wait3A_1965] : memref<819200x128xf32, #tpu.memory_space<hbm>> -> memref<8x128xf32, #tpu.memory_space<hbm>>
        %dma_wait3A_1967 = arith.constant 0 : i32
        %dma_wait3A_1968 = tpu.memref_slice %arg4[%mul3A_1961, %dma_wait3A_1967] : memref<819200x128xf32, #tpu.memory_space<hbm>> -> memref<8x128xf32, #tpu.memory_space<hbm>>
        %dma_wait3A_1969 = arith.constant 56 : i32
        %dma_wait3A_1970 = arith.constant 0 : i32
        %dma_wait3A_1971 = tpu.memref_slice %arg9[%dma_wait3A_1969, %dma_wait3A_1970] : memref<128x129xf32, #tpu.memory_space<vmem>> -> memref<8x128xf32, #tpu.memory_space<vmem>>
        tpu.wait_dma2 semaphore(%arg15 : memref<!tpu.dma_semaphore, #tpu.memory_space<semaphore_mem>>) src(%dma_wait3A_1971 : memref<8x128xf32, #tpu.memory_space<vmem>>) dst(%dma_wait3A_1968 : memref<8x128xf32, #tpu.memory_space<hbm>>)
        %sub3A_1972 = arith.constant 2 : i32
        %sub3A_1973 = arith.subi %mul3A_777, %sub3A_1972 : i32
        %mul3A_1974 = arith.constant 4 : i32
        %mul3A_1975 = arith.muli %sub3A_1973, %mul3A_1974 : i32
        %add3A_1976 = arith.constant 3 : i32
        %add3A_1977 = arith.addi %mul3A_1975, %add3A_1976 : i32
        %mul3A_1978 = arith.constant 128 : i32
        %mul3A_1979 = arith.muli %add3A_1977, %mul3A_1978 : i32
        %mul3A_1980 = arith.constant 4 : i32
        %mul3A_1981 = arith.muli %mul3A_1980, %add3A : i32
        %add3A_1982 = arith.addi %mul3A_1979, %mul3A_1981 : i32
        %add3A_1983 = arith.constant 2 : i32
        %add3A_1984 = arith.addi %add3A_1982, %add3A_1983 : i32
        %mul3A_1985 = arith.constant 8 : i32
        %mul3A_1986 = arith.muli %add3A_1984, %mul3A_1985 : i32
        %dma_wait3A_1987 = arith.constant 88 : i32
        %dma_wait3A_1988 = arith.constant 0 : i32
        %dma_wait3A_1989 = tpu.memref_slice %arg9[%dma_wait3A_1987, %dma_wait3A_1988] : memref<128x129xf32, #tpu.memory_space<vmem>> -> memref<8x128xf32, #tpu.memory_space<vmem>>
        %dma_wait3A_1990 = arith.constant 0 : i32
        %dma_wait3A_1991 = tpu.memref_slice %arg4[%mul3A_1986, %dma_wait3A_1990] : memref<819200x128xf32, #tpu.memory_space<hbm>> -> memref<8x128xf32, #tpu.memory_space<hbm>>
        %dma_wait3A_1992 = arith.constant 0 : i32
        %dma_wait3A_1993 = tpu.memref_slice %arg4[%mul3A_1986, %dma_wait3A_1992] : memref<819200x128xf32, #tpu.memory_space<hbm>> -> memref<8x128xf32, #tpu.memory_space<hbm>>
        %dma_wait3A_1994 = arith.constant 88 : i32
        %dma_wait3A_1995 = arith.constant 0 : i32
        %dma_wait3A_1996 = tpu.memref_slice %arg9[%dma_wait3A_1994, %dma_wait3A_1995] : memref<128x129xf32, #tpu.memory_space<vmem>> -> memref<8x128xf32, #tpu.memory_space<vmem>>
        tpu.wait_dma2 semaphore(%arg15 : memref<!tpu.dma_semaphore, #tpu.memory_space<semaphore_mem>>) src(%dma_wait3A_1996 : memref<8x128xf32, #tpu.memory_space<vmem>>) dst(%dma_wait3A_1993 : memref<8x128xf32, #tpu.memory_space<hbm>>)
        %sub3A_1997 = arith.constant 2 : i32
        %sub3A_1998 = arith.subi %mul3A_777, %sub3A_1997 : i32
        %mul3A_1999 = arith.constant 4 : i32
        %mul3A_2000 = arith.muli %sub3A_1998, %mul3A_1999 : i32
        %add3A_2001 = arith.constant 3 : i32
        %add3A_2002 = arith.addi %mul3A_2000, %add3A_2001 : i32
        %mul3A_2003 = arith.constant 128 : i32
        %mul3A_2004 = arith.muli %add3A_2002, %mul3A_2003 : i32
        %mul3A_2005 = arith.constant 4 : i32
        %mul3A_2006 = arith.muli %mul3A_2005, %add3A : i32
        %add3A_2007 = arith.addi %mul3A_2004, %mul3A_2006 : i32
        %add3A_2008 = arith.constant 3 : i32
        %add3A_2009 = arith.addi %add3A_2007, %add3A_2008 : i32
        %mul3A_2010 = arith.constant 8 : i32
        %mul3A_2011 = arith.muli %add3A_2009, %mul3A_2010 : i32
        %dma_wait3A_2012 = arith.constant 120 : i32
        %dma_wait3A_2013 = arith.constant 0 : i32
        %dma_wait3A_2014 = tpu.memref_slice %arg9[%dma_wait3A_2012, %dma_wait3A_2013] : memref<128x129xf32, #tpu.memory_space<vmem>> -> memref<8x128xf32, #tpu.memory_space<vmem>>
        %dma_wait3A_2015 = arith.constant 0 : i32
        %dma_wait3A_2016 = tpu.memref_slice %arg4[%mul3A_2011, %dma_wait3A_2015] : memref<819200x128xf32, #tpu.memory_space<hbm>> -> memref<8x128xf32, #tpu.memory_space<hbm>>
        %dma_wait3A_2017 = arith.constant 0 : i32
        %dma_wait3A_2018 = tpu.memref_slice %arg4[%mul3A_2011, %dma_wait3A_2017] : memref<819200x128xf32, #tpu.memory_space<hbm>> -> memref<8x128xf32, #tpu.memory_space<hbm>>
        %dma_wait3A_2019 = arith.constant 120 : i32
        %dma_wait3A_2020 = arith.constant 0 : i32
        %dma_wait3A_2021 = tpu.memref_slice %arg9[%dma_wait3A_2019, %dma_wait3A_2020] : memref<128x129xf32, #tpu.memory_space<vmem>> -> memref<8x128xf32, #tpu.memory_space<vmem>>
        tpu.wait_dma2 semaphore(%arg15 : memref<!tpu.dma_semaphore, #tpu.memory_space<semaphore_mem>>) src(%dma_wait3A_2021 : memref<8x128xf32, #tpu.memory_space<vmem>>) dst(%dma_wait3A_2018 : memref<8x128xf32, #tpu.memory_space<hbm>>)
      } else {
      }
      %scan3A_862 = arith.constant 0 : i32
      %scan3A_863 = arith.constant 0 : i32
      %scan3A_864 = arith.constant 32 : i32
      %scan3A_865 = arith.addi %scan3A_863, %scan3A_864 : i32
      %scan3A_866 = arith.constant 1 : i32
      scf.for %scan3A_1623 = %scan3A_863 to %scan3A_865 step %scan3A_866  : i32 {
        %shift_right_arithmetic3A_1624 = arith.constant 3 : i32
        %shift_right_arithmetic3A_1625 = arith.shrsi %scan3A_1623, %shift_right_arithmetic3A_1624 : i32
        %shift_left3A = arith.constant 5 : i32
        %shift_left3A_1626 = arith.shli %shift_right_arithmetic3A_1625, %shift_left3A : i32
        %add3A_1627 = vector.broadcast %shift_left3A_1626 : i32 to vector<16xi32>
        %add3A_1628 = arith.addi %iota3A, %add3A_1627 : vector<16xi32>
        %add3A_1629 = arith.constant 16 : i32
        %add3A_1630 = vector.broadcast %add3A_1629 : i32 to vector<16xi32>
        %add3A_1631 = arith.addi %add3A_1628, %add3A_1630 : vector<16xi32>
        %and3A_1632 = arith.constant 7 : i32
        %and3A_1633 = arith.andi %scan3A_1623, %and3A_1632 : i32
        %shift_left3A_1634 = arith.constant 4 : i32
        %shift_left3A_1635 = arith.shli %and3A_1633, %shift_left3A_1634 : i32
        %mul3A_1636 = arith.constant 16 : i32
        %mul3A_1637 = arith.muli %scan3A_1623, %mul3A_1636 : i32
        %add3A_1638 = arith.constant 0 : i32
        %add3A_1639 = arith.addi %mul3A_1637, %add3A_1638 : i32
        %add3A_1640 = arith.constant 0 : i32
        %add3A_1641 = arith.addi %shift_left3A_1635, %add3A_1640 : i32
        %broadcast_in_dim3A = vector.broadcast %add3A_1641 : i32 to vector<16xi32>
        %get3A = arith.index_cast %add3A_1639 : i32 to index
        %get3A_1642 = arith.constant 0 : index
        %get3A_1643 = tpu.vector_load %arg7[%get3A, %get3A_1642] {strides = array<i32>} : memref<512x32xf32, #tpu.memory_space<vmem>>, vector<16xf32>,
        %get3A_1644 = arith.index_cast %add3A_1639 : i32 to index
        %get3A_1645 = arith.constant 16 : index
        %get3A_1646 = tpu.vector_load %arg7[%get3A_1644, %get3A_1645] {strides = array<i32>} : memref<512x32xf32, #tpu.memory_space<vmem>>, vector<16xf32>,
        tpu.vector_store_idx %arg9[%add3A_1628, %broadcast_in_dim3A], %get3A_1643 : memref<128x129xf32, #tpu.memory_space<vmem>>[vector<16xi32>, vector<16xi32>], vector<16xf32>,
        tpu.vector_store_idx %arg9[%add3A_1631, %broadcast_in_dim3A], %get3A_1646 : memref<128x129xf32, #tpu.memory_space<vmem>>[vector<16xi32>, vector<16xi32>], vector<16xf32>,
        %mul3A_1647 = arith.constant 16 : i32
        %mul3A_1648 = arith.muli %scan3A_1623, %mul3A_1647 : i32
        %add3A_1649 = arith.constant 1 : i32
        %add3A_1650 = arith.addi %mul3A_1648, %add3A_1649 : i32
        %add3A_1651 = arith.constant 1 : i32
        %add3A_1652 = arith.addi %shift_left3A_1635, %add3A_1651 : i32
        %broadcast_in_dim3A_1653 = vector.broadcast %add3A_1652 : i32 to vector<16xi32>
        %get3A_1654 = arith.index_cast %add3A_1650 : i32 to index
        %get3A_1655 = arith.constant 0 : index
        %get3A_1656 = tpu.vector_load %arg7[%get3A_1654, %get3A_1655] {strides = array<i32>} : memref<512x32xf32, #tpu.memory_space<vmem>>, vector<16xf32>,
        %get3A_1657 = arith.index_cast %add3A_1650 : i32 to index
        %get3A_1658 = arith.constant 16 : index
        %get3A_1659 = tpu.vector_load %arg7[%get3A_1657, %get3A_1658] {strides = array<i32>} : memref<512x32xf32, #tpu.memory_space<vmem>>, vector<16xf32>,
        tpu.vector_store_idx %arg9[%add3A_1628, %broadcast_in_dim3A_1653], %get3A_1656 : memref<128x129xf32, #tpu.memory_space<vmem>>[vector<16xi32>, vector<16xi32>], vector<16xf32>,
        tpu.vector_store_idx %arg9[%add3A_1631, %broadcast_in_dim3A_1653], %get3A_1659 : memref<128x129xf32, #tpu.memory_space<vmem>>[vector<16xi32>, vector<16xi32>], vector<16xf32>,
        %mul3A_1660 = arith.constant 16 : i32
        %mul3A_1661 = arith.muli %scan3A_1623, %mul3A_1660 : i32
        %add3A_1662 = arith.constant 2 : i32
        %add3A_1663 = arith.addi %mul3A_1661, %add3A_1662 : i32
        %add3A_1664 = arith.constant 2 : i32
        %add3A_1665 = arith.addi %shift_left3A_1635, %add3A_1664 : i32
        %broadcast_in_dim3A_1666 = vector.broadcast %add3A_1665 : i32 to vector<16xi32>
        %get3A_1667 = arith.index_cast %add3A_1663 : i32 to index
        %get3A_1668 = arith.constant 0 : index
        %get3A_1669 = tpu.vector_load %arg7[%get3A_1667, %get3A_1668] {strides = array<i32>} : memref<512x32xf32, #tpu.memory_space<vmem>>, vector<16xf32>,
        %get3A_1670 = arith.index_cast %add3A_1663 : i32 to index
        %get3A_1671 = arith.constant 16 : index
        %get3A_1672 = tpu.vector_load %arg7[%get3A_1670, %get3A_1671] {strides = array<i32>} : memref<512x32xf32, #tpu.memory_space<vmem>>, vector<16xf32>,
        tpu.vector_store_idx %arg9[%add3A_1628, %broadcast_in_dim3A_1666], %get3A_1669 : memref<128x129xf32, #tpu.memory_space<vmem>>[vector<16xi32>, vector<16xi32>], vector<16xf32>,
        tpu.vector_store_idx %arg9[%add3A_1631, %broadcast_in_dim3A_1666], %get3A_1672 : memref<128x129xf32, #tpu.memory_space<vmem>>[vector<16xi32>, vector<16xi32>], vector<16xf32>,
        %mul3A_1673 = arith.constant 16 : i32
        %mul3A_1674 = arith.muli %scan3A_1623, %mul3A_1673 : i32
        %add3A_1675 = arith.constant 3 : i32
        %add3A_1676 = arith.addi %mul3A_1674, %add3A_1675 : i32
        %add3A_1677 = arith.constant 3 : i32
        %add3A_1678 = arith.addi %shift_left3A_1635, %add3A_1677 : i32
        %broadcast_in_dim3A_1679 = vector.broadcast %add3A_1678 : i32 to vector<16xi32>
        %get3A_1680 = arith.index_cast %add3A_1676 : i32 to index
        %get3A_1681 = arith.constant 0 : index
        %get3A_1682 = tpu.vector_load %arg7[%get3A_1680, %get3A_1681] {strides = array<i32>} : memref<512x32xf32, #tpu.memory_space<vmem>>, vector<16xf32>,
        %get3A_1683 = arith.index_cast %add3A_1676 : i32 to index
        %get3A_1684 = arith.constant 16 : index
        %get3A_1685 = tpu.vector_load %arg7[%get3A_1683, %get3A_1684] {strides = array<i32>} : memref<512x32xf32, #tpu.memory_space<vmem>>, vector<16xf32>,
        tpu.vector_store_idx %arg9[%add3A_1628, %broadcast_in_dim3A_1679], %get3A_1682 : memref<128x129xf32, #tpu.memory_space<vmem>>[vector<16xi32>, vector<16xi32>], vector<16xf32>,
        tpu.vector_store_idx %arg9[%add3A_1631, %broadcast_in_dim3A_1679], %get3A_1685 : memref<128x129xf32, #tpu.memory_space<vmem>>[vector<16xi32>, vector<16xi32>], vector<16xf32>,
        %mul3A_1686 = arith.constant 16 : i32
        %mul3A_1687 = arith.muli %scan3A_1623, %mul3A_1686 : i32
        %add3A_1688 = arith.constant 4 : i32
        %add3A_1689 = arith.addi %mul3A_1687, %add3A_1688 : i32
        %add3A_1690 = arith.constant 4 : i32
        %add3A_1691 = arith.addi %shift_left3A_1635, %add3A_1690 : i32
        %broadcast_in_dim3A_1692 = vector.broadcast %add3A_1691 : i32 to vector<16xi32>
        %get3A_1693 = arith.index_cast %add3A_1689 : i32 to index
        %get3A_1694 = arith.constant 0 : index
        %get3A_1695 = tpu.vector_load %arg7[%get3A_1693, %get3A_1694] {strides = array<i32>} : memref<512x32xf32, #tpu.memory_space<vmem>>, vector<16xf32>,
        %get3A_1696 = arith.index_cast %add3A_1689 : i32 to index
        %get3A_1697 = arith.constant 16 : index
        %get3A_1698 = tpu.vector_load %arg7[%get3A_1696, %get3A_1697] {strides = array<i32>} : memref<512x32xf32, #tpu.memory_space<vmem>>, vector<16xf32>,
        tpu.vector_store_idx %arg9[%add3A_1628, %broadcast_in_dim3A_1692], %get3A_1695 : memref<128x129xf32, #tpu.memory_space<vmem>>[vector<16xi32>, vector<16xi32>], vector<16xf32>,
        tpu.vector_store_idx %arg9[%add3A_1631, %broadcast_in_dim3A_1692], %get3A_1698 : memref<128x129xf32, #tpu.memory_space<vmem>>[vector<16xi32>, vector<16xi32>], vector<16xf32>,
        %mul3A_1699 = arith.constant 16 : i32
        %mul3A_1700 = arith.muli %scan3A_1623, %mul3A_1699 : i32
        %add3A_1701 = arith.constant 5 : i32
        %add3A_1702 = arith.addi %mul3A_1700, %add3A_1701 : i32
        %add3A_1703 = arith.constant 5 : i32
        %add3A_1704 = arith.addi %shift_left3A_1635, %add3A_1703 : i32
        %broadcast_in_dim3A_1705 = vector.broadcast %add3A_1704 : i32 to vector<16xi32>
        %get3A_1706 = arith.index_cast %add3A_1702 : i32 to index
        %get3A_1707 = arith.constant 0 : index
        %get3A_1708 = tpu.vector_load %arg7[%get3A_1706, %get3A_1707] {strides = array<i32>} : memref<512x32xf32, #tpu.memory_space<vmem>>, vector<16xf32>,
        %get3A_1709 = arith.index_cast %add3A_1702 : i32 to index
        %get3A_1710 = arith.constant 16 : index
        %get3A_1711 = tpu.vector_load %arg7[%get3A_1709, %get3A_1710] {strides = array<i32>} : memref<512x32xf32, #tpu.memory_space<vmem>>, vector<16xf32>,
        tpu.vector_store_idx %arg9[%add3A_1628, %broadcast_in_dim3A_1705], %get3A_1708 : memref<128x129xf32, #tpu.memory_space<vmem>>[vector<16xi32>, vector<16xi32>], vector<16xf32>,
        tpu.vector_store_idx %arg9[%add3A_1631, %broadcast_in_dim3A_1705], %get3A_1711 : memref<128x129xf32, #tpu.memory_space<vmem>>[vector<16xi32>, vector<16xi32>], vector<16xf32>,
        %mul3A_1712 = arith.constant 16 : i32
        %mul3A_1713 = arith.muli %scan3A_1623, %mul3A_1712 : i32
        %add3A_1714 = arith.constant 6 : i32
        %add3A_1715 = arith.addi %mul3A_1713, %add3A_1714 : i32
        %add3A_1716 = arith.constant 6 : i32
        %add3A_1717 = arith.addi %shift_left3A_1635, %add3A_1716 : i32
        %broadcast_in_dim3A_1718 = vector.broadcast %add3A_1717 : i32 to vector<16xi32>
        %get3A_1719 = arith.index_cast %add3A_1715 : i32 to index
        %get3A_1720 = arith.constant 0 : index
        %get3A_1721 = tpu.vector_load %arg7[%get3A_1719, %get3A_1720] {strides = array<i32>} : memref<512x32xf32, #tpu.memory_space<vmem>>, vector<16xf32>,
        %get3A_1722 = arith.index_cast %add3A_1715 : i32 to index
        %get3A_1723 = arith.constant 16 : index
        %get3A_1724 = tpu.vector_load %arg7[%get3A_1722, %get3A_1723] {strides = array<i32>} : memref<512x32xf32, #tpu.memory_space<vmem>>, vector<16xf32>,
        tpu.vector_store_idx %arg9[%add3A_1628, %broadcast_in_dim3A_1718], %get3A_1721 : memref<128x129xf32, #tpu.memory_space<vmem>>[vector<16xi32>, vector<16xi32>], vector<16xf32>,
        tpu.vector_store_idx %arg9[%add3A_1631, %broadcast_in_dim3A_1718], %get3A_1724 : memref<128x129xf32, #tpu.memory_space<vmem>>[vector<16xi32>, vector<16xi32>], vector<16xf32>,
        %mul3A_1725 = arith.constant 16 : i32
        %mul3A_1726 = arith.muli %scan3A_1623, %mul3A_1725 : i32
        %add3A_1727 = arith.constant 7 : i32
        %add3A_1728 = arith.addi %mul3A_1726, %add3A_1727 : i32
        %add3A_1729 = arith.constant 7 : i32
        %add3A_1730 = arith.addi %shift_left3A_1635, %add3A_1729 : i32
        %broadcast_in_dim3A_1731 = vector.broadcast %add3A_1730 : i32 to vector<16xi32>
        %get3A_1732 = arith.index_cast %add3A_1728 : i32 to index
        %get3A_1733 = arith.constant 0 : index
        %get3A_1734 = tpu.vector_load %arg7[%get3A_1732, %get3A_1733] {strides = array<i32>} : memref<512x32xf32, #tpu.memory_space<vmem>>, vector<16xf32>,
        %get3A_1735 = arith.index_cast %add3A_1728 : i32 to index
        %get3A_1736 = arith.constant 16 : index
        %get3A_1737 = tpu.vector_load %arg7[%get3A_1735, %get3A_1736] {strides = array<i32>} : memref<512x32xf32, #tpu.memory_space<vmem>>, vector<16xf32>,
        tpu.vector_store_idx %arg9[%add3A_1628, %broadcast_in_dim3A_1731], %get3A_1734 : memref<128x129xf32, #tpu.memory_space<vmem>>[vector<16xi32>, vector<16xi32>], vector<16xf32>,
        tpu.vector_store_idx %arg9[%add3A_1631, %broadcast_in_dim3A_1731], %get3A_1737 : memref<128x129xf32, #tpu.memory_space<vmem>>[vector<16xi32>, vector<16xi32>], vector<16xf32>,
        %mul3A_1738 = arith.constant 16 : i32
        %mul3A_1739 = arith.muli %scan3A_1623, %mul3A_1738 : i32
        %add3A_1740 = arith.constant 8 : i32
        %add3A_1741 = arith.addi %mul3A_1739, %add3A_1740 : i32
        %add3A_1742 = arith.constant 8 : i32
        %add3A_1743 = arith.addi %shift_left3A_1635, %add3A_1742 : i32
        %broadcast_in_dim3A_1744 = vector.broadcast %add3A_1743 : i32 to vector<16xi32>
        %get3A_1745 = arith.index_cast %add3A_1741 : i32 to index
        %get3A_1746 = arith.constant 0 : index
        %get3A_1747 = tpu.vector_load %arg7[%get3A_1745, %get3A_1746] {strides = array<i32>} : memref<512x32xf32, #tpu.memory_space<vmem>>, vector<16xf32>,
        %get3A_1748 = arith.index_cast %add3A_1741 : i32 to index
        %get3A_1749 = arith.constant 16 : index
        %get3A_1750 = tpu.vector_load %arg7[%get3A_1748, %get3A_1749] {strides = array<i32>} : memref<512x32xf32, #tpu.memory_space<vmem>>, vector<16xf32>,
        tpu.vector_store_idx %arg9[%add3A_1628, %broadcast_in_dim3A_1744], %get3A_1747 : memref<128x129xf32, #tpu.memory_space<vmem>>[vector<16xi32>, vector<16xi32>], vector<16xf32>,
        tpu.vector_store_idx %arg9[%add3A_1631, %broadcast_in_dim3A_1744], %get3A_1750 : memref<128x129xf32, #tpu.memory_space<vmem>>[vector<16xi32>, vector<16xi32>], vector<16xf32>,
        %mul3A_1751 = arith.constant 16 : i32
        %mul3A_1752 = arith.muli %scan3A_1623, %mul3A_1751 : i32
        %add3A_1753 = arith.constant 9 : i32
        %add3A_1754 = arith.addi %mul3A_1752, %add3A_1753 : i32
        %add3A_1755 = arith.constant 9 : i32
        %add3A_1756 = arith.addi %shift_left3A_1635, %add3A_1755 : i32
        %broadcast_in_dim3A_1757 = vector.broadcast %add3A_1756 : i32 to vector<16xi32>
        %get3A_1758 = arith.index_cast %add3A_1754 : i32 to index
        %get3A_1759 = arith.constant 0 : index
        %get3A_1760 = tpu.vector_load %arg7[%get3A_1758, %get3A_1759] {strides = array<i32>} : memref<512x32xf32, #tpu.memory_space<vmem>>, vector<16xf32>,
        %get3A_1761 = arith.index_cast %add3A_1754 : i32 to index
        %get3A_1762 = arith.constant 16 : index
        %get3A_1763 = tpu.vector_load %arg7[%get3A_1761, %get3A_1762] {strides = array<i32>} : memref<512x32xf32, #tpu.memory_space<vmem>>, vector<16xf32>,
        tpu.vector_store_idx %arg9[%add3A_1628, %broadcast_in_dim3A_1757], %get3A_1760 : memref<128x129xf32, #tpu.memory_space<vmem>>[vector<16xi32>, vector<16xi32>], vector<16xf32>,
        tpu.vector_store_idx %arg9[%add3A_1631, %broadcast_in_dim3A_1757], %get3A_1763 : memref<128x129xf32, #tpu.memory_space<vmem>>[vector<16xi32>, vector<16xi32>], vector<16xf32>,
        %mul3A_1764 = arith.constant 16 : i32
        %mul3A_1765 = arith.muli %scan3A_1623, %mul3A_1764 : i32
        %add3A_1766 = arith.constant 10 : i32
        %add3A_1767 = arith.addi %mul3A_1765, %add3A_1766 : i32
        %add3A_1768 = arith.constant 10 : i32
        %add3A_1769 = arith.addi %shift_left3A_1635, %add3A_1768 : i32
        %broadcast_in_dim3A_1770 = vector.broadcast %add3A_1769 : i32 to vector<16xi32>
        %get3A_1771 = arith.index_cast %add3A_1767 : i32 to index
        %get3A_1772 = arith.constant 0 : index
        %get3A_1773 = tpu.vector_load %arg7[%get3A_1771, %get3A_1772] {strides = array<i32>} : memref<512x32xf32, #tpu.memory_space<vmem>>, vector<16xf32>,
        %get3A_1774 = arith.index_cast %add3A_1767 : i32 to index
        %get3A_1775 = arith.constant 16 : index
        %get3A_1776 = tpu.vector_load %arg7[%get3A_1774, %get3A_1775] {strides = array<i32>} : memref<512x32xf32, #tpu.memory_space<vmem>>, vector<16xf32>,
        tpu.vector_store_idx %arg9[%add3A_1628, %broadcast_in_dim3A_1770], %get3A_1773 : memref<128x129xf32, #tpu.memory_space<vmem>>[vector<16xi32>, vector<16xi32>], vector<16xf32>,
        tpu.vector_store_idx %arg9[%add3A_1631, %broadcast_in_dim3A_1770], %get3A_1776 : memref<128x129xf32, #tpu.memory_space<vmem>>[vector<16xi32>, vector<16xi32>], vector<16xf32>,
        %mul3A_1777 = arith.constant 16 : i32
        %mul3A_1778 = arith.muli %scan3A_1623, %mul3A_1777 : i32
        %add3A_1779 = arith.constant 11 : i32
        %add3A_1780 = arith.addi %mul3A_1778, %add3A_1779 : i32
        %add3A_1781 = arith.constant 11 : i32
        %add3A_1782 = arith.addi %shift_left3A_1635, %add3A_1781 : i32
        %broadcast_in_dim3A_1783 = vector.broadcast %add3A_1782 : i32 to vector<16xi32>
        %get3A_1784 = arith.index_cast %add3A_1780 : i32 to index
        %get3A_1785 = arith.constant 0 : index
        %get3A_1786 = tpu.vector_load %arg7[%get3A_1784, %get3A_1785] {strides = array<i32>} : memref<512x32xf32, #tpu.memory_space<vmem>>, vector<16xf32>,
        %get3A_1787 = arith.index_cast %add3A_1780 : i32 to index
        %get3A_1788 = arith.constant 16 : index
        %get3A_1789 = tpu.vector_load %arg7[%get3A_1787, %get3A_1788] {strides = array<i32>} : memref<512x32xf32, #tpu.memory_space<vmem>>, vector<16xf32>,
        tpu.vector_store_idx %arg9[%add3A_1628, %broadcast_in_dim3A_1783], %get3A_1786 : memref<128x129xf32, #tpu.memory_space<vmem>>[vector<16xi32>, vector<16xi32>], vector<16xf32>,
        tpu.vector_store_idx %arg9[%add3A_1631, %broadcast_in_dim3A_1783], %get3A_1789 : memref<128x129xf32, #tpu.memory_space<vmem>>[vector<16xi32>, vector<16xi32>], vector<16xf32>,
        %mul3A_1790 = arith.constant 16 : i32
        %mul3A_1791 = arith.muli %scan3A_1623, %mul3A_1790 : i32
        %add3A_1792 = arith.constant 12 : i32
        %add3A_1793 = arith.addi %mul3A_1791, %add3A_1792 : i32
        %add3A_1794 = arith.constant 12 : i32
        %add3A_1795 = arith.addi %shift_left3A_1635, %add3A_1794 : i32
        %broadcast_in_dim3A_1796 = vector.broadcast %add3A_1795 : i32 to vector<16xi32>
        %get3A_1797 = arith.index_cast %add3A_1793 : i32 to index
        %get3A_1798 = arith.constant 0 : index
        %get3A_1799 = tpu.vector_load %arg7[%get3A_1797, %get3A_1798] {strides = array<i32>} : memref<512x32xf32, #tpu.memory_space<vmem>>, vector<16xf32>,
        %get3A_1800 = arith.index_cast %add3A_1793 : i32 to index
        %get3A_1801 = arith.constant 16 : index
        %get3A_1802 = tpu.vector_load %arg7[%get3A_1800, %get3A_1801] {strides = array<i32>} : memref<512x32xf32, #tpu.memory_space<vmem>>, vector<16xf32>,
        tpu.vector_store_idx %arg9[%add3A_1628, %broadcast_in_dim3A_1796], %get3A_1799 : memref<128x129xf32, #tpu.memory_space<vmem>>[vector<16xi32>, vector<16xi32>], vector<16xf32>,
        tpu.vector_store_idx %arg9[%add3A_1631, %broadcast_in_dim3A_1796], %get3A_1802 : memref<128x129xf32, #tpu.memory_space<vmem>>[vector<16xi32>, vector<16xi32>], vector<16xf32>,
        %mul3A_1803 = arith.constant 16 : i32
        %mul3A_1804 = arith.muli %scan3A_1623, %mul3A_1803 : i32
        %add3A_1805 = arith.constant 13 : i32
        %add3A_1806 = arith.addi %mul3A_1804, %add3A_1805 : i32
        %add3A_1807 = arith.constant 13 : i32
        %add3A_1808 = arith.addi %shift_left3A_1635, %add3A_1807 : i32
        %broadcast_in_dim3A_1809 = vector.broadcast %add3A_1808 : i32 to vector<16xi32>
        %get3A_1810 = arith.index_cast %add3A_1806 : i32 to index
        %get3A_1811 = arith.constant 0 : index
        %get3A_1812 = tpu.vector_load %arg7[%get3A_1810, %get3A_1811] {strides = array<i32>} : memref<512x32xf32, #tpu.memory_space<vmem>>, vector<16xf32>,
        %get3A_1813 = arith.index_cast %add3A_1806 : i32 to index
        %get3A_1814 = arith.constant 16 : index
        %get3A_1815 = tpu.vector_load %arg7[%get3A_1813, %get3A_1814] {strides = array<i32>} : memref<512x32xf32, #tpu.memory_space<vmem>>, vector<16xf32>,
        tpu.vector_store_idx %arg9[%add3A_1628, %broadcast_in_dim3A_1809], %get3A_1812 : memref<128x129xf32, #tpu.memory_space<vmem>>[vector<16xi32>, vector<16xi32>], vector<16xf32>,
        tpu.vector_store_idx %arg9[%add3A_1631, %broadcast_in_dim3A_1809], %get3A_1815 : memref<128x129xf32, #tpu.memory_space<vmem>>[vector<16xi32>, vector<16xi32>], vector<16xf32>,
        %mul3A_1816 = arith.constant 16 : i32
        %mul3A_1817 = arith.muli %scan3A_1623, %mul3A_1816 : i32
        %add3A_1818 = arith.constant 14 : i32
        %add3A_1819 = arith.addi %mul3A_1817, %add3A_1818 : i32
        %add3A_1820 = arith.constant 14 : i32
        %add3A_1821 = arith.addi %shift_left3A_1635, %add3A_1820 : i32
        %broadcast_in_dim3A_1822 = vector.broadcast %add3A_1821 : i32 to vector<16xi32>
        %get3A_1823 = arith.index_cast %add3A_1819 : i32 to index
        %get3A_1824 = arith.constant 0 : index
        %get3A_1825 = tpu.vector_load %arg7[%get3A_1823, %get3A_1824] {strides = array<i32>} : memref<512x32xf32, #tpu.memory_space<vmem>>, vector<16xf32>,
        %get3A_1826 = arith.index_cast %add3A_1819 : i32 to index
        %get3A_1827 = arith.constant 16 : index
        %get3A_1828 = tpu.vector_load %arg7[%get3A_1826, %get3A_1827] {strides = array<i32>} : memref<512x32xf32, #tpu.memory_space<vmem>>, vector<16xf32>,
        tpu.vector_store_idx %arg9[%add3A_1628, %broadcast_in_dim3A_1822], %get3A_1825 : memref<128x129xf32, #tpu.memory_space<vmem>>[vector<16xi32>, vector<16xi32>], vector<16xf32>,
        tpu.vector_store_idx %arg9[%add3A_1631, %broadcast_in_dim3A_1822], %get3A_1828 : memref<128x129xf32, #tpu.memory_space<vmem>>[vector<16xi32>, vector<16xi32>], vector<16xf32>,
        %mul3A_1829 = arith.constant 16 : i32
        %mul3A_1830 = arith.muli %scan3A_1623, %mul3A_1829 : i32
        %add3A_1831 = arith.constant 15 : i32
        %add3A_1832 = arith.addi %mul3A_1830, %add3A_1831 : i32
        %add3A_1833 = arith.constant 15 : i32
        %add3A_1834 = arith.addi %shift_left3A_1635, %add3A_1833 : i32
        %broadcast_in_dim3A_1835 = vector.broadcast %add3A_1834 : i32 to vector<16xi32>
        %get3A_1836 = arith.index_cast %add3A_1832 : i32 to index
        %get3A_1837 = arith.constant 0 : index
        %get3A_1838 = tpu.vector_load %arg7[%get3A_1836, %get3A_1837] {strides = array<i32>} : memref<512x32xf32, #tpu.memory_space<vmem>>, vector<16xf32>,
        %get3A_1839 = arith.index_cast %add3A_1832 : i32 to index
        %get3A_1840 = arith.constant 16 : index
        %get3A_1841 = tpu.vector_load %arg7[%get3A_1839, %get3A_1840] {strides = array<i32>} : memref<512x32xf32, #tpu.memory_space<vmem>>, vector<16xf32>,
        tpu.vector_store_idx %arg9[%add3A_1628, %broadcast_in_dim3A_1835], %get3A_1838 : memref<128x129xf32, #tpu.memory_space<vmem>>[vector<16xi32>, vector<16xi32>], vector<16xf32>,
        tpu.vector_store_idx %arg9[%add3A_1631, %broadcast_in_dim3A_1835], %get3A_1841 : memref<128x129xf32, #tpu.memory_space<vmem>>[vector<16xi32>, vector<16xi32>], vector<16xf32>,
      }
      %scan3A_867 = arith.constant 32 : i32
      %mul3A_868 = arith.constant 4 : i32
      %mul3A_869 = arith.muli %mul3A_777, %mul3A_868 : i32
      %add3A_870 = arith.constant 0 : i32
      %add3A_871 = arith.addi %mul3A_869, %add3A_870 : i32
      %mul3A_872 = arith.constant 128 : i32
      %mul3A_873 = arith.muli %add3A_871, %mul3A_872 : i32
      %mul3A_874 = arith.constant 4 : i32
      %mul3A_875 = arith.muli %mul3A_874, %add3A : i32
      %add3A_876 = arith.addi %mul3A_873, %mul3A_875 : i32
      %add3A_877 = arith.constant 0 : i32
      %add3A_878 = arith.addi %add3A_876, %add3A_877 : i32
      %mul3A_879 = arith.constant 8 : i32
      %mul3A_880 = arith.muli %add3A_878, %mul3A_879 : i32
      %dma_start3A_881 = arith.constant 0 : i32
      %dma_start3A_882 = arith.constant 0 : i32
      %dma_start3A_883 = tpu.memref_slice %arg9[%dma_start3A_881, %dma_start3A_882] : memref<128x129xf32, #tpu.memory_space<vmem>> -> memref<8x128xf32, #tpu.memory_space<vmem>>
      %dma_start3A_884 = arith.constant 0 : i32
      %dma_start3A_885 = tpu.memref_slice %arg4[%mul3A_880, %dma_start3A_884] : memref<819200x128xf32, #tpu.memory_space<hbm>> -> memref<8x128xf32, #tpu.memory_space<hbm>>
      %dma_start3A_886 = arith.constant 0 : i32
      %dma_start3A_887 = tpu.memref_slice %arg4[%mul3A_880, %dma_start3A_886] : memref<819200x128xf32, #tpu.memory_space<hbm>> -> memref<8x128xf32, #tpu.memory_space<hbm>>
      %dma_start3A_888 = arith.constant 0 : i32
      %dma_start3A_889 = arith.constant 0 : i32
      %dma_start3A_890 = tpu.memref_slice %arg9[%dma_start3A_888, %dma_start3A_889] : memref<128x129xf32, #tpu.memory_space<vmem>> -> memref<8x128xf32, #tpu.memory_space<vmem>>
      tpu.enqueue_dma source(%dma_start3A_890 : memref<8x128xf32, #tpu.memory_space<vmem>>) target(%dma_start3A_887 : memref<8x128xf32, #tpu.memory_space<hbm>>) target_semaphore(%arg15 : memref<!tpu.dma_semaphore, #tpu.memory_space<semaphore_mem>>)
      %mul3A_891 = arith.constant 4 : i32
      %mul3A_892 = arith.muli %mul3A_777, %mul3A_891 : i32
      %add3A_893 = arith.constant 0 : i32
      %add3A_894 = arith.addi %mul3A_892, %add3A_893 : i32
      %mul3A_895 = arith.constant 128 : i32
      %mul3A_896 = arith.muli %add3A_894, %mul3A_895 : i32
      %mul3A_897 = arith.constant 4 : i32
      %mul3A_898 = arith.muli %mul3A_897, %add3A : i32
      %add3A_899 = arith.addi %mul3A_896, %mul3A_898 : i32
      %add3A_900 = arith.constant 1 : i32
      %add3A_901 = arith.addi %add3A_899, %add3A_900 : i32
      %mul3A_902 = arith.constant 8 : i32
      %mul3A_903 = arith.muli %add3A_901, %mul3A_902 : i32
      %dma_start3A_904 = arith.constant 32 : i32
      %dma_start3A_905 = arith.constant 0 : i32
      %dma_start3A_906 = tpu.memref_slice %arg9[%dma_start3A_904, %dma_start3A_905] : memref<128x129xf32, #tpu.memory_space<vmem>> -> memref<8x128xf32, #tpu.memory_space<vmem>>
      %dma_start3A_907 = arith.constant 0 : i32
      %dma_start3A_908 = tpu.memref_slice %arg4[%mul3A_903, %dma_start3A_907] : memref<819200x128xf32, #tpu.memory_space<hbm>> -> memref<8x128xf32, #tpu.memory_space<hbm>>
      %dma_start3A_909 = arith.constant 0 : i32
      %dma_start3A_910 = tpu.memref_slice %arg4[%mul3A_903, %dma_start3A_909] : memref<819200x128xf32, #tpu.memory_space<hbm>> -> memref<8x128xf32, #tpu.memory_space<hbm>>
      %dma_start3A_911 = arith.constant 32 : i32
      %dma_start3A_912 = arith.constant 0 : i32
      %dma_start3A_913 = tpu.memref_slice %arg9[%dma_start3A_911, %dma_start3A_912] : memref<128x129xf32, #tpu.memory_space<vmem>> -> memref<8x128xf32, #tpu.memory_space<vmem>>
      tpu.enqueue_dma source(%dma_start3A_913 : memref<8x128xf32, #tpu.memory_space<vmem>>) target(%dma_start3A_910 : memref<8x128xf32, #tpu.memory_space<hbm>>) target_semaphore(%arg15 : memref<!tpu.dma_semaphore, #tpu.memory_space<semaphore_mem>>)
      %mul3A_914 = arith.constant 4 : i32
      %mul3A_915 = arith.muli %mul3A_777, %mul3A_914 : i32
      %add3A_916 = arith.constant 0 : i32
      %add3A_917 = arith.addi %mul3A_915, %add3A_916 : i32
      %mul3A_918 = arith.constant 128 : i32
      %mul3A_919 = arith.muli %add3A_917, %mul3A_918 : i32
      %mul3A_920 = arith.constant 4 : i32
      %mul3A_921 = arith.muli %mul3A_920, %add3A : i32
      %add3A_922 = arith.addi %mul3A_919, %mul3A_921 : i32
      %add3A_923 = arith.constant 2 : i32
      %add3A_924 = arith.addi %add3A_922, %add3A_923 : i32
      %mul3A_925 = arith.constant 8 : i32
      %mul3A_926 = arith.muli %add3A_924, %mul3A_925 : i32
      %dma_start3A_927 = arith.constant 64 : i32
      %dma_start3A_928 = arith.constant 0 : i32
      %dma_start3A_929 = tpu.memref_slice %arg9[%dma_start3A_927, %dma_start3A_928] : memref<128x129xf32, #tpu.memory_space<vmem>> -> memref<8x128xf32, #tpu.memory_space<vmem>>
      %dma_start3A_930 = arith.constant 0 : i32
      %dma_start3A_931 = tpu.memref_slice %arg4[%mul3A_926, %dma_start3A_930] : memref<819200x128xf32, #tpu.memory_space<hbm>> -> memref<8x128xf32, #tpu.memory_space<hbm>>
      %dma_start3A_932 = arith.constant 0 : i32
      %dma_start3A_933 = tpu.memref_slice %arg4[%mul3A_926, %dma_start3A_932] : memref<819200x128xf32, #tpu.memory_space<hbm>> -> memref<8x128xf32, #tpu.memory_space<hbm>>
      %dma_start3A_934 = arith.constant 64 : i32
      %dma_start3A_935 = arith.constant 0 : i32
      %dma_start3A_936 = tpu.memref_slice %arg9[%dma_start3A_934, %dma_start3A_935] : memref<128x129xf32, #tpu.memory_space<vmem>> -> memref<8x128xf32, #tpu.memory_space<vmem>>
      tpu.enqueue_dma source(%dma_start3A_936 : memref<8x128xf32, #tpu.memory_space<vmem>>) target(%dma_start3A_933 : memref<8x128xf32, #tpu.memory_space<hbm>>) target_semaphore(%arg15 : memref<!tpu.dma_semaphore, #tpu.memory_space<semaphore_mem>>)
      %mul3A_937 = arith.constant 4 : i32
      %mul3A_938 = arith.muli %mul3A_777, %mul3A_937 : i32
      %add3A_939 = arith.constant 0 : i32
      %add3A_940 = arith.addi %mul3A_938, %add3A_939 : i32
      %mul3A_941 = arith.constant 128 : i32
      %mul3A_942 = arith.muli %add3A_940, %mul3A_941 : i32
      %mul3A_943 = arith.constant 4 : i32
      %mul3A_944 = arith.muli %mul3A_943, %add3A : i32
      %add3A_945 = arith.addi %mul3A_942, %mul3A_944 : i32
      %add3A_946 = arith.constant 3 : i32
      %add3A_947 = arith.addi %add3A_945, %add3A_946 : i32
      %mul3A_948 = arith.constant 8 : i32
      %mul3A_949 = arith.muli %add3A_947, %mul3A_948 : i32
      %dma_start3A_950 = arith.constant 96 : i32
      %dma_start3A_951 = arith.constant 0 : i32
      %dma_start3A_952 = tpu.memref_slice %arg9[%dma_start3A_950, %dma_start3A_951] : memref<128x129xf32, #tpu.memory_space<vmem>> -> memref<8x128xf32, #tpu.memory_space<vmem>>
      %dma_start3A_953 = arith.constant 0 : i32
      %dma_start3A_954 = tpu.memref_slice %arg4[%mul3A_949, %dma_start3A_953] : memref<819200x128xf32, #tpu.memory_space<hbm>> -> memref<8x128xf32, #tpu.memory_space<hbm>>
      %dma_start3A_955 = arith.constant 0 : i32
      %dma_start3A_956 = tpu.memref_slice %arg4[%mul3A_949, %dma_start3A_955] : memref<819200x128xf32, #tpu.memory_space<hbm>> -> memref<8x128xf32, #tpu.memory_space<hbm>>
      %dma_start3A_957 = arith.constant 96 : i32
      %dma_start3A_958 = arith.constant 0 : i32
      %dma_start3A_959 = tpu.memref_slice %arg9[%dma_start3A_957, %dma_start3A_958] : memref<128x129xf32, #tpu.memory_space<vmem>> -> memref<8x128xf32, #tpu.memory_space<vmem>>
      tpu.enqueue_dma source(%dma_start3A_959 : memref<8x128xf32, #tpu.memory_space<vmem>>) target(%dma_start3A_956 : memref<8x128xf32, #tpu.memory_space<hbm>>) target_semaphore(%arg15 : memref<!tpu.dma_semaphore, #tpu.memory_space<semaphore_mem>>)
      %mul3A_960 = arith.constant 4 : i32
      %mul3A_961 = arith.muli %mul3A_777, %mul3A_960 : i32
      %add3A_962 = arith.constant 1 : i32
      %add3A_963 = arith.addi %mul3A_961, %add3A_962 : i32
      %mul3A_964 = arith.constant 128 : i32
      %mul3A_965 = arith.muli %add3A_963, %mul3A_964 : i32
      %mul3A_966 = arith.constant 4 : i32
      %mul3A_967 = arith.muli %mul3A_966, %add3A : i32
      %add3A_968 = arith.addi %mul3A_965, %mul3A_967 : i32
      %add3A_969 = arith.constant 0 : i32
      %add3A_970 = arith.addi %add3A_968, %add3A_969 : i32
      %mul3A_971 = arith.constant 8 : i32
      %mul3A_972 = arith.muli %add3A_970, %mul3A_971 : i32
      %dma_start3A_973 = arith.constant 8 : i32
      %dma_start3A_974 = arith.constant 0 : i32
      %dma_start3A_975 = tpu.memref_slice %arg9[%dma_start3A_973, %dma_start3A_974] : memref<128x129xf32, #tpu.memory_space<vmem>> -> memref<8x128xf32, #tpu.memory_space<vmem>>
      %dma_start3A_976 = arith.constant 0 : i32
      %dma_start3A_977 = tpu.memref_slice %arg4[%mul3A_972, %dma_start3A_976] : memref<819200x128xf32, #tpu.memory_space<hbm>> -> memref<8x128xf32, #tpu.memory_space<hbm>>
      %dma_start3A_978 = arith.constant 0 : i32
      %dma_start3A_979 = tpu.memref_slice %arg4[%mul3A_972, %dma_start3A_978] : memref<819200x128xf32, #tpu.memory_space<hbm>> -> memref<8x128xf32, #tpu.memory_space<hbm>>
      %dma_start3A_980 = arith.constant 8 : i32
      %dma_start3A_981 = arith.constant 0 : i32
      %dma_start3A_982 = tpu.memref_slice %arg9[%dma_start3A_980, %dma_start3A_981] : memref<128x129xf32, #tpu.memory_space<vmem>> -> memref<8x128xf32, #tpu.memory_space<vmem>>
      tpu.enqueue_dma source(%dma_start3A_982 : memref<8x128xf32, #tpu.memory_space<vmem>>) target(%dma_start3A_979 : memref<8x128xf32, #tpu.memory_space<hbm>>) target_semaphore(%arg15 : memref<!tpu.dma_semaphore, #tpu.memory_space<semaphore_mem>>)
      %mul3A_983 = arith.constant 4 : i32
      %mul3A_984 = arith.muli %mul3A_777, %mul3A_983 : i32
      %add3A_985 = arith.constant 1 : i32
      %add3A_986 = arith.addi %mul3A_984, %add3A_985 : i32
      %mul3A_987 = arith.constant 128 : i32
      %mul3A_988 = arith.muli %add3A_986, %mul3A_987 : i32
      %mul3A_989 = arith.constant 4 : i32
      %mul3A_990 = arith.muli %mul3A_989, %add3A : i32
      %add3A_991 = arith.addi %mul3A_988, %mul3A_990 : i32
      %add3A_992 = arith.constant 1 : i32
      %add3A_993 = arith.addi %add3A_991, %add3A_992 : i32
      %mul3A_994 = arith.constant 8 : i32
      %mul3A_995 = arith.muli %add3A_993, %mul3A_994 : i32
      %dma_start3A_996 = arith.constant 40 : i32
      %dma_start3A_997 = arith.constant 0 : i32
      %dma_start3A_998 = tpu.memref_slice %arg9[%dma_start3A_996, %dma_start3A_997] : memref<128x129xf32, #tpu.memory_space<vmem>> -> memref<8x128xf32, #tpu.memory_space<vmem>>
      %dma_start3A_999 = arith.constant 0 : i32
      %dma_start3A_1000 = tpu.memref_slice %arg4[%mul3A_995, %dma_start3A_999] : memref<819200x128xf32, #tpu.memory_space<hbm>> -> memref<8x128xf32, #tpu.memory_space<hbm>>
      %dma_start3A_1001 = arith.constant 0 : i32
      %dma_start3A_1002 = tpu.memref_slice %arg4[%mul3A_995, %dma_start3A_1001] : memref<819200x128xf32, #tpu.memory_space<hbm>> -> memref<8x128xf32, #tpu.memory_space<hbm>>
      %dma_start3A_1003 = arith.constant 40 : i32
      %dma_start3A_1004 = arith.constant 0 : i32
      %dma_start3A_1005 = tpu.memref_slice %arg9[%dma_start3A_1003, %dma_start3A_1004] : memref<128x129xf32, #tpu.memory_space<vmem>> -> memref<8x128xf32, #tpu.memory_space<vmem>>
      tpu.enqueue_dma source(%dma_start3A_1005 : memref<8x128xf32, #tpu.memory_space<vmem>>) target(%dma_start3A_1002 : memref<8x128xf32, #tpu.memory_space<hbm>>) target_semaphore(%arg15 : memref<!tpu.dma_semaphore, #tpu.memory_space<semaphore_mem>>)
      %mul3A_1006 = arith.constant 4 : i32
      %mul3A_1007 = arith.muli %mul3A_777, %mul3A_1006 : i32
      %add3A_1008 = arith.constant 1 : i32
      %add3A_1009 = arith.addi %mul3A_1007, %add3A_1008 : i32
      %mul3A_1010 = arith.constant 128 : i32
      %mul3A_1011 = arith.muli %add3A_1009, %mul3A_1010 : i32
      %mul3A_1012 = arith.constant 4 : i32
      %mul3A_1013 = arith.muli %mul3A_1012, %add3A : i32
      %add3A_1014 = arith.addi %mul3A_1011, %mul3A_1013 : i32
      %add3A_1015 = arith.constant 2 : i32
      %add3A_1016 = arith.addi %add3A_1014, %add3A_1015 : i32
      %mul3A_1017 = arith.constant 8 : i32
      %mul3A_1018 = arith.muli %add3A_1016, %mul3A_1017 : i32
      %dma_start3A_1019 = arith.constant 72 : i32
      %dma_start3A_1020 = arith.constant 0 : i32
      %dma_start3A_1021 = tpu.memref_slice %arg9[%dma_start3A_1019, %dma_start3A_1020] : memref<128x129xf32, #tpu.memory_space<vmem>> -> memref<8x128xf32, #tpu.memory_space<vmem>>
      %dma_start3A_1022 = arith.constant 0 : i32
      %dma_start3A_1023 = tpu.memref_slice %arg4[%mul3A_1018, %dma_start3A_1022] : memref<819200x128xf32, #tpu.memory_space<hbm>> -> memref<8x128xf32, #tpu.memory_space<hbm>>
      %dma_start3A_1024 = arith.constant 0 : i32
      %dma_start3A_1025 = tpu.memref_slice %arg4[%mul3A_1018, %dma_start3A_1024] : memref<819200x128xf32, #tpu.memory_space<hbm>> -> memref<8x128xf32, #tpu.memory_space<hbm>>
      %dma_start3A_1026 = arith.constant 72 : i32
      %dma_start3A_1027 = arith.constant 0 : i32
      %dma_start3A_1028 = tpu.memref_slice %arg9[%dma_start3A_1026, %dma_start3A_1027] : memref<128x129xf32, #tpu.memory_space<vmem>> -> memref<8x128xf32, #tpu.memory_space<vmem>>
      tpu.enqueue_dma source(%dma_start3A_1028 : memref<8x128xf32, #tpu.memory_space<vmem>>) target(%dma_start3A_1025 : memref<8x128xf32, #tpu.memory_space<hbm>>) target_semaphore(%arg15 : memref<!tpu.dma_semaphore, #tpu.memory_space<semaphore_mem>>)
      %mul3A_1029 = arith.constant 4 : i32
      %mul3A_1030 = arith.muli %mul3A_777, %mul3A_1029 : i32
      %add3A_1031 = arith.constant 1 : i32
      %add3A_1032 = arith.addi %mul3A_1030, %add3A_1031 : i32
      %mul3A_1033 = arith.constant 128 : i32
      %mul3A_1034 = arith.muli %add3A_1032, %mul3A_1033 : i32
      %mul3A_1035 = arith.constant 4 : i32
      %mul3A_1036 = arith.muli %mul3A_1035, %add3A : i32
      %add3A_1037 = arith.addi %mul3A_1034, %mul3A_1036 : i32
      %add3A_1038 = arith.constant 3 : i32
      %add3A_1039 = arith.addi %add3A_1037, %add3A_1038 : i32
      %mul3A_1040 = arith.constant 8 : i32
      %mul3A_1041 = arith.muli %add3A_1039, %mul3A_1040 : i32
      %dma_start3A_1042 = arith.constant 104 : i32
      %dma_start3A_1043 = arith.constant 0 : i32
      %dma_start3A_1044 = tpu.memref_slice %arg9[%dma_start3A_1042, %dma_start3A_1043] : memref<128x129xf32, #tpu.memory_space<vmem>> -> memref<8x128xf32, #tpu.memory_space<vmem>>
      %dma_start3A_1045 = arith.constant 0 : i32
      %dma_start3A_1046 = tpu.memref_slice %arg4[%mul3A_1041, %dma_start3A_1045] : memref<819200x128xf32, #tpu.memory_space<hbm>> -> memref<8x128xf32, #tpu.memory_space<hbm>>
      %dma_start3A_1047 = arith.constant 0 : i32
      %dma_start3A_1048 = tpu.memref_slice %arg4[%mul3A_1041, %dma_start3A_1047] : memref<819200x128xf32, #tpu.memory_space<hbm>> -> memref<8x128xf32, #tpu.memory_space<hbm>>
      %dma_start3A_1049 = arith.constant 104 : i32
      %dma_start3A_1050 = arith.constant 0 : i32
      %dma_start3A_1051 = tpu.memref_slice %arg9[%dma_start3A_1049, %dma_start3A_1050] : memref<128x129xf32, #tpu.memory_space<vmem>> -> memref<8x128xf32, #tpu.memory_space<vmem>>
      tpu.enqueue_dma source(%dma_start3A_1051 : memref<8x128xf32, #tpu.memory_space<vmem>>) target(%dma_start3A_1048 : memref<8x128xf32, #tpu.memory_space<hbm>>) target_semaphore(%arg15 : memref<!tpu.dma_semaphore, #tpu.memory_space<semaphore_mem>>)
      %mul3A_1052 = arith.constant 4 : i32
      %mul3A_1053 = arith.muli %mul3A_777, %mul3A_1052 : i32
      %add3A_1054 = arith.constant 2 : i32
      %add3A_1055 = arith.addi %mul3A_1053, %add3A_1054 : i32
      %mul3A_1056 = arith.constant 128 : i32
      %mul3A_1057 = arith.muli %add3A_1055, %mul3A_1056 : i32
      %mul3A_1058 = arith.constant 4 : i32
      %mul3A_1059 = arith.muli %mul3A_1058, %add3A : i32
      %add3A_1060 = arith.addi %mul3A_1057, %mul3A_1059 : i32
      %add3A_1061 = arith.constant 0 : i32
      %add3A_1062 = arith.addi %add3A_1060, %add3A_1061 : i32
      %mul3A_1063 = arith.constant 8 : i32
      %mul3A_1064 = arith.muli %add3A_1062, %mul3A_1063 : i32
      %dma_start3A_1065 = arith.constant 16 : i32
      %dma_start3A_1066 = arith.constant 0 : i32
      %dma_start3A_1067 = tpu.memref_slice %arg9[%dma_start3A_1065, %dma_start3A_1066] : memref<128x129xf32, #tpu.memory_space<vmem>> -> memref<8x128xf32, #tpu.memory_space<vmem>>
      %dma_start3A_1068 = arith.constant 0 : i32
      %dma_start3A_1069 = tpu.memref_slice %arg4[%mul3A_1064, %dma_start3A_1068] : memref<819200x128xf32, #tpu.memory_space<hbm>> -> memref<8x128xf32, #tpu.memory_space<hbm>>
      %dma_start3A_1070 = arith.constant 0 : i32
      %dma_start3A_1071 = tpu.memref_slice %arg4[%mul3A_1064, %dma_start3A_1070] : memref<819200x128xf32, #tpu.memory_space<hbm>> -> memref<8x128xf32, #tpu.memory_space<hbm>>
      %dma_start3A_1072 = arith.constant 16 : i32
      %dma_start3A_1073 = arith.constant 0 : i32
      %dma_start3A_1074 = tpu.memref_slice %arg9[%dma_start3A_1072, %dma_start3A_1073] : memref<128x129xf32, #tpu.memory_space<vmem>> -> memref<8x128xf32, #tpu.memory_space<vmem>>
      tpu.enqueue_dma source(%dma_start3A_1074 : memref<8x128xf32, #tpu.memory_space<vmem>>) target(%dma_start3A_1071 : memref<8x128xf32, #tpu.memory_space<hbm>>) target_semaphore(%arg15 : memref<!tpu.dma_semaphore, #tpu.memory_space<semaphore_mem>>)
      %mul3A_1075 = arith.constant 4 : i32
      %mul3A_1076 = arith.muli %mul3A_777, %mul3A_1075 : i32
      %add3A_1077 = arith.constant 2 : i32
      %add3A_1078 = arith.addi %mul3A_1076, %add3A_1077 : i32
      %mul3A_1079 = arith.constant 128 : i32
      %mul3A_1080 = arith.muli %add3A_1078, %mul3A_1079 : i32
      %mul3A_1081 = arith.constant 4 : i32
      %mul3A_1082 = arith.muli %mul3A_1081, %add3A : i32
      %add3A_1083 = arith.addi %mul3A_1080, %mul3A_1082 : i32
      %add3A_1084 = arith.constant 1 : i32
      %add3A_1085 = arith.addi %add3A_1083, %add3A_1084 : i32
      %mul3A_1086 = arith.constant 8 : i32
      %mul3A_1087 = arith.muli %add3A_1085, %mul3A_1086 : i32
      %dma_start3A_1088 = arith.constant 48 : i32
      %dma_start3A_1089 = arith.constant 0 : i32
      %dma_start3A_1090 = tpu.memref_slice %arg9[%dma_start3A_1088, %dma_start3A_1089] : memref<128x129xf32, #tpu.memory_space<vmem>> -> memref<8x128xf32, #tpu.memory_space<vmem>>
      %dma_start3A_1091 = arith.constant 0 : i32
      %dma_start3A_1092 = tpu.memref_slice %arg4[%mul3A_1087, %dma_start3A_1091] : memref<819200x128xf32, #tpu.memory_space<hbm>> -> memref<8x128xf32, #tpu.memory_space<hbm>>
      %dma_start3A_1093 = arith.constant 0 : i32
      %dma_start3A_1094 = tpu.memref_slice %arg4[%mul3A_1087, %dma_start3A_1093] : memref<819200x128xf32, #tpu.memory_space<hbm>> -> memref<8x128xf32, #tpu.memory_space<hbm>>
      %dma_start3A_1095 = arith.constant 48 : i32
      %dma_start3A_1096 = arith.constant 0 : i32
      %dma_start3A_1097 = tpu.memref_slice %arg9[%dma_start3A_1095, %dma_start3A_1096] : memref<128x129xf32, #tpu.memory_space<vmem>> -> memref<8x128xf32, #tpu.memory_space<vmem>>
      tpu.enqueue_dma source(%dma_start3A_1097 : memref<8x128xf32, #tpu.memory_space<vmem>>) target(%dma_start3A_1094 : memref<8x128xf32, #tpu.memory_space<hbm>>) target_semaphore(%arg15 : memref<!tpu.dma_semaphore, #tpu.memory_space<semaphore_mem>>)
      %mul3A_1098 = arith.constant 4 : i32
      %mul3A_1099 = arith.muli %mul3A_777, %mul3A_1098 : i32
      %add3A_1100 = arith.constant 2 : i32
      %add3A_1101 = arith.addi %mul3A_1099, %add3A_1100 : i32
      %mul3A_1102 = arith.constant 128 : i32
      %mul3A_1103 = arith.muli %add3A_1101, %mul3A_1102 : i32
      %mul3A_1104 = arith.constant 4 : i32
      %mul3A_1105 = arith.muli %mul3A_1104, %add3A : i32
      %add3A_1106 = arith.addi %mul3A_1103, %mul3A_1105 : i32
      %add3A_1107 = arith.constant 2 : i32
      %add3A_1108 = arith.addi %add3A_1106, %add3A_1107 : i32
      %mul3A_1109 = arith.constant 8 : i32
      %mul3A_1110 = arith.muli %add3A_1108, %mul3A_1109 : i32
      %dma_start3A_1111 = arith.constant 80 : i32
      %dma_start3A_1112 = arith.constant 0 : i32
      %dma_start3A_1113 = tpu.memref_slice %arg9[%dma_start3A_1111, %dma_start3A_1112] : memref<128x129xf32, #tpu.memory_space<vmem>> -> memref<8x128xf32, #tpu.memory_space<vmem>>
      %dma_start3A_1114 = arith.constant 0 : i32
      %dma_start3A_1115 = tpu.memref_slice %arg4[%mul3A_1110, %dma_start3A_1114] : memref<819200x128xf32, #tpu.memory_space<hbm>> -> memref<8x128xf32, #tpu.memory_space<hbm>>
      %dma_start3A_1116 = arith.constant 0 : i32
      %dma_start3A_1117 = tpu.memref_slice %arg4[%mul3A_1110, %dma_start3A_1116] : memref<819200x128xf32, #tpu.memory_space<hbm>> -> memref<8x128xf32, #tpu.memory_space<hbm>>
      %dma_start3A_1118 = arith.constant 80 : i32
      %dma_start3A_1119 = arith.constant 0 : i32
      %dma_start3A_1120 = tpu.memref_slice %arg9[%dma_start3A_1118, %dma_start3A_1119] : memref<128x129xf32, #tpu.memory_space<vmem>> -> memref<8x128xf32, #tpu.memory_space<vmem>>
      tpu.enqueue_dma source(%dma_start3A_1120 : memref<8x128xf32, #tpu.memory_space<vmem>>) target(%dma_start3A_1117 : memref<8x128xf32, #tpu.memory_space<hbm>>) target_semaphore(%arg15 : memref<!tpu.dma_semaphore, #tpu.memory_space<semaphore_mem>>)
      %mul3A_1121 = arith.constant 4 : i32
      %mul3A_1122 = arith.muli %mul3A_777, %mul3A_1121 : i32
      %add3A_1123 = arith.constant 2 : i32
      %add3A_1124 = arith.addi %mul3A_1122, %add3A_1123 : i32
      %mul3A_1125 = arith.constant 128 : i32
      %mul3A_1126 = arith.muli %add3A_1124, %mul3A_1125 : i32
      %mul3A_1127 = arith.constant 4 : i32
      %mul3A_1128 = arith.muli %mul3A_1127, %add3A : i32
      %add3A_1129 = arith.addi %mul3A_1126, %mul3A_1128 : i32
      %add3A_1130 = arith.constant 3 : i32
      %add3A_1131 = arith.addi %add3A_1129, %add3A_1130 : i32
      %mul3A_1132 = arith.constant 8 : i32
      %mul3A_1133 = arith.muli %add3A_1131, %mul3A_1132 : i32
      %dma_start3A_1134 = arith.constant 112 : i32
      %dma_start3A_1135 = arith.constant 0 : i32
      %dma_start3A_1136 = tpu.memref_slice %arg9[%dma_start3A_1134, %dma_start3A_1135] : memref<128x129xf32, #tpu.memory_space<vmem>> -> memref<8x128xf32, #tpu.memory_space<vmem>>
      %dma_start3A_1137 = arith.constant 0 : i32
      %dma_start3A_1138 = tpu.memref_slice %arg4[%mul3A_1133, %dma_start3A_1137] : memref<819200x128xf32, #tpu.memory_space<hbm>> -> memref<8x128xf32, #tpu.memory_space<hbm>>
      %dma_start3A_1139 = arith.constant 0 : i32
      %dma_start3A_1140 = tpu.memref_slice %arg4[%mul3A_1133, %dma_start3A_1139] : memref<819200x128xf32, #tpu.memory_space<hbm>> -> memref<8x128xf32, #tpu.memory_space<hbm>>
      %dma_start3A_1141 = arith.constant 112 : i32
      %dma_start3A_1142 = arith.constant 0 : i32
      %dma_start3A_1143 = tpu.memref_slice %arg9[%dma_start3A_1141, %dma_start3A_1142] : memref<128x129xf32, #tpu.memory_space<vmem>> -> memref<8x128xf32, #tpu.memory_space<vmem>>
      tpu.enqueue_dma source(%dma_start3A_1143 : memref<8x128xf32, #tpu.memory_space<vmem>>) target(%dma_start3A_1140 : memref<8x128xf32, #tpu.memory_space<hbm>>) target_semaphore(%arg15 : memref<!tpu.dma_semaphore, #tpu.memory_space<semaphore_mem>>)
      %mul3A_1144 = arith.constant 4 : i32
      %mul3A_1145 = arith.muli %mul3A_777, %mul3A_1144 : i32
      %add3A_1146 = arith.constant 3 : i32
      %add3A_1147 = arith.addi %mul3A_1145, %add3A_1146 : i32
      %mul3A_1148 = arith.constant 128 : i32
      %mul3A_1149 = arith.muli %add3A_1147, %mul3A_1148 : i32
      %mul3A_1150 = arith.constant 4 : i32
      %mul3A_1151 = arith.muli %mul3A_1150, %add3A : i32
      %add3A_1152 = arith.addi %mul3A_1149, %mul3A_1151 : i32
      %add3A_1153 = arith.constant 0 : i32
      %add3A_1154 = arith.addi %add3A_1152, %add3A_1153 : i32
      %mul3A_1155 = arith.constant 8 : i32
      %mul3A_1156 = arith.muli %add3A_1154, %mul3A_1155 : i32
      %dma_start3A_1157 = arith.constant 24 : i32
      %dma_start3A_1158 = arith.constant 0 : i32
      %dma_start3A_1159 = tpu.memref_slice %arg9[%dma_start3A_1157, %dma_start3A_1158] : memref<128x129xf32, #tpu.memory_space<vmem>> -> memref<8x128xf32, #tpu.memory_space<vmem>>
      %dma_start3A_1160 = arith.constant 0 : i32
      %dma_start3A_1161 = tpu.memref_slice %arg4[%mul3A_1156, %dma_start3A_1160] : memref<819200x128xf32, #tpu.memory_space<hbm>> -> memref<8x128xf32, #tpu.memory_space<hbm>>
      %dma_start3A_1162 = arith.constant 0 : i32
      %dma_start3A_1163 = tpu.memref_slice %arg4[%mul3A_1156, %dma_start3A_1162] : memref<819200x128xf32, #tpu.memory_space<hbm>> -> memref<8x128xf32, #tpu.memory_space<hbm>>
      %dma_start3A_1164 = arith.constant 24 : i32
      %dma_start3A_1165 = arith.constant 0 : i32
      %dma_start3A_1166 = tpu.memref_slice %arg9[%dma_start3A_1164, %dma_start3A_1165] : memref<128x129xf32, #tpu.memory_space<vmem>> -> memref<8x128xf32, #tpu.memory_space<vmem>>
      tpu.enqueue_dma source(%dma_start3A_1166 : memref<8x128xf32, #tpu.memory_space<vmem>>) target(%dma_start3A_1163 : memref<8x128xf32, #tpu.memory_space<hbm>>) target_semaphore(%arg15 : memref<!tpu.dma_semaphore, #tpu.memory_space<semaphore_mem>>)
      %mul3A_1167 = arith.constant 4 : i32
      %mul3A_1168 = arith.muli %mul3A_777, %mul3A_1167 : i32
      %add3A_1169 = arith.constant 3 : i32
      %add3A_1170 = arith.addi %mul3A_1168, %add3A_1169 : i32
      %mul3A_1171 = arith.constant 128 : i32
      %mul3A_1172 = arith.muli %add3A_1170, %mul3A_1171 : i32
      %mul3A_1173 = arith.constant 4 : i32
      %mul3A_1174 = arith.muli %mul3A_1173, %add3A : i32
      %add3A_1175 = arith.addi %mul3A_1172, %mul3A_1174 : i32
      %add3A_1176 = arith.constant 1 : i32
      %add3A_1177 = arith.addi %add3A_1175, %add3A_1176 : i32
      %mul3A_1178 = arith.constant 8 : i32
      %mul3A_1179 = arith.muli %add3A_1177, %mul3A_1178 : i32
      %dma_start3A_1180 = arith.constant 56 : i32
      %dma_start3A_1181 = arith.constant 0 : i32
      %dma_start3A_1182 = tpu.memref_slice %arg9[%dma_start3A_1180, %dma_start3A_1181] : memref<128x129xf32, #tpu.memory_space<vmem>> -> memref<8x128xf32, #tpu.memory_space<vmem>>
      %dma_start3A_1183 = arith.constant 0 : i32
      %dma_start3A_1184 = tpu.memref_slice %arg4[%mul3A_1179, %dma_start3A_1183] : memref<819200x128xf32, #tpu.memory_space<hbm>> -> memref<8x128xf32, #tpu.memory_space<hbm>>
      %dma_start3A_1185 = arith.constant 0 : i32
      %dma_start3A_1186 = tpu.memref_slice %arg4[%mul3A_1179, %dma_start3A_1185] : memref<819200x128xf32, #tpu.memory_space<hbm>> -> memref<8x128xf32, #tpu.memory_space<hbm>>
      %dma_start3A_1187 = arith.constant 56 : i32
      %dma_start3A_1188 = arith.constant 0 : i32
      %dma_start3A_1189 = tpu.memref_slice %arg9[%dma_start3A_1187, %dma_start3A_1188] : memref<128x129xf32, #tpu.memory_space<vmem>> -> memref<8x128xf32, #tpu.memory_space<vmem>>
      tpu.enqueue_dma source(%dma_start3A_1189 : memref<8x128xf32, #tpu.memory_space<vmem>>) target(%dma_start3A_1186 : memref<8x128xf32, #tpu.memory_space<hbm>>) target_semaphore(%arg15 : memref<!tpu.dma_semaphore, #tpu.memory_space<semaphore_mem>>)
      %mul3A_1190 = arith.constant 4 : i32
      %mul3A_1191 = arith.muli %mul3A_777, %mul3A_1190 : i32
      %add3A_1192 = arith.constant 3 : i32
      %add3A_1193 = arith.addi %mul3A_1191, %add3A_1192 : i32
      %mul3A_1194 = arith.constant 128 : i32
      %mul3A_1195 = arith.muli %add3A_1193, %mul3A_1194 : i32
      %mul3A_1196 = arith.constant 4 : i32
      %mul3A_1197 = arith.muli %mul3A_1196, %add3A : i32
      %add3A_1198 = arith.addi %mul3A_1195, %mul3A_1197 : i32
      %add3A_1199 = arith.constant 2 : i32
      %add3A_1200 = arith.addi %add3A_1198, %add3A_1199 : i32
      %mul3A_1201 = arith.constant 8 : i32
      %mul3A_1202 = arith.muli %add3A_1200, %mul3A_1201 : i32
      %dma_start3A_1203 = arith.constant 88 : i32
      %dma_start3A_1204 = arith.constant 0 : i32
      %dma_start3A_1205 = tpu.memref_slice %arg9[%dma_start3A_1203, %dma_start3A_1204] : memref<128x129xf32, #tpu.memory_space<vmem>> -> memref<8x128xf32, #tpu.memory_space<vmem>>
      %dma_start3A_1206 = arith.constant 0 : i32
      %dma_start3A_1207 = tpu.memref_slice %arg4[%mul3A_1202, %dma_start3A_1206] : memref<819200x128xf32, #tpu.memory_space<hbm>> -> memref<8x128xf32, #tpu.memory_space<hbm>>
      %dma_start3A_1208 = arith.constant 0 : i32
      %dma_start3A_1209 = tpu.memref_slice %arg4[%mul3A_1202, %dma_start3A_1208] : memref<819200x128xf32, #tpu.memory_space<hbm>> -> memref<8x128xf32, #tpu.memory_space<hbm>>
      %dma_start3A_1210 = arith.constant 88 : i32
      %dma_start3A_1211 = arith.constant 0 : i32
      %dma_start3A_1212 = tpu.memref_slice %arg9[%dma_start3A_1210, %dma_start3A_1211] : memref<128x129xf32, #tpu.memory_space<vmem>> -> memref<8x128xf32, #tpu.memory_space<vmem>>
      tpu.enqueue_dma source(%dma_start3A_1212 : memref<8x128xf32, #tpu.memory_space<vmem>>) target(%dma_start3A_1209 : memref<8x128xf32, #tpu.memory_space<hbm>>) target_semaphore(%arg15 : memref<!tpu.dma_semaphore, #tpu.memory_space<semaphore_mem>>)
      %mul3A_1213 = arith.constant 4 : i32
      %mul3A_1214 = arith.muli %mul3A_777, %mul3A_1213 : i32
      %add3A_1215 = arith.constant 3 : i32
      %add3A_1216 = arith.addi %mul3A_1214, %add3A_1215 : i32
      %mul3A_1217 = arith.constant 128 : i32
      %mul3A_1218 = arith.muli %add3A_1216, %mul3A_1217 : i32
      %mul3A_1219 = arith.constant 4 : i32
      %mul3A_1220 = arith.muli %mul3A_1219, %add3A : i32
      %add3A_1221 = arith.addi %mul3A_1218, %mul3A_1220 : i32
      %add3A_1222 = arith.constant 3 : i32
      %add3A_1223 = arith.addi %add3A_1221, %add3A_1222 : i32
      %mul3A_1224 = arith.constant 8 : i32
      %mul3A_1225 = arith.muli %add3A_1223, %mul3A_1224 : i32
      %dma_start3A_1226 = arith.constant 120 : i32
      %dma_start3A_1227 = arith.constant 0 : i32
      %dma_start3A_1228 = tpu.memref_slice %arg9[%dma_start3A_1226, %dma_start3A_1227] : memref<128x129xf32, #tpu.memory_space<vmem>> -> memref<8x128xf32, #tpu.memory_space<vmem>>
      %dma_start3A_1229 = arith.constant 0 : i32
      %dma_start3A_1230 = tpu.memref_slice %arg4[%mul3A_1225, %dma_start3A_1229] : memref<819200x128xf32, #tpu.memory_space<hbm>> -> memref<8x128xf32, #tpu.memory_space<hbm>>
      %dma_start3A_1231 = arith.constant 0 : i32
      %dma_start3A_1232 = tpu.memref_slice %arg4[%mul3A_1225, %dma_start3A_1231] : memref<819200x128xf32, #tpu.memory_space<hbm>> -> memref<8x128xf32, #tpu.memory_space<hbm>>
      %dma_start3A_1233 = arith.constant 120 : i32
      %dma_start3A_1234 = arith.constant 0 : i32
      %dma_start3A_1235 = tpu.memref_slice %arg9[%dma_start3A_1233, %dma_start3A_1234] : memref<128x129xf32, #tpu.memory_space<vmem>> -> memref<8x128xf32, #tpu.memory_space<vmem>>
      tpu.enqueue_dma source(%dma_start3A_1235 : memref<8x128xf32, #tpu.memory_space<vmem>>) target(%dma_start3A_1232 : memref<8x128xf32, #tpu.memory_space<hbm>>) target_semaphore(%arg15 : memref<!tpu.dma_semaphore, #tpu.memory_space<semaphore_mem>>)
      %add3A_1236 = arith.constant 1 : i32
      %add3A_1237 = arith.addi %mul3A_777, %add3A_1236 : i32
      %gt3A_1238 = arith.constant 0 : i32
      %gt3A_1239 = arith.cmpi sgt, %scan3A_775, %gt3A_1238 : i32
      %dma_wait3A_1240 = arith.constant 0 : i32
      %dma_wait3A_1241 = arith.constant 0 : i32
      %dma_wait3A_1242 = tpu.memref_slice %arg3[%dma_wait3A_1240, %dma_wait3A_1241] : memref<1000000x32xf32, #tpu.memory_space<hbm>> -> memref<1000000x32xf32, #tpu.memory_space<hbm>>
      tpu.wait_indirect_dma semaphore(%arg14 : memref<!tpu.dma_semaphore, #tpu.memory_space<semaphore_mem>>) src(%dma_wait3A_1242 : memref<1000000x32xf32, #tpu.memory_space<hbm>>) dst(%arg8 : memref<512x32xf32, #tpu.memory_space<vmem>>)
      %convert_element_type3A_1243 = arith.extui %lt3A_778 : i1 to i32
      %cond3A_1244 = arith.constant 0 : i32
      %cond3A_1245 = arith.cmpi ne, %convert_element_type3A_1243, %cond3A_1244 : i32
      scf.if %cond3A_1245 {
        %add3A_1623 = arith.constant 1 : i32
        %add3A_1624 = arith.addi %add3A_1237, %add3A_1623 : i32
        %shift_right_arithmetic3A_1625 = arith.constant 3 : i32
        %shift_right_arithmetic3A_1626 = arith.shrsi %add3A_1624, %shift_right_arithmetic3A_1625 : i32
        %mul3A_1627 = arith.constant 4 : i32
        %mul3A_1628 = arith.muli %mul3A_1627, %add3A : i32
        %add3A_1629 = arith.constant 0 : i32
        %add3A_1630 = arith.addi %mul3A_1628, %add3A_1629 : i32
        %and3A_1631 = arith.constant 7 : i32
        %and3A_1632 = arith.andi %add3A_1624, %and3A_1631 : i32
        %shift_right_arithmetic3A_1633 = arith.constant 3 : i32
        %shift_right_arithmetic3A_1634 = arith.shrsi %add3A_1624, %shift_right_arithmetic3A_1633 : i32
        %mul3A_1635 = arith.constant 4 : i32
        %mul3A_1636 = arith.muli %mul3A_1635, %add3A : i32
        %add3A_1637 = arith.constant 1 : i32
        %add3A_1638 = arith.addi %mul3A_1636, %add3A_1637 : i32
        %and3A_1639 = arith.constant 7 : i32
        %and3A_1640 = arith.andi %add3A_1624, %and3A_1639 : i32
        %shift_right_arithmetic3A_1641 = arith.constant 3 : i32
        %shift_right_arithmetic3A_1642 = arith.shrsi %add3A_1624, %shift_right_arithmetic3A_1641 : i32
        %mul3A_1643 = arith.constant 4 : i32
        %mul3A_1644 = arith.muli %mul3A_1643, %add3A : i32
        %add3A_1645 = arith.constant 2 : i32
        %add3A_1646 = arith.addi %mul3A_1644, %add3A_1645 : i32
        %and3A_1647 = arith.constant 7 : i32
        %and3A_1648 = arith.andi %add3A_1624, %and3A_1647 : i32
        %shift_right_arithmetic3A_1649 = arith.constant 3 : i32
        %shift_right_arithmetic3A_1650 = arith.shrsi %add3A_1624, %shift_right_arithmetic3A_1649 : i32
        %mul3A_1651 = arith.constant 4 : i32
        %mul3A_1652 = arith.muli %mul3A_1651, %add3A : i32
        %add3A_1653 = arith.constant 3 : i32
        %add3A_1654 = arith.addi %mul3A_1652, %add3A_1653 : i32
        %and3A_1655 = arith.constant 7 : i32
        %and3A_1656 = arith.andi %add3A_1624, %and3A_1655 : i32
        %dma_wait3A_1657 = arith.constant 0 : i32
        %dma_wait3A_1658 = tpu.memref_slice %arg5[%dma_wait3A_1657] : memref<512xi32, #tpu.memory_space<vmem>> -> memref<128xi32, #tpu.memory_space<vmem>>
        %dma_wait3A_1659 = arith.constant 0 : i32
        %dma_wait3A_1660 = tpu.memref_slice %arg2[%shift_right_arithmetic3A_1626, %add3A_1630, %and3A_1632, %dma_wait3A_1659] : memref<25x128x8x128xi32, #tpu.memory_space<hbm>> -> memref<1x1x1x128xi32, #tpu.memory_space<hbm>>
        %dma_wait3A_1661 = tpu.memref_squeeze %dma_wait3A_1660 : memref<1x1x1x128xi32, #tpu.memory_space<hbm>> -> memref<128xi32, #tpu.memory_space<hbm>>
        %dma_wait3A_1662 = arith.constant 0 : i32
        %dma_wait3A_1663 = tpu.memref_slice %arg5[%dma_wait3A_1662] : memref<512xi32, #tpu.memory_space<vmem>> -> memref<128xi32, #tpu.memory_space<vmem>>
        %dma_wait3A_1664 = arith.constant 0 : i32
        %dma_wait3A_1665 = tpu.memref_slice %arg2[%shift_right_arithmetic3A_1626, %add3A_1630, %and3A_1632, %dma_wait3A_1664] : memref<25x128x8x128xi32, #tpu.memory_space<hbm>> -> memref<1x1x1x128xi32, #tpu.memory_space<hbm>>
        %dma_wait3A_1666 = tpu.memref_squeeze %dma_wait3A_1665 : memref<1x1x1x128xi32, #tpu.memory_space<hbm>> -> memref<128xi32, #tpu.memory_space<hbm>>
        tpu.wait_dma2 semaphore(%arg11 : memref<!tpu.dma_semaphore, #tpu.memory_space<semaphore_mem>>) src(%dma_wait3A_1666 : memref<128xi32, #tpu.memory_space<hbm>>) dst(%dma_wait3A_1663 : memref<128xi32, #tpu.memory_space<vmem>>)
        %dma_wait3A_1667 = arith.constant 128 : i32
        %dma_wait3A_1668 = tpu.memref_slice %arg5[%dma_wait3A_1667] : memref<512xi32, #tpu.memory_space<vmem>> -> memref<128xi32, #tpu.memory_space<vmem>>
        %dma_wait3A_1669 = arith.constant 0 : i32
        %dma_wait3A_1670 = tpu.memref_slice %arg2[%shift_right_arithmetic3A_1634, %add3A_1638, %and3A_1640, %dma_wait3A_1669] : memref<25x128x8x128xi32, #tpu.memory_space<hbm>> -> memref<1x1x1x128xi32, #tpu.memory_space<hbm>>
        %dma_wait3A_1671 = tpu.memref_squeeze %dma_wait3A_1670 : memref<1x1x1x128xi32, #tpu.memory_space<hbm>> -> memref<128xi32, #tpu.memory_space<hbm>>
        %dma_wait3A_1672 = arith.constant 128 : i32
        %dma_wait3A_1673 = tpu.memref_slice %arg5[%dma_wait3A_1672] : memref<512xi32, #tpu.memory_space<vmem>> -> memref<128xi32, #tpu.memory_space<vmem>>
        %dma_wait3A_1674 = arith.constant 0 : i32
        %dma_wait3A_1675 = tpu.memref_slice %arg2[%shift_right_arithmetic3A_1634, %add3A_1638, %and3A_1640, %dma_wait3A_1674] : memref<25x128x8x128xi32, #tpu.memory_space<hbm>> -> memref<1x1x1x128xi32, #tpu.memory_space<hbm>>
        %dma_wait3A_1676 = tpu.memref_squeeze %dma_wait3A_1675 : memref<1x1x1x128xi32, #tpu.memory_space<hbm>> -> memref<128xi32, #tpu.memory_space<hbm>>
        tpu.wait_dma2 semaphore(%arg11 : memref<!tpu.dma_semaphore, #tpu.memory_space<semaphore_mem>>) src(%dma_wait3A_1676 : memref<128xi32, #tpu.memory_space<hbm>>) dst(%dma_wait3A_1673 : memref<128xi32, #tpu.memory_space<vmem>>)
        %dma_wait3A_1677 = arith.constant 256 : i32
        %dma_wait3A_1678 = tpu.memref_slice %arg5[%dma_wait3A_1677] : memref<512xi32, #tpu.memory_space<vmem>> -> memref<128xi32, #tpu.memory_space<vmem>>
        %dma_wait3A_1679 = arith.constant 0 : i32
        %dma_wait3A_1680 = tpu.memref_slice %arg2[%shift_right_arithmetic3A_1642, %add3A_1646, %and3A_1648, %dma_wait3A_1679] : memref<25x128x8x128xi32, #tpu.memory_space<hbm>> -> memref<1x1x1x128xi32, #tpu.memory_space<hbm>>
        %dma_wait3A_1681 = tpu.memref_squeeze %dma_wait3A_1680 : memref<1x1x1x128xi32, #tpu.memory_space<hbm>> -> memref<128xi32, #tpu.memory_space<hbm>>
        %dma_wait3A_1682 = arith.constant 256 : i32
        %dma_wait3A_1683 = tpu.memref_slice %arg5[%dma_wait3A_1682] : memref<512xi32, #tpu.memory_space<vmem>> -> memref<128xi32, #tpu.memory_space<vmem>>
        %dma_wait3A_1684 = arith.constant 0 : i32
        %dma_wait3A_1685 = tpu.memref_slice %arg2[%shift_right_arithmetic3A_1642, %add3A_1646, %and3A_1648, %dma_wait3A_1684] : memref<25x128x8x128xi32, #tpu.memory_space<hbm>> -> memref<1x1x1x128xi32, #tpu.memory_space<hbm>>
        %dma_wait3A_1686 = tpu.memref_squeeze %dma_wait3A_1685 : memref<1x1x1x128xi32, #tpu.memory_space<hbm>> -> memref<128xi32, #tpu.memory_space<hbm>>
        tpu.wait_dma2 semaphore(%arg11 : memref<!tpu.dma_semaphore, #tpu.memory_space<semaphore_mem>>) src(%dma_wait3A_1686 : memref<128xi32, #tpu.memory_space<hbm>>) dst(%dma_wait3A_1683 : memref<128xi32, #tpu.memory_space<vmem>>)
        %dma_wait3A_1687 = arith.constant 384 : i32
        %dma_wait3A_1688 = tpu.memref_slice %arg5[%dma_wait3A_1687] : memref<512xi32, #tpu.memory_space<vmem>> -> memref<128xi32, #tpu.memory_space<vmem>>
        %dma_wait3A_1689 = arith.constant 0 : i32
        %dma_wait3A_1690 = tpu.memref_slice %arg2[%shift_right_arithmetic3A_1650, %add3A_1654, %and3A_1656, %dma_wait3A_1689] : memref<25x128x8x128xi32, #tpu.memory_space<hbm>> -> memref<1x1x1x128xi32, #tpu.memory_space<hbm>>
        %dma_wait3A_1691 = tpu.memref_squeeze %dma_wait3A_1690 : memref<1x1x1x128xi32, #tpu.memory_space<hbm>> -> memref<128xi32, #tpu.memory_space<hbm>>
        %dma_wait3A_1692 = arith.constant 384 : i32
        %dma_wait3A_1693 = tpu.memref_slice %arg5[%dma_wait3A_1692] : memref<512xi32, #tpu.memory_space<vmem>> -> memref<128xi32, #tpu.memory_space<vmem>>
        %dma_wait3A_1694 = arith.constant 0 : i32
        %dma_wait3A_1695 = tpu.memref_slice %arg2[%shift_right_arithmetic3A_1650, %add3A_1654, %and3A_1656, %dma_wait3A_1694] : memref<25x128x8x128xi32, #tpu.memory_space<hbm>> -> memref<1x1x1x128xi32, #tpu.memory_space<hbm>>
        %dma_wait3A_1696 = tpu.memref_squeeze %dma_wait3A_1695 : memref<1x1x1x128xi32, #tpu.memory_space<hbm>> -> memref<128xi32, #tpu.memory_space<hbm>>
        tpu.wait_dma2 semaphore(%arg11 : memref<!tpu.dma_semaphore, #tpu.memory_space<semaphore_mem>>) src(%dma_wait3A_1696 : memref<128xi32, #tpu.memory_space<hbm>>) dst(%dma_wait3A_1693 : memref<128xi32, #tpu.memory_space<vmem>>)
        %dma_start3A_1697 = arith.constant 0 : i32
        %dma_start3A_1698 = arith.constant 0 : i32
        %dma_start3A_1699 = tpu.memref_slice %arg3[%dma_start3A_1697, %dma_start3A_1698] : memref<1000000x32xf32, #tpu.memory_space<hbm>> -> memref<1000000x32xf32, #tpu.memory_space<hbm>>
        tpu.enqueue_indirect_dma source(%dma_start3A_1699 : memref<1000000x32xf32, #tpu.memory_space<hbm>>) target(%arg7 : memref<512x32xf32, #tpu.memory_space<vmem>>) offsets(%arg5 : memref<512xi32, #tpu.memory_space<vmem>>) semaphore(%arg13 : memref<!tpu.dma_semaphore, #tpu.memory_space<semaphore_mem>>)
        %convert_element_type3A_1700 = arith.extui %lt3A_778 : i1 to i32
        %cond3A_1701 = arith.constant 0 : i32
        %cond3A_1702 = arith.cmpi ne, %convert_element_type3A_1700, %cond3A_1701 : i32
        scf.if %cond3A_1702 {
          %add3A_1703 = arith.constant 2 : i32
          %add3A_1704 = arith.addi %add3A_1237, %add3A_1703 : i32
          %shift_right_arithmetic3A_1705 = arith.constant 3 : i32
          %shift_right_arithmetic3A_1706 = arith.shrsi %add3A_1704, %shift_right_arithmetic3A_1705 : i32
          %mul3A_1707 = arith.constant 4 : i32
          %mul3A_1708 = arith.muli %mul3A_1707, %add3A : i32
          %add3A_1709 = arith.constant 0 : i32
          %add3A_1710 = arith.addi %mul3A_1708, %add3A_1709 : i32
          %and3A_1711 = arith.constant 7 : i32
          %and3A_1712 = arith.andi %add3A_1704, %and3A_1711 : i32
          %shift_right_arithmetic3A_1713 = arith.constant 3 : i32
          %shift_right_arithmetic3A_1714 = arith.shrsi %add3A_1704, %shift_right_arithmetic3A_1713 : i32
          %mul3A_1715 = arith.constant 4 : i32
          %mul3A_1716 = arith.muli %mul3A_1715, %add3A : i32
          %add3A_1717 = arith.constant 1 : i32
          %add3A_1718 = arith.addi %mul3A_1716, %add3A_1717 : i32
          %and3A_1719 = arith.constant 7 : i32
          %and3A_1720 = arith.andi %add3A_1704, %and3A_1719 : i32
          %shift_right_arithmetic3A_1721 = arith.constant 3 : i32
          %shift_right_arithmetic3A_1722 = arith.shrsi %add3A_1704, %shift_right_arithmetic3A_1721 : i32
          %mul3A_1723 = arith.constant 4 : i32
          %mul3A_1724 = arith.muli %mul3A_1723, %add3A : i32
          %add3A_1725 = arith.constant 2 : i32
          %add3A_1726 = arith.addi %mul3A_1724, %add3A_1725 : i32
          %and3A_1727 = arith.constant 7 : i32
          %and3A_1728 = arith.andi %add3A_1704, %and3A_1727 : i32
          %shift_right_arithmetic3A_1729 = arith.constant 3 : i32
          %shift_right_arithmetic3A_1730 = arith.shrsi %add3A_1704, %shift_right_arithmetic3A_1729 : i32
          %mul3A_1731 = arith.constant 4 : i32
          %mul3A_1732 = arith.muli %mul3A_1731, %add3A : i32
          %add3A_1733 = arith.constant 3 : i32
          %add3A_1734 = arith.addi %mul3A_1732, %add3A_1733 : i32
          %and3A_1735 = arith.constant 7 : i32
          %and3A_1736 = arith.andi %add3A_1704, %and3A_1735 : i32
          %dma_start3A_1737 = arith.constant 0 : i32
          %dma_start3A_1738 = tpu.memref_slice %arg6[%dma_start3A_1737] : memref<512xi32, #tpu.memory_space<vmem>> -> memref<128xi32, #tpu.memory_space<vmem>>
          %dma_start3A_1739 = arith.constant 0 : i32
          %dma_start3A_1740 = tpu.memref_slice %arg2[%shift_right_arithmetic3A_1706, %add3A_1710, %and3A_1712, %dma_start3A_1739] : memref<25x128x8x128xi32, #tpu.memory_space<hbm>> -> memref<1x1x1x128xi32, #tpu.memory_space<hbm>>
          %dma_start3A_1741 = tpu.memref_squeeze %dma_start3A_1740 : memref<1x1x1x128xi32, #tpu.memory_space<hbm>> -> memref<128xi32, #tpu.memory_space<hbm>>
          %dma_start3A_1742 = arith.constant 0 : i32
          %dma_start3A_1743 = tpu.memref_slice %arg6[%dma_start3A_1742] : memref<512xi32, #tpu.memory_space<vmem>> -> memref<128xi32, #tpu.memory_space<vmem>>
          %dma_start3A_1744 = arith.constant 0 : i32
          %dma_start3A_1745 = tpu.memref_slice %arg2[%shift_right_arithmetic3A_1706, %add3A_1710, %and3A_1712, %dma_start3A_1744] : memref<25x128x8x128xi32, #tpu.memory_space<hbm>> -> memref<1x1x1x128xi32, #tpu.memory_space<hbm>>
          %dma_start3A_1746 = tpu.memref_squeeze %dma_start3A_1745 : memref<1x1x1x128xi32, #tpu.memory_space<hbm>> -> memref<128xi32, #tpu.memory_space<hbm>>
          tpu.enqueue_dma source(%dma_start3A_1746 : memref<128xi32, #tpu.memory_space<hbm>>) target(%dma_start3A_1743 : memref<128xi32, #tpu.memory_space<vmem>>) target_semaphore(%arg12 : memref<!tpu.dma_semaphore, #tpu.memory_space<semaphore_mem>>)
          %dma_start3A_1747 = arith.constant 128 : i32
          %dma_start3A_1748 = tpu.memref_slice %arg6[%dma_start3A_1747] : memref<512xi32, #tpu.memory_space<vmem>> -> memref<128xi32, #tpu.memory_space<vmem>>
          %dma_start3A_1749 = arith.constant 0 : i32
          %dma_start3A_1750 = tpu.memref_slice %arg2[%shift_right_arithmetic3A_1714, %add3A_1718, %and3A_1720, %dma_start3A_1749] : memref<25x128x8x128xi32, #tpu.memory_space<hbm>> -> memref<1x1x1x128xi32, #tpu.memory_space<hbm>>
          %dma_start3A_1751 = tpu.memref_squeeze %dma_start3A_1750 : memref<1x1x1x128xi32, #tpu.memory_space<hbm>> -> memref<128xi32, #tpu.memory_space<hbm>>
          %dma_start3A_1752 = arith.constant 128 : i32
          %dma_start3A_1753 = tpu.memref_slice %arg6[%dma_start3A_1752] : memref<512xi32, #tpu.memory_space<vmem>> -> memref<128xi32, #tpu.memory_space<vmem>>
          %dma_start3A_1754 = arith.constant 0 : i32
          %dma_start3A_1755 = tpu.memref_slice %arg2[%shift_right_arithmetic3A_1714, %add3A_1718, %and3A_1720, %dma_start3A_1754] : memref<25x128x8x128xi32, #tpu.memory_space<hbm>> -> memref<1x1x1x128xi32, #tpu.memory_space<hbm>>
          %dma_start3A_1756 = tpu.memref_squeeze %dma_start3A_1755 : memref<1x1x1x128xi32, #tpu.memory_space<hbm>> -> memref<128xi32, #tpu.memory_space<hbm>>
          tpu.enqueue_dma source(%dma_start3A_1756 : memref<128xi32, #tpu.memory_space<hbm>>) target(%dma_start3A_1753 : memref<128xi32, #tpu.memory_space<vmem>>) target_semaphore(%arg12 : memref<!tpu.dma_semaphore, #tpu.memory_space<semaphore_mem>>)
          %dma_start3A_1757 = arith.constant 256 : i32
          %dma_start3A_1758 = tpu.memref_slice %arg6[%dma_start3A_1757] : memref<512xi32, #tpu.memory_space<vmem>> -> memref<128xi32, #tpu.memory_space<vmem>>
          %dma_start3A_1759 = arith.constant 0 : i32
          %dma_start3A_1760 = tpu.memref_slice %arg2[%shift_right_arithmetic3A_1722, %add3A_1726, %and3A_1728, %dma_start3A_1759] : memref<25x128x8x128xi32, #tpu.memory_space<hbm>> -> memref<1x1x1x128xi32, #tpu.memory_space<hbm>>
          %dma_start3A_1761 = tpu.memref_squeeze %dma_start3A_1760 : memref<1x1x1x128xi32, #tpu.memory_space<hbm>> -> memref<128xi32, #tpu.memory_space<hbm>>
          %dma_start3A_1762 = arith.constant 256 : i32
          %dma_start3A_1763 = tpu.memref_slice %arg6[%dma_start3A_1762] : memref<512xi32, #tpu.memory_space<vmem>> -> memref<128xi32, #tpu.memory_space<vmem>>
          %dma_start3A_1764 = arith.constant 0 : i32
          %dma_start3A_1765 = tpu.memref_slice %arg2[%shift_right_arithmetic3A_1722, %add3A_1726, %and3A_1728, %dma_start3A_1764] : memref<25x128x8x128xi32, #tpu.memory_space<hbm>> -> memref<1x1x1x128xi32, #tpu.memory_space<hbm>>
          %dma_start3A_1766 = tpu.memref_squeeze %dma_start3A_1765 : memref<1x1x1x128xi32, #tpu.memory_space<hbm>> -> memref<128xi32, #tpu.memory_space<hbm>>
          tpu.enqueue_dma source(%dma_start3A_1766 : memref<128xi32, #tpu.memory_space<hbm>>) target(%dma_start3A_1763 : memref<128xi32, #tpu.memory_space<vmem>>) target_semaphore(%arg12 : memref<!tpu.dma_semaphore, #tpu.memory_space<semaphore_mem>>)
          %dma_start3A_1767 = arith.constant 384 : i32
          %dma_start3A_1768 = tpu.memref_slice %arg6[%dma_start3A_1767] : memref<512xi32, #tpu.memory_space<vmem>> -> memref<128xi32, #tpu.memory_space<vmem>>
          %dma_start3A_1769 = arith.constant 0 : i32
          %dma_start3A_1770 = tpu.memref_slice %arg2[%shift_right_arithmetic3A_1730, %add3A_1734, %and3A_1736, %dma_start3A_1769] : memref<25x128x8x128xi32, #tpu.memory_space<hbm>> -> memref<1x1x1x128xi32, #tpu.memory_space<hbm>>
          %dma_start3A_1771 = tpu.memref_squeeze %dma_start3A_1770 : memref<1x1x1x128xi32, #tpu.memory_space<hbm>> -> memref<128xi32, #tpu.memory_space<hbm>>
          %dma_start3A_1772 = arith.constant 384 : i32
          %dma_start3A_1773 = tpu.memref_slice %arg6[%dma_start3A_1772] : memref<512xi32, #tpu.memory_space<vmem>> -> memref<128xi32, #tpu.memory_space<vmem>>
          %dma_start3A_1774 = arith.constant 0 : i32
          %dma_start3A_1775 = tpu.memref_slice %arg2[%shift_right_arithmetic3A_1730, %add3A_1734, %and3A_1736, %dma_start3A_1774] : memref<25x128x8x128xi32, #tpu.memory_space<hbm>> -> memref<1x1x1x128xi32, #tpu.memory_space<hbm>>
          %dma_start3A_1776 = tpu.memref_squeeze %dma_start3A_1775 : memref<1x1x1x128xi32, #tpu.memory_space<hbm>> -> memref<128xi32, #tpu.memory_space<hbm>>
          tpu.enqueue_dma source(%dma_start3A_1776 : memref<128xi32, #tpu.memory_space<hbm>>) target(%dma_start3A_1773 : memref<128xi32, #tpu.memory_space<vmem>>) target_semaphore(%arg12 : memref<!tpu.dma_semaphore, #tpu.memory_space<semaphore_mem>>)
        } else {
        }
      } else {
      }
      %convert_element_type3A_1246 = arith.extui %gt3A_1239 : i1 to i32
      %cond3A_1247 = arith.constant 0 : i32
      %cond3A_1248 = arith.cmpi ne, %convert_element_type3A_1246, %cond3A_1247 : i32
      scf.if %cond3A_1248 {
        %sub3A = arith.constant 2 : i32
        %sub3A_1623 = arith.subi %add3A_1237, %sub3A : i32
        %mul3A_1624 = arith.constant 4 : i32
        %mul3A_1625 = arith.muli %sub3A_1623, %mul3A_1624 : i32
        %add3A_1626 = arith.constant 0 : i32
        %add3A_1627 = arith.addi %mul3A_1625, %add3A_1626 : i32
        %mul3A_1628 = arith.constant 128 : i32
        %mul3A_1629 = arith.muli %add3A_1627, %mul3A_1628 : i32
        %mul3A_1630 = arith.constant 4 : i32
        %mul3A_1631 = arith.muli %mul3A_1630, %add3A : i32
        %add3A_1632 = arith.addi %mul3A_1629, %mul3A_1631 : i32
        %add3A_1633 = arith.constant 0 : i32
        %add3A_1634 = arith.addi %add3A_1632, %add3A_1633 : i32
        %mul3A_1635 = arith.constant 8 : i32
        %mul3A_1636 = arith.muli %add3A_1634, %mul3A_1635 : i32
        %dma_wait3A_1637 = arith.constant 0 : i32
        %dma_wait3A_1638 = arith.constant 0 : i32
        %dma_wait3A_1639 = tpu.memref_slice %arg10[%dma_wait3A_1637, %dma_wait3A_1638] : memref<128x129xf32, #tpu.memory_space<vmem>> -> memref<8x128xf32, #tpu.memory_space<vmem>>
        %dma_wait3A_1640 = arith.constant 0 : i32
        %dma_wait3A_1641 = tpu.memref_slice %arg4[%mul3A_1636, %dma_wait3A_1640] : memref<819200x128xf32, #tpu.memory_space<hbm>> -> memref<8x128xf32, #tpu.memory_space<hbm>>
        %dma_wait3A_1642 = arith.constant 0 : i32
        %dma_wait3A_1643 = tpu.memref_slice %arg4[%mul3A_1636, %dma_wait3A_1642] : memref<819200x128xf32, #tpu.memory_space<hbm>> -> memref<8x128xf32, #tpu.memory_space<hbm>>
        %dma_wait3A_1644 = arith.constant 0 : i32
        %dma_wait3A_1645 = arith.constant 0 : i32
        %dma_wait3A_1646 = tpu.memref_slice %arg10[%dma_wait3A_1644, %dma_wait3A_1645] : memref<128x129xf32, #tpu.memory_space<vmem>> -> memref<8x128xf32, #tpu.memory_space<vmem>>
        tpu.wait_dma2 semaphore(%arg16 : memref<!tpu.dma_semaphore, #tpu.memory_space<semaphore_mem>>) src(%dma_wait3A_1646 : memref<8x128xf32, #tpu.memory_space<vmem>>) dst(%dma_wait3A_1643 : memref<8x128xf32, #tpu.memory_space<hbm>>)
        %sub3A_1647 = arith.constant 2 : i32
        %sub3A_1648 = arith.subi %add3A_1237, %sub3A_1647 : i32
        %mul3A_1649 = arith.constant 4 : i32
        %mul3A_1650 = arith.muli %sub3A_1648, %mul3A_1649 : i32
        %add3A_1651 = arith.constant 0 : i32
        %add3A_1652 = arith.addi %mul3A_1650, %add3A_1651 : i32
        %mul3A_1653 = arith.constant 128 : i32
        %mul3A_1654 = arith.muli %add3A_1652, %mul3A_1653 : i32
        %mul3A_1655 = arith.constant 4 : i32
        %mul3A_1656 = arith.muli %mul3A_1655, %add3A : i32
        %add3A_1657 = arith.addi %mul3A_1654, %mul3A_1656 : i32
        %add3A_1658 = arith.constant 1 : i32
        %add3A_1659 = arith.addi %add3A_1657, %add3A_1658 : i32
        %mul3A_1660 = arith.constant 8 : i32
        %mul3A_1661 = arith.muli %add3A_1659, %mul3A_1660 : i32
        %dma_wait3A_1662 = arith.constant 32 : i32
        %dma_wait3A_1663 = arith.constant 0 : i32
        %dma_wait3A_1664 = tpu.memref_slice %arg10[%dma_wait3A_1662, %dma_wait3A_1663] : memref<128x129xf32, #tpu.memory_space<vmem>> -> memref<8x128xf32, #tpu.memory_space<vmem>>
        %dma_wait3A_1665 = arith.constant 0 : i32
        %dma_wait3A_1666 = tpu.memref_slice %arg4[%mul3A_1661, %dma_wait3A_1665] : memref<819200x128xf32, #tpu.memory_space<hbm>> -> memref<8x128xf32, #tpu.memory_space<hbm>>
        %dma_wait3A_1667 = arith.constant 0 : i32
        %dma_wait3A_1668 = tpu.memref_slice %arg4[%mul3A_1661, %dma_wait3A_1667] : memref<819200x128xf32, #tpu.memory_space<hbm>> -> memref<8x128xf32, #tpu.memory_space<hbm>>
        %dma_wait3A_1669 = arith.constant 32 : i32
        %dma_wait3A_1670 = arith.constant 0 : i32
        %dma_wait3A_1671 = tpu.memref_slice %arg10[%dma_wait3A_1669, %dma_wait3A_1670] : memref<128x129xf32, #tpu.memory_space<vmem>> -> memref<8x128xf32, #tpu.memory_space<vmem>>
        tpu.wait_dma2 semaphore(%arg16 : memref<!tpu.dma_semaphore, #tpu.memory_space<semaphore_mem>>) src(%dma_wait3A_1671 : memref<8x128xf32, #tpu.memory_space<vmem>>) dst(%dma_wait3A_1668 : memref<8x128xf32, #tpu.memory_space<hbm>>)
        %sub3A_1672 = arith.constant 2 : i32
        %sub3A_1673 = arith.subi %add3A_1237, %sub3A_1672 : i32
        %mul3A_1674 = arith.constant 4 : i32
        %mul3A_1675 = arith.muli %sub3A_1673, %mul3A_1674 : i32
        %add3A_1676 = arith.constant 0 : i32
        %add3A_1677 = arith.addi %mul3A_1675, %add3A_1676 : i32
        %mul3A_1678 = arith.constant 128 : i32
        %mul3A_1679 = arith.muli %add3A_1677, %mul3A_1678 : i32
        %mul3A_1680 = arith.constant 4 : i32
        %mul3A_1681 = arith.muli %mul3A_1680, %add3A : i32
        %add3A_1682 = arith.addi %mul3A_1679, %mul3A_1681 : i32
        %add3A_1683 = arith.constant 2 : i32
        %add3A_1684 = arith.addi %add3A_1682, %add3A_1683 : i32
        %mul3A_1685 = arith.constant 8 : i32
        %mul3A_1686 = arith.muli %add3A_1684, %mul3A_1685 : i32
        %dma_wait3A_1687 = arith.constant 64 : i32
        %dma_wait3A_1688 = arith.constant 0 : i32
        %dma_wait3A_1689 = tpu.memref_slice %arg10[%dma_wait3A_1687, %dma_wait3A_1688] : memref<128x129xf32, #tpu.memory_space<vmem>> -> memref<8x128xf32, #tpu.memory_space<vmem>>
        %dma_wait3A_1690 = arith.constant 0 : i32
        %dma_wait3A_1691 = tpu.memref_slice %arg4[%mul3A_1686, %dma_wait3A_1690] : memref<819200x128xf32, #tpu.memory_space<hbm>> -> memref<8x128xf32, #tpu.memory_space<hbm>>
        %dma_wait3A_1692 = arith.constant 0 : i32
        %dma_wait3A_1693 = tpu.memref_slice %arg4[%mul3A_1686, %dma_wait3A_1692] : memref<819200x128xf32, #tpu.memory_space<hbm>> -> memref<8x128xf32, #tpu.memory_space<hbm>>
        %dma_wait3A_1694 = arith.constant 64 : i32
        %dma_wait3A_1695 = arith.constant 0 : i32
        %dma_wait3A_1696 = tpu.memref_slice %arg10[%dma_wait3A_1694, %dma_wait3A_1695] : memref<128x129xf32, #tpu.memory_space<vmem>> -> memref<8x128xf32, #tpu.memory_space<vmem>>
        tpu.wait_dma2 semaphore(%arg16 : memref<!tpu.dma_semaphore, #tpu.memory_space<semaphore_mem>>) src(%dma_wait3A_1696 : memref<8x128xf32, #tpu.memory_space<vmem>>) dst(%dma_wait3A_1693 : memref<8x128xf32, #tpu.memory_space<hbm>>)
        %sub3A_1697 = arith.constant 2 : i32
        %sub3A_1698 = arith.subi %add3A_1237, %sub3A_1697 : i32
        %mul3A_1699 = arith.constant 4 : i32
        %mul3A_1700 = arith.muli %sub3A_1698, %mul3A_1699 : i32
        %add3A_1701 = arith.constant 0 : i32
        %add3A_1702 = arith.addi %mul3A_1700, %add3A_1701 : i32
        %mul3A_1703 = arith.constant 128 : i32
        %mul3A_1704 = arith.muli %add3A_1702, %mul3A_1703 : i32
        %mul3A_1705 = arith.constant 4 : i32
        %mul3A_1706 = arith.muli %mul3A_1705, %add3A : i32
        %add3A_1707 = arith.addi %mul3A_1704, %mul3A_1706 : i32
        %add3A_1708 = arith.constant 3 : i32
        %add3A_1709 = arith.addi %add3A_1707, %add3A_1708 : i32
        %mul3A_1710 = arith.constant 8 : i32
        %mul3A_1711 = arith.muli %add3A_1709, %mul3A_1710 : i32
        %dma_wait3A_1712 = arith.constant 96 : i32
        %dma_wait3A_1713 = arith.constant 0 : i32
        %dma_wait3A_1714 = tpu.memref_slice %arg10[%dma_wait3A_1712, %dma_wait3A_1713] : memref<128x129xf32, #tpu.memory_space<vmem>> -> memref<8x128xf32, #tpu.memory_space<vmem>>
        %dma_wait3A_1715 = arith.constant 0 : i32
        %dma_wait3A_1716 = tpu.memref_slice %arg4[%mul3A_1711, %dma_wait3A_1715] : memref<819200x128xf32, #tpu.memory_space<hbm>> -> memref<8x128xf32, #tpu.memory_space<hbm>>
        %dma_wait3A_1717 = arith.constant 0 : i32
        %dma_wait3A_1718 = tpu.memref_slice %arg4[%mul3A_1711, %dma_wait3A_1717] : memref<819200x128xf32, #tpu.memory_space<hbm>> -> memref<8x128xf32, #tpu.memory_space<hbm>>
        %dma_wait3A_1719 = arith.constant 96 : i32
        %dma_wait3A_1720 = arith.constant 0 : i32
        %dma_wait3A_1721 = tpu.memref_slice %arg10[%dma_wait3A_1719, %dma_wait3A_1720] : memref<128x129xf32, #tpu.memory_space<vmem>> -> memref<8x128xf32, #tpu.memory_space<vmem>>
        tpu.wait_dma2 semaphore(%arg16 : memref<!tpu.dma_semaphore, #tpu.memory_space<semaphore_mem>>) src(%dma_wait3A_1721 : memref<8x128xf32, #tpu.memory_space<vmem>>) dst(%dma_wait3A_1718 : memref<8x128xf32, #tpu.memory_space<hbm>>)
        %sub3A_1722 = arith.constant 2 : i32
        %sub3A_1723 = arith.subi %add3A_1237, %sub3A_1722 : i32
        %mul3A_1724 = arith.constant 4 : i32
        %mul3A_1725 = arith.muli %sub3A_1723, %mul3A_1724 : i32
        %add3A_1726 = arith.constant 1 : i32
        %add3A_1727 = arith.addi %mul3A_1725, %add3A_1726 : i32
        %mul3A_1728 = arith.constant 128 : i32
        %mul3A_1729 = arith.muli %add3A_1727, %mul3A_1728 : i32
        %mul3A_1730 = arith.constant 4 : i32
        %mul3A_1731 = arith.muli %mul3A_1730, %add3A : i32
        %add3A_1732 = arith.addi %mul3A_1729, %mul3A_1731 : i32
        %add3A_1733 = arith.constant 0 : i32
        %add3A_1734 = arith.addi %add3A_1732, %add3A_1733 : i32
        %mul3A_1735 = arith.constant 8 : i32
        %mul3A_1736 = arith.muli %add3A_1734, %mul3A_1735 : i32
        %dma_wait3A_1737 = arith.constant 8 : i32
        %dma_wait3A_1738 = arith.constant 0 : i32
        %dma_wait3A_1739 = tpu.memref_slice %arg10[%dma_wait3A_1737, %dma_wait3A_1738] : memref<128x129xf32, #tpu.memory_space<vmem>> -> memref<8x128xf32, #tpu.memory_space<vmem>>
        %dma_wait3A_1740 = arith.constant 0 : i32
        %dma_wait3A_1741 = tpu.memref_slice %arg4[%mul3A_1736, %dma_wait3A_1740] : memref<819200x128xf32, #tpu.memory_space<hbm>> -> memref<8x128xf32, #tpu.memory_space<hbm>>
        %dma_wait3A_1742 = arith.constant 0 : i32
        %dma_wait3A_1743 = tpu.memref_slice %arg4[%mul3A_1736, %dma_wait3A_1742] : memref<819200x128xf32, #tpu.memory_space<hbm>> -> memref<8x128xf32, #tpu.memory_space<hbm>>
        %dma_wait3A_1744 = arith.constant 8 : i32
        %dma_wait3A_1745 = arith.constant 0 : i32
        %dma_wait3A_1746 = tpu.memref_slice %arg10[%dma_wait3A_1744, %dma_wait3A_1745] : memref<128x129xf32, #tpu.memory_space<vmem>> -> memref<8x128xf32, #tpu.memory_space<vmem>>
        tpu.wait_dma2 semaphore(%arg16 : memref<!tpu.dma_semaphore, #tpu.memory_space<semaphore_mem>>) src(%dma_wait3A_1746 : memref<8x128xf32, #tpu.memory_space<vmem>>) dst(%dma_wait3A_1743 : memref<8x128xf32, #tpu.memory_space<hbm>>)
        %sub3A_1747 = arith.constant 2 : i32
        %sub3A_1748 = arith.subi %add3A_1237, %sub3A_1747 : i32
        %mul3A_1749 = arith.constant 4 : i32
        %mul3A_1750 = arith.muli %sub3A_1748, %mul3A_1749 : i32
        %add3A_1751 = arith.constant 1 : i32
        %add3A_1752 = arith.addi %mul3A_1750, %add3A_1751 : i32
        %mul3A_1753 = arith.constant 128 : i32
        %mul3A_1754 = arith.muli %add3A_1752, %mul3A_1753 : i32
        %mul3A_1755 = arith.constant 4 : i32
        %mul3A_1756 = arith.muli %mul3A_1755, %add3A : i32
        %add3A_1757 = arith.addi %mul3A_1754, %mul3A_1756 : i32
        %add3A_1758 = arith.constant 1 : i32
        %add3A_1759 = arith.addi %add3A_1757, %add3A_1758 : i32
        %mul3A_1760 = arith.constant 8 : i32
        %mul3A_1761 = arith.muli %add3A_1759, %mul3A_1760 : i32
        %dma_wait3A_1762 = arith.constant 40 : i32
        %dma_wait3A_1763 = arith.constant 0 : i32
        %dma_wait3A_1764 = tpu.memref_slice %arg10[%dma_wait3A_1762, %dma_wait3A_1763] : memref<128x129xf32, #tpu.memory_space<vmem>> -> memref<8x128xf32, #tpu.memory_space<vmem>>
        %dma_wait3A_1765 = arith.constant 0 : i32
        %dma_wait3A_1766 = tpu.memref_slice %arg4[%mul3A_1761, %dma_wait3A_1765] : memref<819200x128xf32, #tpu.memory_space<hbm>> -> memref<8x128xf32, #tpu.memory_space<hbm>>
        %dma_wait3A_1767 = arith.constant 0 : i32
        %dma_wait3A_1768 = tpu.memref_slice %arg4[%mul3A_1761, %dma_wait3A_1767] : memref<819200x128xf32, #tpu.memory_space<hbm>> -> memref<8x128xf32, #tpu.memory_space<hbm>>
        %dma_wait3A_1769 = arith.constant 40 : i32
        %dma_wait3A_1770 = arith.constant 0 : i32
        %dma_wait3A_1771 = tpu.memref_slice %arg10[%dma_wait3A_1769, %dma_wait3A_1770] : memref<128x129xf32, #tpu.memory_space<vmem>> -> memref<8x128xf32, #tpu.memory_space<vmem>>
        tpu.wait_dma2 semaphore(%arg16 : memref<!tpu.dma_semaphore, #tpu.memory_space<semaphore_mem>>) src(%dma_wait3A_1771 : memref<8x128xf32, #tpu.memory_space<vmem>>) dst(%dma_wait3A_1768 : memref<8x128xf32, #tpu.memory_space<hbm>>)
        %sub3A_1772 = arith.constant 2 : i32
        %sub3A_1773 = arith.subi %add3A_1237, %sub3A_1772 : i32
        %mul3A_1774 = arith.constant 4 : i32
        %mul3A_1775 = arith.muli %sub3A_1773, %mul3A_1774 : i32
        %add3A_1776 = arith.constant 1 : i32
        %add3A_1777 = arith.addi %mul3A_1775, %add3A_1776 : i32
        %mul3A_1778 = arith.constant 128 : i32
        %mul3A_1779 = arith.muli %add3A_1777, %mul3A_1778 : i32
        %mul3A_1780 = arith.constant 4 : i32
        %mul3A_1781 = arith.muli %mul3A_1780, %add3A : i32
        %add3A_1782 = arith.addi %mul3A_1779, %mul3A_1781 : i32
        %add3A_1783 = arith.constant 2 : i32
        %add3A_1784 = arith.addi %add3A_1782, %add3A_1783 : i32
        %mul3A_1785 = arith.constant 8 : i32
        %mul3A_1786 = arith.muli %add3A_1784, %mul3A_1785 : i32
        %dma_wait3A_1787 = arith.constant 72 : i32
        %dma_wait3A_1788 = arith.constant 0 : i32
        %dma_wait3A_1789 = tpu.memref_slice %arg10[%dma_wait3A_1787, %dma_wait3A_1788] : memref<128x129xf32, #tpu.memory_space<vmem>> -> memref<8x128xf32, #tpu.memory_space<vmem>>
        %dma_wait3A_1790 = arith.constant 0 : i32
        %dma_wait3A_1791 = tpu.memref_slice %arg4[%mul3A_1786, %dma_wait3A_1790] : memref<819200x128xf32, #tpu.memory_space<hbm>> -> memref<8x128xf32, #tpu.memory_space<hbm>>
        %dma_wait3A_1792 = arith.constant 0 : i32
        %dma_wait3A_1793 = tpu.memref_slice %arg4[%mul3A_1786, %dma_wait3A_1792] : memref<819200x128xf32, #tpu.memory_space<hbm>> -> memref<8x128xf32, #tpu.memory_space<hbm>>
        %dma_wait3A_1794 = arith.constant 72 : i32
        %dma_wait3A_1795 = arith.constant 0 : i32
        %dma_wait3A_1796 = tpu.memref_slice %arg10[%dma_wait3A_1794, %dma_wait3A_1795] : memref<128x129xf32, #tpu.memory_space<vmem>> -> memref<8x128xf32, #tpu.memory_space<vmem>>
        tpu.wait_dma2 semaphore(%arg16 : memref<!tpu.dma_semaphore, #tpu.memory_space<semaphore_mem>>) src(%dma_wait3A_1796 : memref<8x128xf32, #tpu.memory_space<vmem>>) dst(%dma_wait3A_1793 : memref<8x128xf32, #tpu.memory_space<hbm>>)
        %sub3A_1797 = arith.constant 2 : i32
        %sub3A_1798 = arith.subi %add3A_1237, %sub3A_1797 : i32
        %mul3A_1799 = arith.constant 4 : i32
        %mul3A_1800 = arith.muli %sub3A_1798, %mul3A_1799 : i32
        %add3A_1801 = arith.constant 1 : i32
        %add3A_1802 = arith.addi %mul3A_1800, %add3A_1801 : i32
        %mul3A_1803 = arith.constant 128 : i32
        %mul3A_1804 = arith.muli %add3A_1802, %mul3A_1803 : i32
        %mul3A_1805 = arith.constant 4 : i32
        %mul3A_1806 = arith.muli %mul3A_1805, %add3A : i32
        %add3A_1807 = arith.addi %mul3A_1804, %mul3A_1806 : i32
        %add3A_1808 = arith.constant 3 : i32
        %add3A_1809 = arith.addi %add3A_1807, %add3A_1808 : i32
        %mul3A_1810 = arith.constant 8 : i32
        %mul3A_1811 = arith.muli %add3A_1809, %mul3A_1810 : i32
        %dma_wait3A_1812 = arith.constant 104 : i32
        %dma_wait3A_1813 = arith.constant 0 : i32
        %dma_wait3A_1814 = tpu.memref_slice %arg10[%dma_wait3A_1812, %dma_wait3A_1813] : memref<128x129xf32, #tpu.memory_space<vmem>> -> memref<8x128xf32, #tpu.memory_space<vmem>>
        %dma_wait3A_1815 = arith.constant 0 : i32
        %dma_wait3A_1816 = tpu.memref_slice %arg4[%mul3A_1811, %dma_wait3A_1815] : memref<819200x128xf32, #tpu.memory_space<hbm>> -> memref<8x128xf32, #tpu.memory_space<hbm>>
        %dma_wait3A_1817 = arith.constant 0 : i32
        %dma_wait3A_1818 = tpu.memref_slice %arg4[%mul3A_1811, %dma_wait3A_1817] : memref<819200x128xf32, #tpu.memory_space<hbm>> -> memref<8x128xf32, #tpu.memory_space<hbm>>
        %dma_wait3A_1819 = arith.constant 104 : i32
        %dma_wait3A_1820 = arith.constant 0 : i32
        %dma_wait3A_1821 = tpu.memref_slice %arg10[%dma_wait3A_1819, %dma_wait3A_1820] : memref<128x129xf32, #tpu.memory_space<vmem>> -> memref<8x128xf32, #tpu.memory_space<vmem>>
        tpu.wait_dma2 semaphore(%arg16 : memref<!tpu.dma_semaphore, #tpu.memory_space<semaphore_mem>>) src(%dma_wait3A_1821 : memref<8x128xf32, #tpu.memory_space<vmem>>) dst(%dma_wait3A_1818 : memref<8x128xf32, #tpu.memory_space<hbm>>)
        %sub3A_1822 = arith.constant 2 : i32
        %sub3A_1823 = arith.subi %add3A_1237, %sub3A_1822 : i32
        %mul3A_1824 = arith.constant 4 : i32
        %mul3A_1825 = arith.muli %sub3A_1823, %mul3A_1824 : i32
        %add3A_1826 = arith.constant 2 : i32
        %add3A_1827 = arith.addi %mul3A_1825, %add3A_1826 : i32
        %mul3A_1828 = arith.constant 128 : i32
        %mul3A_1829 = arith.muli %add3A_1827, %mul3A_1828 : i32
        %mul3A_1830 = arith.constant 4 : i32
        %mul3A_1831 = arith.muli %mul3A_1830, %add3A : i32
        %add3A_1832 = arith.addi %mul3A_1829, %mul3A_1831 : i32
        %add3A_1833 = arith.constant 0 : i32
        %add3A_1834 = arith.addi %add3A_1832, %add3A_1833 : i32
        %mul3A_1835 = arith.constant 8 : i32
        %mul3A_1836 = arith.muli %add3A_1834, %mul3A_1835 : i32
        %dma_wait3A_1837 = arith.constant 16 : i32
        %dma_wait3A_1838 = arith.constant 0 : i32
        %dma_wait3A_1839 = tpu.memref_slice %arg10[%dma_wait3A_1837, %dma_wait3A_1838] : memref<128x129xf32, #tpu.memory_space<vmem>> -> memref<8x128xf32, #tpu.memory_space<vmem>>
        %dma_wait3A_1840 = arith.constant 0 : i32
        %dma_wait3A_1841 = tpu.memref_slice %arg4[%mul3A_1836, %dma_wait3A_1840] : memref<819200x128xf32, #tpu.memory_space<hbm>> -> memref<8x128xf32, #tpu.memory_space<hbm>>
        %dma_wait3A_1842 = arith.constant 0 : i32
        %dma_wait3A_1843 = tpu.memref_slice %arg4[%mul3A_1836, %dma_wait3A_1842] : memref<819200x128xf32, #tpu.memory_space<hbm>> -> memref<8x128xf32, #tpu.memory_space<hbm>>
        %dma_wait3A_1844 = arith.constant 16 : i32
        %dma_wait3A_1845 = arith.constant 0 : i32
        %dma_wait3A_1846 = tpu.memref_slice %arg10[%dma_wait3A_1844, %dma_wait3A_1845] : memref<128x129xf32, #tpu.memory_space<vmem>> -> memref<8x128xf32, #tpu.memory_space<vmem>>
        tpu.wait_dma2 semaphore(%arg16 : memref<!tpu.dma_semaphore, #tpu.memory_space<semaphore_mem>>) src(%dma_wait3A_1846 : memref<8x128xf32, #tpu.memory_space<vmem>>) dst(%dma_wait3A_1843 : memref<8x128xf32, #tpu.memory_space<hbm>>)
        %sub3A_1847 = arith.constant 2 : i32
        %sub3A_1848 = arith.subi %add3A_1237, %sub3A_1847 : i32
        %mul3A_1849 = arith.constant 4 : i32
        %mul3A_1850 = arith.muli %sub3A_1848, %mul3A_1849 : i32
        %add3A_1851 = arith.constant 2 : i32
        %add3A_1852 = arith.addi %mul3A_1850, %add3A_1851 : i32
        %mul3A_1853 = arith.constant 128 : i32
        %mul3A_1854 = arith.muli %add3A_1852, %mul3A_1853 : i32
        %mul3A_1855 = arith.constant 4 : i32
        %mul3A_1856 = arith.muli %mul3A_1855, %add3A : i32
        %add3A_1857 = arith.addi %mul3A_1854, %mul3A_1856 : i32
        %add3A_1858 = arith.constant 1 : i32
        %add3A_1859 = arith.addi %add3A_1857, %add3A_1858 : i32
        %mul3A_1860 = arith.constant 8 : i32
        %mul3A_1861 = arith.muli %add3A_1859, %mul3A_1860 : i32
        %dma_wait3A_1862 = arith.constant 48 : i32
        %dma_wait3A_1863 = arith.constant 0 : i32
        %dma_wait3A_1864 = tpu.memref_slice %arg10[%dma_wait3A_1862, %dma_wait3A_1863] : memref<128x129xf32, #tpu.memory_space<vmem>> -> memref<8x128xf32, #tpu.memory_space<vmem>>
        %dma_wait3A_1865 = arith.constant 0 : i32
        %dma_wait3A_1866 = tpu.memref_slice %arg4[%mul3A_1861, %dma_wait3A_1865] : memref<819200x128xf32, #tpu.memory_space<hbm>> -> memref<8x128xf32, #tpu.memory_space<hbm>>
        %dma_wait3A_1867 = arith.constant 0 : i32
        %dma_wait3A_1868 = tpu.memref_slice %arg4[%mul3A_1861, %dma_wait3A_1867] : memref<819200x128xf32, #tpu.memory_space<hbm>> -> memref<8x128xf32, #tpu.memory_space<hbm>>
        %dma_wait3A_1869 = arith.constant 48 : i32
        %dma_wait3A_1870 = arith.constant 0 : i32
        %dma_wait3A_1871 = tpu.memref_slice %arg10[%dma_wait3A_1869, %dma_wait3A_1870] : memref<128x129xf32, #tpu.memory_space<vmem>> -> memref<8x128xf32, #tpu.memory_space<vmem>>
        tpu.wait_dma2 semaphore(%arg16 : memref<!tpu.dma_semaphore, #tpu.memory_space<semaphore_mem>>) src(%dma_wait3A_1871 : memref<8x128xf32, #tpu.memory_space<vmem>>) dst(%dma_wait3A_1868 : memref<8x128xf32, #tpu.memory_space<hbm>>)
        %sub3A_1872 = arith.constant 2 : i32
        %sub3A_1873 = arith.subi %add3A_1237, %sub3A_1872 : i32
        %mul3A_1874 = arith.constant 4 : i32
        %mul3A_1875 = arith.muli %sub3A_1873, %mul3A_1874 : i32
        %add3A_1876 = arith.constant 2 : i32
        %add3A_1877 = arith.addi %mul3A_1875, %add3A_1876 : i32
        %mul3A_1878 = arith.constant 128 : i32
        %mul3A_1879 = arith.muli %add3A_1877, %mul3A_1878 : i32
        %mul3A_1880 = arith.constant 4 : i32
        %mul3A_1881 = arith.muli %mul3A_1880, %add3A : i32
        %add3A_1882 = arith.addi %mul3A_1879, %mul3A_1881 : i32
        %add3A_1883 = arith.constant 2 : i32
        %add3A_1884 = arith.addi %add3A_1882, %add3A_1883 : i32
        %mul3A_1885 = arith.constant 8 : i32
        %mul3A_1886 = arith.muli %add3A_1884, %mul3A_1885 : i32
        %dma_wait3A_1887 = arith.constant 80 : i32
        %dma_wait3A_1888 = arith.constant 0 : i32
        %dma_wait3A_1889 = tpu.memref_slice %arg10[%dma_wait3A_1887, %dma_wait3A_1888] : memref<128x129xf32, #tpu.memory_space<vmem>> -> memref<8x128xf32, #tpu.memory_space<vmem>>
        %dma_wait3A_1890 = arith.constant 0 : i32
        %dma_wait3A_1891 = tpu.memref_slice %arg4[%mul3A_1886, %dma_wait3A_1890] : memref<819200x128xf32, #tpu.memory_space<hbm>> -> memref<8x128xf32, #tpu.memory_space<hbm>>
        %dma_wait3A_1892 = arith.constant 0 : i32
        %dma_wait3A_1893 = tpu.memref_slice %arg4[%mul3A_1886, %dma_wait3A_1892] : memref<819200x128xf32, #tpu.memory_space<hbm>> -> memref<8x128xf32, #tpu.memory_space<hbm>>
        %dma_wait3A_1894 = arith.constant 80 : i32
        %dma_wait3A_1895 = arith.constant 0 : i32
        %dma_wait3A_1896 = tpu.memref_slice %arg10[%dma_wait3A_1894, %dma_wait3A_1895] : memref<128x129xf32, #tpu.memory_space<vmem>> -> memref<8x128xf32, #tpu.memory_space<vmem>>
        tpu.wait_dma2 semaphore(%arg16 : memref<!tpu.dma_semaphore, #tpu.memory_space<semaphore_mem>>) src(%dma_wait3A_1896 : memref<8x128xf32, #tpu.memory_space<vmem>>) dst(%dma_wait3A_1893 : memref<8x128xf32, #tpu.memory_space<hbm>>)
        %sub3A_1897 = arith.constant 2 : i32
        %sub3A_1898 = arith.subi %add3A_1237, %sub3A_1897 : i32
        %mul3A_1899 = arith.constant 4 : i32
        %mul3A_1900 = arith.muli %sub3A_1898, %mul3A_1899 : i32
        %add3A_1901 = arith.constant 2 : i32
        %add3A_1902 = arith.addi %mul3A_1900, %add3A_1901 : i32
        %mul3A_1903 = arith.constant 128 : i32
        %mul3A_1904 = arith.muli %add3A_1902, %mul3A_1903 : i32
        %mul3A_1905 = arith.constant 4 : i32
        %mul3A_1906 = arith.muli %mul3A_1905, %add3A : i32
        %add3A_1907 = arith.addi %mul3A_1904, %mul3A_1906 : i32
        %add3A_1908 = arith.constant 3 : i32
        %add3A_1909 = arith.addi %add3A_1907, %add3A_1908 : i32
        %mul3A_1910 = arith.constant 8 : i32
        %mul3A_1911 = arith.muli %add3A_1909, %mul3A_1910 : i32
        %dma_wait3A_1912 = arith.constant 112 : i32
        %dma_wait3A_1913 = arith.constant 0 : i32
        %dma_wait3A_1914 = tpu.memref_slice %arg10[%dma_wait3A_1912, %dma_wait3A_1913] : memref<128x129xf32, #tpu.memory_space<vmem>> -> memref<8x128xf32, #tpu.memory_space<vmem>>
        %dma_wait3A_1915 = arith.constant 0 : i32
        %dma_wait3A_1916 = tpu.memref_slice %arg4[%mul3A_1911, %dma_wait3A_1915] : memref<819200x128xf32, #tpu.memory_space<hbm>> -> memref<8x128xf32, #tpu.memory_space<hbm>>
        %dma_wait3A_1917 = arith.constant 0 : i32
        %dma_wait3A_1918 = tpu.memref_slice %arg4[%mul3A_1911, %dma_wait3A_1917] : memref<819200x128xf32, #tpu.memory_space<hbm>> -> memref<8x128xf32, #tpu.memory_space<hbm>>
        %dma_wait3A_1919 = arith.constant 112 : i32
        %dma_wait3A_1920 = arith.constant 0 : i32
        %dma_wait3A_1921 = tpu.memref_slice %arg10[%dma_wait3A_1919, %dma_wait3A_1920] : memref<128x129xf32, #tpu.memory_space<vmem>> -> memref<8x128xf32, #tpu.memory_space<vmem>>
        tpu.wait_dma2 semaphore(%arg16 : memref<!tpu.dma_semaphore, #tpu.memory_space<semaphore_mem>>) src(%dma_wait3A_1921 : memref<8x128xf32, #tpu.memory_space<vmem>>) dst(%dma_wait3A_1918 : memref<8x128xf32, #tpu.memory_space<hbm>>)
        %sub3A_1922 = arith.constant 2 : i32
        %sub3A_1923 = arith.subi %add3A_1237, %sub3A_1922 : i32
        %mul3A_1924 = arith.constant 4 : i32
        %mul3A_1925 = arith.muli %sub3A_1923, %mul3A_1924 : i32
        %add3A_1926 = arith.constant 3 : i32
        %add3A_1927 = arith.addi %mul3A_1925, %add3A_1926 : i32
        %mul3A_1928 = arith.constant 128 : i32
        %mul3A_1929 = arith.muli %add3A_1927, %mul3A_1928 : i32
        %mul3A_1930 = arith.constant 4 : i32
        %mul3A_1931 = arith.muli %mul3A_1930, %add3A : i32
        %add3A_1932 = arith.addi %mul3A_1929, %mul3A_1931 : i32
        %add3A_1933 = arith.constant 0 : i32
        %add3A_1934 = arith.addi %add3A_1932, %add3A_1933 : i32
        %mul3A_1935 = arith.constant 8 : i32
        %mul3A_1936 = arith.muli %add3A_1934, %mul3A_1935 : i32
        %dma_wait3A_1937 = arith.constant 24 : i32
        %dma_wait3A_1938 = arith.constant 0 : i32
        %dma_wait3A_1939 = tpu.memref_slice %arg10[%dma_wait3A_1937, %dma_wait3A_1938] : memref<128x129xf32, #tpu.memory_space<vmem>> -> memref<8x128xf32, #tpu.memory_space<vmem>>
        %dma_wait3A_1940 = arith.constant 0 : i32
        %dma_wait3A_1941 = tpu.memref_slice %arg4[%mul3A_1936, %dma_wait3A_1940] : memref<819200x128xf32, #tpu.memory_space<hbm>> -> memref<8x128xf32, #tpu.memory_space<hbm>>
        %dma_wait3A_1942 = arith.constant 0 : i32
        %dma_wait3A_1943 = tpu.memref_slice %arg4[%mul3A_1936, %dma_wait3A_1942] : memref<819200x128xf32, #tpu.memory_space<hbm>> -> memref<8x128xf32, #tpu.memory_space<hbm>>
        %dma_wait3A_1944 = arith.constant 24 : i32
        %dma_wait3A_1945 = arith.constant 0 : i32
        %dma_wait3A_1946 = tpu.memref_slice %arg10[%dma_wait3A_1944, %dma_wait3A_1945] : memref<128x129xf32, #tpu.memory_space<vmem>> -> memref<8x128xf32, #tpu.memory_space<vmem>>
        tpu.wait_dma2 semaphore(%arg16 : memref<!tpu.dma_semaphore, #tpu.memory_space<semaphore_mem>>) src(%dma_wait3A_1946 : memref<8x128xf32, #tpu.memory_space<vmem>>) dst(%dma_wait3A_1943 : memref<8x128xf32, #tpu.memory_space<hbm>>)
        %sub3A_1947 = arith.constant 2 : i32
        %sub3A_1948 = arith.subi %add3A_1237, %sub3A_1947 : i32
        %mul3A_1949 = arith.constant 4 : i32
        %mul3A_1950 = arith.muli %sub3A_1948, %mul3A_1949 : i32
        %add3A_1951 = arith.constant 3 : i32
        %add3A_1952 = arith.addi %mul3A_1950, %add3A_1951 : i32
        %mul3A_1953 = arith.constant 128 : i32
        %mul3A_1954 = arith.muli %add3A_1952, %mul3A_1953 : i32
        %mul3A_1955 = arith.constant 4 : i32
        %mul3A_1956 = arith.muli %mul3A_1955, %add3A : i32
        %add3A_1957 = arith.addi %mul3A_1954, %mul3A_1956 : i32
        %add3A_1958 = arith.constant 1 : i32
        %add3A_1959 = arith.addi %add3A_1957, %add3A_1958 : i32
        %mul3A_1960 = arith.constant 8 : i32
        %mul3A_1961 = arith.muli %add3A_1959, %mul3A_1960 : i32
        %dma_wait3A_1962 = arith.constant 56 : i32
        %dma_wait3A_1963 = arith.constant 0 : i32
        %dma_wait3A_1964 = tpu.memref_slice %arg10[%dma_wait3A_1962, %dma_wait3A_1963] : memref<128x129xf32, #tpu.memory_space<vmem>> -> memref<8x128xf32, #tpu.memory_space<vmem>>
        %dma_wait3A_1965 = arith.constant 0 : i32
        %dma_wait3A_1966 = tpu.memref_slice %arg4[%mul3A_1961, %dma_wait3A_1965] : memref<819200x128xf32, #tpu.memory_space<hbm>> -> memref<8x128xf32, #tpu.memory_space<hbm>>
        %dma_wait3A_1967 = arith.constant 0 : i32
        %dma_wait3A_1968 = tpu.memref_slice %arg4[%mul3A_1961, %dma_wait3A_1967] : memref<819200x128xf32, #tpu.memory_space<hbm>> -> memref<8x128xf32, #tpu.memory_space<hbm>>
        %dma_wait3A_1969 = arith.constant 56 : i32
        %dma_wait3A_1970 = arith.constant 0 : i32
        %dma_wait3A_1971 = tpu.memref_slice %arg10[%dma_wait3A_1969, %dma_wait3A_1970] : memref<128x129xf32, #tpu.memory_space<vmem>> -> memref<8x128xf32, #tpu.memory_space<vmem>>
        tpu.wait_dma2 semaphore(%arg16 : memref<!tpu.dma_semaphore, #tpu.memory_space<semaphore_mem>>) src(%dma_wait3A_1971 : memref<8x128xf32, #tpu.memory_space<vmem>>) dst(%dma_wait3A_1968 : memref<8x128xf32, #tpu.memory_space<hbm>>)
        %sub3A_1972 = arith.constant 2 : i32
        %sub3A_1973 = arith.subi %add3A_1237, %sub3A_1972 : i32
        %mul3A_1974 = arith.constant 4 : i32
        %mul3A_1975 = arith.muli %sub3A_1973, %mul3A_1974 : i32
        %add3A_1976 = arith.constant 3 : i32
        %add3A_1977 = arith.addi %mul3A_1975, %add3A_1976 : i32
        %mul3A_1978 = arith.constant 128 : i32
        %mul3A_1979 = arith.muli %add3A_1977, %mul3A_1978 : i32
        %mul3A_1980 = arith.constant 4 : i32
        %mul3A_1981 = arith.muli %mul3A_1980, %add3A : i32
        %add3A_1982 = arith.addi %mul3A_1979, %mul3A_1981 : i32
        %add3A_1983 = arith.constant 2 : i32
        %add3A_1984 = arith.addi %add3A_1982, %add3A_1983 : i32
        %mul3A_1985 = arith.constant 8 : i32
        %mul3A_1986 = arith.muli %add3A_1984, %mul3A_1985 : i32
        %dma_wait3A_1987 = arith.constant 88 : i32
        %dma_wait3A_1988 = arith.constant 0 : i32
        %dma_wait3A_1989 = tpu.memref_slice %arg10[%dma_wait3A_1987, %dma_wait3A_1988] : memref<128x129xf32, #tpu.memory_space<vmem>> -> memref<8x128xf32, #tpu.memory_space<vmem>>
        %dma_wait3A_1990 = arith.constant 0 : i32
        %dma_wait3A_1991 = tpu.memref_slice %arg4[%mul3A_1986, %dma_wait3A_1990] : memref<819200x128xf32, #tpu.memory_space<hbm>> -> memref<8x128xf32, #tpu.memory_space<hbm>>
        %dma_wait3A_1992 = arith.constant 0 : i32
        %dma_wait3A_1993 = tpu.memref_slice %arg4[%mul3A_1986, %dma_wait3A_1992] : memref<819200x128xf32, #tpu.memory_space<hbm>> -> memref<8x128xf32, #tpu.memory_space<hbm>>
        %dma_wait3A_1994 = arith.constant 88 : i32
        %dma_wait3A_1995 = arith.constant 0 : i32
        %dma_wait3A_1996 = tpu.memref_slice %arg10[%dma_wait3A_1994, %dma_wait3A_1995] : memref<128x129xf32, #tpu.memory_space<vmem>> -> memref<8x128xf32, #tpu.memory_space<vmem>>
        tpu.wait_dma2 semaphore(%arg16 : memref<!tpu.dma_semaphore, #tpu.memory_space<semaphore_mem>>) src(%dma_wait3A_1996 : memref<8x128xf32, #tpu.memory_space<vmem>>) dst(%dma_wait3A_1993 : memref<8x128xf32, #tpu.memory_space<hbm>>)
        %sub3A_1997 = arith.constant 2 : i32
        %sub3A_1998 = arith.subi %add3A_1237, %sub3A_1997 : i32
        %mul3A_1999 = arith.constant 4 : i32
        %mul3A_2000 = arith.muli %sub3A_1998, %mul3A_1999 : i32
        %add3A_2001 = arith.constant 3 : i32
        %add3A_2002 = arith.addi %mul3A_2000, %add3A_2001 : i32
        %mul3A_2003 = arith.constant 128 : i32
        %mul3A_2004 = arith.muli %add3A_2002, %mul3A_2003 : i32
        %mul3A_2005 = arith.constant 4 : i32
        %mul3A_2006 = arith.muli %mul3A_2005, %add3A : i32
        %add3A_2007 = arith.addi %mul3A_2004, %mul3A_2006 : i32
        %add3A_2008 = arith.constant 3 : i32
        %add3A_2009 = arith.addi %add3A_2007, %add3A_2008 : i32
        %mul3A_2010 = arith.constant 8 : i32
        %mul3A_2011 = arith.muli %add3A_2009, %mul3A_2010 : i32
        %dma_wait3A_2012 = arith.constant 120 : i32
        %dma_wait3A_2013 = arith.constant 0 : i32
        %dma_wait3A_2014 = tpu.memref_slice %arg10[%dma_wait3A_2012, %dma_wait3A_2013] : memref<128x129xf32, #tpu.memory_space<vmem>> -> memref<8x128xf32, #tpu.memory_space<vmem>>
        %dma_wait3A_2015 = arith.constant 0 : i32
        %dma_wait3A_2016 = tpu.memref_slice %arg4[%mul3A_2011, %dma_wait3A_2015] : memref<819200x128xf32, #tpu.memory_space<hbm>> -> memref<8x128xf32, #tpu.memory_space<hbm>>
        %dma_wait3A_2017 = arith.constant 0 : i32
        %dma_wait3A_2018 = tpu.memref_slice %arg4[%mul3A_2011, %dma_wait3A_2017] : memref<819200x128xf32, #tpu.memory_space<hbm>> -> memref<8x128xf32, #tpu.memory_space<hbm>>
        %dma_wait3A_2019 = arith.constant 120 : i32
        %dma_wait3A_2020 = arith.constant 0 : i32
        %dma_wait3A_2021 = tpu.memref_slice %arg10[%dma_wait3A_2019, %dma_wait3A_2020] : memref<128x129xf32, #tpu.memory_space<vmem>> -> memref<8x128xf32, #tpu.memory_space<vmem>>
        tpu.wait_dma2 semaphore(%arg16 : memref<!tpu.dma_semaphore, #tpu.memory_space<semaphore_mem>>) src(%dma_wait3A_2021 : memref<8x128xf32, #tpu.memory_space<vmem>>) dst(%dma_wait3A_2018 : memref<8x128xf32, #tpu.memory_space<hbm>>)
      } else {
      }
      %scan3A_1249 = arith.constant 0 : i32
      %scan3A_1250 = arith.constant 0 : i32
      %scan3A_1251 = arith.constant 32 : i32
      %scan3A_1252 = arith.addi %scan3A_1250, %scan3A_1251 : i32
      %scan3A_1253 = arith.constant 1 : i32
      scf.for %scan3A_1623 = %scan3A_1250 to %scan3A_1252 step %scan3A_1253  : i32 {
        %shift_right_arithmetic3A_1624 = arith.constant 3 : i32
        %shift_right_arithmetic3A_1625 = arith.shrsi %scan3A_1623, %shift_right_arithmetic3A_1624 : i32
        %shift_left3A = arith.constant 5 : i32
        %shift_left3A_1626 = arith.shli %shift_right_arithmetic3A_1625, %shift_left3A : i32
        %add3A_1627 = vector.broadcast %shift_left3A_1626 : i32 to vector<16xi32>
        %add3A_1628 = arith.addi %iota3A, %add3A_1627 : vector<16xi32>
        %add3A_1629 = arith.constant 16 : i32
        %add3A_1630 = vector.broadcast %add3A_1629 : i32 to vector<16xi32>
        %add3A_1631 = arith.addi %add3A_1628, %add3A_1630 : vector<16xi32>
        %and3A_1632 = arith.constant 7 : i32
        %and3A_1633 = arith.andi %scan3A_1623, %and3A_1632 : i32
        %shift_left3A_1634 = arith.constant 4 : i32
        %shift_left3A_1635 = arith.shli %and3A_1633, %shift_left3A_1634 : i32
        %mul3A_1636 = arith.constant 16 : i32
        %mul3A_1637 = arith.muli %scan3A_1623, %mul3A_1636 : i32
        %add3A_1638 = arith.constant 0 : i32
        %add3A_1639 = arith.addi %mul3A_1637, %add3A_1638 : i32
        %add3A_1640 = arith.constant 0 : i32
        %add3A_1641 = arith.addi %shift_left3A_1635, %add3A_1640 : i32
        %broadcast_in_dim3A = vector.broadcast %add3A_1641 : i32 to vector<16xi32>
        %get3A = arith.index_cast %add3A_1639 : i32 to index
        %get3A_1642 = arith.constant 0 : index
        %get3A_1643 = tpu.vector_load %arg8[%get3A, %get3A_1642] {strides = array<i32>} : memref<512x32xf32, #tpu.memory_space<vmem>>, vector<16xf32>,
        %get3A_1644 = arith.index_cast %add3A_1639 : i32 to index
        %get3A_1645 = arith.constant 16 : index
        %get3A_1646 = tpu.vector_load %arg8[%get3A_1644, %get3A_1645] {strides = array<i32>} : memref<512x32xf32, #tpu.memory_space<vmem>>, vector<16xf32>,
        tpu.vector_store_idx %arg10[%add3A_1628, %broadcast_in_dim3A], %get3A_1643 : memref<128x129xf32, #tpu.memory_space<vmem>>[vector<16xi32>, vector<16xi32>], vector<16xf32>,
        tpu.vector_store_idx %arg10[%add3A_1631, %broadcast_in_dim3A], %get3A_1646 : memref<128x129xf32, #tpu.memory_space<vmem>>[vector<16xi32>, vector<16xi32>], vector<16xf32>,
        %mul3A_1647 = arith.constant 16 : i32
        %mul3A_1648 = arith.muli %scan3A_1623, %mul3A_1647 : i32
        %add3A_1649 = arith.constant 1 : i32
        %add3A_1650 = arith.addi %mul3A_1648, %add3A_1649 : i32
        %add3A_1651 = arith.constant 1 : i32
        %add3A_1652 = arith.addi %shift_left3A_1635, %add3A_1651 : i32
        %broadcast_in_dim3A_1653 = vector.broadcast %add3A_1652 : i32 to vector<16xi32>
        %get3A_1654 = arith.index_cast %add3A_1650 : i32 to index
        %get3A_1655 = arith.constant 0 : index
        %get3A_1656 = tpu.vector_load %arg8[%get3A_1654, %get3A_1655] {strides = array<i32>} : memref<512x32xf32, #tpu.memory_space<vmem>>, vector<16xf32>,
        %get3A_1657 = arith.index_cast %add3A_1650 : i32 to index
        %get3A_1658 = arith.constant 16 : index
        %get3A_1659 = tpu.vector_load %arg8[%get3A_1657, %get3A_1658] {strides = array<i32>} : memref<512x32xf32, #tpu.memory_space<vmem>>, vector<16xf32>,
        tpu.vector_store_idx %arg10[%add3A_1628, %broadcast_in_dim3A_1653], %get3A_1656 : memref<128x129xf32, #tpu.memory_space<vmem>>[vector<16xi32>, vector<16xi32>], vector<16xf32>,
        tpu.vector_store_idx %arg10[%add3A_1631, %broadcast_in_dim3A_1653], %get3A_1659 : memref<128x129xf32, #tpu.memory_space<vmem>>[vector<16xi32>, vector<16xi32>], vector<16xf32>,
        %mul3A_1660 = arith.constant 16 : i32
        %mul3A_1661 = arith.muli %scan3A_1623, %mul3A_1660 : i32
        %add3A_1662 = arith.constant 2 : i32
        %add3A_1663 = arith.addi %mul3A_1661, %add3A_1662 : i32
        %add3A_1664 = arith.constant 2 : i32
        %add3A_1665 = arith.addi %shift_left3A_1635, %add3A_1664 : i32
        %broadcast_in_dim3A_1666 = vector.broadcast %add3A_1665 : i32 to vector<16xi32>
        %get3A_1667 = arith.index_cast %add3A_1663 : i32 to index
        %get3A_1668 = arith.constant 0 : index
        %get3A_1669 = tpu.vector_load %arg8[%get3A_1667, %get3A_1668] {strides = array<i32>} : memref<512x32xf32, #tpu.memory_space<vmem>>, vector<16xf32>,
        %get3A_1670 = arith.index_cast %add3A_1663 : i32 to index
        %get3A_1671 = arith.constant 16 : index
        %get3A_1672 = tpu.vector_load %arg8[%get3A_1670, %get3A_1671] {strides = array<i32>} : memref<512x32xf32, #tpu.memory_space<vmem>>, vector<16xf32>,
        tpu.vector_store_idx %arg10[%add3A_1628, %broadcast_in_dim3A_1666], %get3A_1669 : memref<128x129xf32, #tpu.memory_space<vmem>>[vector<16xi32>, vector<16xi32>], vector<16xf32>,
        tpu.vector_store_idx %arg10[%add3A_1631, %broadcast_in_dim3A_1666], %get3A_1672 : memref<128x129xf32, #tpu.memory_space<vmem>>[vector<16xi32>, vector<16xi32>], vector<16xf32>,
        %mul3A_1673 = arith.constant 16 : i32
        %mul3A_1674 = arith.muli %scan3A_1623, %mul3A_1673 : i32
        %add3A_1675 = arith.constant 3 : i32
        %add3A_1676 = arith.addi %mul3A_1674, %add3A_1675 : i32
        %add3A_1677 = arith.constant 3 : i32
        %add3A_1678 = arith.addi %shift_left3A_1635, %add3A_1677 : i32
        %broadcast_in_dim3A_1679 = vector.broadcast %add3A_1678 : i32 to vector<16xi32>
        %get3A_1680 = arith.index_cast %add3A_1676 : i32 to index
        %get3A_1681 = arith.constant 0 : index
        %get3A_1682 = tpu.vector_load %arg8[%get3A_1680, %get3A_1681] {strides = array<i32>} : memref<512x32xf32, #tpu.memory_space<vmem>>, vector<16xf32>,
        %get3A_1683 = arith.index_cast %add3A_1676 : i32 to index
        %get3A_1684 = arith.constant 16 : index
        %get3A_1685 = tpu.vector_load %arg8[%get3A_1683, %get3A_1684] {strides = array<i32>} : memref<512x32xf32, #tpu.memory_space<vmem>>, vector<16xf32>,
        tpu.vector_store_idx %arg10[%add3A_1628, %broadcast_in_dim3A_1679], %get3A_1682 : memref<128x129xf32, #tpu.memory_space<vmem>>[vector<16xi32>, vector<16xi32>], vector<16xf32>,
        tpu.vector_store_idx %arg10[%add3A_1631, %broadcast_in_dim3A_1679], %get3A_1685 : memref<128x129xf32, #tpu.memory_space<vmem>>[vector<16xi32>, vector<16xi32>], vector<16xf32>,
        %mul3A_1686 = arith.constant 16 : i32
        %mul3A_1687 = arith.muli %scan3A_1623, %mul3A_1686 : i32
        %add3A_1688 = arith.constant 4 : i32
        %add3A_1689 = arith.addi %mul3A_1687, %add3A_1688 : i32
        %add3A_1690 = arith.constant 4 : i32
        %add3A_1691 = arith.addi %shift_left3A_1635, %add3A_1690 : i32
        %broadcast_in_dim3A_1692 = vector.broadcast %add3A_1691 : i32 to vector<16xi32>
        %get3A_1693 = arith.index_cast %add3A_1689 : i32 to index
        %get3A_1694 = arith.constant 0 : index
        %get3A_1695 = tpu.vector_load %arg8[%get3A_1693, %get3A_1694] {strides = array<i32>} : memref<512x32xf32, #tpu.memory_space<vmem>>, vector<16xf32>,
        %get3A_1696 = arith.index_cast %add3A_1689 : i32 to index
        %get3A_1697 = arith.constant 16 : index
        %get3A_1698 = tpu.vector_load %arg8[%get3A_1696, %get3A_1697] {strides = array<i32>} : memref<512x32xf32, #tpu.memory_space<vmem>>, vector<16xf32>,
        tpu.vector_store_idx %arg10[%add3A_1628, %broadcast_in_dim3A_1692], %get3A_1695 : memref<128x129xf32, #tpu.memory_space<vmem>>[vector<16xi32>, vector<16xi32>], vector<16xf32>,
        tpu.vector_store_idx %arg10[%add3A_1631, %broadcast_in_dim3A_1692], %get3A_1698 : memref<128x129xf32, #tpu.memory_space<vmem>>[vector<16xi32>, vector<16xi32>], vector<16xf32>,
        %mul3A_1699 = arith.constant 16 : i32
        %mul3A_1700 = arith.muli %scan3A_1623, %mul3A_1699 : i32
        %add3A_1701 = arith.constant 5 : i32
        %add3A_1702 = arith.addi %mul3A_1700, %add3A_1701 : i32
        %add3A_1703 = arith.constant 5 : i32
        %add3A_1704 = arith.addi %shift_left3A_1635, %add3A_1703 : i32
        %broadcast_in_dim3A_1705 = vector.broadcast %add3A_1704 : i32 to vector<16xi32>
        %get3A_1706 = arith.index_cast %add3A_1702 : i32 to index
        %get3A_1707 = arith.constant 0 : index
        %get3A_1708 = tpu.vector_load %arg8[%get3A_1706, %get3A_1707] {strides = array<i32>} : memref<512x32xf32, #tpu.memory_space<vmem>>, vector<16xf32>,
        %get3A_1709 = arith.index_cast %add3A_1702 : i32 to index
        %get3A_1710 = arith.constant 16 : index
        %get3A_1711 = tpu.vector_load %arg8[%get3A_1709, %get3A_1710] {strides = array<i32>} : memref<512x32xf32, #tpu.memory_space<vmem>>, vector<16xf32>,
        tpu.vector_store_idx %arg10[%add3A_1628, %broadcast_in_dim3A_1705], %get3A_1708 : memref<128x129xf32, #tpu.memory_space<vmem>>[vector<16xi32>, vector<16xi32>], vector<16xf32>,
        tpu.vector_store_idx %arg10[%add3A_1631, %broadcast_in_dim3A_1705], %get3A_1711 : memref<128x129xf32, #tpu.memory_space<vmem>>[vector<16xi32>, vector<16xi32>], vector<16xf32>,
        %mul3A_1712 = arith.constant 16 : i32
        %mul3A_1713 = arith.muli %scan3A_1623, %mul3A_1712 : i32
        %add3A_1714 = arith.constant 6 : i32
        %add3A_1715 = arith.addi %mul3A_1713, %add3A_1714 : i32
        %add3A_1716 = arith.constant 6 : i32
        %add3A_1717 = arith.addi %shift_left3A_1635, %add3A_1716 : i32
        %broadcast_in_dim3A_1718 = vector.broadcast %add3A_1717 : i32 to vector<16xi32>
        %get3A_1719 = arith.index_cast %add3A_1715 : i32 to index
        %get3A_1720 = arith.constant 0 : index
        %get3A_1721 = tpu.vector_load %arg8[%get3A_1719, %get3A_1720] {strides = array<i32>} : memref<512x32xf32, #tpu.memory_space<vmem>>, vector<16xf32>,
        %get3A_1722 = arith.index_cast %add3A_1715 : i32 to index
        %get3A_1723 = arith.constant 16 : index
        %get3A_1724 = tpu.vector_load %arg8[%get3A_1722, %get3A_1723] {strides = array<i32>} : memref<512x32xf32, #tpu.memory_space<vmem>>, vector<16xf32>,
        tpu.vector_store_idx %arg10[%add3A_1628, %broadcast_in_dim3A_1718], %get3A_1721 : memref<128x129xf32, #tpu.memory_space<vmem>>[vector<16xi32>, vector<16xi32>], vector<16xf32>,
        tpu.vector_store_idx %arg10[%add3A_1631, %broadcast_in_dim3A_1718], %get3A_1724 : memref<128x129xf32, #tpu.memory_space<vmem>>[vector<16xi32>, vector<16xi32>], vector<16xf32>,
        %mul3A_1725 = arith.constant 16 : i32
        %mul3A_1726 = arith.muli %scan3A_1623, %mul3A_1725 : i32
        %add3A_1727 = arith.constant 7 : i32
        %add3A_1728 = arith.addi %mul3A_1726, %add3A_1727 : i32
        %add3A_1729 = arith.constant 7 : i32
        %add3A_1730 = arith.addi %shift_left3A_1635, %add3A_1729 : i32
        %broadcast_in_dim3A_1731 = vector.broadcast %add3A_1730 : i32 to vector<16xi32>
        %get3A_1732 = arith.index_cast %add3A_1728 : i32 to index
        %get3A_1733 = arith.constant 0 : index
        %get3A_1734 = tpu.vector_load %arg8[%get3A_1732, %get3A_1733] {strides = array<i32>} : memref<512x32xf32, #tpu.memory_space<vmem>>, vector<16xf32>,
        %get3A_1735 = arith.index_cast %add3A_1728 : i32 to index
        %get3A_1736 = arith.constant 16 : index
        %get3A_1737 = tpu.vector_load %arg8[%get3A_1735, %get3A_1736] {strides = array<i32>} : memref<512x32xf32, #tpu.memory_space<vmem>>, vector<16xf32>,
        tpu.vector_store_idx %arg10[%add3A_1628, %broadcast_in_dim3A_1731], %get3A_1734 : memref<128x129xf32, #tpu.memory_space<vmem>>[vector<16xi32>, vector<16xi32>], vector<16xf32>,
        tpu.vector_store_idx %arg10[%add3A_1631, %broadcast_in_dim3A_1731], %get3A_1737 : memref<128x129xf32, #tpu.memory_space<vmem>>[vector<16xi32>, vector<16xi32>], vector<16xf32>,
        %mul3A_1738 = arith.constant 16 : i32
        %mul3A_1739 = arith.muli %scan3A_1623, %mul3A_1738 : i32
        %add3A_1740 = arith.constant 8 : i32
        %add3A_1741 = arith.addi %mul3A_1739, %add3A_1740 : i32
        %add3A_1742 = arith.constant 8 : i32
        %add3A_1743 = arith.addi %shift_left3A_1635, %add3A_1742 : i32
        %broadcast_in_dim3A_1744 = vector.broadcast %add3A_1743 : i32 to vector<16xi32>
        %get3A_1745 = arith.index_cast %add3A_1741 : i32 to index
        %get3A_1746 = arith.constant 0 : index
        %get3A_1747 = tpu.vector_load %arg8[%get3A_1745, %get3A_1746] {strides = array<i32>} : memref<512x32xf32, #tpu.memory_space<vmem>>, vector<16xf32>,
        %get3A_1748 = arith.index_cast %add3A_1741 : i32 to index
        %get3A_1749 = arith.constant 16 : index
        %get3A_1750 = tpu.vector_load %arg8[%get3A_1748, %get3A_1749] {strides = array<i32>} : memref<512x32xf32, #tpu.memory_space<vmem>>, vector<16xf32>,
        tpu.vector_store_idx %arg10[%add3A_1628, %broadcast_in_dim3A_1744], %get3A_1747 : memref<128x129xf32, #tpu.memory_space<vmem>>[vector<16xi32>, vector<16xi32>], vector<16xf32>,
        tpu.vector_store_idx %arg10[%add3A_1631, %broadcast_in_dim3A_1744], %get3A_1750 : memref<128x129xf32, #tpu.memory_space<vmem>>[vector<16xi32>, vector<16xi32>], vector<16xf32>,
        %mul3A_1751 = arith.constant 16 : i32
        %mul3A_1752 = arith.muli %scan3A_1623, %mul3A_1751 : i32
        %add3A_1753 = arith.constant 9 : i32
        %add3A_1754 = arith.addi %mul3A_1752, %add3A_1753 : i32
        %add3A_1755 = arith.constant 9 : i32
        %add3A_1756 = arith.addi %shift_left3A_1635, %add3A_1755 : i32
        %broadcast_in_dim3A_1757 = vector.broadcast %add3A_1756 : i32 to vector<16xi32>
        %get3A_1758 = arith.index_cast %add3A_1754 : i32 to index
        %get3A_1759 = arith.constant 0 : index
        %get3A_1760 = tpu.vector_load %arg8[%get3A_1758, %get3A_1759] {strides = array<i32>} : memref<512x32xf32, #tpu.memory_space<vmem>>, vector<16xf32>,
        %get3A_1761 = arith.index_cast %add3A_1754 : i32 to index
        %get3A_1762 = arith.constant 16 : index
        %get3A_1763 = tpu.vector_load %arg8[%get3A_1761, %get3A_1762] {strides = array<i32>} : memref<512x32xf32, #tpu.memory_space<vmem>>, vector<16xf32>,
        tpu.vector_store_idx %arg10[%add3A_1628, %broadcast_in_dim3A_1757], %get3A_1760 : memref<128x129xf32, #tpu.memory_space<vmem>>[vector<16xi32>, vector<16xi32>], vector<16xf32>,
        tpu.vector_store_idx %arg10[%add3A_1631, %broadcast_in_dim3A_1757], %get3A_1763 : memref<128x129xf32, #tpu.memory_space<vmem>>[vector<16xi32>, vector<16xi32>], vector<16xf32>,
        %mul3A_1764 = arith.constant 16 : i32
        %mul3A_1765 = arith.muli %scan3A_1623, %mul3A_1764 : i32
        %add3A_1766 = arith.constant 10 : i32
        %add3A_1767 = arith.addi %mul3A_1765, %add3A_1766 : i32
        %add3A_1768 = arith.constant 10 : i32
        %add3A_1769 = arith.addi %shift_left3A_1635, %add3A_1768 : i32
        %broadcast_in_dim3A_1770 = vector.broadcast %add3A_1769 : i32 to vector<16xi32>
        %get3A_1771 = arith.index_cast %add3A_1767 : i32 to index
        %get3A_1772 = arith.constant 0 : index
        %get3A_1773 = tpu.vector_load %arg8[%get3A_1771, %get3A_1772] {strides = array<i32>} : memref<512x32xf32, #tpu.memory_space<vmem>>, vector<16xf32>,
        %get3A_1774 = arith.index_cast %add3A_1767 : i32 to index
        %get3A_1775 = arith.constant 16 : index
        %get3A_1776 = tpu.vector_load %arg8[%get3A_1774, %get3A_1775] {strides = array<i32>} : memref<512x32xf32, #tpu.memory_space<vmem>>, vector<16xf32>,
        tpu.vector_store_idx %arg10[%add3A_1628, %broadcast_in_dim3A_1770], %get3A_1773 : memref<128x129xf32, #tpu.memory_space<vmem>>[vector<16xi32>, vector<16xi32>], vector<16xf32>,
        tpu.vector_store_idx %arg10[%add3A_1631, %broadcast_in_dim3A_1770], %get3A_1776 : memref<128x129xf32, #tpu.memory_space<vmem>>[vector<16xi32>, vector<16xi32>], vector<16xf32>,
        %mul3A_1777 = arith.constant 16 : i32
        %mul3A_1778 = arith.muli %scan3A_1623, %mul3A_1777 : i32
        %add3A_1779 = arith.constant 11 : i32
        %add3A_1780 = arith.addi %mul3A_1778, %add3A_1779 : i32
        %add3A_1781 = arith.constant 11 : i32
        %add3A_1782 = arith.addi %shift_left3A_1635, %add3A_1781 : i32
        %broadcast_in_dim3A_1783 = vector.broadcast %add3A_1782 : i32 to vector<16xi32>
        %get3A_1784 = arith.index_cast %add3A_1780 : i32 to index
        %get3A_1785 = arith.constant 0 : index
        %get3A_1786 = tpu.vector_load %arg8[%get3A_1784, %get3A_1785] {strides = array<i32>} : memref<512x32xf32, #tpu.memory_space<vmem>>, vector<16xf32>,
        %get3A_1787 = arith.index_cast %add3A_1780 : i32 to index
        %get3A_1788 = arith.constant 16 : index
        %get3A_1789 = tpu.vector_load %arg8[%get3A_1787, %get3A_1788] {strides = array<i32>} : memref<512x32xf32, #tpu.memory_space<vmem>>, vector<16xf32>,
        tpu.vector_store_idx %arg10[%add3A_1628, %broadcast_in_dim3A_1783], %get3A_1786 : memref<128x129xf32, #tpu.memory_space<vmem>>[vector<16xi32>, vector<16xi32>], vector<16xf32>,
        tpu.vector_store_idx %arg10[%add3A_1631, %broadcast_in_dim3A_1783], %get3A_1789 : memref<128x129xf32, #tpu.memory_space<vmem>>[vector<16xi32>, vector<16xi32>], vector<16xf32>,
        %mul3A_1790 = arith.constant 16 : i32
        %mul3A_1791 = arith.muli %scan3A_1623, %mul3A_1790 : i32
        %add3A_1792 = arith.constant 12 : i32
        %add3A_1793 = arith.addi %mul3A_1791, %add3A_1792 : i32
        %add3A_1794 = arith.constant 12 : i32
        %add3A_1795 = arith.addi %shift_left3A_1635, %add3A_1794 : i32
        %broadcast_in_dim3A_1796 = vector.broadcast %add3A_1795 : i32 to vector<16xi32>
        %get3A_1797 = arith.index_cast %add3A_1793 : i32 to index
        %get3A_1798 = arith.constant 0 : index
        %get3A_1799 = tpu.vector_load %arg8[%get3A_1797, %get3A_1798] {strides = array<i32>} : memref<512x32xf32, #tpu.memory_space<vmem>>, vector<16xf32>,
        %get3A_1800 = arith.index_cast %add3A_1793 : i32 to index
        %get3A_1801 = arith.constant 16 : index
        %get3A_1802 = tpu.vector_load %arg8[%get3A_1800, %get3A_1801] {strides = array<i32>} : memref<512x32xf32, #tpu.memory_space<vmem>>, vector<16xf32>,
        tpu.vector_store_idx %arg10[%add3A_1628, %broadcast_in_dim3A_1796], %get3A_1799 : memref<128x129xf32, #tpu.memory_space<vmem>>[vector<16xi32>, vector<16xi32>], vector<16xf32>,
        tpu.vector_store_idx %arg10[%add3A_1631, %broadcast_in_dim3A_1796], %get3A_1802 : memref<128x129xf32, #tpu.memory_space<vmem>>[vector<16xi32>, vector<16xi32>], vector<16xf32>,
        %mul3A_1803 = arith.constant 16 : i32
        %mul3A_1804 = arith.muli %scan3A_1623, %mul3A_1803 : i32
        %add3A_1805 = arith.constant 13 : i32
        %add3A_1806 = arith.addi %mul3A_1804, %add3A_1805 : i32
        %add3A_1807 = arith.constant 13 : i32
        %add3A_1808 = arith.addi %shift_left3A_1635, %add3A_1807 : i32
        %broadcast_in_dim3A_1809 = vector.broadcast %add3A_1808 : i32 to vector<16xi32>
        %get3A_1810 = arith.index_cast %add3A_1806 : i32 to index
        %get3A_1811 = arith.constant 0 : index
        %get3A_1812 = tpu.vector_load %arg8[%get3A_1810, %get3A_1811] {strides = array<i32>} : memref<512x32xf32, #tpu.memory_space<vmem>>, vector<16xf32>,
        %get3A_1813 = arith.index_cast %add3A_1806 : i32 to index
        %get3A_1814 = arith.constant 16 : index
        %get3A_1815 = tpu.vector_load %arg8[%get3A_1813, %get3A_1814] {strides = array<i32>} : memref<512x32xf32, #tpu.memory_space<vmem>>, vector<16xf32>,
        tpu.vector_store_idx %arg10[%add3A_1628, %broadcast_in_dim3A_1809], %get3A_1812 : memref<128x129xf32, #tpu.memory_space<vmem>>[vector<16xi32>, vector<16xi32>], vector<16xf32>,
        tpu.vector_store_idx %arg10[%add3A_1631, %broadcast_in_dim3A_1809], %get3A_1815 : memref<128x129xf32, #tpu.memory_space<vmem>>[vector<16xi32>, vector<16xi32>], vector<16xf32>,
        %mul3A_1816 = arith.constant 16 : i32
        %mul3A_1817 = arith.muli %scan3A_1623, %mul3A_1816 : i32
        %add3A_1818 = arith.constant 14 : i32
        %add3A_1819 = arith.addi %mul3A_1817, %add3A_1818 : i32
        %add3A_1820 = arith.constant 14 : i32
        %add3A_1821 = arith.addi %shift_left3A_1635, %add3A_1820 : i32
        %broadcast_in_dim3A_1822 = vector.broadcast %add3A_1821 : i32 to vector<16xi32>
        %get3A_1823 = arith.index_cast %add3A_1819 : i32 to index
        %get3A_1824 = arith.constant 0 : index
        %get3A_1825 = tpu.vector_load %arg8[%get3A_1823, %get3A_1824] {strides = array<i32>} : memref<512x32xf32, #tpu.memory_space<vmem>>, vector<16xf32>,
        %get3A_1826 = arith.index_cast %add3A_1819 : i32 to index
        %get3A_1827 = arith.constant 16 : index
        %get3A_1828 = tpu.vector_load %arg8[%get3A_1826, %get3A_1827] {strides = array<i32>} : memref<512x32xf32, #tpu.memory_space<vmem>>, vector<16xf32>,
        tpu.vector_store_idx %arg10[%add3A_1628, %broadcast_in_dim3A_1822], %get3A_1825 : memref<128x129xf32, #tpu.memory_space<vmem>>[vector<16xi32>, vector<16xi32>], vector<16xf32>,
        tpu.vector_store_idx %arg10[%add3A_1631, %broadcast_in_dim3A_1822], %get3A_1828 : memref<128x129xf32, #tpu.memory_space<vmem>>[vector<16xi32>, vector<16xi32>], vector<16xf32>,
        %mul3A_1829 = arith.constant 16 : i32
        %mul3A_1830 = arith.muli %scan3A_1623, %mul3A_1829 : i32
        %add3A_1831 = arith.constant 15 : i32
        %add3A_1832 = arith.addi %mul3A_1830, %add3A_1831 : i32
        %add3A_1833 = arith.constant 15 : i32
        %add3A_1834 = arith.addi %shift_left3A_1635, %add3A_1833 : i32
        %broadcast_in_dim3A_1835 = vector.broadcast %add3A_1834 : i32 to vector<16xi32>
        %get3A_1836 = arith.index_cast %add3A_1832 : i32 to index
        %get3A_1837 = arith.constant 0 : index
        %get3A_1838 = tpu.vector_load %arg8[%get3A_1836, %get3A_1837] {strides = array<i32>} : memref<512x32xf32, #tpu.memory_space<vmem>>, vector<16xf32>,
        %get3A_1839 = arith.index_cast %add3A_1832 : i32 to index
        %get3A_1840 = arith.constant 16 : index
        %get3A_1841 = tpu.vector_load %arg8[%get3A_1839, %get3A_1840] {strides = array<i32>} : memref<512x32xf32, #tpu.memory_space<vmem>>, vector<16xf32>,
        tpu.vector_store_idx %arg10[%add3A_1628, %broadcast_in_dim3A_1835], %get3A_1838 : memref<128x129xf32, #tpu.memory_space<vmem>>[vector<16xi32>, vector<16xi32>], vector<16xf32>,
        tpu.vector_store_idx %arg10[%add3A_1631, %broadcast_in_dim3A_1835], %get3A_1841 : memref<128x129xf32, #tpu.memory_space<vmem>>[vector<16xi32>, vector<16xi32>], vector<16xf32>,
      }
      %scan3A_1254 = arith.constant 32 : i32
      %mul3A_1255 = arith.constant 4 : i32
      %mul3A_1256 = arith.muli %add3A_1237, %mul3A_1255 : i32
      %add3A_1257 = arith.constant 0 : i32
      %add3A_1258 = arith.addi %mul3A_1256, %add3A_1257 : i32
      %mul3A_1259 = arith.constant 128 : i32
      %mul3A_1260 = arith.muli %add3A_1258, %mul3A_1259 : i32
      %mul3A_1261 = arith.constant 4 : i32
      %mul3A_1262 = arith.muli %mul3A_1261, %add3A : i32
      %add3A_1263 = arith.addi %mul3A_1260, %mul3A_1262 : i32
      %add3A_1264 = arith.constant 0 : i32
      %add3A_1265 = arith.addi %add3A_1263, %add3A_1264 : i32
      %mul3A_1266 = arith.constant 8 : i32
      %mul3A_1267 = arith.muli %add3A_1265, %mul3A_1266 : i32
      %dma_start3A_1268 = arith.constant 0 : i32
      %dma_start3A_1269 = arith.constant 0 : i32
      %dma_start3A_1270 = tpu.memref_slice %arg10[%dma_start3A_1268, %dma_start3A_1269] : memref<128x129xf32, #tpu.memory_space<vmem>> -> memref<8x128xf32, #tpu.memory_space<vmem>>
      %dma_start3A_1271 = arith.constant 0 : i32
      %dma_start3A_1272 = tpu.memref_slice %arg4[%mul3A_1267, %dma_start3A_1271] : memref<819200x128xf32, #tpu.memory_space<hbm>> -> memref<8x128xf32, #tpu.memory_space<hbm>>
      %dma_start3A_1273 = arith.constant 0 : i32
      %dma_start3A_1274 = tpu.memref_slice %arg4[%mul3A_1267, %dma_start3A_1273] : memref<819200x128xf32, #tpu.memory_space<hbm>> -> memref<8x128xf32, #tpu.memory_space<hbm>>
      %dma_start3A_1275 = arith.constant 0 : i32
      %dma_start3A_1276 = arith.constant 0 : i32
      %dma_start3A_1277 = tpu.memref_slice %arg10[%dma_start3A_1275, %dma_start3A_1276] : memref<128x129xf32, #tpu.memory_space<vmem>> -> memref<8x128xf32, #tpu.memory_space<vmem>>
      tpu.enqueue_dma source(%dma_start3A_1277 : memref<8x128xf32, #tpu.memory_space<vmem>>) target(%dma_start3A_1274 : memref<8x128xf32, #tpu.memory_space<hbm>>) target_semaphore(%arg16 : memref<!tpu.dma_semaphore, #tpu.memory_space<semaphore_mem>>)
      %mul3A_1278 = arith.constant 4 : i32
      %mul3A_1279 = arith.muli %add3A_1237, %mul3A_1278 : i32
      %add3A_1280 = arith.constant 0 : i32
      %add3A_1281 = arith.addi %mul3A_1279, %add3A_1280 : i32
      %mul3A_1282 = arith.constant 128 : i32
      %mul3A_1283 = arith.muli %add3A_1281, %mul3A_1282 : i32
      %mul3A_1284 = arith.constant 4 : i32
      %mul3A_1285 = arith.muli %mul3A_1284, %add3A : i32
      %add3A_1286 = arith.addi %mul3A_1283, %mul3A_1285 : i32
      %add3A_1287 = arith.constant 1 : i32
      %add3A_1288 = arith.addi %add3A_1286, %add3A_1287 : i32
      %mul3A_1289 = arith.constant 8 : i32
      %mul3A_1290 = arith.muli %add3A_1288, %mul3A_1289 : i32
      %dma_start3A_1291 = arith.constant 32 : i32
      %dma_start3A_1292 = arith.constant 0 : i32
      %dma_start3A_1293 = tpu.memref_slice %arg10[%dma_start3A_1291, %dma_start3A_1292] : memref<128x129xf32, #tpu.memory_space<vmem>> -> memref<8x128xf32, #tpu.memory_space<vmem>>
      %dma_start3A_1294 = arith.constant 0 : i32
      %dma_start3A_1295 = tpu.memref_slice %arg4[%mul3A_1290, %dma_start3A_1294] : memref<819200x128xf32, #tpu.memory_space<hbm>> -> memref<8x128xf32, #tpu.memory_space<hbm>>
      %dma_start3A_1296 = arith.constant 0 : i32
      %dma_start3A_1297 = tpu.memref_slice %arg4[%mul3A_1290, %dma_start3A_1296] : memref<819200x128xf32, #tpu.memory_space<hbm>> -> memref<8x128xf32, #tpu.memory_space<hbm>>
      %dma_start3A_1298 = arith.constant 32 : i32
      %dma_start3A_1299 = arith.constant 0 : i32
      %dma_start3A_1300 = tpu.memref_slice %arg10[%dma_start3A_1298, %dma_start3A_1299] : memref<128x129xf32, #tpu.memory_space<vmem>> -> memref<8x128xf32, #tpu.memory_space<vmem>>
      tpu.enqueue_dma source(%dma_start3A_1300 : memref<8x128xf32, #tpu.memory_space<vmem>>) target(%dma_start3A_1297 : memref<8x128xf32, #tpu.memory_space<hbm>>) target_semaphore(%arg16 : memref<!tpu.dma_semaphore, #tpu.memory_space<semaphore_mem>>)
      %mul3A_1301 = arith.constant 4 : i32
      %mul3A_1302 = arith.muli %add3A_1237, %mul3A_1301 : i32
      %add3A_1303 = arith.constant 0 : i32
      %add3A_1304 = arith.addi %mul3A_1302, %add3A_1303 : i32
      %mul3A_1305 = arith.constant 128 : i32
      %mul3A_1306 = arith.muli %add3A_1304, %mul3A_1305 : i32
      %mul3A_1307 = arith.constant 4 : i32
      %mul3A_1308 = arith.muli %mul3A_1307, %add3A : i32
      %add3A_1309 = arith.addi %mul3A_1306, %mul3A_1308 : i32
      %add3A_1310 = arith.constant 2 : i32
      %add3A_1311 = arith.addi %add3A_1309, %add3A_1310 : i32
      %mul3A_1312 = arith.constant 8 : i32
      %mul3A_1313 = arith.muli %add3A_1311, %mul3A_1312 : i32
      %dma_start3A_1314 = arith.constant 64 : i32
      %dma_start3A_1315 = arith.constant 0 : i32
      %dma_start3A_1316 = tpu.memref_slice %arg10[%dma_start3A_1314, %dma_start3A_1315] : memref<128x129xf32, #tpu.memory_space<vmem>> -> memref<8x128xf32, #tpu.memory_space<vmem>>
      %dma_start3A_1317 = arith.constant 0 : i32
      %dma_start3A_1318 = tpu.memref_slice %arg4[%mul3A_1313, %dma_start3A_1317] : memref<819200x128xf32, #tpu.memory_space<hbm>> -> memref<8x128xf32, #tpu.memory_space<hbm>>
      %dma_start3A_1319 = arith.constant 0 : i32
      %dma_start3A_1320 = tpu.memref_slice %arg4[%mul3A_1313, %dma_start3A_1319] : memref<819200x128xf32, #tpu.memory_space<hbm>> -> memref<8x128xf32, #tpu.memory_space<hbm>>
      %dma_start3A_1321 = arith.constant 64 : i32
      %dma_start3A_1322 = arith.constant 0 : i32
      %dma_start3A_1323 = tpu.memref_slice %arg10[%dma_start3A_1321, %dma_start3A_1322] : memref<128x129xf32, #tpu.memory_space<vmem>> -> memref<8x128xf32, #tpu.memory_space<vmem>>
      tpu.enqueue_dma source(%dma_start3A_1323 : memref<8x128xf32, #tpu.memory_space<vmem>>) target(%dma_start3A_1320 : memref<8x128xf32, #tpu.memory_space<hbm>>) target_semaphore(%arg16 : memref<!tpu.dma_semaphore, #tpu.memory_space<semaphore_mem>>)
      %mul3A_1324 = arith.constant 4 : i32
      %mul3A_1325 = arith.muli %add3A_1237, %mul3A_1324 : i32
      %add3A_1326 = arith.constant 0 : i32
      %add3A_1327 = arith.addi %mul3A_1325, %add3A_1326 : i32
      %mul3A_1328 = arith.constant 128 : i32
      %mul3A_1329 = arith.muli %add3A_1327, %mul3A_1328 : i32
      %mul3A_1330 = arith.constant 4 : i32
      %mul3A_1331 = arith.muli %mul3A_1330, %add3A : i32
      %add3A_1332 = arith.addi %mul3A_1329, %mul3A_1331 : i32
      %add3A_1333 = arith.constant 3 : i32
      %add3A_1334 = arith.addi %add3A_1332, %add3A_1333 : i32
      %mul3A_1335 = arith.constant 8 : i32
      %mul3A_1336 = arith.muli %add3A_1334, %mul3A_1335 : i32
      %dma_start3A_1337 = arith.constant 96 : i32
      %dma_start3A_1338 = arith.constant 0 : i32
      %dma_start3A_1339 = tpu.memref_slice %arg10[%dma_start3A_1337, %dma_start3A_1338] : memref<128x129xf32, #tpu.memory_space<vmem>> -> memref<8x128xf32, #tpu.memory_space<vmem>>
      %dma_start3A_1340 = arith.constant 0 : i32
      %dma_start3A_1341 = tpu.memref_slice %arg4[%mul3A_1336, %dma_start3A_1340] : memref<819200x128xf32, #tpu.memory_space<hbm>> -> memref<8x128xf32, #tpu.memory_space<hbm>>
      %dma_start3A_1342 = arith.constant 0 : i32
      %dma_start3A_1343 = tpu.memref_slice %arg4[%mul3A_1336, %dma_start3A_1342] : memref<819200x128xf32, #tpu.memory_space<hbm>> -> memref<8x128xf32, #tpu.memory_space<hbm>>
      %dma_start3A_1344 = arith.constant 96 : i32
      %dma_start3A_1345 = arith.constant 0 : i32
      %dma_start3A_1346 = tpu.memref_slice %arg10[%dma_start3A_1344, %dma_start3A_1345] : memref<128x129xf32, #tpu.memory_space<vmem>> -> memref<8x128xf32, #tpu.memory_space<vmem>>
      tpu.enqueue_dma source(%dma_start3A_1346 : memref<8x128xf32, #tpu.memory_space<vmem>>) target(%dma_start3A_1343 : memref<8x128xf32, #tpu.memory_space<hbm>>) target_semaphore(%arg16 : memref<!tpu.dma_semaphore, #tpu.memory_space<semaphore_mem>>)
      %mul3A_1347 = arith.constant 4 : i32
      %mul3A_1348 = arith.muli %add3A_1237, %mul3A_1347 : i32
      %add3A_1349 = arith.constant 1 : i32
      %add3A_1350 = arith.addi %mul3A_1348, %add3A_1349 : i32
      %mul3A_1351 = arith.constant 128 : i32
      %mul3A_1352 = arith.muli %add3A_1350, %mul3A_1351 : i32
      %mul3A_1353 = arith.constant 4 : i32
      %mul3A_1354 = arith.muli %mul3A_1353, %add3A : i32
      %add3A_1355 = arith.addi %mul3A_1352, %mul3A_1354 : i32
      %add3A_1356 = arith.constant 0 : i32
      %add3A_1357 = arith.addi %add3A_1355, %add3A_1356 : i32
      %mul3A_1358 = arith.constant 8 : i32
      %mul3A_1359 = arith.muli %add3A_1357, %mul3A_1358 : i32
      %dma_start3A_1360 = arith.constant 8 : i32
      %dma_start3A_1361 = arith.constant 0 : i32
      %dma_start3A_1362 = tpu.memref_slice %arg10[%dma_start3A_1360, %dma_start3A_1361] : memref<128x129xf32, #tpu.memory_space<vmem>> -> memref<8x128xf32, #tpu.memory_space<vmem>>
      %dma_start3A_1363 = arith.constant 0 : i32
      %dma_start3A_1364 = tpu.memref_slice %arg4[%mul3A_1359, %dma_start3A_1363] : memref<819200x128xf32, #tpu.memory_space<hbm>> -> memref<8x128xf32, #tpu.memory_space<hbm>>
      %dma_start3A_1365 = arith.constant 0 : i32
      %dma_start3A_1366 = tpu.memref_slice %arg4[%mul3A_1359, %dma_start3A_1365] : memref<819200x128xf32, #tpu.memory_space<hbm>> -> memref<8x128xf32, #tpu.memory_space<hbm>>
      %dma_start3A_1367 = arith.constant 8 : i32
      %dma_start3A_1368 = arith.constant 0 : i32
      %dma_start3A_1369 = tpu.memref_slice %arg10[%dma_start3A_1367, %dma_start3A_1368] : memref<128x129xf32, #tpu.memory_space<vmem>> -> memref<8x128xf32, #tpu.memory_space<vmem>>
      tpu.enqueue_dma source(%dma_start3A_1369 : memref<8x128xf32, #tpu.memory_space<vmem>>) target(%dma_start3A_1366 : memref<8x128xf32, #tpu.memory_space<hbm>>) target_semaphore(%arg16 : memref<!tpu.dma_semaphore, #tpu.memory_space<semaphore_mem>>)
      %mul3A_1370 = arith.constant 4 : i32
      %mul3A_1371 = arith.muli %add3A_1237, %mul3A_1370 : i32
      %add3A_1372 = arith.constant 1 : i32
      %add3A_1373 = arith.addi %mul3A_1371, %add3A_1372 : i32
      %mul3A_1374 = arith.constant 128 : i32
      %mul3A_1375 = arith.muli %add3A_1373, %mul3A_1374 : i32
      %mul3A_1376 = arith.constant 4 : i32
      %mul3A_1377 = arith.muli %mul3A_1376, %add3A : i32
      %add3A_1378 = arith.addi %mul3A_1375, %mul3A_1377 : i32
      %add3A_1379 = arith.constant 1 : i32
      %add3A_1380 = arith.addi %add3A_1378, %add3A_1379 : i32
      %mul3A_1381 = arith.constant 8 : i32
      %mul3A_1382 = arith.muli %add3A_1380, %mul3A_1381 : i32
      %dma_start3A_1383 = arith.constant 40 : i32
      %dma_start3A_1384 = arith.constant 0 : i32
      %dma_start3A_1385 = tpu.memref_slice %arg10[%dma_start3A_1383, %dma_start3A_1384] : memref<128x129xf32, #tpu.memory_space<vmem>> -> memref<8x128xf32, #tpu.memory_space<vmem>>
      %dma_start3A_1386 = arith.constant 0 : i32
      %dma_start3A_1387 = tpu.memref_slice %arg4[%mul3A_1382, %dma_start3A_1386] : memref<819200x128xf32, #tpu.memory_space<hbm>> -> memref<8x128xf32, #tpu.memory_space<hbm>>
      %dma_start3A_1388 = arith.constant 0 : i32
      %dma_start3A_1389 = tpu.memref_slice %arg4[%mul3A_1382, %dma_start3A_1388] : memref<819200x128xf32, #tpu.memory_space<hbm>> -> memref<8x128xf32, #tpu.memory_space<hbm>>
      %dma_start3A_1390 = arith.constant 40 : i32
      %dma_start3A_1391 = arith.constant 0 : i32
      %dma_start3A_1392 = tpu.memref_slice %arg10[%dma_start3A_1390, %dma_start3A_1391] : memref<128x129xf32, #tpu.memory_space<vmem>> -> memref<8x128xf32, #tpu.memory_space<vmem>>
      tpu.enqueue_dma source(%dma_start3A_1392 : memref<8x128xf32, #tpu.memory_space<vmem>>) target(%dma_start3A_1389 : memref<8x128xf32, #tpu.memory_space<hbm>>) target_semaphore(%arg16 : memref<!tpu.dma_semaphore, #tpu.memory_space<semaphore_mem>>)
      %mul3A_1393 = arith.constant 4 : i32
      %mul3A_1394 = arith.muli %add3A_1237, %mul3A_1393 : i32
      %add3A_1395 = arith.constant 1 : i32
      %add3A_1396 = arith.addi %mul3A_1394, %add3A_1395 : i32
      %mul3A_1397 = arith.constant 128 : i32
      %mul3A_1398 = arith.muli %add3A_1396, %mul3A_1397 : i32
      %mul3A_1399 = arith.constant 4 : i32
      %mul3A_1400 = arith.muli %mul3A_1399, %add3A : i32
      %add3A_1401 = arith.addi %mul3A_1398, %mul3A_1400 : i32
      %add3A_1402 = arith.constant 2 : i32
      %add3A_1403 = arith.addi %add3A_1401, %add3A_1402 : i32
      %mul3A_1404 = arith.constant 8 : i32
      %mul3A_1405 = arith.muli %add3A_1403, %mul3A_1404 : i32
      %dma_start3A_1406 = arith.constant 72 : i32
      %dma_start3A_1407 = arith.constant 0 : i32
      %dma_start3A_1408 = tpu.memref_slice %arg10[%dma_start3A_1406, %dma_start3A_1407] : memref<128x129xf32, #tpu.memory_space<vmem>> -> memref<8x128xf32, #tpu.memory_space<vmem>>
      %dma_start3A_1409 = arith.constant 0 : i32
      %dma_start3A_1410 = tpu.memref_slice %arg4[%mul3A_1405, %dma_start3A_1409] : memref<819200x128xf32, #tpu.memory_space<hbm>> -> memref<8x128xf32, #tpu.memory_space<hbm>>
      %dma_start3A_1411 = arith.constant 0 : i32
      %dma_start3A_1412 = tpu.memref_slice %arg4[%mul3A_1405, %dma_start3A_1411] : memref<819200x128xf32, #tpu.memory_space<hbm>> -> memref<8x128xf32, #tpu.memory_space<hbm>>
      %dma_start3A_1413 = arith.constant 72 : i32
      %dma_start3A_1414 = arith.constant 0 : i32
      %dma_start3A_1415 = tpu.memref_slice %arg10[%dma_start3A_1413, %dma_start3A_1414] : memref<128x129xf32, #tpu.memory_space<vmem>> -> memref<8x128xf32, #tpu.memory_space<vmem>>
      tpu.enqueue_dma source(%dma_start3A_1415 : memref<8x128xf32, #tpu.memory_space<vmem>>) target(%dma_start3A_1412 : memref<8x128xf32, #tpu.memory_space<hbm>>) target_semaphore(%arg16 : memref<!tpu.dma_semaphore, #tpu.memory_space<semaphore_mem>>)
      %mul3A_1416 = arith.constant 4 : i32
      %mul3A_1417 = arith.muli %add3A_1237, %mul3A_1416 : i32
      %add3A_1418 = arith.constant 1 : i32
      %add3A_1419 = arith.addi %mul3A_1417, %add3A_1418 : i32
      %mul3A_1420 = arith.constant 128 : i32
      %mul3A_1421 = arith.muli %add3A_1419, %mul3A_1420 : i32
      %mul3A_1422 = arith.constant 4 : i32
      %mul3A_1423 = arith.muli %mul3A_1422, %add3A : i32
      %add3A_1424 = arith.addi %mul3A_1421, %mul3A_1423 : i32
      %add3A_1425 = arith.constant 3 : i32
      %add3A_1426 = arith.addi %add3A_1424, %add3A_1425 : i32
      %mul3A_1427 = arith.constant 8 : i32
      %mul3A_1428 = arith.muli %add3A_1426, %mul3A_1427 : i32
      %dma_start3A_1429 = arith.constant 104 : i32
      %dma_start3A_1430 = arith.constant 0 : i32
      %dma_start3A_1431 = tpu.memref_slice %arg10[%dma_start3A_1429, %dma_start3A_1430] : memref<128x129xf32, #tpu.memory_space<vmem>> -> memref<8x128xf32, #tpu.memory_space<vmem>>
      %dma_start3A_1432 = arith.constant 0 : i32
      %dma_start3A_1433 = tpu.memref_slice %arg4[%mul3A_1428, %dma_start3A_1432] : memref<819200x128xf32, #tpu.memory_space<hbm>> -> memref<8x128xf32, #tpu.memory_space<hbm>>
      %dma_start3A_1434 = arith.constant 0 : i32
      %dma_start3A_1435 = tpu.memref_slice %arg4[%mul3A_1428, %dma_start3A_1434] : memref<819200x128xf32, #tpu.memory_space<hbm>> -> memref<8x128xf32, #tpu.memory_space<hbm>>
      %dma_start3A_1436 = arith.constant 104 : i32
      %dma_start3A_1437 = arith.constant 0 : i32
      %dma_start3A_1438 = tpu.memref_slice %arg10[%dma_start3A_1436, %dma_start3A_1437] : memref<128x129xf32, #tpu.memory_space<vmem>> -> memref<8x128xf32, #tpu.memory_space<vmem>>
      tpu.enqueue_dma source(%dma_start3A_1438 : memref<8x128xf32, #tpu.memory_space<vmem>>) target(%dma_start3A_1435 : memref<8x128xf32, #tpu.memory_space<hbm>>) target_semaphore(%arg16 : memref<!tpu.dma_semaphore, #tpu.memory_space<semaphore_mem>>)
      %mul3A_1439 = arith.constant 4 : i32
      %mul3A_1440 = arith.muli %add3A_1237, %mul3A_1439 : i32
      %add3A_1441 = arith.constant 2 : i32
      %add3A_1442 = arith.addi %mul3A_1440, %add3A_1441 : i32
      %mul3A_1443 = arith.constant 128 : i32
      %mul3A_1444 = arith.muli %add3A_1442, %mul3A_1443 : i32
      %mul3A_1445 = arith.constant 4 : i32
      %mul3A_1446 = arith.muli %mul3A_1445, %add3A : i32
      %add3A_1447 = arith.addi %mul3A_1444, %mul3A_1446 : i32
      %add3A_1448 = arith.constant 0 : i32
      %add3A_1449 = arith.addi %add3A_1447, %add3A_1448 : i32
      %mul3A_1450 = arith.constant 8 : i32
      %mul3A_1451 = arith.muli %add3A_1449, %mul3A_1450 : i32
      %dma_start3A_1452 = arith.constant 16 : i32
      %dma_start3A_1453 = arith.constant 0 : i32
      %dma_start3A_1454 = tpu.memref_slice %arg10[%dma_start3A_1452, %dma_start3A_1453] : memref<128x129xf32, #tpu.memory_space<vmem>> -> memref<8x128xf32, #tpu.memory_space<vmem>>
      %dma_start3A_1455 = arith.constant 0 : i32
      %dma_start3A_1456 = tpu.memref_slice %arg4[%mul3A_1451, %dma_start3A_1455] : memref<819200x128xf32, #tpu.memory_space<hbm>> -> memref<8x128xf32, #tpu.memory_space<hbm>>
      %dma_start3A_1457 = arith.constant 0 : i32
      %dma_start3A_1458 = tpu.memref_slice %arg4[%mul3A_1451, %dma_start3A_1457] : memref<819200x128xf32, #tpu.memory_space<hbm>> -> memref<8x128xf32, #tpu.memory_space<hbm>>
      %dma_start3A_1459 = arith.constant 16 : i32
      %dma_start3A_1460 = arith.constant 0 : i32
      %dma_start3A_1461 = tpu.memref_slice %arg10[%dma_start3A_1459, %dma_start3A_1460] : memref<128x129xf32, #tpu.memory_space<vmem>> -> memref<8x128xf32, #tpu.memory_space<vmem>>
      tpu.enqueue_dma source(%dma_start3A_1461 : memref<8x128xf32, #tpu.memory_space<vmem>>) target(%dma_start3A_1458 : memref<8x128xf32, #tpu.memory_space<hbm>>) target_semaphore(%arg16 : memref<!tpu.dma_semaphore, #tpu.memory_space<semaphore_mem>>)
      %mul3A_1462 = arith.constant 4 : i32
      %mul3A_1463 = arith.muli %add3A_1237, %mul3A_1462 : i32
      %add3A_1464 = arith.constant 2 : i32
      %add3A_1465 = arith.addi %mul3A_1463, %add3A_1464 : i32
      %mul3A_1466 = arith.constant 128 : i32
      %mul3A_1467 = arith.muli %add3A_1465, %mul3A_1466 : i32
      %mul3A_1468 = arith.constant 4 : i32
      %mul3A_1469 = arith.muli %mul3A_1468, %add3A : i32
      %add3A_1470 = arith.addi %mul3A_1467, %mul3A_1469 : i32
      %add3A_1471 = arith.constant 1 : i32
      %add3A_1472 = arith.addi %add3A_1470, %add3A_1471 : i32
      %mul3A_1473 = arith.constant 8 : i32
      %mul3A_1474 = arith.muli %add3A_1472, %mul3A_1473 : i32
      %dma_start3A_1475 = arith.constant 48 : i32
      %dma_start3A_1476 = arith.constant 0 : i32
      %dma_start3A_1477 = tpu.memref_slice %arg10[%dma_start3A_1475, %dma_start3A_1476] : memref<128x129xf32, #tpu.memory_space<vmem>> -> memref<8x128xf32, #tpu.memory_space<vmem>>
      %dma_start3A_1478 = arith.constant 0 : i32
      %dma_start3A_1479 = tpu.memref_slice %arg4[%mul3A_1474, %dma_start3A_1478] : memref<819200x128xf32, #tpu.memory_space<hbm>> -> memref<8x128xf32, #tpu.memory_space<hbm>>
      %dma_start3A_1480 = arith.constant 0 : i32
      %dma_start3A_1481 = tpu.memref_slice %arg4[%mul3A_1474, %dma_start3A_1480] : memref<819200x128xf32, #tpu.memory_space<hbm>> -> memref<8x128xf32, #tpu.memory_space<hbm>>
      %dma_start3A_1482 = arith.constant 48 : i32
      %dma_start3A_1483 = arith.constant 0 : i32
      %dma_start3A_1484 = tpu.memref_slice %arg10[%dma_start3A_1482, %dma_start3A_1483] : memref<128x129xf32, #tpu.memory_space<vmem>> -> memref<8x128xf32, #tpu.memory_space<vmem>>
      tpu.enqueue_dma source(%dma_start3A_1484 : memref<8x128xf32, #tpu.memory_space<vmem>>) target(%dma_start3A_1481 : memref<8x128xf32, #tpu.memory_space<hbm>>) target_semaphore(%arg16 : memref<!tpu.dma_semaphore, #tpu.memory_space<semaphore_mem>>)
      %mul3A_1485 = arith.constant 4 : i32
      %mul3A_1486 = arith.muli %add3A_1237, %mul3A_1485 : i32
      %add3A_1487 = arith.constant 2 : i32
      %add3A_1488 = arith.addi %mul3A_1486, %add3A_1487 : i32
      %mul3A_1489 = arith.constant 128 : i32
      %mul3A_1490 = arith.muli %add3A_1488, %mul3A_1489 : i32
      %mul3A_1491 = arith.constant 4 : i32
      %mul3A_1492 = arith.muli %mul3A_1491, %add3A : i32
      %add3A_1493 = arith.addi %mul3A_1490, %mul3A_1492 : i32
      %add3A_1494 = arith.constant 2 : i32
      %add3A_1495 = arith.addi %add3A_1493, %add3A_1494 : i32
      %mul3A_1496 = arith.constant 8 : i32
      %mul3A_1497 = arith.muli %add3A_1495, %mul3A_1496 : i32
      %dma_start3A_1498 = arith.constant 80 : i32
      %dma_start3A_1499 = arith.constant 0 : i32
      %dma_start3A_1500 = tpu.memref_slice %arg10[%dma_start3A_1498, %dma_start3A_1499] : memref<128x129xf32, #tpu.memory_space<vmem>> -> memref<8x128xf32, #tpu.memory_space<vmem>>
      %dma_start3A_1501 = arith.constant 0 : i32
      %dma_start3A_1502 = tpu.memref_slice %arg4[%mul3A_1497, %dma_start3A_1501] : memref<819200x128xf32, #tpu.memory_space<hbm>> -> memref<8x128xf32, #tpu.memory_space<hbm>>
      %dma_start3A_1503 = arith.constant 0 : i32
      %dma_start3A_1504 = tpu.memref_slice %arg4[%mul3A_1497, %dma_start3A_1503] : memref<819200x128xf32, #tpu.memory_space<hbm>> -> memref<8x128xf32, #tpu.memory_space<hbm>>
      %dma_start3A_1505 = arith.constant 80 : i32
      %dma_start3A_1506 = arith.constant 0 : i32
      %dma_start3A_1507 = tpu.memref_slice %arg10[%dma_start3A_1505, %dma_start3A_1506] : memref<128x129xf32, #tpu.memory_space<vmem>> -> memref<8x128xf32, #tpu.memory_space<vmem>>
      tpu.enqueue_dma source(%dma_start3A_1507 : memref<8x128xf32, #tpu.memory_space<vmem>>) target(%dma_start3A_1504 : memref<8x128xf32, #tpu.memory_space<hbm>>) target_semaphore(%arg16 : memref<!tpu.dma_semaphore, #tpu.memory_space<semaphore_mem>>)
      %mul3A_1508 = arith.constant 4 : i32
      %mul3A_1509 = arith.muli %add3A_1237, %mul3A_1508 : i32
      %add3A_1510 = arith.constant 2 : i32
      %add3A_1511 = arith.addi %mul3A_1509, %add3A_1510 : i32
      %mul3A_1512 = arith.constant 128 : i32
      %mul3A_1513 = arith.muli %add3A_1511, %mul3A_1512 : i32
      %mul3A_1514 = arith.constant 4 : i32
      %mul3A_1515 = arith.muli %mul3A_1514, %add3A : i32
      %add3A_1516 = arith.addi %mul3A_1513, %mul3A_1515 : i32
      %add3A_1517 = arith.constant 3 : i32
      %add3A_1518 = arith.addi %add3A_1516, %add3A_1517 : i32
      %mul3A_1519 = arith.constant 8 : i32
      %mul3A_1520 = arith.muli %add3A_1518, %mul3A_1519 : i32
      %dma_start3A_1521 = arith.constant 112 : i32
      %dma_start3A_1522 = arith.constant 0 : i32
      %dma_start3A_1523 = tpu.memref_slice %arg10[%dma_start3A_1521, %dma_start3A_1522] : memref<128x129xf32, #tpu.memory_space<vmem>> -> memref<8x128xf32, #tpu.memory_space<vmem>>
      %dma_start3A_1524 = arith.constant 0 : i32
      %dma_start3A_1525 = tpu.memref_slice %arg4[%mul3A_1520, %dma_start3A_1524] : memref<819200x128xf32, #tpu.memory_space<hbm>> -> memref<8x128xf32, #tpu.memory_space<hbm>>
      %dma_start3A_1526 = arith.constant 0 : i32
      %dma_start3A_1527 = tpu.memref_slice %arg4[%mul3A_1520, %dma_start3A_1526] : memref<819200x128xf32, #tpu.memory_space<hbm>> -> memref<8x128xf32, #tpu.memory_space<hbm>>
      %dma_start3A_1528 = arith.constant 112 : i32
      %dma_start3A_1529 = arith.constant 0 : i32
      %dma_start3A_1530 = tpu.memref_slice %arg10[%dma_start3A_1528, %dma_start3A_1529] : memref<128x129xf32, #tpu.memory_space<vmem>> -> memref<8x128xf32, #tpu.memory_space<vmem>>
      tpu.enqueue_dma source(%dma_start3A_1530 : memref<8x128xf32, #tpu.memory_space<vmem>>) target(%dma_start3A_1527 : memref<8x128xf32, #tpu.memory_space<hbm>>) target_semaphore(%arg16 : memref<!tpu.dma_semaphore, #tpu.memory_space<semaphore_mem>>)
      %mul3A_1531 = arith.constant 4 : i32
      %mul3A_1532 = arith.muli %add3A_1237, %mul3A_1531 : i32
      %add3A_1533 = arith.constant 3 : i32
      %add3A_1534 = arith.addi %mul3A_1532, %add3A_1533 : i32
      %mul3A_1535 = arith.constant 128 : i32
      %mul3A_1536 = arith.muli %add3A_1534, %mul3A_1535 : i32
      %mul3A_1537 = arith.constant 4 : i32
      %mul3A_1538 = arith.muli %mul3A_1537, %add3A : i32
      %add3A_1539 = arith.addi %mul3A_1536, %mul3A_1538 : i32
      %add3A_1540 = arith.constant 0 : i32
      %add3A_1541 = arith.addi %add3A_1539, %add3A_1540 : i32
      %mul3A_1542 = arith.constant 8 : i32
      %mul3A_1543 = arith.muli %add3A_1541, %mul3A_1542 : i32
      %dma_start3A_1544 = arith.constant 24 : i32
      %dma_start3A_1545 = arith.constant 0 : i32
      %dma_start3A_1546 = tpu.memref_slice %arg10[%dma_start3A_1544, %dma_start3A_1545] : memref<128x129xf32, #tpu.memory_space<vmem>> -> memref<8x128xf32, #tpu.memory_space<vmem>>
      %dma_start3A_1547 = arith.constant 0 : i32
      %dma_start3A_1548 = tpu.memref_slice %arg4[%mul3A_1543, %dma_start3A_1547] : memref<819200x128xf32, #tpu.memory_space<hbm>> -> memref<8x128xf32, #tpu.memory_space<hbm>>
      %dma_start3A_1549 = arith.constant 0 : i32
      %dma_start3A_1550 = tpu.memref_slice %arg4[%mul3A_1543, %dma_start3A_1549] : memref<819200x128xf32, #tpu.memory_space<hbm>> -> memref<8x128xf32, #tpu.memory_space<hbm>>
      %dma_start3A_1551 = arith.constant 24 : i32
      %dma_start3A_1552 = arith.constant 0 : i32
      %dma_start3A_1553 = tpu.memref_slice %arg10[%dma_start3A_1551, %dma_start3A_1552] : memref<128x129xf32, #tpu.memory_space<vmem>> -> memref<8x128xf32, #tpu.memory_space<vmem>>
      tpu.enqueue_dma source(%dma_start3A_1553 : memref<8x128xf32, #tpu.memory_space<vmem>>) target(%dma_start3A_1550 : memref<8x128xf32, #tpu.memory_space<hbm>>) target_semaphore(%arg16 : memref<!tpu.dma_semaphore, #tpu.memory_space<semaphore_mem>>)
      %mul3A_1554 = arith.constant 4 : i32
      %mul3A_1555 = arith.muli %add3A_1237, %mul3A_1554 : i32
      %add3A_1556 = arith.constant 3 : i32
      %add3A_1557 = arith.addi %mul3A_1555, %add3A_1556 : i32
      %mul3A_1558 = arith.constant 128 : i32
      %mul3A_1559 = arith.muli %add3A_1557, %mul3A_1558 : i32
      %mul3A_1560 = arith.constant 4 : i32
      %mul3A_1561 = arith.muli %mul3A_1560, %add3A : i32
      %add3A_1562 = arith.addi %mul3A_1559, %mul3A_1561 : i32
      %add3A_1563 = arith.constant 1 : i32
      %add3A_1564 = arith.addi %add3A_1562, %add3A_1563 : i32
      %mul3A_1565 = arith.constant 8 : i32
      %mul3A_1566 = arith.muli %add3A_1564, %mul3A_1565 : i32
      %dma_start3A_1567 = arith.constant 56 : i32
      %dma_start3A_1568 = arith.constant 0 : i32
      %dma_start3A_1569 = tpu.memref_slice %arg10[%dma_start3A_1567, %dma_start3A_1568] : memref<128x129xf32, #tpu.memory_space<vmem>> -> memref<8x128xf32, #tpu.memory_space<vmem>>
      %dma_start3A_1570 = arith.constant 0 : i32
      %dma_start3A_1571 = tpu.memref_slice %arg4[%mul3A_1566, %dma_start3A_1570] : memref<819200x128xf32, #tpu.memory_space<hbm>> -> memref<8x128xf32, #tpu.memory_space<hbm>>
      %dma_start3A_1572 = arith.constant 0 : i32
      %dma_start3A_1573 = tpu.memref_slice %arg4[%mul3A_1566, %dma_start3A_1572] : memref<819200x128xf32, #tpu.memory_space<hbm>> -> memref<8x128xf32, #tpu.memory_space<hbm>>
      %dma_start3A_1574 = arith.constant 56 : i32
      %dma_start3A_1575 = arith.constant 0 : i32
      %dma_start3A_1576 = tpu.memref_slice %arg10[%dma_start3A_1574, %dma_start3A_1575] : memref<128x129xf32, #tpu.memory_space<vmem>> -> memref<8x128xf32, #tpu.memory_space<vmem>>
      tpu.enqueue_dma source(%dma_start3A_1576 : memref<8x128xf32, #tpu.memory_space<vmem>>) target(%dma_start3A_1573 : memref<8x128xf32, #tpu.memory_space<hbm>>) target_semaphore(%arg16 : memref<!tpu.dma_semaphore, #tpu.memory_space<semaphore_mem>>)
      %mul3A_1577 = arith.constant 4 : i32
      %mul3A_1578 = arith.muli %add3A_1237, %mul3A_1577 : i32
      %add3A_1579 = arith.constant 3 : i32
      %add3A_1580 = arith.addi %mul3A_1578, %add3A_1579 : i32
      %mul3A_1581 = arith.constant 128 : i32
      %mul3A_1582 = arith.muli %add3A_1580, %mul3A_1581 : i32
      %mul3A_1583 = arith.constant 4 : i32
      %mul3A_1584 = arith.muli %mul3A_1583, %add3A : i32
      %add3A_1585 = arith.addi %mul3A_1582, %mul3A_1584 : i32
      %add3A_1586 = arith.constant 2 : i32
      %add3A_1587 = arith.addi %add3A_1585, %add3A_1586 : i32
      %mul3A_1588 = arith.constant 8 : i32
      %mul3A_1589 = arith.muli %add3A_1587, %mul3A_1588 : i32
      %dma_start3A_1590 = arith.constant 88 : i32
      %dma_start3A_1591 = arith.constant 0 : i32
      %dma_start3A_1592 = tpu.memref_slice %arg10[%dma_start3A_1590, %dma_start3A_1591] : memref<128x129xf32, #tpu.memory_space<vmem>> -> memref<8x128xf32, #tpu.memory_space<vmem>>
      %dma_start3A_1593 = arith.constant 0 : i32
      %dma_start3A_1594 = tpu.memref_slice %arg4[%mul3A_1589, %dma_start3A_1593] : memref<819200x128xf32, #tpu.memory_space<hbm>> -> memref<8x128xf32, #tpu.memory_space<hbm>>
      %dma_start3A_1595 = arith.constant 0 : i32
      %dma_start3A_1596 = tpu.memref_slice %arg4[%mul3A_1589, %dma_start3A_1595] : memref<819200x128xf32, #tpu.memory_space<hbm>> -> memref<8x128xf32, #tpu.memory_space<hbm>>
      %dma_start3A_1597 = arith.constant 88 : i32
      %dma_start3A_1598 = arith.constant 0 : i32
      %dma_start3A_1599 = tpu.memref_slice %arg10[%dma_start3A_1597, %dma_start3A_1598] : memref<128x129xf32, #tpu.memory_space<vmem>> -> memref<8x128xf32, #tpu.memory_space<vmem>>
      tpu.enqueue_dma source(%dma_start3A_1599 : memref<8x128xf32, #tpu.memory_space<vmem>>) target(%dma_start3A_1596 : memref<8x128xf32, #tpu.memory_space<hbm>>) target_semaphore(%arg16 : memref<!tpu.dma_semaphore, #tpu.memory_space<semaphore_mem>>)
      %mul3A_1600 = arith.constant 4 : i32
      %mul3A_1601 = arith.muli %add3A_1237, %mul3A_1600 : i32
      %add3A_1602 = arith.constant 3 : i32
      %add3A_1603 = arith.addi %mul3A_1601, %add3A_1602 : i32
      %mul3A_1604 = arith.constant 128 : i32
      %mul3A_1605 = arith.muli %add3A_1603, %mul3A_1604 : i32
      %mul3A_1606 = arith.constant 4 : i32
      %mul3A_1607 = arith.muli %mul3A_1606, %add3A : i32
      %add3A_1608 = arith.addi %mul3A_1605, %mul3A_1607 : i32
      %add3A_1609 = arith.constant 3 : i32
      %add3A_1610 = arith.addi %add3A_1608, %add3A_1609 : i32
      %mul3A_1611 = arith.constant 8 : i32
      %mul3A_1612 = arith.muli %add3A_1610, %mul3A_1611 : i32
      %dma_start3A_1613 = arith.constant 120 : i32
      %dma_start3A_1614 = arith.constant 0 : i32
      %dma_start3A_1615 = tpu.memref_slice %arg10[%dma_start3A_1613, %dma_start3A_1614] : memref<128x129xf32, #tpu.memory_space<vmem>> -> memref<8x128xf32, #tpu.memory_space<vmem>>
      %dma_start3A_1616 = arith.constant 0 : i32
      %dma_start3A_1617 = tpu.memref_slice %arg4[%mul3A_1612, %dma_start3A_1616] : memref<819200x128xf32, #tpu.memory_space<hbm>> -> memref<8x128xf32, #tpu.memory_space<hbm>>
      %dma_start3A_1618 = arith.constant 0 : i32
      %dma_start3A_1619 = tpu.memref_slice %arg4[%mul3A_1612, %dma_start3A_1618] : memref<819200x128xf32, #tpu.memory_space<hbm>> -> memref<8x128xf32, #tpu.memory_space<hbm>>
      %dma_start3A_1620 = arith.constant 120 : i32
      %dma_start3A_1621 = arith.constant 0 : i32
      %dma_start3A_1622 = tpu.memref_slice %arg10[%dma_start3A_1620, %dma_start3A_1621] : memref<128x129xf32, #tpu.memory_space<vmem>> -> memref<8x128xf32, #tpu.memory_space<vmem>>
      tpu.enqueue_dma source(%dma_start3A_1622 : memref<8x128xf32, #tpu.memory_space<vmem>>) target(%dma_start3A_1619 : memref<8x128xf32, #tpu.memory_space<hbm>>) target_semaphore(%arg16 : memref<!tpu.dma_semaphore, #tpu.memory_space<semaphore_mem>>)
    }
    %scan3A_198 = arith.constant 100 : i32
    %mul3A_199 = arith.constant 4 : i32
    %mul3A_200 = arith.muli %mul3A_199, %add3A : i32
    %add3A_201 = arith.constant 101376 : i32
    %add3A_202 = arith.addi %add3A_201, %mul3A_200 : i32
    %add3A_203 = arith.constant 0 : i32
    %add3A_204 = arith.addi %add3A_202, %add3A_203 : i32
    %mul3A_205 = arith.constant 8 : i32
    %mul3A_206 = arith.muli %add3A_204, %mul3A_205 : i32
    %dma_wait3A_207 = arith.constant 0 : i32
    %dma_wait3A_208 = arith.constant 0 : i32
    %dma_wait3A_209 = tpu.memref_slice %arg9[%dma_wait3A_207, %dma_wait3A_208] : memref<128x129xf32, #tpu.memory_space<vmem>> -> memref<8x128xf32, #tpu.memory_space<vmem>>
    %dma_wait3A_210 = arith.constant 0 : i32
    %dma_wait3A_211 = tpu.memref_slice %arg4[%mul3A_206, %dma_wait3A_210] : memref<819200x128xf32, #tpu.memory_space<hbm>> -> memref<8x128xf32, #tpu.memory_space<hbm>>
    %dma_wait3A_212 = arith.constant 0 : i32
    %dma_wait3A_213 = tpu.memref_slice %arg4[%mul3A_206, %dma_wait3A_212] : memref<819200x128xf32, #tpu.memory_space<hbm>> -> memref<8x128xf32, #tpu.memory_space<hbm>>
    %dma_wait3A_214 = arith.constant 0 : i32
    %dma_wait3A_215 = arith.constant 0 : i32
    %dma_wait3A_216 = tpu.memref_slice %arg9[%dma_wait3A_214, %dma_wait3A_215] : memref<128x129xf32, #tpu.memory_space<vmem>> -> memref<8x128xf32, #tpu.memory_space<vmem>>
    tpu.wait_dma2 semaphore(%arg15 : memref<!tpu.dma_semaphore, #tpu.memory_space<semaphore_mem>>) src(%dma_wait3A_216 : memref<8x128xf32, #tpu.memory_space<vmem>>) dst(%dma_wait3A_213 : memref<8x128xf32, #tpu.memory_space<hbm>>)
    %mul3A_217 = arith.constant 4 : i32
    %mul3A_218 = arith.muli %mul3A_217, %add3A : i32
    %add3A_219 = arith.constant 101376 : i32
    %add3A_220 = arith.addi %add3A_219, %mul3A_218 : i32
    %add3A_221 = arith.constant 1 : i32
    %add3A_222 = arith.addi %add3A_220, %add3A_221 : i32
    %mul3A_223 = arith.constant 8 : i32
    %mul3A_224 = arith.muli %add3A_222, %mul3A_223 : i32
    %dma_wait3A_225 = arith.constant 32 : i32
    %dma_wait3A_226 = arith.constant 0 : i32
    %dma_wait3A_227 = tpu.memref_slice %arg9[%dma_wait3A_225, %dma_wait3A_226] : memref<128x129xf32, #tpu.memory_space<vmem>> -> memref<8x128xf32, #tpu.memory_space<vmem>>
    %dma_wait3A_228 = arith.constant 0 : i32
    %dma_wait3A_229 = tpu.memref_slice %arg4[%mul3A_224, %dma_wait3A_228] : memref<819200x128xf32, #tpu.memory_space<hbm>> -> memref<8x128xf32, #tpu.memory_space<hbm>>
    %dma_wait3A_230 = arith.constant 0 : i32
    %dma_wait3A_231 = tpu.memref_slice %arg4[%mul3A_224, %dma_wait3A_230] : memref<819200x128xf32, #tpu.memory_space<hbm>> -> memref<8x128xf32, #tpu.memory_space<hbm>>
    %dma_wait3A_232 = arith.constant 32 : i32
    %dma_wait3A_233 = arith.constant 0 : i32
    %dma_wait3A_234 = tpu.memref_slice %arg9[%dma_wait3A_232, %dma_wait3A_233] : memref<128x129xf32, #tpu.memory_space<vmem>> -> memref<8x128xf32, #tpu.memory_space<vmem>>
    tpu.wait_dma2 semaphore(%arg15 : memref<!tpu.dma_semaphore, #tpu.memory_space<semaphore_mem>>) src(%dma_wait3A_234 : memref<8x128xf32, #tpu.memory_space<vmem>>) dst(%dma_wait3A_231 : memref<8x128xf32, #tpu.memory_space<hbm>>)
    %mul3A_235 = arith.constant 4 : i32
    %mul3A_236 = arith.muli %mul3A_235, %add3A : i32
    %add3A_237 = arith.constant 101376 : i32
    %add3A_238 = arith.addi %add3A_237, %mul3A_236 : i32
    %add3A_239 = arith.constant 2 : i32
    %add3A_240 = arith.addi %add3A_238, %add3A_239 : i32
    %mul3A_241 = arith.constant 8 : i32
    %mul3A_242 = arith.muli %add3A_240, %mul3A_241 : i32
    %dma_wait3A_243 = arith.constant 64 : i32
    %dma_wait3A_244 = arith.constant 0 : i32
    %dma_wait3A_245 = tpu.memref_slice %arg9[%dma_wait3A_243, %dma_wait3A_244] : memref<128x129xf32, #tpu.memory_space<vmem>> -> memref<8x128xf32, #tpu.memory_space<vmem>>
    %dma_wait3A_246 = arith.constant 0 : i32
    %dma_wait3A_247 = tpu.memref_slice %arg4[%mul3A_242, %dma_wait3A_246] : memref<819200x128xf32, #tpu.memory_space<hbm>> -> memref<8x128xf32, #tpu.memory_space<hbm>>
    %dma_wait3A_248 = arith.constant 0 : i32
    %dma_wait3A_249 = tpu.memref_slice %arg4[%mul3A_242, %dma_wait3A_248] : memref<819200x128xf32, #tpu.memory_space<hbm>> -> memref<8x128xf32, #tpu.memory_space<hbm>>
    %dma_wait3A_250 = arith.constant 64 : i32
    %dma_wait3A_251 = arith.constant 0 : i32
    %dma_wait3A_252 = tpu.memref_slice %arg9[%dma_wait3A_250, %dma_wait3A_251] : memref<128x129xf32, #tpu.memory_space<vmem>> -> memref<8x128xf32, #tpu.memory_space<vmem>>
    tpu.wait_dma2 semaphore(%arg15 : memref<!tpu.dma_semaphore, #tpu.memory_space<semaphore_mem>>) src(%dma_wait3A_252 : memref<8x128xf32, #tpu.memory_space<vmem>>) dst(%dma_wait3A_249 : memref<8x128xf32, #tpu.memory_space<hbm>>)
    %mul3A_253 = arith.constant 4 : i32
    %mul3A_254 = arith.muli %mul3A_253, %add3A : i32
    %add3A_255 = arith.constant 101376 : i32
    %add3A_256 = arith.addi %add3A_255, %mul3A_254 : i32
    %add3A_257 = arith.constant 3 : i32
    %add3A_258 = arith.addi %add3A_256, %add3A_257 : i32
    %mul3A_259 = arith.constant 8 : i32
    %mul3A_260 = arith.muli %add3A_258, %mul3A_259 : i32
    %dma_wait3A_261 = arith.constant 96 : i32
    %dma_wait3A_262 = arith.constant 0 : i32
    %dma_wait3A_263 = tpu.memref_slice %arg9[%dma_wait3A_261, %dma_wait3A_262] : memref<128x129xf32, #tpu.memory_space<vmem>> -> memref<8x128xf32, #tpu.memory_space<vmem>>
    %dma_wait3A_264 = arith.constant 0 : i32
    %dma_wait3A_265 = tpu.memref_slice %arg4[%mul3A_260, %dma_wait3A_264] : memref<819200x128xf32, #tpu.memory_space<hbm>> -> memref<8x128xf32, #tpu.memory_space<hbm>>
    %dma_wait3A_266 = arith.constant 0 : i32
    %dma_wait3A_267 = tpu.memref_slice %arg4[%mul3A_260, %dma_wait3A_266] : memref<819200x128xf32, #tpu.memory_space<hbm>> -> memref<8x128xf32, #tpu.memory_space<hbm>>
    %dma_wait3A_268 = arith.constant 96 : i32
    %dma_wait3A_269 = arith.constant 0 : i32
    %dma_wait3A_270 = tpu.memref_slice %arg9[%dma_wait3A_268, %dma_wait3A_269] : memref<128x129xf32, #tpu.memory_space<vmem>> -> memref<8x128xf32, #tpu.memory_space<vmem>>
    tpu.wait_dma2 semaphore(%arg15 : memref<!tpu.dma_semaphore, #tpu.memory_space<semaphore_mem>>) src(%dma_wait3A_270 : memref<8x128xf32, #tpu.memory_space<vmem>>) dst(%dma_wait3A_267 : memref<8x128xf32, #tpu.memory_space<hbm>>)
    %mul3A_271 = arith.constant 4 : i32
    %mul3A_272 = arith.muli %mul3A_271, %add3A : i32
    %add3A_273 = arith.constant 101504 : i32
    %add3A_274 = arith.addi %add3A_273, %mul3A_272 : i32
    %add3A_275 = arith.constant 0 : i32
    %add3A_276 = arith.addi %add3A_274, %add3A_275 : i32
    %mul3A_277 = arith.constant 8 : i32
    %mul3A_278 = arith.muli %add3A_276, %mul3A_277 : i32
    %dma_wait3A_279 = arith.constant 8 : i32
    %dma_wait3A_280 = arith.constant 0 : i32
    %dma_wait3A_281 = tpu.memref_slice %arg9[%dma_wait3A_279, %dma_wait3A_280] : memref<128x129xf32, #tpu.memory_space<vmem>> -> memref<8x128xf32, #tpu.memory_space<vmem>>
    %dma_wait3A_282 = arith.constant 0 : i32
    %dma_wait3A_283 = tpu.memref_slice %arg4[%mul3A_278, %dma_wait3A_282] : memref<819200x128xf32, #tpu.memory_space<hbm>> -> memref<8x128xf32, #tpu.memory_space<hbm>>
    %dma_wait3A_284 = arith.constant 0 : i32
    %dma_wait3A_285 = tpu.memref_slice %arg4[%mul3A_278, %dma_wait3A_284] : memref<819200x128xf32, #tpu.memory_space<hbm>> -> memref<8x128xf32, #tpu.memory_space<hbm>>
    %dma_wait3A_286 = arith.constant 8 : i32
    %dma_wait3A_287 = arith.constant 0 : i32
    %dma_wait3A_288 = tpu.memref_slice %arg9[%dma_wait3A_286, %dma_wait3A_287] : memref<128x129xf32, #tpu.memory_space<vmem>> -> memref<8x128xf32, #tpu.memory_space<vmem>>
    tpu.wait_dma2 semaphore(%arg15 : memref<!tpu.dma_semaphore, #tpu.memory_space<semaphore_mem>>) src(%dma_wait3A_288 : memref<8x128xf32, #tpu.memory_space<vmem>>) dst(%dma_wait3A_285 : memref<8x128xf32, #tpu.memory_space<hbm>>)
    %mul3A_289 = arith.constant 4 : i32
    %mul3A_290 = arith.muli %mul3A_289, %add3A : i32
    %add3A_291 = arith.constant 101504 : i32
    %add3A_292 = arith.addi %add3A_291, %mul3A_290 : i32
    %add3A_293 = arith.constant 1 : i32
    %add3A_294 = arith.addi %add3A_292, %add3A_293 : i32
    %mul3A_295 = arith.constant 8 : i32
    %mul3A_296 = arith.muli %add3A_294, %mul3A_295 : i32
    %dma_wait3A_297 = arith.constant 40 : i32
    %dma_wait3A_298 = arith.constant 0 : i32
    %dma_wait3A_299 = tpu.memref_slice %arg9[%dma_wait3A_297, %dma_wait3A_298] : memref<128x129xf32, #tpu.memory_space<vmem>> -> memref<8x128xf32, #tpu.memory_space<vmem>>
    %dma_wait3A_300 = arith.constant 0 : i32
    %dma_wait3A_301 = tpu.memref_slice %arg4[%mul3A_296, %dma_wait3A_300] : memref<819200x128xf32, #tpu.memory_space<hbm>> -> memref<8x128xf32, #tpu.memory_space<hbm>>
    %dma_wait3A_302 = arith.constant 0 : i32
    %dma_wait3A_303 = tpu.memref_slice %arg4[%mul3A_296, %dma_wait3A_302] : memref<819200x128xf32, #tpu.memory_space<hbm>> -> memref<8x128xf32, #tpu.memory_space<hbm>>
    %dma_wait3A_304 = arith.constant 40 : i32
    %dma_wait3A_305 = arith.constant 0 : i32
    %dma_wait3A_306 = tpu.memref_slice %arg9[%dma_wait3A_304, %dma_wait3A_305] : memref<128x129xf32, #tpu.memory_space<vmem>> -> memref<8x128xf32, #tpu.memory_space<vmem>>
    tpu.wait_dma2 semaphore(%arg15 : memref<!tpu.dma_semaphore, #tpu.memory_space<semaphore_mem>>) src(%dma_wait3A_306 : memref<8x128xf32, #tpu.memory_space<vmem>>) dst(%dma_wait3A_303 : memref<8x128xf32, #tpu.memory_space<hbm>>)
    %mul3A_307 = arith.constant 4 : i32
    %mul3A_308 = arith.muli %mul3A_307, %add3A : i32
    %add3A_309 = arith.constant 101504 : i32
    %add3A_310 = arith.addi %add3A_309, %mul3A_308 : i32
    %add3A_311 = arith.constant 2 : i32
    %add3A_312 = arith.addi %add3A_310, %add3A_311 : i32
    %mul3A_313 = arith.constant 8 : i32
    %mul3A_314 = arith.muli %add3A_312, %mul3A_313 : i32
    %dma_wait3A_315 = arith.constant 72 : i32
    %dma_wait3A_316 = arith.constant 0 : i32
    %dma_wait3A_317 = tpu.memref_slice %arg9[%dma_wait3A_315, %dma_wait3A_316] : memref<128x129xf32, #tpu.memory_space<vmem>> -> memref<8x128xf32, #tpu.memory_space<vmem>>
    %dma_wait3A_318 = arith.constant 0 : i32
    %dma_wait3A_319 = tpu.memref_slice %arg4[%mul3A_314, %dma_wait3A_318] : memref<819200x128xf32, #tpu.memory_space<hbm>> -> memref<8x128xf32, #tpu.memory_space<hbm>>
    %dma_wait3A_320 = arith.constant 0 : i32
    %dma_wait3A_321 = tpu.memref_slice %arg4[%mul3A_314, %dma_wait3A_320] : memref<819200x128xf32, #tpu.memory_space<hbm>> -> memref<8x128xf32, #tpu.memory_space<hbm>>
    %dma_wait3A_322 = arith.constant 72 : i32
    %dma_wait3A_323 = arith.constant 0 : i32
    %dma_wait3A_324 = tpu.memref_slice %arg9[%dma_wait3A_322, %dma_wait3A_323] : memref<128x129xf32, #tpu.memory_space<vmem>> -> memref<8x128xf32, #tpu.memory_space<vmem>>
    tpu.wait_dma2 semaphore(%arg15 : memref<!tpu.dma_semaphore, #tpu.memory_space<semaphore_mem>>) src(%dma_wait3A_324 : memref<8x128xf32, #tpu.memory_space<vmem>>) dst(%dma_wait3A_321 : memref<8x128xf32, #tpu.memory_space<hbm>>)
    %mul3A_325 = arith.constant 4 : i32
    %mul3A_326 = arith.muli %mul3A_325, %add3A : i32
    %add3A_327 = arith.constant 101504 : i32
    %add3A_328 = arith.addi %add3A_327, %mul3A_326 : i32
    %add3A_329 = arith.constant 3 : i32
    %add3A_330 = arith.addi %add3A_328, %add3A_329 : i32
    %mul3A_331 = arith.constant 8 : i32
    %mul3A_332 = arith.muli %add3A_330, %mul3A_331 : i32
    %dma_wait3A_333 = arith.constant 104 : i32
    %dma_wait3A_334 = arith.constant 0 : i32
    %dma_wait3A_335 = tpu.memref_slice %arg9[%dma_wait3A_333, %dma_wait3A_334] : memref<128x129xf32, #tpu.memory_space<vmem>> -> memref<8x128xf32, #tpu.memory_space<vmem>>
    %dma_wait3A_336 = arith.constant 0 : i32
    %dma_wait3A_337 = tpu.memref_slice %arg4[%mul3A_332, %dma_wait3A_336] : memref<819200x128xf32, #tpu.memory_space<hbm>> -> memref<8x128xf32, #tpu.memory_space<hbm>>
    %dma_wait3A_338 = arith.constant 0 : i32
    %dma_wait3A_339 = tpu.memref_slice %arg4[%mul3A_332, %dma_wait3A_338] : memref<819200x128xf32, #tpu.memory_space<hbm>> -> memref<8x128xf32, #tpu.memory_space<hbm>>
    %dma_wait3A_340 = arith.constant 104 : i32
    %dma_wait3A_341 = arith.constant 0 : i32
    %dma_wait3A_342 = tpu.memref_slice %arg9[%dma_wait3A_340, %dma_wait3A_341] : memref<128x129xf32, #tpu.memory_space<vmem>> -> memref<8x128xf32, #tpu.memory_space<vmem>>
    tpu.wait_dma2 semaphore(%arg15 : memref<!tpu.dma_semaphore, #tpu.memory_space<semaphore_mem>>) src(%dma_wait3A_342 : memref<8x128xf32, #tpu.memory_space<vmem>>) dst(%dma_wait3A_339 : memref<8x128xf32, #tpu.memory_space<hbm>>)
    %mul3A_343 = arith.constant 4 : i32
    %mul3A_344 = arith.muli %mul3A_343, %add3A : i32
    %add3A_345 = arith.constant 101632 : i32
    %add3A_346 = arith.addi %add3A_345, %mul3A_344 : i32
    %add3A_347 = arith.constant 0 : i32
    %add3A_348 = arith.addi %add3A_346, %add3A_347 : i32
    %mul3A_349 = arith.constant 8 : i32
    %mul3A_350 = arith.muli %add3A_348, %mul3A_349 : i32
    %dma_wait3A_351 = arith.constant 16 : i32
    %dma_wait3A_352 = arith.constant 0 : i32
    %dma_wait3A_353 = tpu.memref_slice %arg9[%dma_wait3A_351, %dma_wait3A_352] : memref<128x129xf32, #tpu.memory_space<vmem>> -> memref<8x128xf32, #tpu.memory_space<vmem>>
    %dma_wait3A_354 = arith.constant 0 : i32
    %dma_wait3A_355 = tpu.memref_slice %arg4[%mul3A_350, %dma_wait3A_354] : memref<819200x128xf32, #tpu.memory_space<hbm>> -> memref<8x128xf32, #tpu.memory_space<hbm>>
    %dma_wait3A_356 = arith.constant 0 : i32
    %dma_wait3A_357 = tpu.memref_slice %arg4[%mul3A_350, %dma_wait3A_356] : memref<819200x128xf32, #tpu.memory_space<hbm>> -> memref<8x128xf32, #tpu.memory_space<hbm>>
    %dma_wait3A_358 = arith.constant 16 : i32
    %dma_wait3A_359 = arith.constant 0 : i32
    %dma_wait3A_360 = tpu.memref_slice %arg9[%dma_wait3A_358, %dma_wait3A_359] : memref<128x129xf32, #tpu.memory_space<vmem>> -> memref<8x128xf32, #tpu.memory_space<vmem>>
    tpu.wait_dma2 semaphore(%arg15 : memref<!tpu.dma_semaphore, #tpu.memory_space<semaphore_mem>>) src(%dma_wait3A_360 : memref<8x128xf32, #tpu.memory_space<vmem>>) dst(%dma_wait3A_357 : memref<8x128xf32, #tpu.memory_space<hbm>>)
    %mul3A_361 = arith.constant 4 : i32
    %mul3A_362 = arith.muli %mul3A_361, %add3A : i32
    %add3A_363 = arith.constant 101632 : i32
    %add3A_364 = arith.addi %add3A_363, %mul3A_362 : i32
    %add3A_365 = arith.constant 1 : i32
    %add3A_366 = arith.addi %add3A_364, %add3A_365 : i32
    %mul3A_367 = arith.constant 8 : i32
    %mul3A_368 = arith.muli %add3A_366, %mul3A_367 : i32
    %dma_wait3A_369 = arith.constant 48 : i32
    %dma_wait3A_370 = arith.constant 0 : i32
    %dma_wait3A_371 = tpu.memref_slice %arg9[%dma_wait3A_369, %dma_wait3A_370] : memref<128x129xf32, #tpu.memory_space<vmem>> -> memref<8x128xf32, #tpu.memory_space<vmem>>
    %dma_wait3A_372 = arith.constant 0 : i32
    %dma_wait3A_373 = tpu.memref_slice %arg4[%mul3A_368, %dma_wait3A_372] : memref<819200x128xf32, #tpu.memory_space<hbm>> -> memref<8x128xf32, #tpu.memory_space<hbm>>
    %dma_wait3A_374 = arith.constant 0 : i32
    %dma_wait3A_375 = tpu.memref_slice %arg4[%mul3A_368, %dma_wait3A_374] : memref<819200x128xf32, #tpu.memory_space<hbm>> -> memref<8x128xf32, #tpu.memory_space<hbm>>
    %dma_wait3A_376 = arith.constant 48 : i32
    %dma_wait3A_377 = arith.constant 0 : i32
    %dma_wait3A_378 = tpu.memref_slice %arg9[%dma_wait3A_376, %dma_wait3A_377] : memref<128x129xf32, #tpu.memory_space<vmem>> -> memref<8x128xf32, #tpu.memory_space<vmem>>
    tpu.wait_dma2 semaphore(%arg15 : memref<!tpu.dma_semaphore, #tpu.memory_space<semaphore_mem>>) src(%dma_wait3A_378 : memref<8x128xf32, #tpu.memory_space<vmem>>) dst(%dma_wait3A_375 : memref<8x128xf32, #tpu.memory_space<hbm>>)
    %mul3A_379 = arith.constant 4 : i32
    %mul3A_380 = arith.muli %mul3A_379, %add3A : i32
    %add3A_381 = arith.constant 101632 : i32
    %add3A_382 = arith.addi %add3A_381, %mul3A_380 : i32
    %add3A_383 = arith.constant 2 : i32
    %add3A_384 = arith.addi %add3A_382, %add3A_383 : i32
    %mul3A_385 = arith.constant 8 : i32
    %mul3A_386 = arith.muli %add3A_384, %mul3A_385 : i32
    %dma_wait3A_387 = arith.constant 80 : i32
    %dma_wait3A_388 = arith.constant 0 : i32
    %dma_wait3A_389 = tpu.memref_slice %arg9[%dma_wait3A_387, %dma_wait3A_388] : memref<128x129xf32, #tpu.memory_space<vmem>> -> memref<8x128xf32, #tpu.memory_space<vmem>>
    %dma_wait3A_390 = arith.constant 0 : i32
    %dma_wait3A_391 = tpu.memref_slice %arg4[%mul3A_386, %dma_wait3A_390] : memref<819200x128xf32, #tpu.memory_space<hbm>> -> memref<8x128xf32, #tpu.memory_space<hbm>>
    %dma_wait3A_392 = arith.constant 0 : i32
    %dma_wait3A_393 = tpu.memref_slice %arg4[%mul3A_386, %dma_wait3A_392] : memref<819200x128xf32, #tpu.memory_space<hbm>> -> memref<8x128xf32, #tpu.memory_space<hbm>>
    %dma_wait3A_394 = arith.constant 80 : i32
    %dma_wait3A_395 = arith.constant 0 : i32
    %dma_wait3A_396 = tpu.memref_slice %arg9[%dma_wait3A_394, %dma_wait3A_395] : memref<128x129xf32, #tpu.memory_space<vmem>> -> memref<8x128xf32, #tpu.memory_space<vmem>>
    tpu.wait_dma2 semaphore(%arg15 : memref<!tpu.dma_semaphore, #tpu.memory_space<semaphore_mem>>) src(%dma_wait3A_396 : memref<8x128xf32, #tpu.memory_space<vmem>>) dst(%dma_wait3A_393 : memref<8x128xf32, #tpu.memory_space<hbm>>)
    %mul3A_397 = arith.constant 4 : i32
    %mul3A_398 = arith.muli %mul3A_397, %add3A : i32
    %add3A_399 = arith.constant 101632 : i32
    %add3A_400 = arith.addi %add3A_399, %mul3A_398 : i32
    %add3A_401 = arith.constant 3 : i32
    %add3A_402 = arith.addi %add3A_400, %add3A_401 : i32
    %mul3A_403 = arith.constant 8 : i32
    %mul3A_404 = arith.muli %add3A_402, %mul3A_403 : i32
    %dma_wait3A_405 = arith.constant 112 : i32
    %dma_wait3A_406 = arith.constant 0 : i32
    %dma_wait3A_407 = tpu.memref_slice %arg9[%dma_wait3A_405, %dma_wait3A_406] : memref<128x129xf32, #tpu.memory_space<vmem>> -> memref<8x128xf32, #tpu.memory_space<vmem>>
    %dma_wait3A_408 = arith.constant 0 : i32
    %dma_wait3A_409 = tpu.memref_slice %arg4[%mul3A_404, %dma_wait3A_408] : memref<819200x128xf32, #tpu.memory_space<hbm>> -> memref<8x128xf32, #tpu.memory_space<hbm>>
    %dma_wait3A_410 = arith.constant 0 : i32
    %dma_wait3A_411 = tpu.memref_slice %arg4[%mul3A_404, %dma_wait3A_410] : memref<819200x128xf32, #tpu.memory_space<hbm>> -> memref<8x128xf32, #tpu.memory_space<hbm>>
    %dma_wait3A_412 = arith.constant 112 : i32
    %dma_wait3A_413 = arith.constant 0 : i32
    %dma_wait3A_414 = tpu.memref_slice %arg9[%dma_wait3A_412, %dma_wait3A_413] : memref<128x129xf32, #tpu.memory_space<vmem>> -> memref<8x128xf32, #tpu.memory_space<vmem>>
    tpu.wait_dma2 semaphore(%arg15 : memref<!tpu.dma_semaphore, #tpu.memory_space<semaphore_mem>>) src(%dma_wait3A_414 : memref<8x128xf32, #tpu.memory_space<vmem>>) dst(%dma_wait3A_411 : memref<8x128xf32, #tpu.memory_space<hbm>>)
    %mul3A_415 = arith.constant 4 : i32
    %mul3A_416 = arith.muli %mul3A_415, %add3A : i32
    %add3A_417 = arith.constant 101760 : i32
    %add3A_418 = arith.addi %add3A_417, %mul3A_416 : i32
    %add3A_419 = arith.constant 0 : i32
    %add3A_420 = arith.addi %add3A_418, %add3A_419 : i32
    %mul3A_421 = arith.constant 8 : i32
    %mul3A_422 = arith.muli %add3A_420, %mul3A_421 : i32
    %dma_wait3A_423 = arith.constant 24 : i32
    %dma_wait3A_424 = arith.constant 0 : i32
    %dma_wait3A_425 = tpu.memref_slice %arg9[%dma_wait3A_423, %dma_wait3A_424] : memref<128x129xf32, #tpu.memory_space<vmem>> -> memref<8x128xf32, #tpu.memory_space<vmem>>
    %dma_wait3A_426 = arith.constant 0 : i32
    %dma_wait3A_427 = tpu.memref_slice %arg4[%mul3A_422, %dma_wait3A_426] : memref<819200x128xf32, #tpu.memory_space<hbm>> -> memref<8x128xf32, #tpu.memory_space<hbm>>
    %dma_wait3A_428 = arith.constant 0 : i32
    %dma_wait3A_429 = tpu.memref_slice %arg4[%mul3A_422, %dma_wait3A_428] : memref<819200x128xf32, #tpu.memory_space<hbm>> -> memref<8x128xf32, #tpu.memory_space<hbm>>
    %dma_wait3A_430 = arith.constant 24 : i32
    %dma_wait3A_431 = arith.constant 0 : i32
    %dma_wait3A_432 = tpu.memref_slice %arg9[%dma_wait3A_430, %dma_wait3A_431] : memref<128x129xf32, #tpu.memory_space<vmem>> -> memref<8x128xf32, #tpu.memory_space<vmem>>
    tpu.wait_dma2 semaphore(%arg15 : memref<!tpu.dma_semaphore, #tpu.memory_space<semaphore_mem>>) src(%dma_wait3A_432 : memref<8x128xf32, #tpu.memory_space<vmem>>) dst(%dma_wait3A_429 : memref<8x128xf32, #tpu.memory_space<hbm>>)
    %mul3A_433 = arith.constant 4 : i32
    %mul3A_434 = arith.muli %mul3A_433, %add3A : i32
    %add3A_435 = arith.constant 101760 : i32
    %add3A_436 = arith.addi %add3A_435, %mul3A_434 : i32
    %add3A_437 = arith.constant 1 : i32
    %add3A_438 = arith.addi %add3A_436, %add3A_437 : i32
    %mul3A_439 = arith.constant 8 : i32
    %mul3A_440 = arith.muli %add3A_438, %mul3A_439 : i32
    %dma_wait3A_441 = arith.constant 56 : i32
    %dma_wait3A_442 = arith.constant 0 : i32
    %dma_wait3A_443 = tpu.memref_slice %arg9[%dma_wait3A_441, %dma_wait3A_442] : memref<128x129xf32, #tpu.memory_space<vmem>> -> memref<8x128xf32, #tpu.memory_space<vmem>>
    %dma_wait3A_444 = arith.constant 0 : i32
    %dma_wait3A_445 = tpu.memref_slice %arg4[%mul3A_440, %dma_wait3A_444] : memref<819200x128xf32, #tpu.memory_space<hbm>> -> memref<8x128xf32, #tpu.memory_space<hbm>>
    %dma_wait3A_446 = arith.constant 0 : i32
    %dma_wait3A_447 = tpu.memref_slice %arg4[%mul3A_440, %dma_wait3A_446] : memref<819200x128xf32, #tpu.memory_space<hbm>> -> memref<8x128xf32, #tpu.memory_space<hbm>>
    %dma_wait3A_448 = arith.constant 56 : i32
    %dma_wait3A_449 = arith.constant 0 : i32
    %dma_wait3A_450 = tpu.memref_slice %arg9[%dma_wait3A_448, %dma_wait3A_449] : memref<128x129xf32, #tpu.memory_space<vmem>> -> memref<8x128xf32, #tpu.memory_space<vmem>>
    tpu.wait_dma2 semaphore(%arg15 : memref<!tpu.dma_semaphore, #tpu.memory_space<semaphore_mem>>) src(%dma_wait3A_450 : memref<8x128xf32, #tpu.memory_space<vmem>>) dst(%dma_wait3A_447 : memref<8x128xf32, #tpu.memory_space<hbm>>)
    %mul3A_451 = arith.constant 4 : i32
    %mul3A_452 = arith.muli %mul3A_451, %add3A : i32
    %add3A_453 = arith.constant 101760 : i32
    %add3A_454 = arith.addi %add3A_453, %mul3A_452 : i32
    %add3A_455 = arith.constant 2 : i32
    %add3A_456 = arith.addi %add3A_454, %add3A_455 : i32
    %mul3A_457 = arith.constant 8 : i32
    %mul3A_458 = arith.muli %add3A_456, %mul3A_457 : i32
    %dma_wait3A_459 = arith.constant 88 : i32
    %dma_wait3A_460 = arith.constant 0 : i32
    %dma_wait3A_461 = tpu.memref_slice %arg9[%dma_wait3A_459, %dma_wait3A_460] : memref<128x129xf32, #tpu.memory_space<vmem>> -> memref<8x128xf32, #tpu.memory_space<vmem>>
    %dma_wait3A_462 = arith.constant 0 : i32
    %dma_wait3A_463 = tpu.memref_slice %arg4[%mul3A_458, %dma_wait3A_462] : memref<819200x128xf32, #tpu.memory_space<hbm>> -> memref<8x128xf32, #tpu.memory_space<hbm>>
    %dma_wait3A_464 = arith.constant 0 : i32
    %dma_wait3A_465 = tpu.memref_slice %arg4[%mul3A_458, %dma_wait3A_464] : memref<819200x128xf32, #tpu.memory_space<hbm>> -> memref<8x128xf32, #tpu.memory_space<hbm>>
    %dma_wait3A_466 = arith.constant 88 : i32
    %dma_wait3A_467 = arith.constant 0 : i32
    %dma_wait3A_468 = tpu.memref_slice %arg9[%dma_wait3A_466, %dma_wait3A_467] : memref<128x129xf32, #tpu.memory_space<vmem>> -> memref<8x128xf32, #tpu.memory_space<vmem>>
    tpu.wait_dma2 semaphore(%arg15 : memref<!tpu.dma_semaphore, #tpu.memory_space<semaphore_mem>>) src(%dma_wait3A_468 : memref<8x128xf32, #tpu.memory_space<vmem>>) dst(%dma_wait3A_465 : memref<8x128xf32, #tpu.memory_space<hbm>>)
    %mul3A_469 = arith.constant 4 : i32
    %mul3A_470 = arith.muli %mul3A_469, %add3A : i32
    %add3A_471 = arith.constant 101760 : i32
    %add3A_472 = arith.addi %add3A_471, %mul3A_470 : i32
    %add3A_473 = arith.constant 3 : i32
    %add3A_474 = arith.addi %add3A_472, %add3A_473 : i32
    %mul3A_475 = arith.constant 8 : i32
    %mul3A_476 = arith.muli %add3A_474, %mul3A_475 : i32
    %dma_wait3A_477 = arith.constant 120 : i32
    %dma_wait3A_478 = arith.constant 0 : i32
    %dma_wait3A_479 = tpu.memref_slice %arg9[%dma_wait3A_477, %dma_wait3A_478] : memref<128x129xf32, #tpu.memory_space<vmem>> -> memref<8x128xf32, #tpu.memory_space<vmem>>
    %dma_wait3A_480 = arith.constant 0 : i32
    %dma_wait3A_481 = tpu.memref_slice %arg4[%mul3A_476, %dma_wait3A_480] : memref<819200x128xf32, #tpu.memory_space<hbm>> -> memref<8x128xf32, #tpu.memory_space<hbm>>
    %dma_wait3A_482 = arith.constant 0 : i32
    %dma_wait3A_483 = tpu.memref_slice %arg4[%mul3A_476, %dma_wait3A_482] : memref<819200x128xf32, #tpu.memory_space<hbm>> -> memref<8x128xf32, #tpu.memory_space<hbm>>
    %dma_wait3A_484 = arith.constant 120 : i32
    %dma_wait3A_485 = arith.constant 0 : i32
    %dma_wait3A_486 = tpu.memref_slice %arg9[%dma_wait3A_484, %dma_wait3A_485] : memref<128x129xf32, #tpu.memory_space<vmem>> -> memref<8x128xf32, #tpu.memory_space<vmem>>
    tpu.wait_dma2 semaphore(%arg15 : memref<!tpu.dma_semaphore, #tpu.memory_space<semaphore_mem>>) src(%dma_wait3A_486 : memref<8x128xf32, #tpu.memory_space<vmem>>) dst(%dma_wait3A_483 : memref<8x128xf32, #tpu.memory_space<hbm>>)
    %mul3A_487 = arith.constant 4 : i32
    %mul3A_488 = arith.muli %mul3A_487, %add3A : i32
    %add3A_489 = arith.constant 101888 : i32
    %add3A_490 = arith.addi %add3A_489, %mul3A_488 : i32
    %add3A_491 = arith.constant 0 : i32
    %add3A_492 = arith.addi %add3A_490, %add3A_491 : i32
    %mul3A_493 = arith.constant 8 : i32
    %mul3A_494 = arith.muli %add3A_492, %mul3A_493 : i32
    %dma_wait3A_495 = arith.constant 0 : i32
    %dma_wait3A_496 = arith.constant 0 : i32
    %dma_wait3A_497 = tpu.memref_slice %arg10[%dma_wait3A_495, %dma_wait3A_496] : memref<128x129xf32, #tpu.memory_space<vmem>> -> memref<8x128xf32, #tpu.memory_space<vmem>>
    %dma_wait3A_498 = arith.constant 0 : i32
    %dma_wait3A_499 = tpu.memref_slice %arg4[%mul3A_494, %dma_wait3A_498] : memref<819200x128xf32, #tpu.memory_space<hbm>> -> memref<8x128xf32, #tpu.memory_space<hbm>>
    %dma_wait3A_500 = arith.constant 0 : i32
    %dma_wait3A_501 = tpu.memref_slice %arg4[%mul3A_494, %dma_wait3A_500] : memref<819200x128xf32, #tpu.memory_space<hbm>> -> memref<8x128xf32, #tpu.memory_space<hbm>>
    %dma_wait3A_502 = arith.constant 0 : i32
    %dma_wait3A_503 = arith.constant 0 : i32
    %dma_wait3A_504 = tpu.memref_slice %arg10[%dma_wait3A_502, %dma_wait3A_503] : memref<128x129xf32, #tpu.memory_space<vmem>> -> memref<8x128xf32, #tpu.memory_space<vmem>>
    tpu.wait_dma2 semaphore(%arg16 : memref<!tpu.dma_semaphore, #tpu.memory_space<semaphore_mem>>) src(%dma_wait3A_504 : memref<8x128xf32, #tpu.memory_space<vmem>>) dst(%dma_wait3A_501 : memref<8x128xf32, #tpu.memory_space<hbm>>)
    %mul3A_505 = arith.constant 4 : i32
    %mul3A_506 = arith.muli %mul3A_505, %add3A : i32
    %add3A_507 = arith.constant 101888 : i32
    %add3A_508 = arith.addi %add3A_507, %mul3A_506 : i32
    %add3A_509 = arith.constant 1 : i32
    %add3A_510 = arith.addi %add3A_508, %add3A_509 : i32
    %mul3A_511 = arith.constant 8 : i32
    %mul3A_512 = arith.muli %add3A_510, %mul3A_511 : i32
    %dma_wait3A_513 = arith.constant 32 : i32
    %dma_wait3A_514 = arith.constant 0 : i32
    %dma_wait3A_515 = tpu.memref_slice %arg10[%dma_wait3A_513, %dma_wait3A_514] : memref<128x129xf32, #tpu.memory_space<vmem>> -> memref<8x128xf32, #tpu.memory_space<vmem>>
    %dma_wait3A_516 = arith.constant 0 : i32
    %dma_wait3A_517 = tpu.memref_slice %arg4[%mul3A_512, %dma_wait3A_516] : memref<819200x128xf32, #tpu.memory_space<hbm>> -> memref<8x128xf32, #tpu.memory_space<hbm>>
    %dma_wait3A_518 = arith.constant 0 : i32
    %dma_wait3A_519 = tpu.memref_slice %arg4[%mul3A_512, %dma_wait3A_518] : memref<819200x128xf32, #tpu.memory_space<hbm>> -> memref<8x128xf32, #tpu.memory_space<hbm>>
    %dma_wait3A_520 = arith.constant 32 : i32
    %dma_wait3A_521 = arith.constant 0 : i32
    %dma_wait3A_522 = tpu.memref_slice %arg10[%dma_wait3A_520, %dma_wait3A_521] : memref<128x129xf32, #tpu.memory_space<vmem>> -> memref<8x128xf32, #tpu.memory_space<vmem>>
    tpu.wait_dma2 semaphore(%arg16 : memref<!tpu.dma_semaphore, #tpu.memory_space<semaphore_mem>>) src(%dma_wait3A_522 : memref<8x128xf32, #tpu.memory_space<vmem>>) dst(%dma_wait3A_519 : memref<8x128xf32, #tpu.memory_space<hbm>>)
    %mul3A_523 = arith.constant 4 : i32
    %mul3A_524 = arith.muli %mul3A_523, %add3A : i32
    %add3A_525 = arith.constant 101888 : i32
    %add3A_526 = arith.addi %add3A_525, %mul3A_524 : i32
    %add3A_527 = arith.constant 2 : i32
    %add3A_528 = arith.addi %add3A_526, %add3A_527 : i32
    %mul3A_529 = arith.constant 8 : i32
    %mul3A_530 = arith.muli %add3A_528, %mul3A_529 : i32
    %dma_wait3A_531 = arith.constant 64 : i32
    %dma_wait3A_532 = arith.constant 0 : i32
    %dma_wait3A_533 = tpu.memref_slice %arg10[%dma_wait3A_531, %dma_wait3A_532] : memref<128x129xf32, #tpu.memory_space<vmem>> -> memref<8x128xf32, #tpu.memory_space<vmem>>
    %dma_wait3A_534 = arith.constant 0 : i32
    %dma_wait3A_535 = tpu.memref_slice %arg4[%mul3A_530, %dma_wait3A_534] : memref<819200x128xf32, #tpu.memory_space<hbm>> -> memref<8x128xf32, #tpu.memory_space<hbm>>
    %dma_wait3A_536 = arith.constant 0 : i32
    %dma_wait3A_537 = tpu.memref_slice %arg4[%mul3A_530, %dma_wait3A_536] : memref<819200x128xf32, #tpu.memory_space<hbm>> -> memref<8x128xf32, #tpu.memory_space<hbm>>
    %dma_wait3A_538 = arith.constant 64 : i32
    %dma_wait3A_539 = arith.constant 0 : i32
    %dma_wait3A_540 = tpu.memref_slice %arg10[%dma_wait3A_538, %dma_wait3A_539] : memref<128x129xf32, #tpu.memory_space<vmem>> -> memref<8x128xf32, #tpu.memory_space<vmem>>
    tpu.wait_dma2 semaphore(%arg16 : memref<!tpu.dma_semaphore, #tpu.memory_space<semaphore_mem>>) src(%dma_wait3A_540 : memref<8x128xf32, #tpu.memory_space<vmem>>) dst(%dma_wait3A_537 : memref<8x128xf32, #tpu.memory_space<hbm>>)
    %mul3A_541 = arith.constant 4 : i32
    %mul3A_542 = arith.muli %mul3A_541, %add3A : i32
    %add3A_543 = arith.constant 101888 : i32
    %add3A_544 = arith.addi %add3A_543, %mul3A_542 : i32
    %add3A_545 = arith.constant 3 : i32
    %add3A_546 = arith.addi %add3A_544, %add3A_545 : i32
    %mul3A_547 = arith.constant 8 : i32
    %mul3A_548 = arith.muli %add3A_546, %mul3A_547 : i32
    %dma_wait3A_549 = arith.constant 96 : i32
    %dma_wait3A_550 = arith.constant 0 : i32
    %dma_wait3A_551 = tpu.memref_slice %arg10[%dma_wait3A_549, %dma_wait3A_550] : memref<128x129xf32, #tpu.memory_space<vmem>> -> memref<8x128xf32, #tpu.memory_space<vmem>>
    %dma_wait3A_552 = arith.constant 0 : i32
    %dma_wait3A_553 = tpu.memref_slice %arg4[%mul3A_548, %dma_wait3A_552] : memref<819200x128xf32, #tpu.memory_space<hbm>> -> memref<8x128xf32, #tpu.memory_space<hbm>>
    %dma_wait3A_554 = arith.constant 0 : i32
    %dma_wait3A_555 = tpu.memref_slice %arg4[%mul3A_548, %dma_wait3A_554] : memref<819200x128xf32, #tpu.memory_space<hbm>> -> memref<8x128xf32, #tpu.memory_space<hbm>>
    %dma_wait3A_556 = arith.constant 96 : i32
    %dma_wait3A_557 = arith.constant 0 : i32
    %dma_wait3A_558 = tpu.memref_slice %arg10[%dma_wait3A_556, %dma_wait3A_557] : memref<128x129xf32, #tpu.memory_space<vmem>> -> memref<8x128xf32, #tpu.memory_space<vmem>>
    tpu.wait_dma2 semaphore(%arg16 : memref<!tpu.dma_semaphore, #tpu.memory_space<semaphore_mem>>) src(%dma_wait3A_558 : memref<8x128xf32, #tpu.memory_space<vmem>>) dst(%dma_wait3A_555 : memref<8x128xf32, #tpu.memory_space<hbm>>)
    %mul3A_559 = arith.constant 4 : i32
    %mul3A_560 = arith.muli %mul3A_559, %add3A : i32
    %add3A_561 = arith.constant 102016 : i32
    %add3A_562 = arith.addi %add3A_561, %mul3A_560 : i32
    %add3A_563 = arith.constant 0 : i32
    %add3A_564 = arith.addi %add3A_562, %add3A_563 : i32
    %mul3A_565 = arith.constant 8 : i32
    %mul3A_566 = arith.muli %add3A_564, %mul3A_565 : i32
    %dma_wait3A_567 = arith.constant 8 : i32
    %dma_wait3A_568 = arith.constant 0 : i32
    %dma_wait3A_569 = tpu.memref_slice %arg10[%dma_wait3A_567, %dma_wait3A_568] : memref<128x129xf32, #tpu.memory_space<vmem>> -> memref<8x128xf32, #tpu.memory_space<vmem>>
    %dma_wait3A_570 = arith.constant 0 : i32
    %dma_wait3A_571 = tpu.memref_slice %arg4[%mul3A_566, %dma_wait3A_570] : memref<819200x128xf32, #tpu.memory_space<hbm>> -> memref<8x128xf32, #tpu.memory_space<hbm>>
    %dma_wait3A_572 = arith.constant 0 : i32
    %dma_wait3A_573 = tpu.memref_slice %arg4[%mul3A_566, %dma_wait3A_572] : memref<819200x128xf32, #tpu.memory_space<hbm>> -> memref<8x128xf32, #tpu.memory_space<hbm>>
    %dma_wait3A_574 = arith.constant 8 : i32
    %dma_wait3A_575 = arith.constant 0 : i32
    %dma_wait3A_576 = tpu.memref_slice %arg10[%dma_wait3A_574, %dma_wait3A_575] : memref<128x129xf32, #tpu.memory_space<vmem>> -> memref<8x128xf32, #tpu.memory_space<vmem>>
    tpu.wait_dma2 semaphore(%arg16 : memref<!tpu.dma_semaphore, #tpu.memory_space<semaphore_mem>>) src(%dma_wait3A_576 : memref<8x128xf32, #tpu.memory_space<vmem>>) dst(%dma_wait3A_573 : memref<8x128xf32, #tpu.memory_space<hbm>>)
    %mul3A_577 = arith.constant 4 : i32
    %mul3A_578 = arith.muli %mul3A_577, %add3A : i32
    %add3A_579 = arith.constant 102016 : i32
    %add3A_580 = arith.addi %add3A_579, %mul3A_578 : i32
    %add3A_581 = arith.constant 1 : i32
    %add3A_582 = arith.addi %add3A_580, %add3A_581 : i32
    %mul3A_583 = arith.constant 8 : i32
    %mul3A_584 = arith.muli %add3A_582, %mul3A_583 : i32
    %dma_wait3A_585 = arith.constant 40 : i32
    %dma_wait3A_586 = arith.constant 0 : i32
    %dma_wait3A_587 = tpu.memref_slice %arg10[%dma_wait3A_585, %dma_wait3A_586] : memref<128x129xf32, #tpu.memory_space<vmem>> -> memref<8x128xf32, #tpu.memory_space<vmem>>
    %dma_wait3A_588 = arith.constant 0 : i32
    %dma_wait3A_589 = tpu.memref_slice %arg4[%mul3A_584, %dma_wait3A_588] : memref<819200x128xf32, #tpu.memory_space<hbm>> -> memref<8x128xf32, #tpu.memory_space<hbm>>
    %dma_wait3A_590 = arith.constant 0 : i32
    %dma_wait3A_591 = tpu.memref_slice %arg4[%mul3A_584, %dma_wait3A_590] : memref<819200x128xf32, #tpu.memory_space<hbm>> -> memref<8x128xf32, #tpu.memory_space<hbm>>
    %dma_wait3A_592 = arith.constant 40 : i32
    %dma_wait3A_593 = arith.constant 0 : i32
    %dma_wait3A_594 = tpu.memref_slice %arg10[%dma_wait3A_592, %dma_wait3A_593] : memref<128x129xf32, #tpu.memory_space<vmem>> -> memref<8x128xf32, #tpu.memory_space<vmem>>
    tpu.wait_dma2 semaphore(%arg16 : memref<!tpu.dma_semaphore, #tpu.memory_space<semaphore_mem>>) src(%dma_wait3A_594 : memref<8x128xf32, #tpu.memory_space<vmem>>) dst(%dma_wait3A_591 : memref<8x128xf32, #tpu.memory_space<hbm>>)
    %mul3A_595 = arith.constant 4 : i32
    %mul3A_596 = arith.muli %mul3A_595, %add3A : i32
    %add3A_597 = arith.constant 102016 : i32
    %add3A_598 = arith.addi %add3A_597, %mul3A_596 : i32
    %add3A_599 = arith.constant 2 : i32
    %add3A_600 = arith.addi %add3A_598, %add3A_599 : i32
    %mul3A_601 = arith.constant 8 : i32
    %mul3A_602 = arith.muli %add3A_600, %mul3A_601 : i32
    %dma_wait3A_603 = arith.constant 72 : i32
    %dma_wait3A_604 = arith.constant 0 : i32
    %dma_wait3A_605 = tpu.memref_slice %arg10[%dma_wait3A_603, %dma_wait3A_604] : memref<128x129xf32, #tpu.memory_space<vmem>> -> memref<8x128xf32, #tpu.memory_space<vmem>>
    %dma_wait3A_606 = arith.constant 0 : i32
    %dma_wait3A_607 = tpu.memref_slice %arg4[%mul3A_602, %dma_wait3A_606] : memref<819200x128xf32, #tpu.memory_space<hbm>> -> memref<8x128xf32, #tpu.memory_space<hbm>>
    %dma_wait3A_608 = arith.constant 0 : i32
    %dma_wait3A_609 = tpu.memref_slice %arg4[%mul3A_602, %dma_wait3A_608] : memref<819200x128xf32, #tpu.memory_space<hbm>> -> memref<8x128xf32, #tpu.memory_space<hbm>>
    %dma_wait3A_610 = arith.constant 72 : i32
    %dma_wait3A_611 = arith.constant 0 : i32
    %dma_wait3A_612 = tpu.memref_slice %arg10[%dma_wait3A_610, %dma_wait3A_611] : memref<128x129xf32, #tpu.memory_space<vmem>> -> memref<8x128xf32, #tpu.memory_space<vmem>>
    tpu.wait_dma2 semaphore(%arg16 : memref<!tpu.dma_semaphore, #tpu.memory_space<semaphore_mem>>) src(%dma_wait3A_612 : memref<8x128xf32, #tpu.memory_space<vmem>>) dst(%dma_wait3A_609 : memref<8x128xf32, #tpu.memory_space<hbm>>)
    %mul3A_613 = arith.constant 4 : i32
    %mul3A_614 = arith.muli %mul3A_613, %add3A : i32
    %add3A_615 = arith.constant 102016 : i32
    %add3A_616 = arith.addi %add3A_615, %mul3A_614 : i32
    %add3A_617 = arith.constant 3 : i32
    %add3A_618 = arith.addi %add3A_616, %add3A_617 : i32
    %mul3A_619 = arith.constant 8 : i32
    %mul3A_620 = arith.muli %add3A_618, %mul3A_619 : i32
    %dma_wait3A_621 = arith.constant 104 : i32
    %dma_wait3A_622 = arith.constant 0 : i32
    %dma_wait3A_623 = tpu.memref_slice %arg10[%dma_wait3A_621, %dma_wait3A_622] : memref<128x129xf32, #tpu.memory_space<vmem>> -> memref<8x128xf32, #tpu.memory_space<vmem>>
    %dma_wait3A_624 = arith.constant 0 : i32
    %dma_wait3A_625 = tpu.memref_slice %arg4[%mul3A_620, %dma_wait3A_624] : memref<819200x128xf32, #tpu.memory_space<hbm>> -> memref<8x128xf32, #tpu.memory_space<hbm>>
    %dma_wait3A_626 = arith.constant 0 : i32
    %dma_wait3A_627 = tpu.memref_slice %arg4[%mul3A_620, %dma_wait3A_626] : memref<819200x128xf32, #tpu.memory_space<hbm>> -> memref<8x128xf32, #tpu.memory_space<hbm>>
    %dma_wait3A_628 = arith.constant 104 : i32
    %dma_wait3A_629 = arith.constant 0 : i32
    %dma_wait3A_630 = tpu.memref_slice %arg10[%dma_wait3A_628, %dma_wait3A_629] : memref<128x129xf32, #tpu.memory_space<vmem>> -> memref<8x128xf32, #tpu.memory_space<vmem>>
    tpu.wait_dma2 semaphore(%arg16 : memref<!tpu.dma_semaphore, #tpu.memory_space<semaphore_mem>>) src(%dma_wait3A_630 : memref<8x128xf32, #tpu.memory_space<vmem>>) dst(%dma_wait3A_627 : memref<8x128xf32, #tpu.memory_space<hbm>>)
    %mul3A_631 = arith.constant 4 : i32
    %mul3A_632 = arith.muli %mul3A_631, %add3A : i32
    %add3A_633 = arith.constant 102144 : i32
    %add3A_634 = arith.addi %add3A_633, %mul3A_632 : i32
    %add3A_635 = arith.constant 0 : i32
    %add3A_636 = arith.addi %add3A_634, %add3A_635 : i32
    %mul3A_637 = arith.constant 8 : i32
    %mul3A_638 = arith.muli %add3A_636, %mul3A_637 : i32
    %dma_wait3A_639 = arith.constant 16 : i32
    %dma_wait3A_640 = arith.constant 0 : i32
    %dma_wait3A_641 = tpu.memref_slice %arg10[%dma_wait3A_639, %dma_wait3A_640] : memref<128x129xf32, #tpu.memory_space<vmem>> -> memref<8x128xf32, #tpu.memory_space<vmem>>
    %dma_wait3A_642 = arith.constant 0 : i32
    %dma_wait3A_643 = tpu.memref_slice %arg4[%mul3A_638, %dma_wait3A_642] : memref<819200x128xf32, #tpu.memory_space<hbm>> -> memref<8x128xf32, #tpu.memory_space<hbm>>
    %dma_wait3A_644 = arith.constant 0 : i32
    %dma_wait3A_645 = tpu.memref_slice %arg4[%mul3A_638, %dma_wait3A_644] : memref<819200x128xf32, #tpu.memory_space<hbm>> -> memref<8x128xf32, #tpu.memory_space<hbm>>
    %dma_wait3A_646 = arith.constant 16 : i32
    %dma_wait3A_647 = arith.constant 0 : i32
    %dma_wait3A_648 = tpu.memref_slice %arg10[%dma_wait3A_646, %dma_wait3A_647] : memref<128x129xf32, #tpu.memory_space<vmem>> -> memref<8x128xf32, #tpu.memory_space<vmem>>
    tpu.wait_dma2 semaphore(%arg16 : memref<!tpu.dma_semaphore, #tpu.memory_space<semaphore_mem>>) src(%dma_wait3A_648 : memref<8x128xf32, #tpu.memory_space<vmem>>) dst(%dma_wait3A_645 : memref<8x128xf32, #tpu.memory_space<hbm>>)
    %mul3A_649 = arith.constant 4 : i32
    %mul3A_650 = arith.muli %mul3A_649, %add3A : i32
    %add3A_651 = arith.constant 102144 : i32
    %add3A_652 = arith.addi %add3A_651, %mul3A_650 : i32
    %add3A_653 = arith.constant 1 : i32
    %add3A_654 = arith.addi %add3A_652, %add3A_653 : i32
    %mul3A_655 = arith.constant 8 : i32
    %mul3A_656 = arith.muli %add3A_654, %mul3A_655 : i32
    %dma_wait3A_657 = arith.constant 48 : i32
    %dma_wait3A_658 = arith.constant 0 : i32
    %dma_wait3A_659 = tpu.memref_slice %arg10[%dma_wait3A_657, %dma_wait3A_658] : memref<128x129xf32, #tpu.memory_space<vmem>> -> memref<8x128xf32, #tpu.memory_space<vmem>>
    %dma_wait3A_660 = arith.constant 0 : i32
    %dma_wait3A_661 = tpu.memref_slice %arg4[%mul3A_656, %dma_wait3A_660] : memref<819200x128xf32, #tpu.memory_space<hbm>> -> memref<8x128xf32, #tpu.memory_space<hbm>>
    %dma_wait3A_662 = arith.constant 0 : i32
    %dma_wait3A_663 = tpu.memref_slice %arg4[%mul3A_656, %dma_wait3A_662] : memref<819200x128xf32, #tpu.memory_space<hbm>> -> memref<8x128xf32, #tpu.memory_space<hbm>>
    %dma_wait3A_664 = arith.constant 48 : i32
    %dma_wait3A_665 = arith.constant 0 : i32
    %dma_wait3A_666 = tpu.memref_slice %arg10[%dma_wait3A_664, %dma_wait3A_665] : memref<128x129xf32, #tpu.memory_space<vmem>> -> memref<8x128xf32, #tpu.memory_space<vmem>>
    tpu.wait_dma2 semaphore(%arg16 : memref<!tpu.dma_semaphore, #tpu.memory_space<semaphore_mem>>) src(%dma_wait3A_666 : memref<8x128xf32, #tpu.memory_space<vmem>>) dst(%dma_wait3A_663 : memref<8x128xf32, #tpu.memory_space<hbm>>)
    %mul3A_667 = arith.constant 4 : i32
    %mul3A_668 = arith.muli %mul3A_667, %add3A : i32
    %add3A_669 = arith.constant 102144 : i32
    %add3A_670 = arith.addi %add3A_669, %mul3A_668 : i32
    %add3A_671 = arith.constant 2 : i32
    %add3A_672 = arith.addi %add3A_670, %add3A_671 : i32
    %mul3A_673 = arith.constant 8 : i32
    %mul3A_674 = arith.muli %add3A_672, %mul3A_673 : i32
    %dma_wait3A_675 = arith.constant 80 : i32
    %dma_wait3A_676 = arith.constant 0 : i32
    %dma_wait3A_677 = tpu.memref_slice %arg10[%dma_wait3A_675, %dma_wait3A_676] : memref<128x129xf32, #tpu.memory_space<vmem>> -> memref<8x128xf32, #tpu.memory_space<vmem>>
    %dma_wait3A_678 = arith.constant 0 : i32
    %dma_wait3A_679 = tpu.memref_slice %arg4[%mul3A_674, %dma_wait3A_678] : memref<819200x128xf32, #tpu.memory_space<hbm>> -> memref<8x128xf32, #tpu.memory_space<hbm>>
    %dma_wait3A_680 = arith.constant 0 : i32
    %dma_wait3A_681 = tpu.memref_slice %arg4[%mul3A_674, %dma_wait3A_680] : memref<819200x128xf32, #tpu.memory_space<hbm>> -> memref<8x128xf32, #tpu.memory_space<hbm>>
    %dma_wait3A_682 = arith.constant 80 : i32
    %dma_wait3A_683 = arith.constant 0 : i32
    %dma_wait3A_684 = tpu.memref_slice %arg10[%dma_wait3A_682, %dma_wait3A_683] : memref<128x129xf32, #tpu.memory_space<vmem>> -> memref<8x128xf32, #tpu.memory_space<vmem>>
    tpu.wait_dma2 semaphore(%arg16 : memref<!tpu.dma_semaphore, #tpu.memory_space<semaphore_mem>>) src(%dma_wait3A_684 : memref<8x128xf32, #tpu.memory_space<vmem>>) dst(%dma_wait3A_681 : memref<8x128xf32, #tpu.memory_space<hbm>>)
    %mul3A_685 = arith.constant 4 : i32
    %mul3A_686 = arith.muli %mul3A_685, %add3A : i32
    %add3A_687 = arith.constant 102144 : i32
    %add3A_688 = arith.addi %add3A_687, %mul3A_686 : i32
    %add3A_689 = arith.constant 3 : i32
    %add3A_690 = arith.addi %add3A_688, %add3A_689 : i32
    %mul3A_691 = arith.constant 8 : i32
    %mul3A_692 = arith.muli %add3A_690, %mul3A_691 : i32
    %dma_wait3A_693 = arith.constant 112 : i32
    %dma_wait3A_694 = arith.constant 0 : i32
    %dma_wait3A_695 = tpu.memref_slice %arg10[%dma_wait3A_693, %dma_wait3A_694] : memref<128x129xf32, #tpu.memory_space<vmem>> -> memref<8x128xf32, #tpu.memory_space<vmem>>
    %dma_wait3A_696 = arith.constant 0 : i32
    %dma_wait3A_697 = tpu.memref_slice %arg4[%mul3A_692, %dma_wait3A_696] : memref<819200x128xf32, #tpu.memory_space<hbm>> -> memref<8x128xf32, #tpu.memory_space<hbm>>
    %dma_wait3A_698 = arith.constant 0 : i32
    %dma_wait3A_699 = tpu.memref_slice %arg4[%mul3A_692, %dma_wait3A_698] : memref<819200x128xf32, #tpu.memory_space<hbm>> -> memref<8x128xf32, #tpu.memory_space<hbm>>
    %dma_wait3A_700 = arith.constant 112 : i32
    %dma_wait3A_701 = arith.constant 0 : i32
    %dma_wait3A_702 = tpu.memref_slice %arg10[%dma_wait3A_700, %dma_wait3A_701] : memref<128x129xf32, #tpu.memory_space<vmem>> -> memref<8x128xf32, #tpu.memory_space<vmem>>
    tpu.wait_dma2 semaphore(%arg16 : memref<!tpu.dma_semaphore, #tpu.memory_space<semaphore_mem>>) src(%dma_wait3A_702 : memref<8x128xf32, #tpu.memory_space<vmem>>) dst(%dma_wait3A_699 : memref<8x128xf32, #tpu.memory_space<hbm>>)
    %mul3A_703 = arith.constant 4 : i32
    %mul3A_704 = arith.muli %mul3A_703, %add3A : i32
    %add3A_705 = arith.constant 102272 : i32
    %add3A_706 = arith.addi %add3A_705, %mul3A_704 : i32
    %add3A_707 = arith.constant 0 : i32
    %add3A_708 = arith.addi %add3A_706, %add3A_707 : i32
    %mul3A_709 = arith.constant 8 : i32
    %mul3A_710 = arith.muli %add3A_708, %mul3A_709 : i32
    %dma_wait3A_711 = arith.constant 24 : i32
    %dma_wait3A_712 = arith.constant 0 : i32
    %dma_wait3A_713 = tpu.memref_slice %arg10[%dma_wait3A_711, %dma_wait3A_712] : memref<128x129xf32, #tpu.memory_space<vmem>> -> memref<8x128xf32, #tpu.memory_space<vmem>>
    %dma_wait3A_714 = arith.constant 0 : i32
    %dma_wait3A_715 = tpu.memref_slice %arg4[%mul3A_710, %dma_wait3A_714] : memref<819200x128xf32, #tpu.memory_space<hbm>> -> memref<8x128xf32, #tpu.memory_space<hbm>>
    %dma_wait3A_716 = arith.constant 0 : i32
    %dma_wait3A_717 = tpu.memref_slice %arg4[%mul3A_710, %dma_wait3A_716] : memref<819200x128xf32, #tpu.memory_space<hbm>> -> memref<8x128xf32, #tpu.memory_space<hbm>>
    %dma_wait3A_718 = arith.constant 24 : i32
    %dma_wait3A_719 = arith.constant 0 : i32
    %dma_wait3A_720 = tpu.memref_slice %arg10[%dma_wait3A_718, %dma_wait3A_719] : memref<128x129xf32, #tpu.memory_space<vmem>> -> memref<8x128xf32, #tpu.memory_space<vmem>>
    tpu.wait_dma2 semaphore(%arg16 : memref<!tpu.dma_semaphore, #tpu.memory_space<semaphore_mem>>) src(%dma_wait3A_720 : memref<8x128xf32, #tpu.memory_space<vmem>>) dst(%dma_wait3A_717 : memref<8x128xf32, #tpu.memory_space<hbm>>)
    %mul3A_721 = arith.constant 4 : i32
    %mul3A_722 = arith.muli %mul3A_721, %add3A : i32
    %add3A_723 = arith.constant 102272 : i32
    %add3A_724 = arith.addi %add3A_723, %mul3A_722 : i32
    %add3A_725 = arith.constant 1 : i32
    %add3A_726 = arith.addi %add3A_724, %add3A_725 : i32
    %mul3A_727 = arith.constant 8 : i32
    %mul3A_728 = arith.muli %add3A_726, %mul3A_727 : i32
    %dma_wait3A_729 = arith.constant 56 : i32
    %dma_wait3A_730 = arith.constant 0 : i32
    %dma_wait3A_731 = tpu.memref_slice %arg10[%dma_wait3A_729, %dma_wait3A_730] : memref<128x129xf32, #tpu.memory_space<vmem>> -> memref<8x128xf32, #tpu.memory_space<vmem>>
    %dma_wait3A_732 = arith.constant 0 : i32
    %dma_wait3A_733 = tpu.memref_slice %arg4[%mul3A_728, %dma_wait3A_732] : memref<819200x128xf32, #tpu.memory_space<hbm>> -> memref<8x128xf32, #tpu.memory_space<hbm>>
    %dma_wait3A_734 = arith.constant 0 : i32
    %dma_wait3A_735 = tpu.memref_slice %arg4[%mul3A_728, %dma_wait3A_734] : memref<819200x128xf32, #tpu.memory_space<hbm>> -> memref<8x128xf32, #tpu.memory_space<hbm>>
    %dma_wait3A_736 = arith.constant 56 : i32
    %dma_wait3A_737 = arith.constant 0 : i32
    %dma_wait3A_738 = tpu.memref_slice %arg10[%dma_wait3A_736, %dma_wait3A_737] : memref<128x129xf32, #tpu.memory_space<vmem>> -> memref<8x128xf32, #tpu.memory_space<vmem>>
    tpu.wait_dma2 semaphore(%arg16 : memref<!tpu.dma_semaphore, #tpu.memory_space<semaphore_mem>>) src(%dma_wait3A_738 : memref<8x128xf32, #tpu.memory_space<vmem>>) dst(%dma_wait3A_735 : memref<8x128xf32, #tpu.memory_space<hbm>>)
    %mul3A_739 = arith.constant 4 : i32
    %mul3A_740 = arith.muli %mul3A_739, %add3A : i32
    %add3A_741 = arith.constant 102272 : i32
    %add3A_742 = arith.addi %add3A_741, %mul3A_740 : i32
    %add3A_743 = arith.constant 2 : i32
    %add3A_744 = arith.addi %add3A_742, %add3A_743 : i32
    %mul3A_745 = arith.constant 8 : i32
    %mul3A_746 = arith.muli %add3A_744, %mul3A_745 : i32
    %dma_wait3A_747 = arith.constant 88 : i32
    %dma_wait3A_748 = arith.constant 0 : i32
    %dma_wait3A_749 = tpu.memref_slice %arg10[%dma_wait3A_747, %dma_wait3A_748] : memref<128x129xf32, #tpu.memory_space<vmem>> -> memref<8x128xf32, #tpu.memory_space<vmem>>
    %dma_wait3A_750 = arith.constant 0 : i32
    %dma_wait3A_751 = tpu.memref_slice %arg4[%mul3A_746, %dma_wait3A_750] : memref<819200x128xf32, #tpu.memory_space<hbm>> -> memref<8x128xf32, #tpu.memory_space<hbm>>
    %dma_wait3A_752 = arith.constant 0 : i32
    %dma_wait3A_753 = tpu.memref_slice %arg4[%mul3A_746, %dma_wait3A_752] : memref<819200x128xf32, #tpu.memory_space<hbm>> -> memref<8x128xf32, #tpu.memory_space<hbm>>
    %dma_wait3A_754 = arith.constant 88 : i32
    %dma_wait3A_755 = arith.constant 0 : i32
    %dma_wait3A_756 = tpu.memref_slice %arg10[%dma_wait3A_754, %dma_wait3A_755] : memref<128x129xf32, #tpu.memory_space<vmem>> -> memref<8x128xf32, #tpu.memory_space<vmem>>
    tpu.wait_dma2 semaphore(%arg16 : memref<!tpu.dma_semaphore, #tpu.memory_space<semaphore_mem>>) src(%dma_wait3A_756 : memref<8x128xf32, #tpu.memory_space<vmem>>) dst(%dma_wait3A_753 : memref<8x128xf32, #tpu.memory_space<hbm>>)
    %mul3A_757 = arith.constant 4 : i32
    %mul3A_758 = arith.muli %mul3A_757, %add3A : i32
    %add3A_759 = arith.constant 102272 : i32
    %add3A_760 = arith.addi %add3A_759, %mul3A_758 : i32
    %add3A_761 = arith.constant 3 : i32
    %add3A_762 = arith.addi %add3A_760, %add3A_761 : i32
    %mul3A_763 = arith.constant 8 : i32
    %mul3A_764 = arith.muli %add3A_762, %mul3A_763 : i32
    %dma_wait3A_765 = arith.constant 120 : i32
    %dma_wait3A_766 = arith.constant 0 : i32
    %dma_wait3A_767 = tpu.memref_slice %arg10[%dma_wait3A_765, %dma_wait3A_766] : memref<128x129xf32, #tpu.memory_space<vmem>> -> memref<8x128xf32, #tpu.memory_space<vmem>>
    %dma_wait3A_768 = arith.constant 0 : i32
    %dma_wait3A_769 = tpu.memref_slice %arg4[%mul3A_764, %dma_wait3A_768] : memref<819200x128xf32, #tpu.memory_space<hbm>> -> memref<8x128xf32, #tpu.memory_space<hbm>>
    %dma_wait3A_770 = arith.constant 0 : i32
    %dma_wait3A_771 = tpu.memref_slice %arg4[%mul3A_764, %dma_wait3A_770] : memref<819200x128xf32, #tpu.memory_space<hbm>> -> memref<8x128xf32, #tpu.memory_space<hbm>>
    %dma_wait3A_772 = arith.constant 120 : i32
    %dma_wait3A_773 = arith.constant 0 : i32
    %dma_wait3A_774 = tpu.memref_slice %arg10[%dma_wait3A_772, %dma_wait3A_773] : memref<128x129xf32, #tpu.memory_space<vmem>> -> memref<8x128xf32, #tpu.memory_space<vmem>>
    tpu.wait_dma2 semaphore(%arg16 : memref<!tpu.dma_semaphore, #tpu.memory_space<semaphore_mem>>) src(%dma_wait3A_774 : memref<8x128xf32, #tpu.memory_space<vmem>>) dst(%dma_wait3A_771 : memref<8x128xf32, #tpu.memory_space<hbm>>)
    return
  }
}

</mosaic_0001>

<sc_bundles>
// kernel: kernel.3.cloned.1.call-start
scs
__scs_entry_jumppad:
0x0: {  	(pc) =	sbr.rel $0x88, $3  }
0x1: {  	(tag) =	ssettag $0x0;
	lr =	simm.s32 $0x1  }
0x2: {  	[smem:$0x3F9F] =	sst lr;
	_ =	strace $0xD0000000  }
0x3: {  	_ = 	snop  }
0x4: {  	_ = 	snop  }
0x5: {  	_ = 	snop  }
0x6: {  	_ = 	snop  }
0x7: {  	_ = 	snop  }
__scs_overlays_trampoline_lowered:
0x8: {  	[smem:$0x3FAE] =	sst s0  }
0x9: {  	[smem:$0x3FAF] =	sst s1  }
0xa: {  	[smem:$0x3FB0] =	sst s2  }
0xb: {  	[smem:$0x3FB1] =	sst s3  }
0xc: {  	[smem:$0x3FB2] =	sst s4  }
0xd: {  	[smem:$0x3FB3] =	sst s5  }
0xe: {  	[smem:$0x3FB4] =	sst s6  }
0xf: {  	[smem:$0x3FB5] =	sst s7  }
0x10: {  	[smem:$0x3FB6] =	sst s8  }
0x11: {  	[smem:$0x3FB7] =	sst s9;
	s0 =	simm.s32 @!p0 $0x0  }
0x12: {  	s1 =	sld [smem:$0x3F9D];
	s0 =	simm.s32 @p0 $0x1  }
0x13: {  	[smem:$0x3FB8] =	sst s0;
	s0 =	simm.s32 @!p1 $0x0  }
0x14: {  	s2 =	sld [smem:$0x3F9C];
	s0 =	simm.s32 @p1 $0x1  }
0x15: {  	[smem:$0x3FB9] =	sst s0;
	s0 =	simm.s32 @!p2 $0x0  }
0x16: {  	s3 =	sld [smem:$0x3FDB];
	s0 =	simm.s32 @p2 $0x1  }
0x17: {  	s4 =	simm.s32 $0x1BF5;
	[smem:$0x3FBB] =	sst s0  }
0x18: {  	s0 =	sld [smem:$0x3F9E];
	_ =	swait.ge [sflag:s4], $0x0  }
0x19: {  	s7 =	sld [smem:$0x3F9F]  }
0x1a: {  	s8 =	sadd.s32 $0xFFFFE003, lr  }
0x1b: {  	s9 =	sadd.s32 $0xFFFFFEF7, lr;
	s5 =	simm.s32 $0xFFFFFFFF;
	p2 =	slt.u32 s8, $0xFFFFF086  }
0x1c: {  	p1 =	slt.u32 s9, $0xF7A;
	s5 =	simm.s32 @!p2 $0x0  }
0x1d: {  	s5 =	simm.s32 @p1 $0x1;
	p0 =	seq.s32 s7, s2  }
0x1e: {  	s7 =	smul.u32 @!p0 $0xF7A, s2;
	p2 =	seq.s32 @!p0 s5, $0x0  }
0x1f: {  	s9 =	smul.u32 $0xF7A, s1;
	s8 =	simm.s32 @!p0 $0x1BF5;
	p2 =	por !p2, p0  }
0x20: {  	[sflag:s8] =	ssyncset.s32 @!p0 $0xFFFFF086;
	s6 =	sadd.s32 @!p0 s3, s7;
	s7 =	simm.s32 @!p0 $0x108  }
0x21: {  	s3 =	sadd.s32 s3, s9;
	s6 =	sadd.s32 @!p0 $0x88, s6;
	s7 =	simm.s32 @p2 $0x1082  }
0x22: {  	[simem:s7], [sflag:s8] =	dma.local @!p0 [hbm:s6], $0xF7A  }
0x23: {  	s9 =	sor.u32 $0xD0000000, s2;
	s6 =	simm.s32 $0x108;
	_ =	swait.ge @!p0 [sflag:s8], $0x0  }
0x24: {  	s3 =	sadd.s32 $0x88, s3;
	s6 =	simm.s32 @!p1 $0x1082;
	[sflag:s4] =	ssyncset.s32 $0xFFFFF086  }
0x25: {  	[simem:s6], [sflag:s4] =	dma.local [hbm:s3], $0xF7A  }
0x26: {  	[smem:$0x3F9F] =	sst s1;
	(tag) =	ssettag s2;
	_ =	strace s9  }
0x27: {  	s1 =	sld [smem:$0x3FAF]  }
0x28: {  	s2 =	sld [smem:$0x3FB0]  }
0x29: {  	s4 =	sld [smem:$0x3FB2]  }
0x2a: {  	p0 =	seq.s32 s5, $0x0;
	s5 =	sld [smem:$0x3FB3]  }
0x2b: {  	s6 =	sld [smem:$0x3FB4]  }
0x2c: {  	s7 =	sld [smem:$0x3FB5]  }
0x2d: {  	s3 =	simm.s32 $0x108;
	s8 =	sld [smem:$0x3FB6]  }
0x2e: {  	s3 =	simm.s32 @!p0 $0x1082;
	s9 =	sld [smem:$0x3FB7]  }
0x2f: {  	lr =	sadd.s32 s0, s3;
	s0 =	sld [smem:$0x3FAE]  }
0x30: {  	s3 =	sld [smem:$0x3FB1]  }
0x31: {  	[smem:$0x3FBA] =	sst s10  }
0x32: {  	s10 =	sld [smem:$0x3FB8];
	_ =	sdelay $0x3  }
0x33: {  	p0 =	seq.s32 s10, $0x1;
	s10 =	sld [smem:$0x3FBA];
	_ =	sdelay $0x3  }
0x34: {  	[smem:$0x3FBA] =	sst s10  }
0x35: {  	s10 =	sld [smem:$0x3FB9];
	_ =	sdelay $0x3  }
0x36: {  	p1 =	seq.s32 s10, $0x1;
	s10 =	sld [smem:$0x3FBA];
	_ =	sdelay $0x3  }
0x37: {  	[smem:$0x3FBA] =	sst s10  }
0x38: {  	s10 =	sld [smem:$0x3FBB]  }
0x39: {  	_ = 	snop;
	(pc) =	sbr.ind lr, $3  }
0x3a: {  	_ = 	snop  }
0x3b: {  	_ = 	snop  }
0x3c: {  	p2 =	seq.s32 s10, $0x1;
	s10 =	sld [smem:$0x3FBA]  }
0x3d: {  	_ =	shalt  }
0x3e: {  	_ =	shalt  }
0x3f: {  	_ =	shalt  }
0x40: {  	_ =	shalt  }
0x41: {  	_ =	shalt  }
0x42: {  	_ =	shalt  }
0x43: {  	_ =	shalt  }
0x44: {  	_ =	shalt  }
0x45: {  	_ =	shalt  }
0x46: {  	_ =	shalt  }
0x47: {  	_ =	shalt  }
0x48: {  	_ =	shalt  }
0x49: {  	_ =	shalt  }
0x4a: {  	_ =	shalt  }
0x4b: {  	_ =	shalt  }
0x4c: {  	_ =	shalt  }
0x4d: {  	_ =	shalt  }
0x4e: {  	_ =	shalt  }
0x4f: {  	_ =	shalt  }
0x50: {  	_ =	shalt  }
0x51: {  	_ =	shalt  }
0x52: {  	_ =	shalt  }
0x53: {  	_ =	shalt  }
0x54: {  	_ =	shalt  }
0x55: {  	_ =	shalt  }
0x56: {  	_ =	shalt  }
0x57: {  	_ =	shalt  }
0x58: {  	_ =	shalt  }
0x59: {  	_ =	shalt  }
0x5a: {  	_ =	shalt  }
0x5b: {  	_ =	shalt  }
0x5c: {  	_ =	shalt  }
0x5d: {  	_ =	shalt  }
0x5e: {  	_ =	shalt  }
0x5f: {  	_ =	shalt  }
0x60: {  	_ =	shalt  }
0x61: {  	_ =	shalt  }
0x62: {  	_ =	shalt  }
0x63: {  	_ =	shalt  }
0x64: {  	_ =	shalt  }
0x65: {  	_ =	shalt  }
0x66: {  	_ =	shalt  }
0x67: {  	_ =	shalt  }
0x68: {  	_ =	shalt  }
0x69: {  	_ =	shalt  }
0x6a: {  	_ =	shalt  }
0x6b: {  	_ =	shalt  }
0x6c: {  	_ =	shalt  }
0x6d: {  	_ =	shalt  }
0x6e: {  	_ =	shalt  }
0x6f: {  	_ =	shalt  }
0x70: {  	_ =	shalt  }
0x71: {  	_ =	shalt  }
0x72: {  	_ =	shalt  }
0x73: {  	_ =	shalt  }
0x74: {  	_ =	shalt  }
0x75: {  	_ =	shalt  }
0x76: {  	_ =	shalt  }
0x77: {  	_ =	shalt  }
0x78: {  	_ =	shalt  }
0x79: {  	_ =	shalt  }
0x7a: {  	_ =	shalt  }
0x7b: {  	_ =	shalt  }
0x7c: {  	_ =	shalt  }
0x7d: {  	_ =	shalt  }
0x7e: {  	_ =	shalt  }
0x7f: {  	_ =	shalt  }
0x80: {  	_ =	shalt  }
0x81: {  	_ =	shalt  }
0x82: {  	_ =	shalt  }
0x83: {  	_ =	shalt  }
0x84: {  	_ =	shalt  }
0x85: {  	_ =	shalt  }
0x86: {  	_ =	shalt  }
0x87: {  	_ =	shalt  }
.Lfunc_end0:
.L_simem_size_0:
called_computation_lowered:
.L_overlay_start_0:
0x88: {  	s2 =	sld [smem:$0x3FD9]  }
0x89: {  	s3 =	sld [smem:$0x3FFE];
	_ =	sdelay $0x1  }
0x8a: {  	s1 =	srdreg.scid  }
0x8b: {  	s0 =	sand.u32 $0x1, s1  }
0x8c: {  	s17 =	sshll.u32 s0, $0xA;
	s2 =	sadd.s32 s3, s2  }
0x8d: {  	s2 =	sadd.s32 s2, s17  }
0x8e: {  	[smem:$0x3FC6] =	sst s2  }
0x8f: {  	_ = 	snop  }
0x90: {  	s2 =	sld [smem:$0x3FC9]  }
0x91: {  	s18 =	sld [smem:$0x3FD0];
	(tm) =	ssettm $0x1  }
0x92: {  	s4 =	sld [smem:$0x3FFB];
	_ =	sdelay $0x3  }
0x93: {  	_ =	strace s4  }
0x94: {  	s4 =	sld [smem:$0x3FFC];
	_ =	sdelay $0x3  }
0x95: {  	_ =	strace s4  }
0x96: {  	s4 =	sld [smem:$0x3FFD];
	_ =	sdelay $0x3  }
0x97: {  	_ =	strace s4  }
0x98: {  	_ =	strace $0x8FFFFFFF  }
0x99: {  	s19 =	sld [smem:$0x3FDB];
	_ =	sdelay $0x1  }
0x9a: {  	s5 =	simm.s32 $_scs_section_size  }
0x9b: {  	s6 =	simm.s32 $_size__tile_overlayer_lowered;
	s7 =	simm.s32 $_tile_overlayer_lowered  }
0x9c: {  	s22 =	simm.s32 $0x1BFF;
	s21 =	sshll.u32 s7, $0x1;
	s4 =	sadd.s32 s5, s19  }
0x9d: {  	s8 =	simm.s32 $0x0;
	s20 =	sshll.u32 s6, $0x1;
	s6 =	sadd.s32 s21, s4  }
0x9e: {  	[timem:s8], [sflag:s22] =	dma.local [hbm:s6], s20  }
0x9f: {  	_ =	swait.ge [sflag:s22], s20  }
0xa0: {  	s5 =	ssub.s32 $0x0, s20;
	[sflag:s22] =	ssyncset.done $0x0  }
0xa1: {  	[sflag:s22] =	ssyncadd.s32 s5;
	_ =	sdelay $0x1  }
0xa2: {  	s23 =	simm.s32 $0x1B8B  }
0xa3: {  	_ =	swait.ge [sflag:s23], $0x1  }
0xa4: {  	[sflag:s23] =	ssyncset.done $0x0  }
0xa5: {  	s25 =	simm.s32 $0x1B8E;
	s24 =	sld [smem:$0x3FFE];
	[sflag:s23] =	ssyncadd.s32 $0xFFFFFFFF  }
0xa6: {  	s26 =	simm.s32 $execute0_lowered;
	[smem:$0x3FD2] =	sst s25  }
0xa7: {  	s6 =	sshll.u32 s26, $0x1;
	_ =	strace $0x80000046;
	[dreg:$0x1] =	wrdreg $0xFFFFFFFF  }
0xa8: {  	s28 =	simm.s32 $_size_execute0_lowered;
	s4 =	sadd.s32 s4, s6;
	[dreg:$0x0] =	wrdreg $0x0  }
0xa9: {  	s6 =	sshll.u32 s28, $0x1;
	[dreg:$0x2] =	wrdreg s4  }
0xaa: {  	[dreg:$0x3] =	wrdreg s6  }
0xab: {  	[dreg:$0x4] =	wrdreg $0xC0  }
0xac: {  	_ =	task [dreg:s8], $0x5FFFF  }
0xad: {  	[dreg:$0x1] =	wrdreg $0xFFFFFFFF  }
0xae: {  	[dreg:$0x0] =	wrdreg $0x60  }
0xaf: {  	[dreg:$0x2] =	wrdreg s2  }
0xb0: {  	[dreg:$0x3] =	wrdreg s24  }
0xb1: {  	[dreg:$0x4] =	wrdreg s18  }
0xb2: {  	[dreg:$0x5] =	wrdreg $0x9  }
0xb3: {  	_ =	task.clear_ibuf [dreg:s8], $0x6FFFF;
	_ =	strace $0x90000046  }
0xb4: {  	s29 =	simm.s32 $0x9;
	_ =	strace $0x80000048  }
0xb5: {  	_ =	swait.ge [sflag:s29], $0x1  }
0xb6: {  	[sflag:s29] =	ssyncadd.s32 $0xFFFFFFFF  }
0xb7: {  	_ =	strace $0x90000048  }
0xb8: {  	_ =	sfence  }
0xb9: {  	s30 =	sld [smem:$0x0];
	_ =	sdelay $0x2  }
0xba: {  	s31 =	sshll.u32 s1, $0xD;
	s1 =	sshrl.u32 s1, $0x2  }
0xbb: {  	s3 =	sand.u32 $0x4000, s31;
	s1 =	sadd.s32 s1, s30  }
0xbc: {  	s0 =	sor.u32 s3, s0;
	s1 =	sshll.u32 s1, $0x11  }
0xbd: {  	s0 =	sor.u32 s1, s0  }
0xbe: {  	s0 =	sadd.s32 $0x8F2B, s0  }
0xbf: {  	[sflag:s0] =	ssyncadd.remote.s32 $0x1  }
0xc0: {  	_ =	sfence.sel $0xFFFF  }
0xc1: {  	[dreg:$0x0] =	wrdreg $0xFFFFFFFF;
	(pc) =	sbr.abs _section_cstart, $3  }
0xc2: {  	[dreg:$0x1] =	wrdreg $0xFFFFFFFF  }
0xc3: {  	_ =	task.clear_ibuf [dreg:s8], $0x2FFFF;
	_ =	strace $0x9FFFFFFF  }
0xc4: {  	(tm) =	ssettm $0x7FFFFFFF  }
0xc5: {  	_ =	shalt  }
tec
execute0_lowered:
.L_overlay_start_1:
0x0: {  	(tag) =	ssettag $0x1  }
0x1: {  	s1 =	rddreg [dreg:$0x0]  }
0x2: {  	s0 =	rddreg [dreg:$0x1]  }
0x3: {  	s12 =	rddreg [dreg:$0x2]  }
0x4: {  	s4 =	simm.s32 $0x0;
	s2 =	srdreg.scid;
	s5 =	stileid.u32  }
0x5: {  	s28 =	simm.s32 $0x3;
	[smem:$0x7FF] =	sst s4;
	s24 =	sadd.s32 $0x80, s12  }
0x6: {  	s25 =	sadd.s32 $0x100, s12;
	_ =	strace $0x80000047;
	[dreg:$0xd] =	wrdreg s24  }
0x7: {  	s2 =	sand.u32 $0x1, s2;
	s26 =	sadd.s32 $0x180, s12;
	[dreg:$0xe] =	wrdreg s25  }
0x8: {  	s6 =	sshll.u32 s5, $0x3;
	s8 =	sadd.s32 $0x4100, s12;
	[dreg:$0xf] =	wrdreg s26  }
0x9: {  	s5 =	sadd.s32 $0xF42800, s0;
	s13 =	sadd.s32 $0x4180, s12;
	[dreg:$0x12] =	wrdreg s8  }
0xa: {  	s14 =	sadd.s32 $0x8000, s12;
	s3 =	ssub.s32 $0x2, s2;
	[dreg:$0x14] =	wrdreg s13  }
0xb: {  	s2 =	sshll.u32 s2, $0x2;
	[dreg:$0x15] =	wrdreg s14;
	s24 =	sadd.s32 $0x10100, s12  }
0xc: {  	s25 =	sadd.s32 $0x10180, s12;
	s26 =	sadd.s32 $0x14000, s12;
	[dreg:$0x1f] =	wrdreg s24  }
0xd: {  	s15 =	sshrl.u32 s3, $0x1;
	s2 =	sor.u32 s2, s6;
	[smem:$0x7FC] =	sst s25  }
0xe: {  	[smem:$0x7FD] =	sst s26;
	s6 =	sshll.u32 s2, $0xA;
	s2 =	sshll.u32 s2, $0x7  }
0xf: {  	s0 =	ssub.s32 s3, s15;
	s3 =	sadd.s32 $0x4000, s12;
	[dreg:$0x4] =	wrdreg s2  }
0x10: {  	s29 =	simm.s32 $0x2;
	s15 =	sadd.s32 $0x8080, s12;
	[dreg:$0x10] =	wrdreg s3  }
0x11: {  	s30 =	simm.s32 $0x8400;
	s7 =	sadd.s32 s1, s2;
	[dreg:$0x16] =	wrdreg s15  }
0x12: {  	s31 =	simm.s32 $0x4;
	s0 =	smax.u32 s0, $0x1;
	[dreg:$0x5] =	wrdreg s7  }
0x13: {  	s8 =	sadd.s32 $0x14100, s12;
	s20 =	sadd.s32 $0x10, s7;
	[dreg:$0x13] =	wrdreg s0  }
0x14: {  	s14 =	simm.s32 $0x0;
	s21 =	sadd.s32 $0x90, s7;
	[dreg:$0x9] =	wrdreg s20  }
0x15: {  	s9 =	sor.u32 $0x400, s6;
	s22 =	sadd.s32 $0x110, s7;
	[dreg:$0xa] =	wrdreg s21  }
0x16: {  	s10 =	sor.u32 $0x800, s6;
	s23 =	sadd.s32 $0x190, s7;
	[dreg:$0xb] =	wrdreg s22  }
0x17: {  	s16 =	sshrl.u32 s9, $0x3;
	s7 =	sadd.s32 $0x4080, s12;
	[dreg:$0xc] =	wrdreg s23  }
0x18: {  	s17 =	sshrl.u32 s10, $0x3;
	s2 =	sadd.s32 s1, s16;
	[dreg:$0x11] =	wrdreg s7  }
0x19: {  	s25 =	sadd.s32 $0x14080, s12;
	s18 =	sadd.s32 s1, s17;
	[dreg:$0x6] =	wrdreg s2  }
0x1a: {  	s24 =	sadd.s32 $0x1C100, s12;
	s16 =	sadd.s32 $0x8100, s12;
	[dreg:$0x7] =	wrdreg s18  }
0x1b: {  	s26 =	sadd.s32 $0x1C180, s12;
	s17 =	sadd.s32 $0x8180, s12;
	[dreg:$0x17] =	wrdreg s16  }
0x1c: {  	s11 =	sor.u32 $0xC00, s6;
	s20 =	sadd.s32 $0xC100, s12;
	[dreg:$0x18] =	wrdreg s17  }
0x1d: {  	s3 =	simm.s32 $0x5;
	s21 =	sadd.s32 $0xC180, s12;
	[dreg:$0x1b] =	wrdreg s20  }
0x1e: {  	s19 =	sshrl.u32 s11, $0x3;
	s22 =	sadd.s32 $0x10000, s12;
	[dreg:$0x1c] =	wrdreg s21  }
0x1f: {  	s0 =	simm.s32 $0xC800;
	s23 =	sadd.s32 $0x10080, s12;
	[dreg:$0x1d] =	wrdreg s22  }
0x20: {  	s7 =	sadd.s32 $0x18000, s12;
	s2 =	sadd.s32 s1, s19;
	[dreg:$0x1e] =	wrdreg s23  }
0x21: {  	v0 =	vlaneseq.u32;
	s18 =	sadd.s32 $0xC000, s12;
	s19 =	sadd.s32 $0xC080, s12;
	[dreg:$0x8] =	wrdreg s2  }
0x22: {  	v0 =	vmul.u32 $0x88, v0;
	s20 =	sadd.s32 $0x18100, s12;
	s21 =	sadd.s32 $0x18180, s12;
	[dreg:$0x19] =	wrdreg s18  }
0x23: {  	v1 =	vimm.s32 $0x0;
	vm0 =	vcmask $0x300;
	s22 =	sadd.s32 $0x1C000, s12;
	s23 =	sadd.s32 $0x1C080, s12;
	[dreg:$0x1a] =	wrdreg s19  }
0x24: {  	v1 =	vsel vm0, $0x3, v1;
	v2 =	vadd.s32 $0x880, v0;
	s2 =	sadd.s32 $0x14180, s12;
	s19 =	sadd.s32 $0x18080, s12;
	s12 =	simm.s32 $0x6  }
.LBB2_1:
0x25: {  	[smem:$0x7FB] =	sst s14  }
0x26: {  	s13 =	rddreg [dreg:$0x5]  }
0x27: {  	[tilespmem:s4], [sflag:$0x1] =	stream.linear.gather [hbm4b:s13+s4], $0x80, $0x38;
	[tilespmem:$0x10C00] =	vst v63  }
0x28: {  	s17 =	rddreg [dreg:$0x6];
	s18 =	simm.s32 $0x80  }
0x29: {  	[tilespmem:s18], [sflag:$0x1] =	stream.linear.gather [hbm4b:s17+s4], $0x80, $0x38;
	[tilespmem:$0x10C00] =	vst v63  }
0x2a: {  	s15 =	rddreg [dreg:$0x7];
	s16 =	simm.s32 $0x100  }
0x2b: {  	[tilespmem:s16], [sflag:$0x1] =	stream.linear.gather [hbm4b:s15+s4], $0x80, $0x38;
	[tilespmem:$0x10C00] =	vst v63  }
0x2c: {  	s17 =	rddreg [dreg:$0x8];
	s18 =	simm.s32 $0x180  }
0x2d: {  	[tilespmem:s18], [sflag:$0x1] =	stream.linear.gather [hbm4b:s17+s4], $0x80, $0x38;
	[tilespmem:$0x10C00] =	vst v63  }
0x2e: {  	s14 =	simm.s32 $0x200;
	s15 =	rddreg [dreg:$0x9]  }
0x2f: {  	[tilespmem:s14], [sflag:$0x2] =	stream.linear.gather [hbm4b:s15+s4], $0x80, $0x38;
	[tilespmem:$0x10C00] =	vst v63  }
0x30: {  	s16 =	rddreg [dreg:$0xa];
	s15 =	simm.s32 $0x280  }
0x31: {  	[tilespmem:s15], [sflag:$0x2] =	stream.linear.gather [hbm4b:s16+s4], $0x80, $0x38;
	[tilespmem:$0x10C00] =	vst v63  }
0x32: {  	s17 =	rddreg [dreg:$0xb];
	s18 =	simm.s32 $0x300  }
0x33: {  	[tilespmem:s18], [sflag:$0x2] =	stream.linear.gather [hbm4b:s17+s4], $0x80, $0x38;
	[tilespmem:$0x10C00] =	vst v63  }
0x34: {  	s15 =	rddreg [dreg:$0xc];
	s16 =	simm.s32 $0x380;
	s17 =	simm.s32 $0x1  }
0x35: {  	[tilespmem:s16], [sflag:$0x2] =	stream.linear.gather [hbm4b:s15+s4], $0x80, $0x38;
	[tilespmem:$0x10C00] =	vst v63  }
0x36: {  	_ =	swait.ge [sflag:s17], $0x80  }
0x37: {  	[sflag:s17] =	ssyncset.done $0x0  }
0x38: {  	[sflag:s17] =	ssyncadd.s32 $0xFFFFFF80  }
0x39: {  	_ =	swait.ge [sflag:s17], $0x80  }
0x3a: {  	[sflag:s17] =	ssyncset.done $0x0  }
0x3b: {  	[sflag:s17] =	ssyncadd.s32 $0xFFFFFF80  }
0x3c: {  	_ =	swait.ge [sflag:s17], $0x80  }
0x3d: {  	[sflag:s17] =	ssyncset.done $0x0  }
0x3e: {  	[sflag:s17] =	ssyncadd.s32 $0xFFFFFF80  }
0x3f: {  	_ =	swait.ge [sflag:s17], $0x80  }
0x40: {  	[sflag:s17] =	ssyncset.done $0x0  }
0x41: {  	s13 =	simm.s32 $0x0;
	s18 =	simm.s32 $0x400;
	[sflag:s17] =	ssyncadd.s32 $0xFFFFFF80  }
0x42: {  	[tilespmem:s18], [sflag:$0x3] =	stream.indirect.gather [hbm4b:s5+s14], $0x20, s4, s14, $0xb8;
	[tilespmem:$0x10C00] =	vst v63  }
.LBB2_2:
0x43: {  	_ =	swait.ge [sflag:s28], $0x4000  }
0x44: {  	[sflag:s28] =	ssyncset.done $0x0  }
0x45: {  	[sflag:s28] =	ssyncadd.s32 $0xFFFFC000  }
0x46: {  	_ =	swait.ge [sflag:s29], $0x80  }
0x47: {  	[sflag:s29] =	ssyncset.done $0x0  }
0x48: {  	[sflag:s29] =	ssyncadd.s32 $0xFFFFFF80  }
0x49: {  	_ =	swait.ge [sflag:s29], $0x80  }
0x4a: {  	[sflag:s29] =	ssyncset.done $0x0  }
0x4b: {  	[sflag:s29] =	ssyncadd.s32 $0xFFFFFF80  }
0x4c: {  	_ =	swait.ge [sflag:s29], $0x80  }
0x4d: {  	[sflag:s29] =	ssyncset.done $0x0  }
0x4e: {  	[sflag:s29] =	ssyncadd.s32 $0xFFFFFF80  }
0x4f: {  	_ =	swait.ge [sflag:s29], $0x80  }
0x50: {  	s15 =	sshll.u32 s13, $0x1;
	p0 =	seq.s32 s13, $0x63;
	[sflag:s29] =	ssyncset.done $0x0  }
0x51: {  	s14 =	simm.s32 $0x200;
	s16 =	simm.s32 $0x4400;
	[sflag:s29] =	ssyncadd.s32 $0xFFFFFF80  }
0x52: {  	[tilespmem:s16], [sflag:$0x4] =	stream.indirect.gather [hbm4b:s5+s14], $0x20, s14, s14, $0xb8;
	[tilespmem:$0x10C00] =	vst v63  }
0x53: {  	s14 =	sadd.s32 @!p0 $0x2, s15  }
0x54: {  	s16 =	sshll.u32 @!p0 s14, $0xE;
	s14 =	sshll.u32 @!p0 s14, $0x7  }
0x55: {  	s16 =	sand.u32 @!p0 $0x7E0000, s16;
	s14 =	sand.u32 @!p0 $0x300, s14  }
0x56: {  	s14 =	sor.u32 @!p0 s16, s14  }
0x57: {  	s16 =	sor.u32 @!p0 s6, s14  }
0x58: {  	s16 =	sshrl.u32 @!p0 s16, $0x3  }
0x59: {  	s17 =	simm.s32 @!p0 $0x0;
	s16 =	sadd.s32 @!p0 s1, s16  }
0x5a: {  	[tilespmem:s17], [sflag:$0x1] =	stream.linear.gather @!p0 [hbm4b:s16+s17], $0x80, $0x38;
	[tilespmem:$0x10C00] =	vst v63  }
0x5b: {  	s16 =	sor.u32 @!p0 s9, s14  }
0x5c: {  	s16 =	sshrl.u32 @!p0 s16, $0x3  }
0x5d: {  	s18 =	simm.s32 @!p0 $0x80;
	s16 =	sadd.s32 @!p0 s1, s16  }
0x5e: {  	[tilespmem:s18], [sflag:$0x1] =	stream.linear.gather @!p0 [hbm4b:s16+s17], $0x80, $0x38;
	[tilespmem:$0x10C00] =	vst v63  }
0x5f: {  	s16 =	sor.u32 @!p0 s10, s14  }
0x60: {  	p1 =	seq.s32 @!p0 s13, $0x0;
	s14 =	sor.u32 @!p0 s11, s14;
	s16 =	sshrl.u32 @!p0 s16, $0x3  }
0x61: {  	s18 =	simm.s32 @!p0 $0x100;
	s14 =	sshrl.u32 @!p0 s14, $0x3;
	s16 =	sadd.s32 @!p0 s1, s16  }
0x62: {  	[tilespmem:s18], [sflag:$0x1] =	stream.linear.gather @!p0 [hbm4b:s16+s17], $0x80, $0x38;
	[tilespmem:$0x10C00] =	vst v63  }
0x63: {  	p1 =	por p0, !p1;
	s14 =	sadd.s32 @!p0 s1, s14;
	s16 =	simm.s32 @!p0 $0x180  }
0x64: {  	[tilespmem:s16], [sflag:$0x1] =	stream.linear.gather @!p0 [hbm4b:s14+s17], $0x80, $0x38;
	[tilespmem:$0x10C00] =	vst v63  }
0x65: {  	_ =	swait.ge @p1 [sflag:s3], $0x400  }
0x66: {  	[sflag:s3] =	ssyncset.done @p1 $0x0  }
0x67: {  	[sflag:s3] =	ssyncadd.s32 @p1 $0xFFFFFC00  }
0x68: {  	_ =	swait.ge @p1 [sflag:s3], $0x400  }
0x69: {  	[sflag:s3] =	ssyncset.done @p1 $0x0  }
0x6a: {  	[sflag:s3] =	ssyncadd.s32 @p1 $0xFFFFFC00  }
0x6b: {  	_ =	swait.ge @p1 [sflag:s3], $0x400  }
0x6c: {  	[sflag:s3] =	ssyncset.done @p1 $0x0  }
0x6d: {  	[sflag:s3] =	ssyncadd.s32 @p1 $0xFFFFFC00  }
0x6e: {  	_ =	swait.ge @p1 [sflag:s3], $0x400  }
0x6f: {  	[sflag:s3] =	ssyncset.done @p1 $0x0  }
0x70: {  	[sflag:s3] =	ssyncadd.s32 @p1 $0xFFFFFC00  }
0x71: {  	_ =	swait.ge @p1 [sflag:s3], $0x400  }
0x72: {  	[sflag:s3] =	ssyncset.done @p1 $0x0  }
0x73: {  	[sflag:s3] =	ssyncadd.s32 @p1 $0xFFFFFC00  }
0x74: {  	_ =	swait.ge @p1 [sflag:s3], $0x400  }
0x75: {  	[sflag:s3] =	ssyncset.done @p1 $0x0  }
0x76: {  	[sflag:s3] =	ssyncadd.s32 @p1 $0xFFFFFC00  }
0x77: {  	_ =	swait.ge @p1 [sflag:s3], $0x400  }
0x78: {  	[sflag:s3] =	ssyncset.done @p1 $0x0  }
0x79: {  	[sflag:s3] =	ssyncadd.s32 @p1 $0xFFFFFC00  }
0x7a: {  	_ =	swait.ge @p1 [sflag:s3], $0x400  }
0x7b: {  	[sflag:s3] =	ssyncset.done @p1 $0x0  }
0x7c: {  	[sflag:s3] =	ssyncadd.s32 @p1 $0xFFFFFC00  }
0x7d: {  	_ =	swait.ge @p1 [sflag:s3], $0x400  }
0x7e: {  	[sflag:s3] =	ssyncset.done @p1 $0x0  }
0x7f: {  	[sflag:s3] =	ssyncadd.s32 @p1 $0xFFFFFC00  }
0x80: {  	_ =	swait.ge @p1 [sflag:s3], $0x400  }
0x81: {  	[sflag:s3] =	ssyncset.done @p1 $0x0  }
0x82: {  	[sflag:s3] =	ssyncadd.s32 @p1 $0xFFFFFC00  }
0x83: {  	_ =	swait.ge @p1 [sflag:s3], $0x400  }
0x84: {  	[sflag:s3] =	ssyncset.done @p1 $0x0  }
0x85: {  	[sflag:s3] =	ssyncadd.s32 @p1 $0xFFFFFC00  }
0x86: {  	_ =	swait.ge @p1 [sflag:s3], $0x400  }
0x87: {  	[sflag:s3] =	ssyncset.done @p1 $0x0  }
0x88: {  	[sflag:s3] =	ssyncadd.s32 @p1 $0xFFFFFC00  }
0x89: {  	_ =	swait.ge @p1 [sflag:s3], $0x400  }
0x8a: {  	[sflag:s3] =	ssyncset.done @p1 $0x0  }
0x8b: {  	[sflag:s3] =	ssyncadd.s32 @p1 $0xFFFFFC00  }
0x8c: {  	_ =	swait.ge @p1 [sflag:s3], $0x400  }
0x8d: {  	s17 =	simm.s32 $0x0;
	[sflag:s3] =	ssyncset.done @p1 $0x0  }
0x8e: {  	s18 =	sand.u32 $0x60, s17;
	[sflag:s3] =	ssyncadd.s32 @p1 $0xFFFFFC00  }
0x8f: {  	s17 =	sand.u32 $0x70, s17;
	v3 =	vmov s18;
	_ =	swait.ge @p1 [sflag:s3], $0x400  }
0x90: {  	v4 =	vmov s17;
	v3 =	vmul.u32 $0x88, v3;
	[sflag:s3] =	ssyncset.done @p1 $0x0  }
0x91: {  	v4 =	vshrl.u32 v4, $0x3;
	[sflag:s3] =	ssyncadd.s32 @p1 $0xFFFFFC00  }
0x92: {  	v4 =	vshll.u32 v4, v1;
	v3 =	vbroadcast v3, $0x0;
	_ =	swait.ge @p1 [sflag:s3], $0x400  }
0x93: {  	v4 =	vbroadcast v4, $0x0;
	[sflag:s3] =	ssyncset.done @p1 $0x0  }
0x94: {  	s14 =	simm.s32 $0x500;
	v5 =	vadd.s32 v0, v3;
	[sflag:s3] =	ssyncadd.s32 @p1 $0xFFFFFC00  }
0x95: {  	v3 =	vadd.s32 v2, v3;
	v7 =	vadd.s32 v4, v5;
	v6 =	vld [tilespmem:s14+$0xFFFFFF00]  }
0x96: {  	v4 =	vadd.s32 v4, v3;
	v8 =	vld [tilespmem:s14+$0xFFFFFF10];
	_ =	sdelay $0x3  }
0x97: {  	[tilespmem:v7+s30+$0x0] =	vst.idx.msk $0xffff, v6  }
0x98: {  	[tilespmem:v4+s30+$0x0] =	vst.idx.msk $0xffff, v8  }
0x99: {  	v8 =	vor.u32 $0x1, v7;
	v6 =	vld [tilespmem:s14+$0xFFFFFF20]  }
0x9a: {  	v10 =	vor.u32 $0x1, v4;
	v9 =	vld [tilespmem:s14+$0xFFFFFF30];
	_ =	sdelay $0x3  }
0x9b: {  	[tilespmem:v8+s30+$0x0] =	vst.idx.msk $0xffff, v6  }
0x9c: {  	[tilespmem:v10+s30+$0x0] =	vst.idx.msk $0xffff, v9  }
0x9d: {  	v8 =	vor.u32 $0x2, v7;
	v6 =	vld [tilespmem:s14+$0xFFFFFF40]  }
0x9e: {  	v56 =	vor.u32 $0x2, v4;
	v9 =	vld [tilespmem:s14+$0xFFFFFF50];
	_ =	sdelay $0x3  }
0x9f: {  	[tilespmem:v8+s30+$0x0] =	vst.idx.msk $0xffff, v6  }
0xa0: {  	[tilespmem:v56+s30+$0x0] =	vst.idx.msk $0xffff, v9  }
0xa1: {  	v8 =	vor.u32 $0x3, v7;
	v6 =	vld [tilespmem:s14+$0xFFFFFF60]  }
0xa2: {  	v57 =	vor.u32 $0x3, v4;
	v9 =	vld [tilespmem:s14+$0xFFFFFF70];
	_ =	sdelay $0x3  }
0xa3: {  	[tilespmem:v8+s30+$0x0] =	vst.idx.msk $0xffff, v6  }
0xa4: {  	[tilespmem:v57+s30+$0x0] =	vst.idx.msk $0xffff, v9  }
0xa5: {  	v8 =	vor.u32 $0x4, v7;
	v6 =	vld [tilespmem:s14+$0xFFFFFF80]  }
0xa6: {  	v58 =	vor.u32 $0x4, v4;
	v9 =	vld [tilespmem:s14+$0xFFFFFF90];
	_ =	sdelay $0x3  }
0xa7: {  	[tilespmem:v8+s30+$0x0] =	vst.idx.msk $0xffff, v6  }
0xa8: {  	[tilespmem:v58+s30+$0x0] =	vst.idx.msk $0xffff, v9  }
0xa9: {  	v8 =	vor.u32 $0x5, v7;
	v6 =	vld [tilespmem:s14+$0xFFFFFFA0]  }
0xaa: {  	v59 =	vor.u32 $0x5, v4;
	v9 =	vld [tilespmem:s14+$0xFFFFFFB0];
	_ =	sdelay $0x3  }
0xab: {  	[tilespmem:v8+s30+$0x0] =	vst.idx.msk $0xffff, v6  }
0xac: {  	[tilespmem:v59+s30+$0x0] =	vst.idx.msk $0xffff, v9  }
0xad: {  	v8 =	vor.u32 $0x6, v7;
	v6 =	vld [tilespmem:s14+$0xFFFFFFC0]  }
0xae: {  	v60 =	vor.u32 $0x6, v4;
	v9 =	vld [tilespmem:s14+$0xFFFFFFD0];
	_ =	sdelay $0x3  }
0xaf: {  	[tilespmem:v8+s30+$0x0] =	vst.idx.msk $0xffff, v6  }
0xb0: {  	[tilespmem:v60+s30+$0x0] =	vst.idx.msk $0xffff, v9  }
0xb1: {  	v7 =	vor.u32 $0x7, v7;
	v6 =	vld [tilespmem:s14+$0xFFFFFFE0]  }
0xb2: {  	s16 =	sor.u32 $0x8, s17;
	v4 =	vor.u32 $0x7, v4;
	v8 =	vld [tilespmem:s14+$0xFFFFFFF0]  }
0xb3: {  	v61 =	vmov s16  }
0xb4: {  	v9 =	vshrl.u32 v61, $0x3  }
0xb5: {  	v9 =	vshll.u32 v9, v1  }
0xb6: {  	[tilespmem:v7+s30+$0x0] =	vst.idx.msk $0xffff, v6;
	v6 =	vbroadcast v9, $0x0  }
0xb7: {  	[tilespmem:v4+s30+$0x0] =	vst.idx.msk $0xffff, v8  }
0xb8: {  	v4 =	vld [tilespmem:s14+$0x0];
	v5 =	vadd.s32 v5, v6  }
0xb9: {  	v7 =	vld [tilespmem:s14+$0x10];
	v3 =	vadd.s32 v3, v6;
	_ =	sdelay $0x3  }
0xba: {  	[tilespmem:v5+s30+$0x0] =	vst.idx.msk $0xffff, v4  }
0xbb: {  	[tilespmem:v3+s30+$0x0] =	vst.idx.msk $0xffff, v7  }
0xbc: {  	v6 =	vor.u32 $0x1, v5;
	v4 =	vld [tilespmem:s14+$0x20]  }
0xbd: {  	v8 =	vor.u32 $0x1, v3;
	v7 =	vld [tilespmem:s14+$0x30];
	_ =	sdelay $0x3  }
0xbe: {  	[tilespmem:v6+s30+$0x0] =	vst.idx.msk $0xffff, v4  }
0xbf: {  	[tilespmem:v8+s30+$0x0] =	vst.idx.msk $0xffff, v7  }
0xc0: {  	v6 =	vor.u32 $0x2, v5;
	v4 =	vld [tilespmem:s14+$0x40]  }
0xc1: {  	v8 =	vor.u32 $0x2, v3;
	v7 =	vld [tilespmem:s14+$0x50];
	_ =	sdelay $0x3  }
0xc2: {  	[tilespmem:v6+s30+$0x0] =	vst.idx.msk $0xffff, v4  }
0xc3: {  	[tilespmem:v8+s30+$0x0] =	vst.idx.msk $0xffff, v7  }
0xc4: {  	v6 =	vor.u32 $0x3, v5;
	v4 =	vld [tilespmem:s14+$0x60]  }
0xc5: {  	v8 =	vor.u32 $0x3, v3;
	v7 =	vld [tilespmem:s14+$0x70];
	_ =	sdelay $0x3  }
0xc6: {  	[tilespmem:v6+s30+$0x0] =	vst.idx.msk $0xffff, v4  }
0xc7: {  	[tilespmem:v8+s30+$0x0] =	vst.idx.msk $0xffff, v7  }
0xc8: {  	v6 =	vor.u32 $0x4, v5;
	v4 =	vld [tilespmem:s14+$0x80]  }
0xc9: {  	v8 =	vor.u32 $0x4, v3;
	v7 =	vld [tilespmem:s14+$0x90];
	_ =	sdelay $0x3  }
0xca: {  	[tilespmem:v6+s30+$0x0] =	vst.idx.msk $0xffff, v4  }
0xcb: {  	[tilespmem:v8+s30+$0x0] =	vst.idx.msk $0xffff, v7  }
0xcc: {  	v6 =	vor.u32 $0x5, v5;
	v4 =	vld [tilespmem:s14+$0xA0]  }
0xcd: {  	v8 =	vor.u32 $0x5, v3;
	v7 =	vld [tilespmem:s14+$0xB0];
	_ =	sdelay $0x3  }
0xce: {  	[tilespmem:v6+s30+$0x0] =	vst.idx.msk $0xffff, v4  }
0xcf: {  	[tilespmem:v8+s30+$0x0] =	vst.idx.msk $0xffff, v7  }
0xd0: {  	v6 =	vor.u32 $0x6, v5;
	v4 =	vld [tilespmem:s14+$0xC0]  }
0xd1: {  	v8 =	vor.u32 $0x6, v3;
	v7 =	vld [tilespmem:s14+$0xD0];
	_ =	sdelay $0x3  }
0xd2: {  	[tilespmem:v6+s30+$0x0] =	vst.idx.msk $0xffff, v4  }
0xd3: {  	s18 =	simm.s32 $0x4;
	s16 =	simm.s32 $0x10;
	[tilespmem:v8+s30+$0x0] =	vst.idx.msk $0xffff, v7  }
0xd4: {  	s17 =	sand.u32 $0x60, s18;
	s18 =	sand.u32 $0x70, s16;
	v62 =	vor.u32 $0x7, v5;
	v8 =	vld [tilespmem:s14+$0xE0]  }
0xd5: {  	v5 =	vmov s18;
	v4 =	vmov s17  }
0xd6: {  	s18 =	sor.u32 $0x8, s18;
	v6 =	vmul.u32 $0x88, v4;
	v7 =	vshrl.u32 v5, $0x3;
	v5 =	vor.u32 $0x7, v3;
	v4 =	vld [tilespmem:s14+$0xF0]  }
0xd7: {  	v63 =	vmov s18  }
0xd8: {  	v10 =	vshrl.u32 v63, $0x3;
	v3 =	vshll.u32 v7, v1  }
0xd9: {  	s17 =	simm.s32 $0x8;
	v6 =	vbroadcast v6, $0x0;
	v7 =	vbroadcast v3, $0x0;
	v3 =	vshll.u32 v10, v1;
	[tilespmem:v62+s30+$0x0] =	vst.idx.msk $0xffff, v8  }
.LBB2_3:
0xda: {  	p2 =	sne.s32 s17, $0x7C  }
0xdb: {  	v8 =	vadd.s32 v0, v6;
	[tilespmem:v5+s30+$0x0] =	vst.idx.msk $0xffff, v4;
	s14 =	sadd.s32 $0x200, s14;
	s18 =	smov.u32 s17;
	s17 =	sadd.s32 $0x4, s17  }
0xdc: {  	v6 =	vadd.s32 v2, v6;
	v4 =	vld [tilespmem:s14+$0xFFFFFF00];
	v5 =	vadd.s32 v7, v8  }
0xdd: {  	v7 =	vadd.s32 v7, v6;
	v9 =	vld [tilespmem:s14+$0xFFFFFF10];
	_ =	sdelay $0x3  }
0xde: {  	[tilespmem:v5+s30+$0x0] =	vst.idx.msk $0xffff, v4  }
0xdf: {  	[tilespmem:v7+s30+$0x0] =	vst.idx.msk $0xffff, v9  }
0xe0: {  	v9 =	vor.u32 $0x1, v5;
	v4 =	vld [tilespmem:s14+$0xFFFFFF20]  }
0xe1: {  	v11 =	vor.u32 $0x1, v7;
	v10 =	vld [tilespmem:s14+$0xFFFFFF30];
	_ =	sdelay $0x3  }
0xe2: {  	[tilespmem:v9+s30+$0x0] =	vst.idx.msk $0xffff, v4  }
0xe3: {  	[tilespmem:v11+s30+$0x0] =	vst.idx.msk $0xffff, v10  }
0xe4: {  	v9 =	vor.u32 $0x2, v5;
	v4 =	vld [tilespmem:s14+$0xFFFFFF40]  }
0xe5: {  	v11 =	vor.u32 $0x2, v7;
	v10 =	vld [tilespmem:s14+$0xFFFFFF50];
	_ =	sdelay $0x3  }
0xe6: {  	[tilespmem:v9+s30+$0x0] =	vst.idx.msk $0xffff, v4  }
0xe7: {  	[tilespmem:v11+s30+$0x0] =	vst.idx.msk $0xffff, v10  }
0xe8: {  	v9 =	vor.u32 $0x3, v5;
	v4 =	vld [tilespmem:s14+$0xFFFFFF60]  }
0xe9: {  	v11 =	vor.u32 $0x3, v7;
	v10 =	vld [tilespmem:s14+$0xFFFFFF70];
	_ =	sdelay $0x3  }
0xea: {  	[tilespmem:v9+s30+$0x0] =	vst.idx.msk $0xffff, v4  }
0xeb: {  	[tilespmem:v11+s30+$0x0] =	vst.idx.msk $0xffff, v10  }
0xec: {  	v9 =	vor.u32 $0x4, v5;
	v4 =	vld [tilespmem:s14+$0xFFFFFF80]  }
0xed: {  	v11 =	vor.u32 $0x4, v7;
	v10 =	vld [tilespmem:s14+$0xFFFFFF90];
	_ =	sdelay $0x3  }
0xee: {  	[tilespmem:v9+s30+$0x0] =	vst.idx.msk $0xffff, v4  }
0xef: {  	[tilespmem:v11+s30+$0x0] =	vst.idx.msk $0xffff, v10  }
0xf0: {  	v9 =	vor.u32 $0x5, v5;
	v4 =	vld [tilespmem:s14+$0xFFFFFFA0]  }
0xf1: {  	v11 =	vor.u32 $0x5, v7;
	v10 =	vld [tilespmem:s14+$0xFFFFFFB0];
	_ =	sdelay $0x3  }
0xf2: {  	[tilespmem:v9+s30+$0x0] =	vst.idx.msk $0xffff, v4  }
0xf3: {  	[tilespmem:v11+s30+$0x0] =	vst.idx.msk $0xffff, v10  }
0xf4: {  	v9 =	vor.u32 $0x6, v5;
	v4 =	vld [tilespmem:s14+$0xFFFFFFC0]  }
0xf5: {  	v11 =	vor.u32 $0x6, v7;
	v10 =	vld [tilespmem:s14+$0xFFFFFFD0];
	_ =	sdelay $0x3  }
0xf6: {  	[tilespmem:v9+s30+$0x0] =	vst.idx.msk $0xffff, v4  }
0xf7: {  	[tilespmem:v11+s30+$0x0] =	vst.idx.msk $0xffff, v10  }
0xf8: {  	v5 =	vor.u32 $0x7, v5;
	v4 =	vld [tilespmem:s14+$0xFFFFFFE0]  }
0xf9: {  	v7 =	vor.u32 $0x7, v7;
	v9 =	vld [tilespmem:s14+$0xFFFFFFF0];
	_ =	sdelay $0x3  }
0xfa: {  	v3 =	vbroadcast v3, $0x0;
	[tilespmem:v5+s30+$0x0] =	vst.idx.msk $0xffff, v4  }
0xfb: {  	[tilespmem:v7+s30+$0x0] =	vst.idx.msk $0xffff, v9  }
0xfc: {  	v5 =	vadd.s32 v8, v3;
	v4 =	vld [tilespmem:s14+$0x0]  }
0xfd: {  	v3 =	vadd.s32 v6, v3;
	v7 =	vld [tilespmem:s14+$0x10];
	_ =	sdelay $0x3  }
0xfe: {  	[tilespmem:v5+s30+$0x0] =	vst.idx.msk $0xffff, v4  }
0xff: {  	[tilespmem:v3+s30+$0x0] =	vst.idx.msk $0xffff, v7  }
0x100: {  	v6 =	vor.u32 $0x1, v5;
	v4 =	vld [tilespmem:s14+$0x20]  }
0x101: {  	v8 =	vor.u32 $0x1, v3;
	v7 =	vld [tilespmem:s14+$0x30];
	_ =	sdelay $0x3  }
0x102: {  	[tilespmem:v6+s30+$0x0] =	vst.idx.msk $0xffff, v4  }
0x103: {  	[tilespmem:v8+s30+$0x0] =	vst.idx.msk $0xffff, v7  }
0x104: {  	v6 =	vor.u32 $0x2, v5;
	v4 =	vld [tilespmem:s14+$0x40]  }
0x105: {  	v8 =	vor.u32 $0x2, v3;
	v7 =	vld [tilespmem:s14+$0x50];
	_ =	sdelay $0x3  }
0x106: {  	[tilespmem:v6+s30+$0x0] =	vst.idx.msk $0xffff, v4  }
0x107: {  	[tilespmem:v8+s30+$0x0] =	vst.idx.msk $0xffff, v7  }
0x108: {  	v6 =	vor.u32 $0x3, v5;
	v4 =	vld [tilespmem:s14+$0x60]  }
0x109: {  	v8 =	vor.u32 $0x3, v3;
	v7 =	vld [tilespmem:s14+$0x70];
	_ =	sdelay $0x3  }
0x10a: {  	[tilespmem:v6+s30+$0x0] =	vst.idx.msk $0xffff, v4  }
0x10b: {  	[tilespmem:v8+s30+$0x0] =	vst.idx.msk $0xffff, v7  }
0x10c: {  	v6 =	vor.u32 $0x4, v5;
	v4 =	vld [tilespmem:s14+$0x80]  }
0x10d: {  	v8 =	vor.u32 $0x4, v3;
	v7 =	vld [tilespmem:s14+$0x90];
	_ =	sdelay $0x3  }
0x10e: {  	[tilespmem:v6+s30+$0x0] =	vst.idx.msk $0xffff, v4  }
0x10f: {  	[tilespmem:v8+s30+$0x0] =	vst.idx.msk $0xffff, v7  }
0x110: {  	v6 =	vor.u32 $0x5, v5;
	v4 =	vld [tilespmem:s14+$0xA0]  }
0x111: {  	v8 =	vor.u32 $0x5, v3;
	v7 =	vld [tilespmem:s14+$0xB0];
	_ =	sdelay $0x3  }
0x112: {  	[tilespmem:v6+s30+$0x0] =	vst.idx.msk $0xffff, v4  }
0x113: {  	[tilespmem:v8+s30+$0x0] =	vst.idx.msk $0xffff, v7  }
0x114: {  	v6 =	vor.u32 $0x6, v5;
	v4 =	vld [tilespmem:s14+$0xC0]  }
0x115: {  	v8 =	vor.u32 $0x6, v3;
	v7 =	vld [tilespmem:s14+$0xD0];
	_ =	sdelay $0x3  }
0x116: {  	[tilespmem:v6+s30+$0x0] =	vst.idx.msk $0xffff, v4  }
0x117: {  	[tilespmem:v8+s30+$0x0] =	vst.idx.msk $0xffff, v7  }
0x118: {  	s16 =	sadd.s32 $0x10, s16;
	s18 =	sand.u32 $0x60, s18;
	v9 =	vor.u32 $0x7, v5;
	v8 =	vld [tilespmem:s14+$0xE0]  }
.Ltmp0:
0x119: {  	v5 =	vor.u32 $0x7, v3;
	v6 =	vmov s18;
	s18 =	sand.u32 $0x70, s16;
	v4 =	vld [tilespmem:s14+$0xF0];
	(pc) =	sbr.rel @p2 .LBB2_3-.Ltmp0, $4  }
0x11a: {  	v3 =	vmov s18;
	v6 =	vmul.u32 $0x88, v6;
	s18 =	sor.u32 $0x8, s18  }
0x11b: {  	v3 =	vshrl.u32 v3, $0x3;
	v7 =	vmov s18  }
0x11c: {  	v6 =	vbroadcast v6, $0x0;
	v3 =	vshll.u32 v3, v1;
	v10 =	vshrl.u32 v7, $0x3  }
0x11d: {  	v7 =	vbroadcast v3, $0x0;
	v3 =	vshll.u32 v10, v1;
	[tilespmem:v9+s30+$0x0] =	vst.idx.msk $0xffff, v8  }
0x11e: {  	_ =	sdelay $0x3  }
0x11f: {  	v8 =	vadd.s32 v0, v6;
	[tilespmem:v5+s30+$0x0] =	vst.idx.msk $0xffff, v4;
	s14 =	sadd.s32 $0x200, s14  }
0x120: {  	v6 =	vadd.s32 v2, v6;
	v4 =	vld [tilespmem:s14+$0xFFFFFF00];
	v5 =	vadd.s32 v7, v8  }
0x121: {  	v9 =	vld [tilespmem:s14+$0xFFFFFF10];
	v7 =	vadd.s32 v7, v6;
	_ =	sdelay $0x3  }
0x122: {  	[tilespmem:v5+s30+$0x0] =	vst.idx.msk $0xffff, v4  }
0x123: {  	[tilespmem:v7+s30+$0x0] =	vst.idx.msk $0xffff, v9  }
0x124: {  	v43 =	vor.u32 $0x1, v5;
	v4 =	vld [tilespmem:s14+$0xFFFFFF20]  }
0x125: {  	v11 =	vor.u32 $0x1, v7;
	v10 =	vld [tilespmem:s14+$0xFFFFFF30];
	_ =	sdelay $0x3  }
0x126: {  	[tilespmem:v43+s30+$0x0] =	vst.idx.msk $0xffff, v4  }
0x127: {  	[tilespmem:v11+s30+$0x0] =	vst.idx.msk $0xffff, v10  }
0x128: {  	v44 =	vor.u32 $0x2, v5;
	v4 =	vld [tilespmem:s14+$0xFFFFFF40]  }
0x129: {  	v45 =	vor.u32 $0x2, v7;
	v10 =	vld [tilespmem:s14+$0xFFFFFF50];
	_ =	sdelay $0x3  }
0x12a: {  	[tilespmem:v44+s30+$0x0] =	vst.idx.msk $0xffff, v4  }
0x12b: {  	[tilespmem:v45+s30+$0x0] =	vst.idx.msk $0xffff, v10  }
0x12c: {  	v46 =	vor.u32 $0x3, v5;
	v4 =	vld [tilespmem:s14+$0xFFFFFF60]  }
0x12d: {  	v47 =	vor.u32 $0x3, v7;
	v10 =	vld [tilespmem:s14+$0xFFFFFF70];
	_ =	sdelay $0x3  }
0x12e: {  	[tilespmem:v46+s30+$0x0] =	vst.idx.msk $0xffff, v4  }
0x12f: {  	[tilespmem:v47+s30+$0x0] =	vst.idx.msk $0xffff, v10  }
0x130: {  	v48 =	vor.u32 $0x4, v5;
	v4 =	vld [tilespmem:s14+$0xFFFFFF80]  }
0x131: {  	v49 =	vor.u32 $0x4, v7;
	v10 =	vld [tilespmem:s14+$0xFFFFFF90];
	_ =	sdelay $0x3  }
0x132: {  	[tilespmem:v48+s30+$0x0] =	vst.idx.msk $0xffff, v4  }
0x133: {  	[tilespmem:v49+s30+$0x0] =	vst.idx.msk $0xffff, v10  }
0x134: {  	v50 =	vor.u32 $0x5, v5;
	v4 =	vld [tilespmem:s14+$0xFFFFFFA0]  }
0x135: {  	v51 =	vor.u32 $0x5, v7;
	v10 =	vld [tilespmem:s14+$0xFFFFFFB0];
	_ =	sdelay $0x3  }
0x136: {  	[tilespmem:v50+s30+$0x0] =	vst.idx.msk $0xffff, v4  }
0x137: {  	[tilespmem:v51+s30+$0x0] =	vst.idx.msk $0xffff, v10  }
0x138: {  	v52 =	vor.u32 $0x6, v5;
	v4 =	vld [tilespmem:s14+$0xFFFFFFC0]  }
0x139: {  	v53 =	vor.u32 $0x6, v7;
	v10 =	vld [tilespmem:s14+$0xFFFFFFD0];
	_ =	sdelay $0x3  }
0x13a: {  	[tilespmem:v52+s30+$0x0] =	vst.idx.msk $0xffff, v4  }
0x13b: {  	[tilespmem:v53+s30+$0x0] =	vst.idx.msk $0xffff, v10  }
0x13c: {  	v5 =	vor.u32 $0x7, v5;
	v4 =	vld [tilespmem:s14+$0xFFFFFFE0]  }
0x13d: {  	v7 =	vor.u32 $0x7, v7;
	v9 =	vld [tilespmem:s14+$0xFFFFFFF0];
	_ =	sdelay $0x3  }
0x13e: {  	v3 =	vbroadcast v3, $0x0;
	[tilespmem:v5+s30+$0x0] =	vst.idx.msk $0xffff, v4  }
0x13f: {  	[tilespmem:v7+s30+$0x0] =	vst.idx.msk $0xffff, v9  }
0x140: {  	v5 =	vadd.s32 v8, v3;
	v4 =	vld [tilespmem:s14+$0x0]  }
0x141: {  	v3 =	vadd.s32 v6, v3;
	v7 =	vld [tilespmem:s14+$0x10];
	_ =	sdelay $0x3  }
0x142: {  	[tilespmem:v5+s30+$0x0] =	vst.idx.msk $0xffff, v4  }
0x143: {  	[tilespmem:v3+s30+$0x0] =	vst.idx.msk $0xffff, v7  }
0x144: {  	v6 =	vor.u32 $0x1, v5;
	v4 =	vld [tilespmem:s14+$0x20]  }
0x145: {  	v8 =	vor.u32 $0x1, v3;
	v7 =	vld [tilespmem:s14+$0x30];
	_ =	sdelay $0x3  }
0x146: {  	[tilespmem:v6+s30+$0x0] =	vst.idx.msk $0xffff, v4  }
0x147: {  	[tilespmem:v8+s30+$0x0] =	vst.idx.msk $0xffff, v7  }
0x148: {  	v6 =	vor.u32 $0x2, v5;
	v4 =	vld [tilespmem:s14+$0x40]  }
0x149: {  	v8 =	vor.u32 $0x2, v3;
	v7 =	vld [tilespmem:s14+$0x50];
	_ =	sdelay $0x3  }
0x14a: {  	[tilespmem:v6+s30+$0x0] =	vst.idx.msk $0xffff, v4  }
0x14b: {  	[tilespmem:v8+s30+$0x0] =	vst.idx.msk $0xffff, v7  }
0x14c: {  	v6 =	vor.u32 $0x3, v5;
	v4 =	vld [tilespmem:s14+$0x60]  }
0x14d: {  	v8 =	vor.u32 $0x3, v3;
	v7 =	vld [tilespmem:s14+$0x70];
	_ =	sdelay $0x3  }
0x14e: {  	[tilespmem:v6+s30+$0x0] =	vst.idx.msk $0xffff, v4  }
0x14f: {  	[tilespmem:v8+s30+$0x0] =	vst.idx.msk $0xffff, v7  }
0x150: {  	v6 =	vor.u32 $0x4, v5;
	v4 =	vld [tilespmem:s14+$0x80]  }
0x151: {  	v8 =	vor.u32 $0x4, v3;
	v7 =	vld [tilespmem:s14+$0x90];
	_ =	sdelay $0x3  }
0x152: {  	[tilespmem:v6+s30+$0x0] =	vst.idx.msk $0xffff, v4  }
0x153: {  	[tilespmem:v8+s30+$0x0] =	vst.idx.msk $0xffff, v7  }
0x154: {  	v6 =	vor.u32 $0x5, v5;
	v4 =	vld [tilespmem:s14+$0xA0]  }
0x155: {  	v8 =	vor.u32 $0x5, v3;
	v7 =	vld [tilespmem:s14+$0xB0];
	_ =	sdelay $0x3  }
0x156: {  	[tilespmem:v6+s30+$0x0] =	vst.idx.msk $0xffff, v4  }
0x157: {  	[tilespmem:v8+s30+$0x0] =	vst.idx.msk $0xffff, v7  }
0x158: {  	v6 =	vor.u32 $0x6, v5;
	v4 =	vld [tilespmem:s14+$0xC0]  }
0x159: {  	v8 =	vor.u32 $0x6, v3;
	v7 =	vld [tilespmem:s14+$0xD0];
	_ =	sdelay $0x3  }
0x15a: {  	[tilespmem:v6+s30+$0x0] =	vst.idx.msk $0xffff, v4  }
0x15b: {  	[tilespmem:v8+s30+$0x0] =	vst.idx.msk $0xffff, v7  }
0x15c: {  	v5 =	vor.u32 $0x7, v5;
	v4 =	vld [tilespmem:s14+$0xE0]  }
0x15d: {  	v3 =	vor.u32 $0x7, v3;
	v6 =	vld [tilespmem:s14+$0xF0];
	_ =	sdelay $0x2  }
0x15e: {  	s18 =	sshll.u32 s13, $0x11;
	s16 =	rddreg [dreg:$0x4]  }
0x15f: {  	s17 =	rddreg [dreg:$0x2];
	s14 =	sor.u32 s16, s18;
	[tilespmem:v5+s30+$0x0] =	vst.idx.msk $0xffff, v4  }
0x160: {  	s16 =	sadd.s32 s17, s14;
	[tilespmem:v3+s30+$0x0] =	vst.idx.msk $0xffff, v6  }
0x161: {  	[hbm4b:s16+s4] =	stream.linear.scatter [tilespmem:s30], [sflag:$0x5], $0x80, $0x38;
	[tilespmem:$0x10C00] =	vst v63  }
0x162: {  	s18 =	simm.s32 $0x8488;
	s17 =	sadd.s32 $0x10, s16  }
0x163: {  	[hbm4b:s17+s4] =	stream.linear.scatter [tilespmem:s18], [sflag:$0x5], $0x80, $0x38;
	[tilespmem:$0x10C00] =	vst v63  }
0x164: {  	s17 =	sadd.s32 $0x20, s16;
	s18 =	simm.s32 $0x8510  }
0x165: {  	[hbm4b:s17+s4] =	stream.linear.scatter [tilespmem:s18], [sflag:$0x5], $0x80, $0x38;
	[tilespmem:$0x10C00] =	vst v63  }
0x166: {  	s17 =	sadd.s32 $0x30, s16;
	s18 =	simm.s32 $0x8598  }
0x167: {  	[hbm4b:s17+s4] =	stream.linear.scatter [tilespmem:s18], [sflag:$0x5], $0x80, $0x38;
	[tilespmem:$0x10C00] =	vst v63  }
0x168: {  	s17 =	sadd.s32 $0x40, s16;
	s18 =	simm.s32 $0x8620  }
0x169: {  	[hbm4b:s17+s4] =	stream.linear.scatter [tilespmem:s18], [sflag:$0x5], $0x80, $0x38;
	[tilespmem:$0x10C00] =	vst v63  }
0x16a: {  	s17 =	sadd.s32 $0x50, s16;
	s18 =	simm.s32 $0x86A8  }
0x16b: {  	[hbm4b:s17+s4] =	stream.linear.scatter [tilespmem:s18], [sflag:$0x5], $0x80, $0x38;
	[tilespmem:$0x10C00] =	vst v63  }
0x16c: {  	s17 =	sadd.s32 $0x60, s16;
	s18 =	simm.s32 $0x8730  }
0x16d: {  	[hbm4b:s17+s4] =	stream.linear.scatter [tilespmem:s18], [sflag:$0x5], $0x80, $0x38;
	[tilespmem:$0x10C00] =	vst v63  }
0x16e: {  	s16 =	sadd.s32 $0x70, s16;
	s18 =	simm.s32 $0x87B8;
	s17 =	rddreg [dreg:$0xd]  }
0x16f: {  	[hbm4b:s16+s4] =	stream.linear.scatter [tilespmem:s18], [sflag:$0x5], $0x80, $0x38;
	[tilespmem:$0x10C00] =	vst v63  }
0x170: {  	s16 =	sadd.s32 s14, s17;
	s18 =	simm.s32 $0x9500  }
0x171: {  	[hbm4b:s16+s4] =	stream.linear.scatter [tilespmem:s18], [sflag:$0x5], $0x80, $0x38;
	[tilespmem:$0x10C00] =	vst v63  }
0x172: {  	s17 =	sadd.s32 $0x10, s16;
	s18 =	simm.s32 $0x9588  }
0x173: {  	[hbm4b:s17+s4] =	stream.linear.scatter [tilespmem:s18], [sflag:$0x5], $0x80, $0x38;
	[tilespmem:$0x10C00] =	vst v63  }
0x174: {  	s17 =	sadd.s32 $0x20, s16;
	s18 =	simm.s32 $0x9610  }
0x175: {  	[hbm4b:s17+s4] =	stream.linear.scatter [tilespmem:s18], [sflag:$0x5], $0x80, $0x38;
	[tilespmem:$0x10C00] =	vst v63  }
0x176: {  	s17 =	sadd.s32 $0x30, s16;
	s18 =	simm.s32 $0x9698  }
0x177: {  	[hbm4b:s17+s4] =	stream.linear.scatter [tilespmem:s18], [sflag:$0x5], $0x80, $0x38;
	[tilespmem:$0x10C00] =	vst v63  }
0x178: {  	s17 =	sadd.s32 $0x40, s16;
	s18 =	simm.s32 $0x9720  }
0x179: {  	[hbm4b:s17+s4] =	stream.linear.scatter [tilespmem:s18], [sflag:$0x5], $0x80, $0x38;
	[tilespmem:$0x10C00] =	vst v63  }
0x17a: {  	s17 =	sadd.s32 $0x50, s16;
	s18 =	simm.s32 $0x97A8  }
0x17b: {  	[hbm4b:s17+s4] =	stream.linear.scatter [tilespmem:s18], [sflag:$0x5], $0x80, $0x38;
	[tilespmem:$0x10C00] =	vst v63  }
0x17c: {  	s17 =	sadd.s32 $0x60, s16;
	s18 =	simm.s32 $0x9830  }
0x17d: {  	[hbm4b:s17+s4] =	stream.linear.scatter [tilespmem:s18], [sflag:$0x5], $0x80, $0x38;
	[tilespmem:$0x10C00] =	vst v63  }
0x17e: {  	s16 =	sadd.s32 $0x70, s16;
	s18 =	simm.s32 $0x98B8;
	s17 =	rddreg [dreg:$0xe]  }
0x17f: {  	[hbm4b:s16+s4] =	stream.linear.scatter [tilespmem:s18], [sflag:$0x5], $0x80, $0x38;
	[tilespmem:$0x10C00] =	vst v63  }
0x180: {  	s16 =	sadd.s32 s14, s17;
	s18 =	simm.s32 $0xA600  }
0x181: {  	[hbm4b:s16+s4] =	stream.linear.scatter [tilespmem:s18], [sflag:$0x5], $0x80, $0x38;
	[tilespmem:$0x10C00] =	vst v63  }
0x182: {  	s17 =	sadd.s32 $0x10, s16;
	s18 =	simm.s32 $0xA688  }
0x183: {  	[hbm4b:s17+s4] =	stream.linear.scatter [tilespmem:s18], [sflag:$0x5], $0x80, $0x38;
	[tilespmem:$0x10C00] =	vst v63  }
0x184: {  	s17 =	sadd.s32 $0x20, s16;
	s18 =	simm.s32 $0xA710  }
0x185: {  	[hbm4b:s17+s4] =	stream.linear.scatter [tilespmem:s18], [sflag:$0x5], $0x80, $0x38;
	[tilespmem:$0x10C00] =	vst v63  }
0x186: {  	s17 =	sadd.s32 $0x30, s16;
	s18 =	simm.s32 $0xA798  }
0x187: {  	[hbm4b:s17+s4] =	stream.linear.scatter [tilespmem:s18], [sflag:$0x5], $0x80, $0x38;
	[tilespmem:$0x10C00] =	vst v63  }
0x188: {  	s17 =	sadd.s32 $0x40, s16;
	s18 =	simm.s32 $0xA820  }
0x189: {  	[hbm4b:s17+s4] =	stream.linear.scatter [tilespmem:s18], [sflag:$0x5], $0x80, $0x38;
	[tilespmem:$0x10C00] =	vst v63  }
0x18a: {  	s17 =	sadd.s32 $0x50, s16;
	s18 =	simm.s32 $0xA8A8  }
0x18b: {  	[hbm4b:s17+s4] =	stream.linear.scatter [tilespmem:s18], [sflag:$0x5], $0x80, $0x38;
	[tilespmem:$0x10C00] =	vst v63  }
0x18c: {  	s17 =	sadd.s32 $0x60, s16;
	s18 =	simm.s32 $0xA930  }
0x18d: {  	[hbm4b:s17+s4] =	stream.linear.scatter [tilespmem:s18], [sflag:$0x5], $0x80, $0x38;
	[tilespmem:$0x10C00] =	vst v63  }
0x18e: {  	s16 =	sadd.s32 $0x70, s16;
	s18 =	simm.s32 $0xA9B8;
	s17 =	rddreg [dreg:$0xf]  }
0x18f: {  	[hbm4b:s16+s4] =	stream.linear.scatter [tilespmem:s18], [sflag:$0x5], $0x80, $0x38;
	[tilespmem:$0x10C00] =	vst v63  }
0x190: {  	s16 =	sadd.s32 s14, s17;
	s18 =	simm.s32 $0xB700  }
0x191: {  	[hbm4b:s16+s4] =	stream.linear.scatter [tilespmem:s18], [sflag:$0x5], $0x80, $0x38;
	[tilespmem:$0x10C00] =	vst v63  }
0x192: {  	s17 =	sadd.s32 $0x10, s16;
	s18 =	simm.s32 $0xB788  }
0x193: {  	[hbm4b:s17+s4] =	stream.linear.scatter [tilespmem:s18], [sflag:$0x5], $0x80, $0x38;
	[tilespmem:$0x10C00] =	vst v63  }
0x194: {  	s17 =	sadd.s32 $0x20, s16;
	s18 =	simm.s32 $0xB810  }
0x195: {  	[hbm4b:s17+s4] =	stream.linear.scatter [tilespmem:s18], [sflag:$0x5], $0x80, $0x38;
	[tilespmem:$0x10C00] =	vst v63  }
0x196: {  	s17 =	sadd.s32 $0x30, s16;
	s18 =	simm.s32 $0xB898  }
0x197: {  	[hbm4b:s17+s4] =	stream.linear.scatter [tilespmem:s18], [sflag:$0x5], $0x80, $0x38;
	[tilespmem:$0x10C00] =	vst v63  }
0x198: {  	s17 =	sadd.s32 $0x40, s16;
	s18 =	simm.s32 $0xB920  }
0x199: {  	[hbm4b:s17+s4] =	stream.linear.scatter [tilespmem:s18], [sflag:$0x5], $0x80, $0x38;
	[tilespmem:$0x10C00] =	vst v63  }
0x19a: {  	s17 =	sadd.s32 $0x50, s16;
	s18 =	simm.s32 $0xB9A8  }
0x19b: {  	[hbm4b:s17+s4] =	stream.linear.scatter [tilespmem:s18], [sflag:$0x5], $0x80, $0x38;
	[tilespmem:$0x10C00] =	vst v63  }
0x19c: {  	s17 =	sadd.s32 $0x60, s16;
	s18 =	simm.s32 $0xBA30  }
0x19d: {  	[hbm4b:s17+s4] =	stream.linear.scatter [tilespmem:s18], [sflag:$0x5], $0x80, $0x38;
	[tilespmem:$0x10C00] =	vst v63  }
0x19e: {  	s16 =	sadd.s32 $0x70, s16;
	s18 =	simm.s32 $0xBAB8;
	s17 =	rddreg [dreg:$0x10]  }
0x19f: {  	[hbm4b:s16+s4] =	stream.linear.scatter [tilespmem:s18], [sflag:$0x5], $0x80, $0x38;
	[tilespmem:$0x10C00] =	vst v63  }
0x1a0: {  	s16 =	sadd.s32 s14, s17;
	s18 =	simm.s32 $0x8840  }
0x1a1: {  	[hbm4b:s16+s4] =	stream.linear.scatter [tilespmem:s18], [sflag:$0x5], $0x80, $0x38;
	[tilespmem:$0x10C00] =	vst v63  }
0x1a2: {  	s17 =	sadd.s32 $0x10, s16;
	s18 =	simm.s32 $0x88C8  }
0x1a3: {  	[hbm4b:s17+s4] =	stream.linear.scatter [tilespmem:s18], [sflag:$0x5], $0x80, $0x38;
	[tilespmem:$0x10C00] =	vst v63  }
0x1a4: {  	s17 =	sadd.s32 $0x20, s16;
	s18 =	simm.s32 $0x8950  }
0x1a5: {  	[hbm4b:s17+s4] =	stream.linear.scatter [tilespmem:s18], [sflag:$0x5], $0x80, $0x38;
	[tilespmem:$0x10C00] =	vst v63  }
0x1a6: {  	s17 =	sadd.s32 $0x30, s16;
	s18 =	simm.s32 $0x89D8  }
0x1a7: {  	[hbm4b:s17+s4] =	stream.linear.scatter [tilespmem:s18], [sflag:$0x5], $0x80, $0x38;
	[tilespmem:$0x10C00] =	vst v63  }
0x1a8: {  	s17 =	sadd.s32 $0x40, s16;
	s18 =	simm.s32 $0x8A60  }
0x1a9: {  	[hbm4b:s17+s4] =	stream.linear.scatter [tilespmem:s18], [sflag:$0x5], $0x80, $0x38;
	[tilespmem:$0x10C00] =	vst v63  }
0x1aa: {  	s17 =	sadd.s32 $0x50, s16;
	s18 =	simm.s32 $0x8AE8  }
0x1ab: {  	[hbm4b:s17+s4] =	stream.linear.scatter [tilespmem:s18], [sflag:$0x5], $0x80, $0x38;
	[tilespmem:$0x10C00] =	vst v63  }
0x1ac: {  	s17 =	sadd.s32 $0x60, s16;
	s18 =	simm.s32 $0x8B70  }
0x1ad: {  	[hbm4b:s17+s4] =	stream.linear.scatter [tilespmem:s18], [sflag:$0x5], $0x80, $0x38;
	[tilespmem:$0x10C00] =	vst v63  }
0x1ae: {  	s16 =	sadd.s32 $0x70, s16;
	s18 =	simm.s32 $0x8BF8;
	s17 =	rddreg [dreg:$0x11]  }
0x1af: {  	[hbm4b:s16+s4] =	stream.linear.scatter [tilespmem:s18], [sflag:$0x5], $0x80, $0x38;
	[tilespmem:$0x10C00] =	vst v63  }
0x1b0: {  	s16 =	sadd.s32 s14, s17;
	s18 =	simm.s32 $0x9940  }
0x1b1: {  	[hbm4b:s16+s4] =	stream.linear.scatter [tilespmem:s18], [sflag:$0x5], $0x80, $0x38;
	[tilespmem:$0x10C00] =	vst v63  }
0x1b2: {  	s17 =	sadd.s32 $0x10, s16;
	s18 =	simm.s32 $0x99C8  }
0x1b3: {  	[hbm4b:s17+s4] =	stream.linear.scatter [tilespmem:s18], [sflag:$0x5], $0x80, $0x38;
	[tilespmem:$0x10C00] =	vst v63  }
0x1b4: {  	s17 =	sadd.s32 $0x20, s16;
	s18 =	simm.s32 $0x9A50  }
0x1b5: {  	[hbm4b:s17+s4] =	stream.linear.scatter [tilespmem:s18], [sflag:$0x5], $0x80, $0x38;
	[tilespmem:$0x10C00] =	vst v63  }
0x1b6: {  	s17 =	sadd.s32 $0x30, s16;
	s18 =	simm.s32 $0x9AD8  }
0x1b7: {  	[hbm4b:s17+s4] =	stream.linear.scatter [tilespmem:s18], [sflag:$0x5], $0x80, $0x38;
	[tilespmem:$0x10C00] =	vst v63  }
0x1b8: {  	s17 =	sadd.s32 $0x40, s16;
	s18 =	simm.s32 $0x9B60  }
0x1b9: {  	[hbm4b:s17+s4] =	stream.linear.scatter [tilespmem:s18], [sflag:$0x5], $0x80, $0x38;
	[tilespmem:$0x10C00] =	vst v63  }
0x1ba: {  	s17 =	sadd.s32 $0x50, s16;
	s18 =	simm.s32 $0x9BE8  }
0x1bb: {  	[hbm4b:s17+s4] =	stream.linear.scatter [tilespmem:s18], [sflag:$0x5], $0x80, $0x38;
	[tilespmem:$0x10C00] =	vst v63  }
0x1bc: {  	s17 =	sadd.s32 $0x60, s16;
	s18 =	simm.s32 $0x9C70  }
0x1bd: {  	[hbm4b:s17+s4] =	stream.linear.scatter [tilespmem:s18], [sflag:$0x5], $0x80, $0x38;
	[tilespmem:$0x10C00] =	vst v63  }
0x1be: {  	s16 =	sadd.s32 $0x70, s16;
	s18 =	simm.s32 $0x9CF8;
	s17 =	rddreg [dreg:$0x12]  }
0x1bf: {  	[hbm4b:s16+s4] =	stream.linear.scatter [tilespmem:s18], [sflag:$0x5], $0x80, $0x38;
	[tilespmem:$0x10C00] =	vst v63  }
0x1c0: {  	s16 =	sadd.s32 s14, s17;
	s18 =	simm.s32 $0xAA40  }
0x1c1: {  	[hbm4b:s16+s4] =	stream.linear.scatter [tilespmem:s18], [sflag:$0x5], $0x80, $0x38;
	[tilespmem:$0x10C00] =	vst v63  }
0x1c2: {  	s17 =	sadd.s32 $0x10, s16;
	s18 =	simm.s32 $0xAAC8  }
0x1c3: {  	[hbm4b:s17+s4] =	stream.linear.scatter [tilespmem:s18], [sflag:$0x5], $0x80, $0x38;
	[tilespmem:$0x10C00] =	vst v63  }
0x1c4: {  	s17 =	sadd.s32 $0x20, s16;
	s18 =	simm.s32 $0xAB50  }
0x1c5: {  	[hbm4b:s17+s4] =	stream.linear.scatter [tilespmem:s18], [sflag:$0x5], $0x80, $0x38;
	[tilespmem:$0x10C00] =	vst v63  }
0x1c6: {  	s17 =	sadd.s32 $0x30, s16;
	s18 =	simm.s32 $0xABD8  }
0x1c7: {  	[hbm4b:s17+s4] =	stream.linear.scatter [tilespmem:s18], [sflag:$0x5], $0x80, $0x38;
	[tilespmem:$0x10C00] =	vst v63  }
0x1c8: {  	s17 =	sadd.s32 $0x40, s16;
	s18 =	simm.s32 $0xAC60  }
0x1c9: {  	[hbm4b:s17+s4] =	stream.linear.scatter [tilespmem:s18], [sflag:$0x5], $0x80, $0x38;
	[tilespmem:$0x10C00] =	vst v63  }
0x1ca: {  	s17 =	sadd.s32 $0x50, s16;
	s18 =	simm.s32 $0xACE8  }
0x1cb: {  	[hbm4b:s17+s4] =	stream.linear.scatter [tilespmem:s18], [sflag:$0x5], $0x80, $0x38;
	[tilespmem:$0x10C00] =	vst v63  }
0x1cc: {  	s17 =	sadd.s32 $0x60, s16;
	s18 =	simm.s32 $0xAD70  }
0x1cd: {  	[hbm4b:s17+s4] =	stream.linear.scatter [tilespmem:s18], [sflag:$0x5], $0x80, $0x38;
	[tilespmem:$0x10C00] =	vst v63  }
0x1ce: {  	s16 =	sadd.s32 $0x70, s16;
	s18 =	simm.s32 $0xADF8;
	s17 =	rddreg [dreg:$0x14]  }
0x1cf: {  	[hbm4b:s16+s4] =	stream.linear.scatter [tilespmem:s18], [sflag:$0x5], $0x80, $0x38;
	[tilespmem:$0x10C00] =	vst v63  }
0x1d0: {  	s16 =	sadd.s32 s14, s17;
	s18 =	simm.s32 $0xBB40  }
0x1d1: {  	[hbm4b:s16+s4] =	stream.linear.scatter [tilespmem:s18], [sflag:$0x5], $0x80, $0x38;
	[tilespmem:$0x10C00] =	vst v63  }
0x1d2: {  	s17 =	sadd.s32 $0x10, s16;
	s18 =	simm.s32 $0xBBC8  }
0x1d3: {  	[hbm4b:s17+s4] =	stream.linear.scatter [tilespmem:s18], [sflag:$0x5], $0x80, $0x38;
	[tilespmem:$0x10C00] =	vst v63  }
0x1d4: {  	s17 =	sadd.s32 $0x20, s16;
	s18 =	simm.s32 $0xBC50  }
0x1d5: {  	[hbm4b:s17+s4] =	stream.linear.scatter [tilespmem:s18], [sflag:$0x5], $0x80, $0x38;
	[tilespmem:$0x10C00] =	vst v63  }
0x1d6: {  	s17 =	sadd.s32 $0x30, s16;
	s18 =	simm.s32 $0xBCD8  }
0x1d7: {  	[hbm4b:s17+s4] =	stream.linear.scatter [tilespmem:s18], [sflag:$0x5], $0x80, $0x38;
	[tilespmem:$0x10C00] =	vst v63  }
0x1d8: {  	s17 =	sadd.s32 $0x40, s16;
	s18 =	simm.s32 $0xBD60  }
0x1d9: {  	[hbm4b:s17+s4] =	stream.linear.scatter [tilespmem:s18], [sflag:$0x5], $0x80, $0x38;
	[tilespmem:$0x10C00] =	vst v63  }
0x1da: {  	s17 =	sadd.s32 $0x50, s16;
	s18 =	simm.s32 $0xBDE8  }
0x1db: {  	[hbm4b:s17+s4] =	stream.linear.scatter [tilespmem:s18], [sflag:$0x5], $0x80, $0x38;
	[tilespmem:$0x10C00] =	vst v63  }
0x1dc: {  	s17 =	sadd.s32 $0x60, s16;
	s18 =	simm.s32 $0xBE70  }
0x1dd: {  	[hbm4b:s17+s4] =	stream.linear.scatter [tilespmem:s18], [sflag:$0x5], $0x80, $0x38;
	[tilespmem:$0x10C00] =	vst v63  }
0x1de: {  	s16 =	sadd.s32 $0x70, s16;
	s18 =	simm.s32 $0xBEF8;
	s17 =	rddreg [dreg:$0x15]  }
0x1df: {  	[hbm4b:s16+s4] =	stream.linear.scatter [tilespmem:s18], [sflag:$0x5], $0x80, $0x38;
	[tilespmem:$0x10C00] =	vst v63  }
0x1e0: {  	s16 =	sadd.s32 s14, s17;
	s18 =	simm.s32 $0x8C80  }
0x1e1: {  	[hbm4b:s16+s4] =	stream.linear.scatter [tilespmem:s18], [sflag:$0x5], $0x80, $0x38;
	[tilespmem:$0x10C00] =	vst v63  }
0x1e2: {  	s17 =	sadd.s32 $0x10, s16;
	s18 =	simm.s32 $0x8D08  }
0x1e3: {  	[hbm4b:s17+s4] =	stream.linear.scatter [tilespmem:s18], [sflag:$0x5], $0x80, $0x38;
	[tilespmem:$0x10C00] =	vst v63  }
0x1e4: {  	s17 =	sadd.s32 $0x20, s16;
	s18 =	simm.s32 $0x8D90  }
0x1e5: {  	[hbm4b:s17+s4] =	stream.linear.scatter [tilespmem:s18], [sflag:$0x5], $0x80, $0x38;
	[tilespmem:$0x10C00] =	vst v63  }
0x1e6: {  	s17 =	sadd.s32 $0x30, s16;
	s18 =	simm.s32 $0x8E18  }
0x1e7: {  	[hbm4b:s17+s4] =	stream.linear.scatter [tilespmem:s18], [sflag:$0x5], $0x80, $0x38;
	[tilespmem:$0x10C00] =	vst v63  }
0x1e8: {  	s17 =	sadd.s32 $0x40, s16;
	s18 =	simm.s32 $0x8EA0  }
0x1e9: {  	[hbm4b:s17+s4] =	stream.linear.scatter [tilespmem:s18], [sflag:$0x5], $0x80, $0x38;
	[tilespmem:$0x10C00] =	vst v63  }
0x1ea: {  	s17 =	sadd.s32 $0x50, s16;
	s18 =	simm.s32 $0x8F28  }
0x1eb: {  	[hbm4b:s17+s4] =	stream.linear.scatter [tilespmem:s18], [sflag:$0x5], $0x80, $0x38;
	[tilespmem:$0x10C00] =	vst v63  }
0x1ec: {  	s17 =	sadd.s32 $0x60, s16;
	s18 =	simm.s32 $0x8FB0  }
0x1ed: {  	[hbm4b:s17+s4] =	stream.linear.scatter [tilespmem:s18], [sflag:$0x5], $0x80, $0x38;
	[tilespmem:$0x10C00] =	vst v63  }
0x1ee: {  	s16 =	sadd.s32 $0x70, s16;
	s18 =	simm.s32 $0x9038;
	s17 =	rddreg [dreg:$0x16]  }
0x1ef: {  	[hbm4b:s16+s4] =	stream.linear.scatter [tilespmem:s18], [sflag:$0x5], $0x80, $0x38;
	[tilespmem:$0x10C00] =	vst v63  }
0x1f0: {  	s16 =	sadd.s32 s14, s17;
	s18 =	simm.s32 $0x9D80  }
0x1f1: {  	[hbm4b:s16+s4] =	stream.linear.scatter [tilespmem:s18], [sflag:$0x5], $0x80, $0x38;
	[tilespmem:$0x10C00] =	vst v63  }
0x1f2: {  	s17 =	sadd.s32 $0x10, s16;
	s18 =	simm.s32 $0x9E08  }
0x1f3: {  	[hbm4b:s17+s4] =	stream.linear.scatter [tilespmem:s18], [sflag:$0x5], $0x80, $0x38;
	[tilespmem:$0x10C00] =	vst v63  }
0x1f4: {  	s17 =	sadd.s32 $0x20, s16;
	s18 =	simm.s32 $0x9E90  }
0x1f5: {  	[hbm4b:s17+s4] =	stream.linear.scatter [tilespmem:s18], [sflag:$0x5], $0x80, $0x38;
	[tilespmem:$0x10C00] =	vst v63  }
0x1f6: {  	s17 =	sadd.s32 $0x30, s16;
	s18 =	simm.s32 $0x9F18  }
0x1f7: {  	[hbm4b:s17+s4] =	stream.linear.scatter [tilespmem:s18], [sflag:$0x5], $0x80, $0x38;
	[tilespmem:$0x10C00] =	vst v63  }
0x1f8: {  	s17 =	sadd.s32 $0x40, s16;
	s18 =	simm.s32 $0x9FA0  }
0x1f9: {  	[hbm4b:s17+s4] =	stream.linear.scatter [tilespmem:s18], [sflag:$0x5], $0x80, $0x38;
	[tilespmem:$0x10C00] =	vst v63  }
0x1fa: {  	s17 =	sadd.s32 $0x50, s16;
	s18 =	simm.s32 $0xA028  }
0x1fb: {  	[hbm4b:s17+s4] =	stream.linear.scatter [tilespmem:s18], [sflag:$0x5], $0x80, $0x38;
	[tilespmem:$0x10C00] =	vst v63  }
0x1fc: {  	s17 =	sadd.s32 $0x60, s16;
	s18 =	simm.s32 $0xA0B0  }
0x1fd: {  	[hbm4b:s17+s4] =	stream.linear.scatter [tilespmem:s18], [sflag:$0x5], $0x80, $0x38;
	[tilespmem:$0x10C00] =	vst v63  }
0x1fe: {  	s16 =	sadd.s32 $0x70, s16;
	s18 =	simm.s32 $0xA138;
	s17 =	rddreg [dreg:$0x17]  }
0x1ff: {  	[hbm4b:s16+s4] =	stream.linear.scatter [tilespmem:s18], [sflag:$0x5], $0x80, $0x38;
	[tilespmem:$0x10C00] =	vst v63  }
0x200: {  	s16 =	sadd.s32 s14, s17;
	s18 =	simm.s32 $0xAE80  }
0x201: {  	[hbm4b:s16+s4] =	stream.linear.scatter [tilespmem:s18], [sflag:$0x5], $0x80, $0x38;
	[tilespmem:$0x10C00] =	vst v63  }
0x202: {  	s17 =	sadd.s32 $0x10, s16;
	s18 =	simm.s32 $0xAF08  }
0x203: {  	[hbm4b:s17+s4] =	stream.linear.scatter [tilespmem:s18], [sflag:$0x5], $0x80, $0x38;
	[tilespmem:$0x10C00] =	vst v63  }
0x204: {  	s17 =	sadd.s32 $0x20, s16;
	s18 =	simm.s32 $0xAF90  }
0x205: {  	[hbm4b:s17+s4] =	stream.linear.scatter [tilespmem:s18], [sflag:$0x5], $0x80, $0x38;
	[tilespmem:$0x10C00] =	vst v63  }
0x206: {  	s17 =	sadd.s32 $0x30, s16;
	s18 =	simm.s32 $0xB018  }
0x207: {  	[hbm4b:s17+s4] =	stream.linear.scatter [tilespmem:s18], [sflag:$0x5], $0x80, $0x38;
	[tilespmem:$0x10C00] =	vst v63  }
0x208: {  	s17 =	sadd.s32 $0x40, s16;
	s18 =	simm.s32 $0xB0A0  }
0x209: {  	[hbm4b:s17+s4] =	stream.linear.scatter [tilespmem:s18], [sflag:$0x5], $0x80, $0x38;
	[tilespmem:$0x10C00] =	vst v63  }
0x20a: {  	s17 =	sadd.s32 $0x50, s16;
	s18 =	simm.s32 $0xB128  }
0x20b: {  	[hbm4b:s17+s4] =	stream.linear.scatter [tilespmem:s18], [sflag:$0x5], $0x80, $0x38;
	[tilespmem:$0x10C00] =	vst v63  }
0x20c: {  	s17 =	sadd.s32 $0x60, s16;
	s18 =	simm.s32 $0xB1B0  }
0x20d: {  	[hbm4b:s17+s4] =	stream.linear.scatter [tilespmem:s18], [sflag:$0x5], $0x80, $0x38;
	[tilespmem:$0x10C00] =	vst v63  }
0x20e: {  	s16 =	sadd.s32 $0x70, s16;
	s18 =	simm.s32 $0xB238;
	s17 =	rddreg [dreg:$0x18]  }
0x20f: {  	[hbm4b:s16+s4] =	stream.linear.scatter [tilespmem:s18], [sflag:$0x5], $0x80, $0x38;
	[tilespmem:$0x10C00] =	vst v63  }
0x210: {  	s16 =	sadd.s32 s14, s17;
	s18 =	simm.s32 $0xBF80  }
0x211: {  	[hbm4b:s16+s4] =	stream.linear.scatter [tilespmem:s18], [sflag:$0x5], $0x80, $0x38;
	[tilespmem:$0x10C00] =	vst v63  }
0x212: {  	s17 =	sadd.s32 $0x10, s16;
	s18 =	simm.s32 $0xC008  }
0x213: {  	[hbm4b:s17+s4] =	stream.linear.scatter [tilespmem:s18], [sflag:$0x5], $0x80, $0x38;
	[tilespmem:$0x10C00] =	vst v63  }
0x214: {  	s17 =	sadd.s32 $0x20, s16;
	s18 =	simm.s32 $0xC090  }
0x215: {  	[hbm4b:s17+s4] =	stream.linear.scatter [tilespmem:s18], [sflag:$0x5], $0x80, $0x38;
	[tilespmem:$0x10C00] =	vst v63  }
0x216: {  	s17 =	sadd.s32 $0x30, s16;
	s18 =	simm.s32 $0xC118  }
0x217: {  	[hbm4b:s17+s4] =	stream.linear.scatter [tilespmem:s18], [sflag:$0x5], $0x80, $0x38;
	[tilespmem:$0x10C00] =	vst v63  }
0x218: {  	s17 =	sadd.s32 $0x40, s16;
	s18 =	simm.s32 $0xC1A0  }
0x219: {  	[hbm4b:s17+s4] =	stream.linear.scatter [tilespmem:s18], [sflag:$0x5], $0x80, $0x38;
	[tilespmem:$0x10C00] =	vst v63  }
0x21a: {  	s17 =	sadd.s32 $0x50, s16;
	s18 =	simm.s32 $0xC228  }
0x21b: {  	[hbm4b:s17+s4] =	stream.linear.scatter [tilespmem:s18], [sflag:$0x5], $0x80, $0x38;
	[tilespmem:$0x10C00] =	vst v63  }
0x21c: {  	s17 =	sadd.s32 $0x60, s16;
	s18 =	simm.s32 $0xC2B0  }
0x21d: {  	[hbm4b:s17+s4] =	stream.linear.scatter [tilespmem:s18], [sflag:$0x5], $0x80, $0x38;
	[tilespmem:$0x10C00] =	vst v63  }
0x21e: {  	s16 =	sadd.s32 $0x70, s16;
	s18 =	simm.s32 $0xC338;
	s17 =	rddreg [dreg:$0x19]  }
0x21f: {  	[hbm4b:s16+s4] =	stream.linear.scatter [tilespmem:s18], [sflag:$0x5], $0x80, $0x38;
	[tilespmem:$0x10C00] =	vst v63  }
0x220: {  	s16 =	sadd.s32 s14, s17;
	s18 =	simm.s32 $0x90C0  }
0x221: {  	[hbm4b:s16+s4] =	stream.linear.scatter [tilespmem:s18], [sflag:$0x5], $0x80, $0x38;
	[tilespmem:$0x10C00] =	vst v63  }
0x222: {  	s17 =	sadd.s32 $0x10, s16;
	s18 =	simm.s32 $0x9148  }
0x223: {  	[hbm4b:s17+s4] =	stream.linear.scatter [tilespmem:s18], [sflag:$0x5], $0x80, $0x38;
	[tilespmem:$0x10C00] =	vst v63  }
0x224: {  	s17 =	sadd.s32 $0x20, s16;
	s18 =	simm.s32 $0x91D0  }
0x225: {  	[hbm4b:s17+s4] =	stream.linear.scatter [tilespmem:s18], [sflag:$0x5], $0x80, $0x38;
	[tilespmem:$0x10C00] =	vst v63  }
0x226: {  	s17 =	sadd.s32 $0x30, s16;
	s18 =	simm.s32 $0x9258  }
0x227: {  	[hbm4b:s17+s4] =	stream.linear.scatter [tilespmem:s18], [sflag:$0x5], $0x80, $0x38;
	[tilespmem:$0x10C00] =	vst v63  }
0x228: {  	s17 =	sadd.s32 $0x40, s16;
	s18 =	simm.s32 $0x92E0  }
0x229: {  	[hbm4b:s17+s4] =	stream.linear.scatter [tilespmem:s18], [sflag:$0x5], $0x80, $0x38;
	[tilespmem:$0x10C00] =	vst v63  }
0x22a: {  	s17 =	sadd.s32 $0x50, s16;
	s18 =	simm.s32 $0x9368  }
0x22b: {  	[hbm4b:s17+s4] =	stream.linear.scatter [tilespmem:s18], [sflag:$0x5], $0x80, $0x38;
	[tilespmem:$0x10C00] =	vst v63  }
0x22c: {  	s17 =	sadd.s32 $0x60, s16;
	s18 =	simm.s32 $0x93F0  }
0x22d: {  	[hbm4b:s17+s4] =	stream.linear.scatter [tilespmem:s18], [sflag:$0x5], $0x80, $0x38;
	[tilespmem:$0x10C00] =	vst v63  }
0x22e: {  	s16 =	sadd.s32 $0x70, s16;
	s18 =	simm.s32 $0x9478;
	s17 =	rddreg [dreg:$0x1a]  }
0x22f: {  	[hbm4b:s16+s4] =	stream.linear.scatter [tilespmem:s18], [sflag:$0x5], $0x80, $0x38;
	[tilespmem:$0x10C00] =	vst v63  }
0x230: {  	s16 =	sadd.s32 s14, s17;
	s18 =	simm.s32 $0xA1C0  }
0x231: {  	[hbm4b:s16+s4] =	stream.linear.scatter [tilespmem:s18], [sflag:$0x5], $0x80, $0x38;
	[tilespmem:$0x10C00] =	vst v63  }
0x232: {  	s17 =	sadd.s32 $0x10, s16;
	s18 =	simm.s32 $0xA248  }
0x233: {  	[hbm4b:s17+s4] =	stream.linear.scatter [tilespmem:s18], [sflag:$0x5], $0x80, $0x38;
	[tilespmem:$0x10C00] =	vst v63  }
0x234: {  	s17 =	sadd.s32 $0x20, s16;
	s18 =	simm.s32 $0xA2D0  }
0x235: {  	[hbm4b:s17+s4] =	stream.linear.scatter [tilespmem:s18], [sflag:$0x5], $0x80, $0x38;
	[tilespmem:$0x10C00] =	vst v63  }
0x236: {  	s17 =	sadd.s32 $0x30, s16;
	s18 =	simm.s32 $0xA358  }
0x237: {  	[hbm4b:s17+s4] =	stream.linear.scatter [tilespmem:s18], [sflag:$0x5], $0x80, $0x38;
	[tilespmem:$0x10C00] =	vst v63  }
0x238: {  	s17 =	sadd.s32 $0x40, s16;
	s18 =	simm.s32 $0xA3E0  }
0x239: {  	[hbm4b:s17+s4] =	stream.linear.scatter [tilespmem:s18], [sflag:$0x5], $0x80, $0x38;
	[tilespmem:$0x10C00] =	vst v63  }
0x23a: {  	s17 =	sadd.s32 $0x50, s16;
	s18 =	simm.s32 $0xA468  }
0x23b: {  	[hbm4b:s17+s4] =	stream.linear.scatter [tilespmem:s18], [sflag:$0x5], $0x80, $0x38;
	[tilespmem:$0x10C00] =	vst v63  }
0x23c: {  	s17 =	sadd.s32 $0x60, s16;
	s18 =	simm.s32 $0xA4F0  }
0x23d: {  	[hbm4b:s17+s4] =	stream.linear.scatter [tilespmem:s18], [sflag:$0x5], $0x80, $0x38;
	[tilespmem:$0x10C00] =	vst v63  }
0x23e: {  	s16 =	sadd.s32 $0x70, s16;
	s18 =	simm.s32 $0xA578;
	s17 =	rddreg [dreg:$0x1b]  }
0x23f: {  	[hbm4b:s16+s4] =	stream.linear.scatter [tilespmem:s18], [sflag:$0x5], $0x80, $0x38;
	[tilespmem:$0x10C00] =	vst v63  }
0x240: {  	s16 =	sadd.s32 s14, s17;
	s18 =	simm.s32 $0xB2C0  }
0x241: {  	[hbm4b:s16+s4] =	stream.linear.scatter [tilespmem:s18], [sflag:$0x5], $0x80, $0x38;
	[tilespmem:$0x10C00] =	vst v63  }
0x242: {  	s17 =	sadd.s32 $0x10, s16;
	s18 =	simm.s32 $0xB348  }
0x243: {  	[hbm4b:s17+s4] =	stream.linear.scatter [tilespmem:s18], [sflag:$0x5], $0x80, $0x38;
	[tilespmem:$0x10C00] =	vst v63  }
0x244: {  	s17 =	sadd.s32 $0x20, s16;
	s18 =	simm.s32 $0xB3D0  }
0x245: {  	[hbm4b:s17+s4] =	stream.linear.scatter [tilespmem:s18], [sflag:$0x5], $0x80, $0x38;
	[tilespmem:$0x10C00] =	vst v63  }
0x246: {  	s17 =	sadd.s32 $0x30, s16;
	s18 =	simm.s32 $0xB458  }
0x247: {  	[hbm4b:s17+s4] =	stream.linear.scatter [tilespmem:s18], [sflag:$0x5], $0x80, $0x38;
	[tilespmem:$0x10C00] =	vst v63  }
0x248: {  	s17 =	sadd.s32 $0x40, s16;
	s18 =	simm.s32 $0xB4E0  }
0x249: {  	[hbm4b:s17+s4] =	stream.linear.scatter [tilespmem:s18], [sflag:$0x5], $0x80, $0x38;
	[tilespmem:$0x10C00] =	vst v63  }
0x24a: {  	s17 =	sadd.s32 $0x50, s16;
	s18 =	simm.s32 $0xB568  }
0x24b: {  	[hbm4b:s17+s4] =	stream.linear.scatter [tilespmem:s18], [sflag:$0x5], $0x80, $0x38;
	[tilespmem:$0x10C00] =	vst v63  }
0x24c: {  	s17 =	sadd.s32 $0x60, s16;
	s18 =	simm.s32 $0xB5F0  }
0x24d: {  	[hbm4b:s17+s4] =	stream.linear.scatter [tilespmem:s18], [sflag:$0x5], $0x80, $0x38;
	[tilespmem:$0x10C00] =	vst v63  }
0x24e: {  	s16 =	sadd.s32 $0x70, s16;
	s18 =	simm.s32 $0xB678;
	s17 =	rddreg [dreg:$0x1c]  }
0x24f: {  	[hbm4b:s16+s4] =	stream.linear.scatter [tilespmem:s18], [sflag:$0x5], $0x80, $0x38;
	[tilespmem:$0x10C00] =	vst v63  }
0x250: {  	s16 =	sadd.s32 s14, s17;
	s18 =	simm.s32 $0xC3C0  }
0x251: {  	[hbm4b:s16+s4] =	stream.linear.scatter [tilespmem:s18], [sflag:$0x5], $0x80, $0x38;
	[tilespmem:$0x10C00] =	vst v63  }
0x252: {  	s17 =	sadd.s32 $0x10, s16;
	s18 =	simm.s32 $0xC448  }
0x253: {  	[hbm4b:s17+s4] =	stream.linear.scatter [tilespmem:s18], [sflag:$0x5], $0x80, $0x38;
	[tilespmem:$0x10C00] =	vst v63  }
0x254: {  	s17 =	sadd.s32 $0x20, s16;
	s18 =	simm.s32 $0xC4D0  }
0x255: {  	[hbm4b:s17+s4] =	stream.linear.scatter [tilespmem:s18], [sflag:$0x5], $0x80, $0x38;
	[tilespmem:$0x10C00] =	vst v63  }
0x256: {  	s17 =	sadd.s32 $0x30, s16;
	s18 =	simm.s32 $0xC558  }
0x257: {  	[hbm4b:s17+s4] =	stream.linear.scatter [tilespmem:s18], [sflag:$0x5], $0x80, $0x38;
	[tilespmem:$0x10C00] =	vst v63  }
0x258: {  	s17 =	sadd.s32 $0x40, s16;
	s18 =	simm.s32 $0xC5E0  }
0x259: {  	[hbm4b:s17+s4] =	stream.linear.scatter [tilespmem:s18], [sflag:$0x5], $0x80, $0x38;
	[tilespmem:$0x10C00] =	vst v63  }
0x25a: {  	s17 =	sadd.s32 $0x50, s16;
	s18 =	simm.s32 $0xC668  }
0x25b: {  	[hbm4b:s17+s4] =	stream.linear.scatter [tilespmem:s18], [sflag:$0x5], $0x80, $0x38;
	[tilespmem:$0x10C00] =	vst v63  }
0x25c: {  	s17 =	sadd.s32 $0x60, s16;
	s18 =	simm.s32 $0xC6F0  }
0x25d: {  	[hbm4b:s17+s4] =	stream.linear.scatter [tilespmem:s18], [sflag:$0x5], $0x80, $0x38;
	[tilespmem:$0x10C00] =	vst v63  }
0x25e: {  	s16 =	sadd.s32 $0x70, s16;
	s18 =	simm.s32 $0xC778  }
0x25f: {  	[hbm4b:s16+s4] =	stream.linear.scatter [tilespmem:s18], [sflag:$0x5], $0x80, $0x38;
	[tilespmem:$0x10C00] =	vst v63  }
0x260: {  	_ =	swait.ge [sflag:s31], $0x4000  }
0x261: {  	[sflag:s31] =	ssyncset.done $0x0  }
0x262: {  	s16 =	simm.s32 @!p0 $0x1;
	[sflag:s31] =	ssyncadd.s32 $0xFFFFC000  }
0x263: {  	_ =	swait.ge @!p0 [sflag:s16], $0x80  }
0x264: {  	[sflag:s16] =	ssyncset.done @!p0 $0x0  }
0x265: {  	[sflag:s16] =	ssyncadd.s32 @!p0 $0xFFFFFF80  }
0x266: {  	_ =	swait.ge @!p0 [sflag:s16], $0x80  }
0x267: {  	[sflag:s16] =	ssyncset.done @!p0 $0x0  }
0x268: {  	[sflag:s16] =	ssyncadd.s32 @!p0 $0xFFFFFF80  }
0x269: {  	_ =	swait.ge @!p0 [sflag:s16], $0x80  }
0x26a: {  	[sflag:s16] =	ssyncset.done @!p0 $0x0  }
0x26b: {  	[sflag:s16] =	ssyncadd.s32 @!p0 $0xFFFFFF80  }
0x26c: {  	_ =	swait.ge @!p0 [sflag:s16], $0x80  }
0x26d: {  	s15 =	sadd.s32 @!p0 $0x3, s15;
	s17 =	simm.s32 @!p0 $0x0;
	[sflag:s16] =	ssyncset.done @!p0 $0x0  }
0x26e: {  	s18 =	simm.s32 @!p0 $0x400;
	[sflag:s16] =	ssyncadd.s32 @!p0 $0xFFFFFF80;
	s16 =	simm.s32 @!p0 $0x200  }
0x26f: {  	[tilespmem:s18], [sflag:$0x3] =	stream.indirect.gather @!p0 [hbm4b:s5+s16], $0x20, s17, s16, $0xb8;
	[tilespmem:$0x10C00] =	vst v63  }
0x270: {  	s18 =	sshll.u32 @!p0 s15, $0xE;
	s15 =	sshll.u32 @!p0 s15, $0x7  }
0x271: {  	s18 =	sand.u32 @!p0 $0x7E0000, s18;
	s15 =	sand.u32 @!p0 $0x380, s15  }
0x272: {  	s15 =	sor.u32 @!p0 s18, s15  }
0x273: {  	s18 =	sor.u32 @!p0 s6, s15  }
0x274: {  	s18 =	sshrl.u32 @!p0 s18, $0x3  }
0x275: {  	s18 =	sadd.s32 @!p0 s1, s18  }
0x276: {  	[tilespmem:s16], [sflag:$0x2] =	stream.linear.gather @!p0 [hbm4b:s18+s17], $0x80, $0x38;
	[tilespmem:$0x10C00] =	vst v63  }
0x277: {  	s16 =	sor.u32 @!p0 s9, s15  }
0x278: {  	s16 =	sshrl.u32 @!p0 s16, $0x3  }
0x279: {  	s18 =	simm.s32 @!p0 $0x280;
	s16 =	sadd.s32 @!p0 s1, s16  }
0x27a: {  	[tilespmem:s18], [sflag:$0x2] =	stream.linear.gather @!p0 [hbm4b:s16+s17], $0x80, $0x38;
	[tilespmem:$0x10C00] =	vst v63  }
0x27b: {  	s16 =	sor.u32 @!p0 s10, s15  }
0x27c: {  	s15 =	sor.u32 @!p0 s11, s15;
	s16 =	sshrl.u32 @!p0 s16, $0x3  }
0x27d: {  	s18 =	simm.s32 @!p0 $0x300;
	s15 =	sshrl.u32 @!p0 s15, $0x3;
	s16 =	sadd.s32 @!p0 s1, s16  }
0x27e: {  	[tilespmem:s18], [sflag:$0x2] =	stream.linear.gather @!p0 [hbm4b:s16+s17], $0x80, $0x38;
	[tilespmem:$0x10C00] =	vst v63  }
0x27f: {  	s15 =	sadd.s32 @!p0 s1, s15;
	s16 =	simm.s32 @!p0 $0x380  }
0x280: {  	[tilespmem:s16], [sflag:$0x2] =	stream.linear.gather @!p0 [hbm4b:s15+s17], $0x80, $0x38;
	[tilespmem:$0x10C00] =	vst v63  }
0x281: {  	_ =	swait.ge @p1 [sflag:s12], $0x400  }
0x282: {  	[sflag:s12] =	ssyncset.done @p1 $0x0  }
0x283: {  	[sflag:s12] =	ssyncadd.s32 @p1 $0xFFFFFC00  }
0x284: {  	_ =	swait.ge @p1 [sflag:s12], $0x400  }
0x285: {  	[sflag:s12] =	ssyncset.done @p1 $0x0  }
0x286: {  	[sflag:s12] =	ssyncadd.s32 @p1 $0xFFFFFC00  }
0x287: {  	_ =	swait.ge @p1 [sflag:s12], $0x400  }
0x288: {  	[sflag:s12] =	ssyncset.done @p1 $0x0  }
0x289: {  	[sflag:s12] =	ssyncadd.s32 @p1 $0xFFFFFC00  }
0x28a: {  	_ =	swait.ge @p1 [sflag:s12], $0x400  }
0x28b: {  	[sflag:s12] =	ssyncset.done @p1 $0x0  }
0x28c: {  	[sflag:s12] =	ssyncadd.s32 @p1 $0xFFFFFC00  }
0x28d: {  	_ =	swait.ge @p1 [sflag:s12], $0x400  }
0x28e: {  	[sflag:s12] =	ssyncset.done @p1 $0x0  }
0x28f: {  	[sflag:s12] =	ssyncadd.s32 @p1 $0xFFFFFC00  }
0x290: {  	_ =	swait.ge @p1 [sflag:s12], $0x400  }
0x291: {  	[sflag:s12] =	ssyncset.done @p1 $0x0  }
0x292: {  	[sflag:s12] =	ssyncadd.s32 @p1 $0xFFFFFC00  }
0x293: {  	_ =	swait.ge @p1 [sflag:s12], $0x400  }
0x294: {  	[sflag:s12] =	ssyncset.done @p1 $0x0  }
0x295: {  	[sflag:s12] =	ssyncadd.s32 @p1 $0xFFFFFC00  }
0x296: {  	_ =	swait.ge @p1 [sflag:s12], $0x400  }
0x297: {  	[sflag:s12] =	ssyncset.done @p1 $0x0  }
0x298: {  	[sflag:s12] =	ssyncadd.s32 @p1 $0xFFFFFC00  }
0x299: {  	_ =	swait.ge @p1 [sflag:s12], $0x400  }
0x29a: {  	[sflag:s12] =	ssyncset.done @p1 $0x0  }
0x29b: {  	[sflag:s12] =	ssyncadd.s32 @p1 $0xFFFFFC00  }
0x29c: {  	_ =	swait.ge @p1 [sflag:s12], $0x400  }
0x29d: {  	[sflag:s12] =	ssyncset.done @p1 $0x0  }
0x29e: {  	[sflag:s12] =	ssyncadd.s32 @p1 $0xFFFFFC00  }
0x29f: {  	_ =	swait.ge @p1 [sflag:s12], $0x400  }
0x2a0: {  	[sflag:s12] =	ssyncset.done @p1 $0x0  }
0x2a1: {  	[sflag:s12] =	ssyncadd.s32 @p1 $0xFFFFFC00  }
0x2a2: {  	_ =	swait.ge @p1 [sflag:s12], $0x400  }
0x2a3: {  	[sflag:s12] =	ssyncset.done @p1 $0x0  }
0x2a4: {  	[sflag:s12] =	ssyncadd.s32 @p1 $0xFFFFFC00  }
0x2a5: {  	_ =	swait.ge @p1 [sflag:s12], $0x400  }
0x2a6: {  	[sflag:s12] =	ssyncset.done @p1 $0x0  }
0x2a7: {  	[sflag:s12] =	ssyncadd.s32 @p1 $0xFFFFFC00  }
0x2a8: {  	_ =	swait.ge @p1 [sflag:s12], $0x400  }
0x2a9: {  	s17 =	simm.s32 $0x0;
	[sflag:s12] =	ssyncset.done @p1 $0x0  }
0x2aa: {  	s18 =	sand.u32 $0x60, s17;
	[sflag:s12] =	ssyncadd.s32 @p1 $0xFFFFFC00  }
0x2ab: {  	s17 =	sand.u32 $0x70, s17;
	v3 =	vmov s18;
	_ =	swait.ge @p1 [sflag:s12], $0x400  }
0x2ac: {  	v4 =	vmov s17;
	v3 =	vmul.u32 $0x88, v3;
	[sflag:s12] =	ssyncset.done @p1 $0x0  }
0x2ad: {  	v4 =	vshrl.u32 v4, $0x3;
	[sflag:s12] =	ssyncadd.s32 @p1 $0xFFFFFC00  }
0x2ae: {  	v4 =	vshll.u32 v4, v1;
	v3 =	vbroadcast v3, $0x0;
	_ =	swait.ge @p1 [sflag:s12], $0x400  }
0x2af: {  	v4 =	vbroadcast v4, $0x0;
	[sflag:s12] =	ssyncset.done @p1 $0x0  }
0x2b0: {  	s15 =	simm.s32 $0x4500;
	v5 =	vadd.s32 v0, v3;
	[sflag:s12] =	ssyncadd.s32 @p1 $0xFFFFFC00  }
0x2b1: {  	v3 =	vadd.s32 v2, v3;
	v7 =	vadd.s32 v4, v5;
	v6 =	vld [tilespmem:s15+$0xFFFFFF00]  }
0x2b2: {  	v4 =	vadd.s32 v4, v3;
	v8 =	vld [tilespmem:s15+$0xFFFFFF10];
	_ =	sdelay $0x3  }
0x2b3: {  	[tilespmem:v7+s0+$0x0] =	vst.idx.msk $0xffff, v6  }
0x2b4: {  	[tilespmem:v4+s0+$0x0] =	vst.idx.msk $0xffff, v8  }
0x2b5: {  	v8 =	vor.u32 $0x1, v7;
	v6 =	vld [tilespmem:s15+$0xFFFFFF20]  }
0x2b6: {  	v55 =	vor.u32 $0x1, v4;
	v54 =	vld [tilespmem:s15+$0xFFFFFF30];
	_ =	sdelay $0x3  }
0x2b7: {  	[tilespmem:v8+s0+$0x0] =	vst.idx.msk $0xffff, v6  }
0x2b8: {  	[tilespmem:v55+s0+$0x0] =	vst.idx.msk $0xffff, v54  }
0x2b9: {  	v8 =	vor.u32 $0x2, v7;
	v6 =	vld [tilespmem:s15+$0xFFFFFF40]  }
0x2ba: {  	v56 =	vor.u32 $0x2, v4;
	v9 =	vld [tilespmem:s15+$0xFFFFFF50];
	_ =	sdelay $0x3  }
0x2bb: {  	[tilespmem:v8+s0+$0x0] =	vst.idx.msk $0xffff, v6  }
0x2bc: {  	[tilespmem:v56+s0+$0x0] =	vst.idx.msk $0xffff, v9  }
0x2bd: {  	v8 =	vor.u32 $0x3, v7;
	v6 =	vld [tilespmem:s15+$0xFFFFFF60]  }
0x2be: {  	v57 =	vor.u32 $0x3, v4;
	v9 =	vld [tilespmem:s15+$0xFFFFFF70];
	_ =	sdelay $0x3  }
0x2bf: {  	[tilespmem:v8+s0+$0x0] =	vst.idx.msk $0xffff, v6  }
0x2c0: {  	[tilespmem:v57+s0+$0x0] =	vst.idx.msk $0xffff, v9  }
0x2c1: {  	v8 =	vor.u32 $0x4, v7;
	v6 =	vld [tilespmem:s15+$0xFFFFFF80]  }
0x2c2: {  	v58 =	vor.u32 $0x4, v4;
	v9 =	vld [tilespmem:s15+$0xFFFFFF90];
	_ =	sdelay $0x3  }
0x2c3: {  	[tilespmem:v8+s0+$0x0] =	vst.idx.msk $0xffff, v6  }
0x2c4: {  	[tilespmem:v58+s0+$0x0] =	vst.idx.msk $0xffff, v9  }
0x2c5: {  	v8 =	vor.u32 $0x5, v7;
	v6 =	vld [tilespmem:s15+$0xFFFFFFA0]  }
0x2c6: {  	v59 =	vor.u32 $0x5, v4;
	v9 =	vld [tilespmem:s15+$0xFFFFFFB0];
	_ =	sdelay $0x3  }
0x2c7: {  	[tilespmem:v8+s0+$0x0] =	vst.idx.msk $0xffff, v6  }
0x2c8: {  	[tilespmem:v59+s0+$0x0] =	vst.idx.msk $0xffff, v9  }
0x2c9: {  	v8 =	vor.u32 $0x6, v7;
	v6 =	vld [tilespmem:s15+$0xFFFFFFC0]  }
0x2ca: {  	v60 =	vor.u32 $0x6, v4;
	v9 =	vld [tilespmem:s15+$0xFFFFFFD0];
	_ =	sdelay $0x3  }
0x2cb: {  	[tilespmem:v8+s0+$0x0] =	vst.idx.msk $0xffff, v6  }
0x2cc: {  	[tilespmem:v60+s0+$0x0] =	vst.idx.msk $0xffff, v9  }
0x2cd: {  	v7 =	vor.u32 $0x7, v7;
	v6 =	vld [tilespmem:s15+$0xFFFFFFE0]  }
0x2ce: {  	s16 =	sor.u32 $0x8, s17;
	v4 =	vor.u32 $0x7, v4;
	v8 =	vld [tilespmem:s15+$0xFFFFFFF0]  }
0x2cf: {  	v61 =	vmov s16  }
0x2d0: {  	v9 =	vshrl.u32 v61, $0x3  }
0x2d1: {  	v9 =	vshll.u32 v9, v1  }
0x2d2: {  	[tilespmem:v7+s0+$0x0] =	vst.idx.msk $0xffff, v6;
	v6 =	vbroadcast v9, $0x0  }
0x2d3: {  	[tilespmem:v4+s0+$0x0] =	vst.idx.msk $0xffff, v8  }
0x2d4: {  	v4 =	vld [tilespmem:s15+$0x0];
	v5 =	vadd.s32 v5, v6  }
0x2d5: {  	v7 =	vld [tilespmem:s15+$0x10];
	v3 =	vadd.s32 v3, v6;
	_ =	sdelay $0x3  }
0x2d6: {  	[tilespmem:v5+s0+$0x0] =	vst.idx.msk $0xffff, v4  }
0x2d7: {  	[tilespmem:v3+s0+$0x0] =	vst.idx.msk $0xffff, v7  }
0x2d8: {  	v6 =	vor.u32 $0x1, v5;
	v4 =	vld [tilespmem:s15+$0x20]  }
0x2d9: {  	v8 =	vor.u32 $0x1, v3;
	v7 =	vld [tilespmem:s15+$0x30];
	_ =	sdelay $0x3  }
0x2da: {  	[tilespmem:v6+s0+$0x0] =	vst.idx.msk $0xffff, v4  }
0x2db: {  	[tilespmem:v8+s0+$0x0] =	vst.idx.msk $0xffff, v7  }
0x2dc: {  	v6 =	vor.u32 $0x2, v5;
	v4 =	vld [tilespmem:s15+$0x40]  }
0x2dd: {  	v8 =	vor.u32 $0x2, v3;
	v7 =	vld [tilespmem:s15+$0x50];
	_ =	sdelay $0x3  }
0x2de: {  	[tilespmem:v6+s0+$0x0] =	vst.idx.msk $0xffff, v4  }
0x2df: {  	[tilespmem:v8+s0+$0x0] =	vst.idx.msk $0xffff, v7  }
0x2e0: {  	v6 =	vor.u32 $0x3, v5;
	v4 =	vld [tilespmem:s15+$0x60]  }
0x2e1: {  	v8 =	vor.u32 $0x3, v3;
	v7 =	vld [tilespmem:s15+$0x70];
	_ =	sdelay $0x3  }
0x2e2: {  	[tilespmem:v6+s0+$0x0] =	vst.idx.msk $0xffff, v4  }
0x2e3: {  	[tilespmem:v8+s0+$0x0] =	vst.idx.msk $0xffff, v7  }
0x2e4: {  	v6 =	vor.u32 $0x4, v5;
	v4 =	vld [tilespmem:s15+$0x80]  }
0x2e5: {  	v8 =	vor.u32 $0x4, v3;
	v7 =	vld [tilespmem:s15+$0x90];
	_ =	sdelay $0x3  }
0x2e6: {  	[tilespmem:v6+s0+$0x0] =	vst.idx.msk $0xffff, v4  }
0x2e7: {  	[tilespmem:v8+s0+$0x0] =	vst.idx.msk $0xffff, v7  }
0x2e8: {  	v6 =	vor.u32 $0x5, v5;
	v4 =	vld [tilespmem:s15+$0xA0]  }
0x2e9: {  	v8 =	vor.u32 $0x5, v3;
	v7 =	vld [tilespmem:s15+$0xB0];
	_ =	sdelay $0x3  }
0x2ea: {  	[tilespmem:v6+s0+$0x0] =	vst.idx.msk $0xffff, v4  }
0x2eb: {  	[tilespmem:v8+s0+$0x0] =	vst.idx.msk $0xffff, v7  }
0x2ec: {  	v6 =	vor.u32 $0x6, v5;
	v4 =	vld [tilespmem:s15+$0xC0]  }
0x2ed: {  	v8 =	vor.u32 $0x6, v3;
	v7 =	vld [tilespmem:s15+$0xD0];
	_ =	sdelay $0x3  }
0x2ee: {  	[tilespmem:v6+s0+$0x0] =	vst.idx.msk $0xffff, v4  }
0x2ef: {  	s18 =	simm.s32 $0x4;
	s16 =	simm.s32 $0x10;
	[tilespmem:v8+s0+$0x0] =	vst.idx.msk $0xffff, v7  }
0x2f0: {  	s17 =	sand.u32 $0x60, s18;
	s18 =	sand.u32 $0x70, s16;
	v62 =	vor.u32 $0x7, v5;
	v8 =	vld [tilespmem:s15+$0xE0]  }
0x2f1: {  	v5 =	vmov s18;
	v4 =	vmov s17  }
0x2f2: {  	s18 =	sor.u32 $0x8, s18;
	v6 =	vmul.u32 $0x88, v4;
	v7 =	vshrl.u32 v5, $0x3;
	v5 =	vor.u32 $0x7, v3;
	v4 =	vld [tilespmem:s15+$0xF0]  }
0x2f3: {  	v63 =	vmov s18  }
0x2f4: {  	v10 =	vshrl.u32 v63, $0x3;
	v3 =	vshll.u32 v7, v1  }
0x2f5: {  	s17 =	simm.s32 $0x8;
	v6 =	vbroadcast v6, $0x0;
	v7 =	vbroadcast v3, $0x0;
	v3 =	vshll.u32 v10, v1;
	[tilespmem:v62+s0+$0x0] =	vst.idx.msk $0xffff, v8  }
.LBB2_5:
0x2f6: {  	p0 =	sne.s32 s17, $0x7C  }
0x2f7: {  	v8 =	vadd.s32 v0, v6;
	[tilespmem:v5+s0+$0x0] =	vst.idx.msk $0xffff, v4;
	s15 =	sadd.s32 $0x200, s15;
	s18 =	smov.u32 s17;
	s17 =	sadd.s32 $0x4, s17  }
0x2f8: {  	v6 =	vadd.s32 v2, v6;
	v4 =	vld [tilespmem:s15+$0xFFFFFF00];
	v5 =	vadd.s32 v7, v8  }
0x2f9: {  	v7 =	vadd.s32 v7, v6;
	v9 =	vld [tilespmem:s15+$0xFFFFFF10];
	_ =	sdelay $0x3  }
0x2fa: {  	[tilespmem:v5+s0+$0x0] =	vst.idx.msk $0xffff, v4  }
0x2fb: {  	[tilespmem:v7+s0+$0x0] =	vst.idx.msk $0xffff, v9  }
0x2fc: {  	v9 =	vor.u32 $0x1, v5;
	v4 =	vld [tilespmem:s15+$0xFFFFFF20]  }
0x2fd: {  	v11 =	vor.u32 $0x1, v7;
	v10 =	vld [tilespmem:s15+$0xFFFFFF30];
	_ =	sdelay $0x3  }
0x2fe: {  	[tilespmem:v9+s0+$0x0] =	vst.idx.msk $0xffff, v4  }
0x2ff: {  	[tilespmem:v11+s0+$0x0] =	vst.idx.msk $0xffff, v10  }
0x300: {  	v9 =	vor.u32 $0x2, v5;
	v4 =	vld [tilespmem:s15+$0xFFFFFF40]  }
0x301: {  	v11 =	vor.u32 $0x2, v7;
	v10 =	vld [tilespmem:s15+$0xFFFFFF50];
	_ =	sdelay $0x3  }
0x302: {  	[tilespmem:v9+s0+$0x0] =	vst.idx.msk $0xffff, v4  }
0x303: {  	[tilespmem:v11+s0+$0x0] =	vst.idx.msk $0xffff, v10  }
0x304: {  	v9 =	vor.u32 $0x3, v5;
	v4 =	vld [tilespmem:s15+$0xFFFFFF60]  }
0x305: {  	v11 =	vor.u32 $0x3, v7;
	v10 =	vld [tilespmem:s15+$0xFFFFFF70];
	_ =	sdelay $0x3  }
0x306: {  	[tilespmem:v9+s0+$0x0] =	vst.idx.msk $0xffff, v4  }
0x307: {  	[tilespmem:v11+s0+$0x0] =	vst.idx.msk $0xffff, v10  }
0x308: {  	v9 =	vor.u32 $0x4, v5;
	v4 =	vld [tilespmem:s15+$0xFFFFFF80]  }
0x309: {  	v11 =	vor.u32 $0x4, v7;
	v10 =	vld [tilespmem:s15+$0xFFFFFF90];
	_ =	sdelay $0x3  }
0x30a: {  	[tilespmem:v9+s0+$0x0] =	vst.idx.msk $0xffff, v4  }
0x30b: {  	[tilespmem:v11+s0+$0x0] =	vst.idx.msk $0xffff, v10  }
0x30c: {  	v9 =	vor.u32 $0x5, v5;
	v4 =	vld [tilespmem:s15+$0xFFFFFFA0]  }
0x30d: {  	v11 =	vor.u32 $0x5, v7;
	v10 =	vld [tilespmem:s15+$0xFFFFFFB0];
	_ =	sdelay $0x3  }
0x30e: {  	[tilespmem:v9+s0+$0x0] =	vst.idx.msk $0xffff, v4  }
0x30f: {  	[tilespmem:v11+s0+$0x0] =	vst.idx.msk $0xffff, v10  }
0x310: {  	v9 =	vor.u32 $0x6, v5;
	v4 =	vld [tilespmem:s15+$0xFFFFFFC0]  }
0x311: {  	v11 =	vor.u32 $0x6, v7;
	v10 =	vld [tilespmem:s15+$0xFFFFFFD0];
	_ =	sdelay $0x3  }
0x312: {  	[tilespmem:v9+s0+$0x0] =	vst.idx.msk $0xffff, v4  }
0x313: {  	[tilespmem:v11+s0+$0x0] =	vst.idx.msk $0xffff, v10  }
0x314: {  	v5 =	vor.u32 $0x7, v5;
	v4 =	vld [tilespmem:s15+$0xFFFFFFE0]  }
0x315: {  	v7 =	vor.u32 $0x7, v7;
	v9 =	vld [tilespmem:s15+$0xFFFFFFF0];
	_ =	sdelay $0x3  }
0x316: {  	v3 =	vbroadcast v3, $0x0;
	[tilespmem:v5+s0+$0x0] =	vst.idx.msk $0xffff, v4  }
0x317: {  	[tilespmem:v7+s0+$0x0] =	vst.idx.msk $0xffff, v9  }
0x318: {  	v5 =	vadd.s32 v8, v3;
	v4 =	vld [tilespmem:s15+$0x0]  }
0x319: {  	v3 =	vadd.s32 v6, v3;
	v7 =	vld [tilespmem:s15+$0x10];
	_ =	sdelay $0x3  }
0x31a: {  	[tilespmem:v5+s0+$0x0] =	vst.idx.msk $0xffff, v4  }
0x31b: {  	[tilespmem:v3+s0+$0x0] =	vst.idx.msk $0xffff, v7  }
0x31c: {  	v6 =	vor.u32 $0x1, v5;
	v4 =	vld [tilespmem:s15+$0x20]  }
0x31d: {  	v8 =	vor.u32 $0x1, v3;
	v7 =	vld [tilespmem:s15+$0x30];
	_ =	sdelay $0x3  }
0x31e: {  	[tilespmem:v6+s0+$0x0] =	vst.idx.msk $0xffff, v4  }
0x31f: {  	[tilespmem:v8+s0+$0x0] =	vst.idx.msk $0xffff, v7  }
0x320: {  	v6 =	vor.u32 $0x2, v5;
	v4 =	vld [tilespmem:s15+$0x40]  }
0x321: {  	v8 =	vor.u32 $0x2, v3;
	v7 =	vld [tilespmem:s15+$0x50];
	_ =	sdelay $0x3  }
0x322: {  	[tilespmem:v6+s0+$0x0] =	vst.idx.msk $0xffff, v4  }
0x323: {  	[tilespmem:v8+s0+$0x0] =	vst.idx.msk $0xffff, v7  }
0x324: {  	v6 =	vor.u32 $0x3, v5;
	v4 =	vld [tilespmem:s15+$0x60]  }
0x325: {  	v8 =	vor.u32 $0x3, v3;
	v7 =	vld [tilespmem:s15+$0x70];
	_ =	sdelay $0x3  }
0x326: {  	[tilespmem:v6+s0+$0x0] =	vst.idx.msk $0xffff, v4  }
0x327: {  	[tilespmem:v8+s0+$0x0] =	vst.idx.msk $0xffff, v7  }
0x328: {  	v6 =	vor.u32 $0x4, v5;
	v4 =	vld [tilespmem:s15+$0x80]  }
0x329: {  	v8 =	vor.u32 $0x4, v3;
	v7 =	vld [tilespmem:s15+$0x90];
	_ =	sdelay $0x3  }
0x32a: {  	[tilespmem:v6+s0+$0x0] =	vst.idx.msk $0xffff, v4  }
0x32b: {  	[tilespmem:v8+s0+$0x0] =	vst.idx.msk $0xffff, v7  }
0x32c: {  	v6 =	vor.u32 $0x5, v5;
	v4 =	vld [tilespmem:s15+$0xA0]  }
0x32d: {  	v8 =	vor.u32 $0x5, v3;
	v7 =	vld [tilespmem:s15+$0xB0];
	_ =	sdelay $0x3  }
0x32e: {  	[tilespmem:v6+s0+$0x0] =	vst.idx.msk $0xffff, v4  }
0x32f: {  	[tilespmem:v8+s0+$0x0] =	vst.idx.msk $0xffff, v7  }
0x330: {  	v6 =	vor.u32 $0x6, v5;
	v4 =	vld [tilespmem:s15+$0xC0]  }
0x331: {  	v8 =	vor.u32 $0x6, v3;
	v7 =	vld [tilespmem:s15+$0xD0];
	_ =	sdelay $0x3  }
0x332: {  	[tilespmem:v6+s0+$0x0] =	vst.idx.msk $0xffff, v4  }
0x333: {  	[tilespmem:v8+s0+$0x0] =	vst.idx.msk $0xffff, v7  }
0x334: {  	s16 =	sadd.s32 $0x10, s16;
	s18 =	sand.u32 $0x60, s18;
	v9 =	vor.u32 $0x7, v5;
	v8 =	vld [tilespmem:s15+$0xE0]  }
.Ltmp1:
0x335: {  	v5 =	vor.u32 $0x7, v3;
	v6 =	vmov s18;
	s18 =	sand.u32 $0x70, s16;
	v4 =	vld [tilespmem:s15+$0xF0];
	(pc) =	sbr.rel @p0 .LBB2_5-.Ltmp1, $4  }
0x336: {  	v3 =	vmov s18;
	v6 =	vmul.u32 $0x88, v6;
	s18 =	sor.u32 $0x8, s18  }
0x337: {  	v3 =	vshrl.u32 v3, $0x3;
	v7 =	vmov s18  }
0x338: {  	v6 =	vbroadcast v6, $0x0;
	v3 =	vshll.u32 v3, v1;
	v10 =	vshrl.u32 v7, $0x3  }
0x339: {  	v7 =	vbroadcast v3, $0x0;
	v3 =	vshll.u32 v10, v1;
	[tilespmem:v9+s0+$0x0] =	vst.idx.msk $0xffff, v8  }
0x33a: {  	_ =	sdelay $0x3  }
0x33b: {  	v8 =	vadd.s32 v0, v6;
	[tilespmem:v5+s0+$0x0] =	vst.idx.msk $0xffff, v4;
	s15 =	sadd.s32 $0x200, s15  }
0x33c: {  	v38 =	vadd.s32 v2, v6;
	v4 =	vld [tilespmem:s15+$0xFFFFFF00];
	v37 =	vadd.s32 v7, v8  }
0x33d: {  	v9 =	vld [tilespmem:s15+$0xFFFFFF10];
	v39 =	vadd.s32 v7, v38;
	_ =	sdelay $0x3  }
0x33e: {  	[tilespmem:v37+s0+$0x0] =	vst.idx.msk $0xffff, v4  }
0x33f: {  	[tilespmem:v39+s0+$0x0] =	vst.idx.msk $0xffff, v9  }
0x340: {  	v40 =	vor.u32 $0x1, v37;
	v4 =	vld [tilespmem:s15+$0xFFFFFF20]  }
0x341: {  	v11 =	vor.u32 $0x1, v39;
	v10 =	vld [tilespmem:s15+$0xFFFFFF30];
	_ =	sdelay $0x3  }
0x342: {  	[tilespmem:v40+s0+$0x0] =	vst.idx.msk $0xffff, v4  }
0x343: {  	[tilespmem:v11+s0+$0x0] =	vst.idx.msk $0xffff, v10  }
0x344: {  	v41 =	vor.u32 $0x2, v37;
	v4 =	vld [tilespmem:s15+$0xFFFFFF40]  }
0x345: {  	v42 =	vor.u32 $0x2, v39;
	v10 =	vld [tilespmem:s15+$0xFFFFFF50];
	_ =	sdelay $0x3  }
0x346: {  	[tilespmem:v41+s0+$0x0] =	vst.idx.msk $0xffff, v4  }
0x347: {  	[tilespmem:v42+s0+$0x0] =	vst.idx.msk $0xffff, v10  }
0x348: {  	v43 =	vor.u32 $0x3, v37;
	v4 =	vld [tilespmem:s15+$0xFFFFFF60]  }
0x349: {  	v44 =	vor.u32 $0x3, v39;
	v10 =	vld [tilespmem:s15+$0xFFFFFF70];
	_ =	sdelay $0x3  }
0x34a: {  	[tilespmem:v43+s0+$0x0] =	vst.idx.msk $0xffff, v4  }
0x34b: {  	[tilespmem:v44+s0+$0x0] =	vst.idx.msk $0xffff, v10  }
0x34c: {  	v45 =	vor.u32 $0x4, v37;
	v4 =	vld [tilespmem:s15+$0xFFFFFF80]  }
0x34d: {  	v46 =	vor.u32 $0x4, v39;
	v10 =	vld [tilespmem:s15+$0xFFFFFF90];
	_ =	sdelay $0x3  }
0x34e: {  	[tilespmem:v45+s0+$0x0] =	vst.idx.msk $0xffff, v4  }
0x34f: {  	[tilespmem:v46+s0+$0x0] =	vst.idx.msk $0xffff, v10  }
0x350: {  	v47 =	vor.u32 $0x5, v37;
	v4 =	vld [tilespmem:s15+$0xFFFFFFA0]  }
0x351: {  	v48 =	vor.u32 $0x5, v39;
	v10 =	vld [tilespmem:s15+$0xFFFFFFB0];
	_ =	sdelay $0x3  }
0x352: {  	[tilespmem:v47+s0+$0x0] =	vst.idx.msk $0xffff, v4  }
0x353: {  	[tilespmem:v48+s0+$0x0] =	vst.idx.msk $0xffff, v10  }
0x354: {  	v49 =	vor.u32 $0x6, v37;
	v4 =	vld [tilespmem:s15+$0xFFFFFFC0]  }
0x355: {  	v50 =	vor.u32 $0x6, v39;
	v10 =	vld [tilespmem:s15+$0xFFFFFFD0];
	_ =	sdelay $0x3  }
0x356: {  	[tilespmem:v49+s0+$0x0] =	vst.idx.msk $0xffff, v4  }
0x357: {  	[tilespmem:v50+s0+$0x0] =	vst.idx.msk $0xffff, v10  }
0x358: {  	v5 =	vor.u32 $0x7, v37;
	v4 =	vld [tilespmem:s15+$0xFFFFFFE0]  }
0x359: {  	v7 =	vor.u32 $0x7, v39;
	v9 =	vld [tilespmem:s15+$0xFFFFFFF0];
	_ =	sdelay $0x3  }
0x35a: {  	v3 =	vbroadcast v3, $0x0;
	[tilespmem:v5+s0+$0x0] =	vst.idx.msk $0xffff, v4  }
0x35b: {  	[tilespmem:v7+s0+$0x0] =	vst.idx.msk $0xffff, v9  }
0x35c: {  	v51 =	vadd.s32 v8, v3;
	v4 =	vld [tilespmem:s15+$0x0]  }
0x35d: {  	v3 =	vadd.s32 v38, v3;
	v7 =	vld [tilespmem:s15+$0x10];
	_ =	sdelay $0x3  }
0x35e: {  	[tilespmem:v51+s0+$0x0] =	vst.idx.msk $0xffff, v4  }
0x35f: {  	[tilespmem:v3+s0+$0x0] =	vst.idx.msk $0xffff, v7  }
0x360: {  	v52 =	vor.u32 $0x1, v51;
	v4 =	vld [tilespmem:s15+$0x20]  }
0x361: {  	v53 =	vor.u32 $0x1, v3;
	v7 =	vld [tilespmem:s15+$0x30];
	_ =	sdelay $0x3  }
0x362: {  	[tilespmem:v52+s0+$0x0] =	vst.idx.msk $0xffff, v4  }
0x363: {  	[tilespmem:v53+s0+$0x0] =	vst.idx.msk $0xffff, v7  }
0x364: {  	v54 =	vor.u32 $0x2, v51;
	v4 =	vld [tilespmem:s15+$0x40]  }
0x365: {  	v55 =	vor.u32 $0x2, v3;
	v7 =	vld [tilespmem:s15+$0x50];
	_ =	sdelay $0x3  }
0x366: {  	[tilespmem:v54+s0+$0x0] =	vst.idx.msk $0xffff, v4  }
0x367: {  	[tilespmem:v55+s0+$0x0] =	vst.idx.msk $0xffff, v7  }
0x368: {  	v56 =	vor.u32 $0x3, v51;
	v4 =	vld [tilespmem:s15+$0x60]  }
0x369: {  	v57 =	vor.u32 $0x3, v3;
	v7 =	vld [tilespmem:s15+$0x70];
	_ =	sdelay $0x3  }
0x36a: {  	[tilespmem:v56+s0+$0x0] =	vst.idx.msk $0xffff, v4  }
0x36b: {  	[tilespmem:v57+s0+$0x0] =	vst.idx.msk $0xffff, v7  }
0x36c: {  	v58 =	vor.u32 $0x4, v51;
	v4 =	vld [tilespmem:s15+$0x80]  }
0x36d: {  	v59 =	vor.u32 $0x4, v3;
	v7 =	vld [tilespmem:s15+$0x90];
	_ =	sdelay $0x3  }
0x36e: {  	[tilespmem:v58+s0+$0x0] =	vst.idx.msk $0xffff, v4  }
0x36f: {  	[tilespmem:v59+s0+$0x0] =	vst.idx.msk $0xffff, v7  }
0x370: {  	v60 =	vor.u32 $0x5, v51;
	v4 =	vld [tilespmem:s15+$0xA0]  }
0x371: {  	v61 =	vor.u32 $0x5, v3;
	v7 =	vld [tilespmem:s15+$0xB0];
	_ =	sdelay $0x3  }
0x372: {  	[tilespmem:v60+s0+$0x0] =	vst.idx.msk $0xffff, v4  }
0x373: {  	[tilespmem:v61+s0+$0x0] =	vst.idx.msk $0xffff, v7  }
0x374: {  	v62 =	vor.u32 $0x6, v51;
	v4 =	vld [tilespmem:s15+$0xC0]  }
0x375: {  	v63 =	vor.u32 $0x6, v3;
	v7 =	vld [tilespmem:s15+$0xD0];
	_ =	sdelay $0x3  }
0x376: {  	[tilespmem:v62+s0+$0x0] =	vst.idx.msk $0xffff, v4  }
0x377: {  	[tilespmem:v63+s0+$0x0] =	vst.idx.msk $0xffff, v7  }
0x378: {  	v5 =	vor.u32 $0x7, v51;
	v4 =	vld [tilespmem:s15+$0xE0]  }
0x379: {  	v3 =	vor.u32 $0x7, v3;
	v6 =	vld [tilespmem:s15+$0xF0];
	_ =	sdelay $0x3  }
0x37a: {  	s16 =	rddreg [dreg:$0x1d];
	[tilespmem:v5+s0+$0x0] =	vst.idx.msk $0xffff, v4  }
0x37b: {  	s15 =	sadd.s32 s14, s16;
	[tilespmem:v3+s0+$0x0] =	vst.idx.msk $0xffff, v6  }
0x37c: {  	[hbm4b:s15+s4] =	stream.linear.scatter [tilespmem:s0], [sflag:$0x6], $0x80, $0x38;
	[tilespmem:$0x10C00] =	vst v63  }
0x37d: {  	s17 =	simm.s32 $0xC888;
	s16 =	sadd.s32 $0x10, s15  }
0x37e: {  	[hbm4b:s16+s4] =	stream.linear.scatter [tilespmem:s17], [sflag:$0x6], $0x80, $0x38;
	[tilespmem:$0x10C00] =	vst v63  }
0x37f: {  	s18 =	simm.s32 $0xC910;
	s17 =	sadd.s32 $0x20, s15  }
0x380: {  	[hbm4b:s17+s4] =	stream.linear.scatter [tilespmem:s18], [sflag:$0x6], $0x80, $0x38;
	[tilespmem:$0x10C00] =	vst v63  }
0x381: {  	s17 =	sadd.s32 $0x30, s15;
	s18 =	simm.s32 $0xC998  }
0x382: {  	[hbm4b:s17+s4] =	stream.linear.scatter [tilespmem:s18], [sflag:$0x6], $0x80, $0x38;
	[tilespmem:$0x10C00] =	vst v63  }
0x383: {  	s17 =	sadd.s32 $0x40, s15;
	s18 =	simm.s32 $0xCA20  }
0x384: {  	[hbm4b:s17+s4] =	stream.linear.scatter [tilespmem:s18], [sflag:$0x6], $0x80, $0x38;
	[tilespmem:$0x10C00] =	vst v63  }
0x385: {  	s17 =	sadd.s32 $0x50, s15;
	s18 =	simm.s32 $0xCAA8  }
0x386: {  	[hbm4b:s17+s4] =	stream.linear.scatter [tilespmem:s18], [sflag:$0x6], $0x80, $0x38;
	[tilespmem:$0x10C00] =	vst v63  }
0x387: {  	s17 =	sadd.s32 $0x60, s15;
	s18 =	simm.s32 $0xCB30  }
0x388: {  	[hbm4b:s17+s4] =	stream.linear.scatter [tilespmem:s18], [sflag:$0x6], $0x80, $0x38;
	[tilespmem:$0x10C00] =	vst v63  }
0x389: {  	s15 =	sadd.s32 $0x70, s15;
	s18 =	simm.s32 $0xCBB8;
	s17 =	rddreg [dreg:$0x1e]  }
0x38a: {  	[hbm4b:s15+s4] =	stream.linear.scatter [tilespmem:s18], [sflag:$0x6], $0x80, $0x38;
	[tilespmem:$0x10C00] =	vst v63  }
0x38b: {  	s15 =	sadd.s32 s14, s17;
	s18 =	simm.s32 $0xD900  }
0x38c: {  	[hbm4b:s15+s4] =	stream.linear.scatter [tilespmem:s18], [sflag:$0x6], $0x80, $0x38;
	[tilespmem:$0x10C00] =	vst v63  }
0x38d: {  	s17 =	sadd.s32 $0x10, s15;
	s18 =	simm.s32 $0xD988  }
0x38e: {  	[hbm4b:s17+s4] =	stream.linear.scatter [tilespmem:s18], [sflag:$0x6], $0x80, $0x38;
	[tilespmem:$0x10C00] =	vst v63  }
0x38f: {  	s17 =	sadd.s32 $0x20, s15;
	s18 =	simm.s32 $0xDA10  }
0x390: {  	[hbm4b:s17+s4] =	stream.linear.scatter [tilespmem:s18], [sflag:$0x6], $0x80, $0x38;
	[tilespmem:$0x10C00] =	vst v63  }
0x391: {  	s17 =	sadd.s32 $0x30, s15;
	s18 =	simm.s32 $0xDA98  }
0x392: {  	[hbm4b:s17+s4] =	stream.linear.scatter [tilespmem:s18], [sflag:$0x6], $0x80, $0x38;
	[tilespmem:$0x10C00] =	vst v63  }
0x393: {  	s17 =	sadd.s32 $0x40, s15;
	s18 =	simm.s32 $0xDB20  }
0x394: {  	[hbm4b:s17+s4] =	stream.linear.scatter [tilespmem:s18], [sflag:$0x6], $0x80, $0x38;
	[tilespmem:$0x10C00] =	vst v63  }
0x395: {  	s17 =	sadd.s32 $0x50, s15;
	s18 =	simm.s32 $0xDBA8  }
0x396: {  	[hbm4b:s17+s4] =	stream.linear.scatter [tilespmem:s18], [sflag:$0x6], $0x80, $0x38;
	[tilespmem:$0x10C00] =	vst v63  }
0x397: {  	s17 =	sadd.s32 $0x60, s15;
	s18 =	simm.s32 $0xDC30  }
0x398: {  	[hbm4b:s17+s4] =	stream.linear.scatter [tilespmem:s18], [sflag:$0x6], $0x80, $0x38;
	[tilespmem:$0x10C00] =	vst v63  }
0x399: {  	s15 =	sadd.s32 $0x70, s15;
	s18 =	simm.s32 $0xDCB8;
	s17 =	rddreg [dreg:$0x1f]  }
0x39a: {  	[hbm4b:s15+s4] =	stream.linear.scatter [tilespmem:s18], [sflag:$0x6], $0x80, $0x38;
	[tilespmem:$0x10C00] =	vst v63  }
0x39b: {  	s15 =	sadd.s32 s14, s17;
	s18 =	simm.s32 $0xEA00  }
0x39c: {  	[hbm4b:s15+s4] =	stream.linear.scatter [tilespmem:s18], [sflag:$0x6], $0x80, $0x38;
	[tilespmem:$0x10C00] =	vst v63  }
0x39d: {  	s17 =	sadd.s32 $0x10, s15;
	s18 =	simm.s32 $0xEA88  }
0x39e: {  	[hbm4b:s17+s4] =	stream.linear.scatter [tilespmem:s18], [sflag:$0x6], $0x80, $0x38;
	[tilespmem:$0x10C00] =	vst v63  }
0x39f: {  	s17 =	sadd.s32 $0x20, s15;
	s18 =	simm.s32 $0xEB10  }
0x3a0: {  	[hbm4b:s17+s4] =	stream.linear.scatter [tilespmem:s18], [sflag:$0x6], $0x80, $0x38;
	[tilespmem:$0x10C00] =	vst v63  }
0x3a1: {  	s17 =	sadd.s32 $0x30, s15;
	s18 =	simm.s32 $0xEB98  }
0x3a2: {  	[hbm4b:s17+s4] =	stream.linear.scatter [tilespmem:s18], [sflag:$0x6], $0x80, $0x38;
	[tilespmem:$0x10C00] =	vst v63  }
0x3a3: {  	s17 =	sadd.s32 $0x40, s15;
	s18 =	simm.s32 $0xEC20  }
0x3a4: {  	[hbm4b:s17+s4] =	stream.linear.scatter [tilespmem:s18], [sflag:$0x6], $0x80, $0x38;
	[tilespmem:$0x10C00] =	vst v63  }
0x3a5: {  	s17 =	sadd.s32 $0x50, s15;
	s18 =	simm.s32 $0xECA8  }
0x3a6: {  	[hbm4b:s17+s4] =	stream.linear.scatter [tilespmem:s18], [sflag:$0x6], $0x80, $0x38;
	[tilespmem:$0x10C00] =	vst v63  }
0x3a7: {  	s17 =	sadd.s32 $0x60, s15;
	s18 =	simm.s32 $0xED30  }
0x3a8: {  	[hbm4b:s17+s4] =	stream.linear.scatter [tilespmem:s18], [sflag:$0x6], $0x80, $0x38;
	[tilespmem:$0x10C00] =	vst v63  }
0x3a9: {  	s17 =	sld [smem:$0x7FC]  }
0x3aa: {  	s15 =	sadd.s32 $0x70, s15;
	s18 =	simm.s32 $0xEDB8  }
0x3ab: {  	[hbm4b:s15+s4] =	stream.linear.scatter [tilespmem:s18], [sflag:$0x6], $0x80, $0x38;
	[tilespmem:$0x10C00] =	vst v63  }
0x3ac: {  	s18 =	simm.s32 $0xFB00;
	s15 =	sadd.s32 s14, s17  }
0x3ad: {  	[hbm4b:s15+s4] =	stream.linear.scatter [tilespmem:s18], [sflag:$0x6], $0x80, $0x38;
	[tilespmem:$0x10C00] =	vst v63  }
0x3ae: {  	s17 =	sadd.s32 $0x10, s15;
	s18 =	simm.s32 $0xFB88  }
0x3af: {  	[hbm4b:s17+s4] =	stream.linear.scatter [tilespmem:s18], [sflag:$0x6], $0x80, $0x38;
	[tilespmem:$0x10C00] =	vst v63  }
0x3b0: {  	s17 =	sadd.s32 $0x20, s15;
	s18 =	simm.s32 $0xFC10  }
0x3b1: {  	[hbm4b:s17+s4] =	stream.linear.scatter [tilespmem:s18], [sflag:$0x6], $0x80, $0x38;
	[tilespmem:$0x10C00] =	vst v63  }
0x3b2: {  	s17 =	sadd.s32 $0x30, s15;
	s18 =	simm.s32 $0xFC98  }
0x3b3: {  	[hbm4b:s17+s4] =	stream.linear.scatter [tilespmem:s18], [sflag:$0x6], $0x80, $0x38;
	[tilespmem:$0x10C00] =	vst v63  }
0x3b4: {  	s17 =	sadd.s32 $0x40, s15;
	s18 =	simm.s32 $0xFD20  }
0x3b5: {  	[hbm4b:s17+s4] =	stream.linear.scatter [tilespmem:s18], [sflag:$0x6], $0x80, $0x38;
	[tilespmem:$0x10C00] =	vst v63  }
0x3b6: {  	s17 =	sadd.s32 $0x50, s15;
	s18 =	simm.s32 $0xFDA8  }
0x3b7: {  	[hbm4b:s17+s4] =	stream.linear.scatter [tilespmem:s18], [sflag:$0x6], $0x80, $0x38;
	[tilespmem:$0x10C00] =	vst v63  }
0x3b8: {  	s17 =	sadd.s32 $0x60, s15;
	s18 =	simm.s32 $0xFE30  }
0x3b9: {  	[hbm4b:s17+s4] =	stream.linear.scatter [tilespmem:s18], [sflag:$0x6], $0x80, $0x38;
	[tilespmem:$0x10C00] =	vst v63  }
0x3ba: {  	s17 =	sld [smem:$0x7FD]  }
0x3bb: {  	s15 =	sadd.s32 $0x70, s15;
	s18 =	simm.s32 $0xFEB8  }
0x3bc: {  	[hbm4b:s15+s4] =	stream.linear.scatter [tilespmem:s18], [sflag:$0x6], $0x80, $0x38;
	[tilespmem:$0x10C00] =	vst v63  }
0x3bd: {  	s18 =	simm.s32 $0xCC40;
	s15 =	sadd.s32 s14, s17  }
0x3be: {  	[hbm4b:s15+s4] =	stream.linear.scatter [tilespmem:s18], [sflag:$0x6], $0x80, $0x38;
	[tilespmem:$0x10C00] =	vst v63  }
0x3bf: {  	s17 =	sadd.s32 $0x10, s15;
	s18 =	simm.s32 $0xCCC8  }
0x3c0: {  	[hbm4b:s17+s4] =	stream.linear.scatter [tilespmem:s18], [sflag:$0x6], $0x80, $0x38;
	[tilespmem:$0x10C00] =	vst v63  }
0x3c1: {  	s17 =	sadd.s32 $0x20, s15;
	s18 =	simm.s32 $0xCD50  }
0x3c2: {  	[hbm4b:s17+s4] =	stream.linear.scatter [tilespmem:s18], [sflag:$0x6], $0x80, $0x38;
	[tilespmem:$0x10C00] =	vst v63  }
0x3c3: {  	s17 =	sadd.s32 $0x30, s15;
	s18 =	simm.s32 $0xCDD8  }
0x3c4: {  	[hbm4b:s17+s4] =	stream.linear.scatter [tilespmem:s18], [sflag:$0x6], $0x80, $0x38;
	[tilespmem:$0x10C00] =	vst v63  }
0x3c5: {  	s17 =	sadd.s32 $0x40, s15;
	s18 =	simm.s32 $0xCE60  }
0x3c6: {  	[hbm4b:s17+s4] =	stream.linear.scatter [tilespmem:s18], [sflag:$0x6], $0x80, $0x38;
	[tilespmem:$0x10C00] =	vst v63  }
0x3c7: {  	s17 =	sadd.s32 $0x50, s15;
	s18 =	simm.s32 $0xCEE8  }
0x3c8: {  	[hbm4b:s17+s4] =	stream.linear.scatter [tilespmem:s18], [sflag:$0x6], $0x80, $0x38;
	[tilespmem:$0x10C00] =	vst v63  }
0x3c9: {  	s17 =	sadd.s32 $0x60, s15;
	s18 =	simm.s32 $0xCF70  }
0x3ca: {  	[hbm4b:s17+s4] =	stream.linear.scatter [tilespmem:s18], [sflag:$0x6], $0x80, $0x38;
	[tilespmem:$0x10C00] =	vst v63  }
0x3cb: {  	s15 =	sadd.s32 $0x70, s15;
	s17 =	simm.s32 $0xCFF8  }
0x3cc: {  	[hbm4b:s15+s4] =	stream.linear.scatter [tilespmem:s17], [sflag:$0x6], $0x80, $0x38;
	[tilespmem:$0x10C00] =	vst v63  }
0x3cd: {  	s18 =	simm.s32 $0xDD40;
	s15 =	sadd.s32 s14, s25  }
0x3ce: {  	[hbm4b:s15+s4] =	stream.linear.scatter [tilespmem:s18], [sflag:$0x6], $0x80, $0x38;
	[tilespmem:$0x10C00] =	vst v63  }
0x3cf: {  	s17 =	sadd.s32 $0x10, s15;
	s18 =	simm.s32 $0xDDC8  }
0x3d0: {  	[hbm4b:s17+s4] =	stream.linear.scatter [tilespmem:s18], [sflag:$0x6], $0x80, $0x38;
	[tilespmem:$0x10C00] =	vst v63  }
0x3d1: {  	s17 =	sadd.s32 $0x20, s15;
	s18 =	simm.s32 $0xDE50  }
0x3d2: {  	[hbm4b:s17+s4] =	stream.linear.scatter [tilespmem:s18], [sflag:$0x6], $0x80, $0x38;
	[tilespmem:$0x10C00] =	vst v63  }
0x3d3: {  	s17 =	sadd.s32 $0x30, s15;
	s18 =	simm.s32 $0xDED8  }
0x3d4: {  	[hbm4b:s17+s4] =	stream.linear.scatter [tilespmem:s18], [sflag:$0x6], $0x80, $0x38;
	[tilespmem:$0x10C00] =	vst v63  }
0x3d5: {  	s17 =	sadd.s32 $0x40, s15;
	s18 =	simm.s32 $0xDF60  }
0x3d6: {  	[hbm4b:s17+s4] =	stream.linear.scatter [tilespmem:s18], [sflag:$0x6], $0x80, $0x38;
	[tilespmem:$0x10C00] =	vst v63  }
0x3d7: {  	s17 =	sadd.s32 $0x50, s15;
	s18 =	simm.s32 $0xDFE8  }
0x3d8: {  	[hbm4b:s17+s4] =	stream.linear.scatter [tilespmem:s18], [sflag:$0x6], $0x80, $0x38;
	[tilespmem:$0x10C00] =	vst v63  }
0x3d9: {  	s17 =	sadd.s32 $0x60, s15;
	s18 =	simm.s32 $0xE070  }
0x3da: {  	[hbm4b:s17+s4] =	stream.linear.scatter [tilespmem:s18], [sflag:$0x6], $0x80, $0x38;
	[tilespmem:$0x10C00] =	vst v63  }
0x3db: {  	s15 =	sadd.s32 $0x70, s15;
	s17 =	simm.s32 $0xE0F8  }
0x3dc: {  	[hbm4b:s15+s4] =	stream.linear.scatter [tilespmem:s17], [sflag:$0x6], $0x80, $0x38;
	[tilespmem:$0x10C00] =	vst v63  }
0x3dd: {  	s18 =	simm.s32 $0xEE40;
	s15 =	sadd.s32 s14, s8  }
0x3de: {  	[hbm4b:s15+s4] =	stream.linear.scatter [tilespmem:s18], [sflag:$0x6], $0x80, $0x38;
	[tilespmem:$0x10C00] =	vst v63  }
0x3df: {  	s17 =	sadd.s32 $0x10, s15;
	s18 =	simm.s32 $0xEEC8  }
0x3e0: {  	[hbm4b:s17+s4] =	stream.linear.scatter [tilespmem:s18], [sflag:$0x6], $0x80, $0x38;
	[tilespmem:$0x10C00] =	vst v63  }
0x3e1: {  	s17 =	sadd.s32 $0x20, s15;
	s18 =	simm.s32 $0xEF50  }
0x3e2: {  	[hbm4b:s17+s4] =	stream.linear.scatter [tilespmem:s18], [sflag:$0x6], $0x80, $0x38;
	[tilespmem:$0x10C00] =	vst v63  }
0x3e3: {  	s17 =	sadd.s32 $0x30, s15;
	s18 =	simm.s32 $0xEFD8  }
0x3e4: {  	[hbm4b:s17+s4] =	stream.linear.scatter [tilespmem:s18], [sflag:$0x6], $0x80, $0x38;
	[tilespmem:$0x10C00] =	vst v63  }
0x3e5: {  	s17 =	sadd.s32 $0x40, s15;
	s18 =	simm.s32 $0xF060  }
0x3e6: {  	[hbm4b:s17+s4] =	stream.linear.scatter [tilespmem:s18], [sflag:$0x6], $0x80, $0x38;
	[tilespmem:$0x10C00] =	vst v63  }
0x3e7: {  	s17 =	sadd.s32 $0x50, s15;
	s18 =	simm.s32 $0xF0E8  }
0x3e8: {  	[hbm4b:s17+s4] =	stream.linear.scatter [tilespmem:s18], [sflag:$0x6], $0x80, $0x38;
	[tilespmem:$0x10C00] =	vst v63  }
0x3e9: {  	s17 =	sadd.s32 $0x60, s15;
	s18 =	simm.s32 $0xF170  }
0x3ea: {  	[hbm4b:s17+s4] =	stream.linear.scatter [tilespmem:s18], [sflag:$0x6], $0x80, $0x38;
	[tilespmem:$0x10C00] =	vst v63  }
0x3eb: {  	s15 =	sadd.s32 $0x70, s15;
	s17 =	simm.s32 $0xF1F8  }
0x3ec: {  	[hbm4b:s15+s4] =	stream.linear.scatter [tilespmem:s17], [sflag:$0x6], $0x80, $0x38;
	[tilespmem:$0x10C00] =	vst v63  }
0x3ed: {  	s18 =	simm.s32 $0xFF40;
	s15 =	sadd.s32 s14, s2  }
0x3ee: {  	[hbm4b:s15+s4] =	stream.linear.scatter [tilespmem:s18], [sflag:$0x6], $0x80, $0x38;
	[tilespmem:$0x10C00] =	vst v63  }
0x3ef: {  	s17 =	sadd.s32 $0x10, s15;
	s18 =	simm.s32 $0xFFC8  }
0x3f0: {  	[hbm4b:s17+s4] =	stream.linear.scatter [tilespmem:s18], [sflag:$0x6], $0x80, $0x38;
	[tilespmem:$0x10C00] =	vst v63  }
0x3f1: {  	s17 =	sadd.s32 $0x20, s15;
	s18 =	simm.s32 $0x10050  }
0x3f2: {  	[hbm4b:s17+s4] =	stream.linear.scatter [tilespmem:s18], [sflag:$0x6], $0x80, $0x38;
	[tilespmem:$0x10C00] =	vst v63  }
0x3f3: {  	s17 =	sadd.s32 $0x30, s15;
	s18 =	simm.s32 $0x100D8  }
0x3f4: {  	[hbm4b:s17+s4] =	stream.linear.scatter [tilespmem:s18], [sflag:$0x6], $0x80, $0x38;
	[tilespmem:$0x10C00] =	vst v63  }
0x3f5: {  	s17 =	sadd.s32 $0x40, s15;
	s18 =	simm.s32 $0x10160  }
0x3f6: {  	[hbm4b:s17+s4] =	stream.linear.scatter [tilespmem:s18], [sflag:$0x6], $0x80, $0x38;
	[tilespmem:$0x10C00] =	vst v63  }
0x3f7: {  	s17 =	sadd.s32 $0x50, s15;
	s18 =	simm.s32 $0x101E8  }
0x3f8: {  	[hbm4b:s17+s4] =	stream.linear.scatter [tilespmem:s18], [sflag:$0x6], $0x80, $0x38;
	[tilespmem:$0x10C00] =	vst v63  }
0x3f9: {  	s17 =	sadd.s32 $0x60, s15;
	s18 =	simm.s32 $0x10270  }
0x3fa: {  	[hbm4b:s17+s4] =	stream.linear.scatter [tilespmem:s18], [sflag:$0x6], $0x80, $0x38;
	[tilespmem:$0x10C00] =	vst v63  }
0x3fb: {  	s15 =	sadd.s32 $0x70, s15;
	s17 =	simm.s32 $0x102F8  }
0x3fc: {  	[hbm4b:s15+s4] =	stream.linear.scatter [tilespmem:s17], [sflag:$0x6], $0x80, $0x38;
	[tilespmem:$0x10C00] =	vst v63  }
0x3fd: {  	s18 =	simm.s32 $0xD080;
	s15 =	sadd.s32 s14, s7  }
0x3fe: {  	[hbm4b:s15+s4] =	stream.linear.scatter [tilespmem:s18], [sflag:$0x6], $0x80, $0x38;
	[tilespmem:$0x10C00] =	vst v63  }
0x3ff: {  	s17 =	sadd.s32 $0x10, s15;
	s18 =	simm.s32 $0xD108  }
0x400: {  	[hbm4b:s17+s4] =	stream.linear.scatter [tilespmem:s18], [sflag:$0x6], $0x80, $0x38;
	[tilespmem:$0x10C00] =	vst v63  }
0x401: {  	s17 =	sadd.s32 $0x20, s15;
	s18 =	simm.s32 $0xD190  }
0x402: {  	[hbm4b:s17+s4] =	stream.linear.scatter [tilespmem:s18], [sflag:$0x6], $0x80, $0x38;
	[tilespmem:$0x10C00] =	vst v63  }
0x403: {  	s17 =	sadd.s32 $0x30, s15;
	s18 =	simm.s32 $0xD218  }
0x404: {  	[hbm4b:s17+s4] =	stream.linear.scatter [tilespmem:s18], [sflag:$0x6], $0x80, $0x38;
	[tilespmem:$0x10C00] =	vst v63  }
0x405: {  	s17 =	sadd.s32 $0x40, s15;
	s18 =	simm.s32 $0xD2A0  }
0x406: {  	[hbm4b:s17+s4] =	stream.linear.scatter [tilespmem:s18], [sflag:$0x6], $0x80, $0x38;
	[tilespmem:$0x10C00] =	vst v63  }
0x407: {  	s17 =	sadd.s32 $0x50, s15;
	s18 =	simm.s32 $0xD328  }
0x408: {  	[hbm4b:s17+s4] =	stream.linear.scatter [tilespmem:s18], [sflag:$0x6], $0x80, $0x38;
	[tilespmem:$0x10C00] =	vst v63  }
0x409: {  	s17 =	sadd.s32 $0x60, s15;
	s18 =	simm.s32 $0xD3B0  }
0x40a: {  	[hbm4b:s17+s4] =	stream.linear.scatter [tilespmem:s18], [sflag:$0x6], $0x80, $0x38;
	[tilespmem:$0x10C00] =	vst v63  }
0x40b: {  	s15 =	sadd.s32 $0x70, s15;
	s17 =	simm.s32 $0xD438  }
0x40c: {  	[hbm4b:s15+s4] =	stream.linear.scatter [tilespmem:s17], [sflag:$0x6], $0x80, $0x38;
	[tilespmem:$0x10C00] =	vst v63  }
0x40d: {  	s18 =	simm.s32 $0xE180;
	s15 =	sadd.s32 s14, s19  }
0x40e: {  	[hbm4b:s15+s4] =	stream.linear.scatter [tilespmem:s18], [sflag:$0x6], $0x80, $0x38;
	[tilespmem:$0x10C00] =	vst v63  }
0x40f: {  	s17 =	sadd.s32 $0x10, s15;
	s18 =	simm.s32 $0xE208  }
0x410: {  	[hbm4b:s17+s4] =	stream.linear.scatter [tilespmem:s18], [sflag:$0x6], $0x80, $0x38;
	[tilespmem:$0x10C00] =	vst v63  }
0x411: {  	s17 =	sadd.s32 $0x20, s15;
	s18 =	simm.s32 $0xE290  }
0x412: {  	[hbm4b:s17+s4] =	stream.linear.scatter [tilespmem:s18], [sflag:$0x6], $0x80, $0x38;
	[tilespmem:$0x10C00] =	vst v63  }
0x413: {  	s17 =	sadd.s32 $0x30, s15;
	s18 =	simm.s32 $0xE318  }
0x414: {  	[hbm4b:s17+s4] =	stream.linear.scatter [tilespmem:s18], [sflag:$0x6], $0x80, $0x38;
	[tilespmem:$0x10C00] =	vst v63  }
0x415: {  	s17 =	sadd.s32 $0x40, s15;
	s18 =	simm.s32 $0xE3A0  }
0x416: {  	[hbm4b:s17+s4] =	stream.linear.scatter [tilespmem:s18], [sflag:$0x6], $0x80, $0x38;
	[tilespmem:$0x10C00] =	vst v63  }
0x417: {  	s17 =	sadd.s32 $0x50, s15;
	s18 =	simm.s32 $0xE428  }
0x418: {  	[hbm4b:s17+s4] =	stream.linear.scatter [tilespmem:s18], [sflag:$0x6], $0x80, $0x38;
	[tilespmem:$0x10C00] =	vst v63  }
0x419: {  	s17 =	sadd.s32 $0x60, s15;
	s18 =	simm.s32 $0xE4B0  }
0x41a: {  	[hbm4b:s17+s4] =	stream.linear.scatter [tilespmem:s18], [sflag:$0x6], $0x80, $0x38;
	[tilespmem:$0x10C00] =	vst v63  }
0x41b: {  	s15 =	sadd.s32 $0x70, s15;
	s17 =	simm.s32 $0xE538  }
0x41c: {  	[hbm4b:s15+s4] =	stream.linear.scatter [tilespmem:s17], [sflag:$0x6], $0x80, $0x38;
	[tilespmem:$0x10C00] =	vst v63  }
0x41d: {  	s18 =	simm.s32 $0xF280;
	s15 =	sadd.s32 s14, s20  }
0x41e: {  	[hbm4b:s15+s4] =	stream.linear.scatter [tilespmem:s18], [sflag:$0x6], $0x80, $0x38;
	[tilespmem:$0x10C00] =	vst v63  }
0x41f: {  	s17 =	sadd.s32 $0x10, s15;
	s18 =	simm.s32 $0xF308  }
0x420: {  	[hbm4b:s17+s4] =	stream.linear.scatter [tilespmem:s18], [sflag:$0x6], $0x80, $0x38;
	[tilespmem:$0x10C00] =	vst v63  }
0x421: {  	s17 =	sadd.s32 $0x20, s15;
	s18 =	simm.s32 $0xF390  }
0x422: {  	[hbm4b:s17+s4] =	stream.linear.scatter [tilespmem:s18], [sflag:$0x6], $0x80, $0x38;
	[tilespmem:$0x10C00] =	vst v63  }
0x423: {  	s17 =	sadd.s32 $0x30, s15;
	s18 =	simm.s32 $0xF418  }
0x424: {  	[hbm4b:s17+s4] =	stream.linear.scatter [tilespmem:s18], [sflag:$0x6], $0x80, $0x38;
	[tilespmem:$0x10C00] =	vst v63  }
0x425: {  	s17 =	sadd.s32 $0x40, s15;
	s18 =	simm.s32 $0xF4A0  }
0x426: {  	[hbm4b:s17+s4] =	stream.linear.scatter [tilespmem:s18], [sflag:$0x6], $0x80, $0x38;
	[tilespmem:$0x10C00] =	vst v63  }
0x427: {  	s17 =	sadd.s32 $0x50, s15;
	s18 =	simm.s32 $0xF528  }
0x428: {  	[hbm4b:s17+s4] =	stream.linear.scatter [tilespmem:s18], [sflag:$0x6], $0x80, $0x38;
	[tilespmem:$0x10C00] =	vst v63  }
0x429: {  	s17 =	sadd.s32 $0x60, s15;
	s18 =	simm.s32 $0xF5B0  }
0x42a: {  	[hbm4b:s17+s4] =	stream.linear.scatter [tilespmem:s18], [sflag:$0x6], $0x80, $0x38;
	[tilespmem:$0x10C00] =	vst v63  }
0x42b: {  	s15 =	sadd.s32 $0x70, s15;
	s17 =	simm.s32 $0xF638  }
0x42c: {  	[hbm4b:s15+s4] =	stream.linear.scatter [tilespmem:s17], [sflag:$0x6], $0x80, $0x38;
	[tilespmem:$0x10C00] =	vst v63  }
0x42d: {  	s18 =	simm.s32 $0x10380;
	s15 =	sadd.s32 s14, s21  }
0x42e: {  	[hbm4b:s15+s4] =	stream.linear.scatter [tilespmem:s18], [sflag:$0x6], $0x80, $0x38;
	[tilespmem:$0x10C00] =	vst v63  }
0x42f: {  	s17 =	sadd.s32 $0x10, s15;
	s18 =	simm.s32 $0x10408  }
0x430: {  	[hbm4b:s17+s4] =	stream.linear.scatter [tilespmem:s18], [sflag:$0x6], $0x80, $0x38;
	[tilespmem:$0x10C00] =	vst v63  }
0x431: {  	s17 =	sadd.s32 $0x20, s15;
	s18 =	simm.s32 $0x10490  }
0x432: {  	[hbm4b:s17+s4] =	stream.linear.scatter [tilespmem:s18], [sflag:$0x6], $0x80, $0x38;
	[tilespmem:$0x10C00] =	vst v63  }
0x433: {  	s17 =	sadd.s32 $0x30, s15;
	s18 =	simm.s32 $0x10518  }
0x434: {  	[hbm4b:s17+s4] =	stream.linear.scatter [tilespmem:s18], [sflag:$0x6], $0x80, $0x38;
	[tilespmem:$0x10C00] =	vst v63  }
0x435: {  	s17 =	sadd.s32 $0x40, s15;
	s18 =	simm.s32 $0x105A0  }
0x436: {  	[hbm4b:s17+s4] =	stream.linear.scatter [tilespmem:s18], [sflag:$0x6], $0x80, $0x38;
	[tilespmem:$0x10C00] =	vst v63  }
0x437: {  	s17 =	sadd.s32 $0x50, s15;
	s18 =	simm.s32 $0x10628  }
0x438: {  	[hbm4b:s17+s4] =	stream.linear.scatter [tilespmem:s18], [sflag:$0x6], $0x80, $0x38;
	[tilespmem:$0x10C00] =	vst v63  }
0x439: {  	s17 =	sadd.s32 $0x60, s15;
	s18 =	simm.s32 $0x106B0  }
0x43a: {  	[hbm4b:s17+s4] =	stream.linear.scatter [tilespmem:s18], [sflag:$0x6], $0x80, $0x38;
	[tilespmem:$0x10C00] =	vst v63  }
0x43b: {  	s15 =	sadd.s32 $0x70, s15;
	s17 =	simm.s32 $0x10738  }
0x43c: {  	[hbm4b:s15+s4] =	stream.linear.scatter [tilespmem:s17], [sflag:$0x6], $0x80, $0x38;
	[tilespmem:$0x10C00] =	vst v63  }
0x43d: {  	s18 =	simm.s32 $0xD4C0;
	s15 =	sadd.s32 s14, s22  }
0x43e: {  	[hbm4b:s15+s4] =	stream.linear.scatter [tilespmem:s18], [sflag:$0x6], $0x80, $0x38;
	[tilespmem:$0x10C00] =	vst v63  }
0x43f: {  	s17 =	sadd.s32 $0x10, s15;
	s18 =	simm.s32 $0xD548  }
0x440: {  	[hbm4b:s17+s4] =	stream.linear.scatter [tilespmem:s18], [sflag:$0x6], $0x80, $0x38;
	[tilespmem:$0x10C00] =	vst v63  }
0x441: {  	s17 =	sadd.s32 $0x20, s15;
	s18 =	simm.s32 $0xD5D0  }
0x442: {  	[hbm4b:s17+s4] =	stream.linear.scatter [tilespmem:s18], [sflag:$0x6], $0x80, $0x38;
	[tilespmem:$0x10C00] =	vst v63  }
0x443: {  	s17 =	sadd.s32 $0x30, s15;
	s18 =	simm.s32 $0xD658  }
0x444: {  	[hbm4b:s17+s4] =	stream.linear.scatter [tilespmem:s18], [sflag:$0x6], $0x80, $0x38;
	[tilespmem:$0x10C00] =	vst v63  }
0x445: {  	s17 =	sadd.s32 $0x40, s15;
	s18 =	simm.s32 $0xD6E0  }
0x446: {  	[hbm4b:s17+s4] =	stream.linear.scatter [tilespmem:s18], [sflag:$0x6], $0x80, $0x38;
	[tilespmem:$0x10C00] =	vst v63  }
0x447: {  	s17 =	sadd.s32 $0x50, s15;
	s18 =	simm.s32 $0xD768  }
0x448: {  	[hbm4b:s17+s4] =	stream.linear.scatter [tilespmem:s18], [sflag:$0x6], $0x80, $0x38;
	[tilespmem:$0x10C00] =	vst v63  }
0x449: {  	s17 =	sadd.s32 $0x60, s15;
	s18 =	simm.s32 $0xD7F0  }
0x44a: {  	[hbm4b:s17+s4] =	stream.linear.scatter [tilespmem:s18], [sflag:$0x6], $0x80, $0x38;
	[tilespmem:$0x10C00] =	vst v63  }
0x44b: {  	s15 =	sadd.s32 $0x70, s15;
	s17 =	simm.s32 $0xD878  }
0x44c: {  	[hbm4b:s15+s4] =	stream.linear.scatter [tilespmem:s17], [sflag:$0x6], $0x80, $0x38;
	[tilespmem:$0x10C00] =	vst v63  }
0x44d: {  	s18 =	simm.s32 $0xE5C0;
	s15 =	sadd.s32 s14, s23  }
0x44e: {  	[hbm4b:s15+s4] =	stream.linear.scatter [tilespmem:s18], [sflag:$0x6], $0x80, $0x38;
	[tilespmem:$0x10C00] =	vst v63  }
0x44f: {  	s17 =	sadd.s32 $0x10, s15;
	s18 =	simm.s32 $0xE648  }
0x450: {  	[hbm4b:s17+s4] =	stream.linear.scatter [tilespmem:s18], [sflag:$0x6], $0x80, $0x38;
	[tilespmem:$0x10C00] =	vst v63  }
0x451: {  	s17 =	sadd.s32 $0x20, s15;
	s18 =	simm.s32 $0xE6D0  }
0x452: {  	[hbm4b:s17+s4] =	stream.linear.scatter [tilespmem:s18], [sflag:$0x6], $0x80, $0x38;
	[tilespmem:$0x10C00] =	vst v63  }
0x453: {  	s17 =	sadd.s32 $0x30, s15;
	s18 =	simm.s32 $0xE758  }
0x454: {  	[hbm4b:s17+s4] =	stream.linear.scatter [tilespmem:s18], [sflag:$0x6], $0x80, $0x38;
	[tilespmem:$0x10C00] =	vst v63  }
0x455: {  	s17 =	sadd.s32 $0x40, s15;
	s18 =	simm.s32 $0xE7E0  }
0x456: {  	[hbm4b:s17+s4] =	stream.linear.scatter [tilespmem:s18], [sflag:$0x6], $0x80, $0x38;
	[tilespmem:$0x10C00] =	vst v63  }
0x457: {  	s17 =	sadd.s32 $0x50, s15;
	s18 =	simm.s32 $0xE868  }
0x458: {  	[hbm4b:s17+s4] =	stream.linear.scatter [tilespmem:s18], [sflag:$0x6], $0x80, $0x38;
	[tilespmem:$0x10C00] =	vst v63  }
0x459: {  	s17 =	sadd.s32 $0x60, s15;
	s18 =	simm.s32 $0xE8F0  }
0x45a: {  	[hbm4b:s17+s4] =	stream.linear.scatter [tilespmem:s18], [sflag:$0x6], $0x80, $0x38;
	[tilespmem:$0x10C00] =	vst v63  }
0x45b: {  	s15 =	sadd.s32 $0x70, s15;
	s17 =	simm.s32 $0xE978  }
0x45c: {  	[hbm4b:s15+s4] =	stream.linear.scatter [tilespmem:s17], [sflag:$0x6], $0x80, $0x38;
	[tilespmem:$0x10C00] =	vst v63  }
0x45d: {  	s18 =	simm.s32 $0xF6C0;
	s15 =	sadd.s32 s14, s24  }
0x45e: {  	[hbm4b:s15+s4] =	stream.linear.scatter [tilespmem:s18], [sflag:$0x6], $0x80, $0x38;
	[tilespmem:$0x10C00] =	vst v63  }
0x45f: {  	s17 =	sadd.s32 $0x10, s15;
	s18 =	simm.s32 $0xF748  }
0x460: {  	[hbm4b:s17+s4] =	stream.linear.scatter [tilespmem:s18], [sflag:$0x6], $0x80, $0x38;
	[tilespmem:$0x10C00] =	vst v63  }
0x461: {  	s17 =	sadd.s32 $0x20, s15;
	s18 =	simm.s32 $0xF7D0  }
0x462: {  	[hbm4b:s17+s4] =	stream.linear.scatter [tilespmem:s18], [sflag:$0x6], $0x80, $0x38;
	[tilespmem:$0x10C00] =	vst v63  }
0x463: {  	s17 =	sadd.s32 $0x30, s15;
	s18 =	simm.s32 $0xF858  }
0x464: {  	[hbm4b:s17+s4] =	stream.linear.scatter [tilespmem:s18], [sflag:$0x6], $0x80, $0x38;
	[tilespmem:$0x10C00] =	vst v63  }
0x465: {  	s17 =	sadd.s32 $0x40, s15;
	s18 =	simm.s32 $0xF8E0  }
0x466: {  	[hbm4b:s17+s4] =	stream.linear.scatter [tilespmem:s18], [sflag:$0x6], $0x80, $0x38;
	[tilespmem:$0x10C00] =	vst v63  }
0x467: {  	s17 =	sadd.s32 $0x50, s15;
	s18 =	simm.s32 $0xF968  }
0x468: {  	[hbm4b:s17+s4] =	stream.linear.scatter [tilespmem:s18], [sflag:$0x6], $0x80, $0x38;
	[tilespmem:$0x10C00] =	vst v63  }
0x469: {  	s17 =	sadd.s32 $0x60, s15;
	s18 =	simm.s32 $0xF9F0  }
0x46a: {  	[hbm4b:s17+s4] =	stream.linear.scatter [tilespmem:s18], [sflag:$0x6], $0x80, $0x38;
	[tilespmem:$0x10C00] =	vst v63  }
0x46b: {  	s15 =	sadd.s32 $0x70, s15;
	s18 =	simm.s32 $0xFA78  }
0x46c: {  	[hbm4b:s15+s4] =	stream.linear.scatter [tilespmem:s18], [sflag:$0x6], $0x80, $0x38;
	[tilespmem:$0x10C00] =	vst v63  }
0x46d: {  	s16 =	simm.s32 $0x107C0;
	s14 =	sadd.s32 s14, s26  }
0x46e: {  	[hbm4b:s14+s4] =	stream.linear.scatter [tilespmem:s16], [sflag:$0x6], $0x80, $0x38;
	[tilespmem:$0x10C00] =	vst v63  }
0x46f: {  	s17 =	sadd.s32 $0x10, s14;
	s18 =	simm.s32 $0x10848  }
0x470: {  	[hbm4b:s17+s4] =	stream.linear.scatter [tilespmem:s18], [sflag:$0x6], $0x80, $0x38;
	[tilespmem:$0x10C00] =	vst v63  }
0x471: {  	s17 =	sadd.s32 $0x20, s14;
	s18 =	simm.s32 $0x108D0  }
0x472: {  	[hbm4b:s17+s4] =	stream.linear.scatter [tilespmem:s18], [sflag:$0x6], $0x80, $0x38;
	[tilespmem:$0x10C00] =	vst v63  }
0x473: {  	s17 =	sadd.s32 $0x30, s14;
	s18 =	simm.s32 $0x10958  }
0x474: {  	[hbm4b:s17+s4] =	stream.linear.scatter [tilespmem:s18], [sflag:$0x6], $0x80, $0x38;
	[tilespmem:$0x10C00] =	vst v63  }
0x475: {  	s13 =	sadd.s32 $0x1, s13;
	s17 =	sadd.s32 $0x40, s14;
	s18 =	simm.s32 $0x109E0  }
0x476: {  	[hbm4b:s17+s4] =	stream.linear.scatter [tilespmem:s18], [sflag:$0x6], $0x80, $0x38;
	[tilespmem:$0x10C00] =	vst v63  }
0x477: {  	p0 =	sne.s32 s13, $0x64;
	s17 =	sadd.s32 $0x50, s14;
	s18 =	simm.s32 $0x10A68  }
0x478: {  	[hbm4b:s17+s4] =	stream.linear.scatter [tilespmem:s18], [sflag:$0x6], $0x80, $0x38;
	[tilespmem:$0x10C00] =	vst v63  }
.Ltmp2:
0x479: {  	_ = 	snop;
	(pc) =	sbr.rel @p0 .LBB2_2-.Ltmp2, $4  }
0x47a: {  	s16 =	sadd.s32 $0x60, s14;
	s17 =	simm.s32 $0x10AF0  }
0x47b: {  	[hbm4b:s16+s4] =	stream.linear.scatter [tilespmem:s17], [sflag:$0x6], $0x80, $0x38;
	[tilespmem:$0x10C00] =	vst v63  }
0x47c: {  	s14 =	sadd.s32 $0x70, s14;
	s18 =	simm.s32 $0x10B78  }
0x47d: {  	[hbm4b:s14+s4] =	stream.linear.scatter [tilespmem:s18], [sflag:$0x6], $0x80, $0x38;
	[tilespmem:$0x10C00] =	vst v63  }
0x47e: {  	_ =	swait.ge [sflag:s3], $0x400  }
0x47f: {  	[sflag:s3] =	ssyncset.done $0x0  }
0x480: {  	[sflag:s3] =	ssyncadd.s32 $0xFFFFFC00  }
0x481: {  	_ =	swait.ge [sflag:s3], $0x400  }
0x482: {  	[sflag:s3] =	ssyncset.done $0x0  }
0x483: {  	[sflag:s3] =	ssyncadd.s32 $0xFFFFFC00  }
0x484: {  	_ =	swait.ge [sflag:s3], $0x400  }
0x485: {  	[sflag:s3] =	ssyncset.done $0x0  }
0x486: {  	[sflag:s3] =	ssyncadd.s32 $0xFFFFFC00  }
0x487: {  	_ =	swait.ge [sflag:s3], $0x400  }
0x488: {  	[sflag:s3] =	ssyncset.done $0x0  }
0x489: {  	[sflag:s3] =	ssyncadd.s32 $0xFFFFFC00  }
0x48a: {  	_ =	swait.ge [sflag:s3], $0x400  }
0x48b: {  	[sflag:s3] =	ssyncset.done $0x0  }
0x48c: {  	[sflag:s3] =	ssyncadd.s32 $0xFFFFFC00  }
0x48d: {  	_ =	swait.ge [sflag:s3], $0x400  }
0x48e: {  	[sflag:s3] =	ssyncset.done $0x0  }
0x48f: {  	[sflag:s3] =	ssyncadd.s32 $0xFFFFFC00  }
0x490: {  	_ =	swait.ge [sflag:s3], $0x400  }
0x491: {  	[sflag:s3] =	ssyncset.done $0x0  }
0x492: {  	[sflag:s3] =	ssyncadd.s32 $0xFFFFFC00  }
0x493: {  	_ =	swait.ge [sflag:s3], $0x400  }
0x494: {  	[sflag:s3] =	ssyncset.done $0x0  }
0x495: {  	[sflag:s3] =	ssyncadd.s32 $0xFFFFFC00  }
0x496: {  	_ =	swait.ge [sflag:s3], $0x400  }
0x497: {  	[sflag:s3] =	ssyncset.done $0x0  }
0x498: {  	[sflag:s3] =	ssyncadd.s32 $0xFFFFFC00  }
0x499: {  	_ =	swait.ge [sflag:s3], $0x400  }
0x49a: {  	[sflag:s3] =	ssyncset.done $0x0  }
0x49b: {  	[sflag:s3] =	ssyncadd.s32 $0xFFFFFC00  }
0x49c: {  	_ =	swait.ge [sflag:s3], $0x400  }
0x49d: {  	[sflag:s3] =	ssyncset.done $0x0  }
0x49e: {  	[sflag:s3] =	ssyncadd.s32 $0xFFFFFC00  }
0x49f: {  	_ =	swait.ge [sflag:s3], $0x400  }
0x4a0: {  	[sflag:s3] =	ssyncset.done $0x0  }
0x4a1: {  	[sflag:s3] =	ssyncadd.s32 $0xFFFFFC00  }
0x4a2: {  	_ =	swait.ge [sflag:s3], $0x400  }
0x4a3: {  	[sflag:s3] =	ssyncset.done $0x0  }
0x4a4: {  	[sflag:s3] =	ssyncadd.s32 $0xFFFFFC00  }
0x4a5: {  	_ =	swait.ge [sflag:s3], $0x400  }
0x4a6: {  	[sflag:s3] =	ssyncset.done $0x0  }
0x4a7: {  	[sflag:s3] =	ssyncadd.s32 $0xFFFFFC00  }
0x4a8: {  	_ =	swait.ge [sflag:s3], $0x400  }
0x4a9: {  	[sflag:s3] =	ssyncset.done $0x0  }
0x4aa: {  	[sflag:s3] =	ssyncadd.s32 $0xFFFFFC00  }
0x4ab: {  	_ =	swait.ge [sflag:s3], $0x400  }
0x4ac: {  	[sflag:s3] =	ssyncset.done $0x0  }
0x4ad: {  	[sflag:s3] =	ssyncadd.s32 $0xFFFFFC00  }
0x4ae: {  	_ =	swait.ge [sflag:s12], $0x400  }
0x4af: {  	[sflag:s12] =	ssyncset.done $0x0  }
0x4b0: {  	[sflag:s12] =	ssyncadd.s32 $0xFFFFFC00  }
0x4b1: {  	_ =	swait.ge [sflag:s12], $0x400  }
0x4b2: {  	[sflag:s12] =	ssyncset.done $0x0  }
0x4b3: {  	[sflag:s12] =	ssyncadd.s32 $0xFFFFFC00  }
0x4b4: {  	_ =	swait.ge [sflag:s12], $0x400  }
0x4b5: {  	[sflag:s12] =	ssyncset.done $0x0  }
0x4b6: {  	[sflag:s12] =	ssyncadd.s32 $0xFFFFFC00  }
0x4b7: {  	_ =	swait.ge [sflag:s12], $0x400  }
0x4b8: {  	[sflag:s12] =	ssyncset.done $0x0  }
0x4b9: {  	[sflag:s12] =	ssyncadd.s32 $0xFFFFFC00  }
0x4ba: {  	_ =	swait.ge [sflag:s12], $0x400  }
0x4bb: {  	[sflag:s12] =	ssyncset.done $0x0  }
0x4bc: {  	[sflag:s12] =	ssyncadd.s32 $0xFFFFFC00  }
0x4bd: {  	_ =	swait.ge [sflag:s12], $0x400  }
0x4be: {  	[sflag:s12] =	ssyncset.done $0x0  }
0x4bf: {  	[sflag:s12] =	ssyncadd.s32 $0xFFFFFC00  }
0x4c0: {  	_ =	swait.ge [sflag:s12], $0x400  }
0x4c1: {  	[sflag:s12] =	ssyncset.done $0x0  }
0x4c2: {  	[sflag:s12] =	ssyncadd.s32 $0xFFFFFC00  }
0x4c3: {  	_ =	swait.ge [sflag:s12], $0x400  }
0x4c4: {  	[sflag:s12] =	ssyncset.done $0x0  }
0x4c5: {  	[sflag:s12] =	ssyncadd.s32 $0xFFFFFC00  }
0x4c6: {  	_ =	swait.ge [sflag:s12], $0x400  }
0x4c7: {  	[sflag:s12] =	ssyncset.done $0x0  }
0x4c8: {  	[sflag:s12] =	ssyncadd.s32 $0xFFFFFC00  }
0x4c9: {  	_ =	swait.ge [sflag:s12], $0x400  }
0x4ca: {  	[sflag:s12] =	ssyncset.done $0x0  }
0x4cb: {  	[sflag:s12] =	ssyncadd.s32 $0xFFFFFC00  }
0x4cc: {  	_ =	swait.ge [sflag:s12], $0x400  }
0x4cd: {  	[sflag:s12] =	ssyncset.done $0x0  }
0x4ce: {  	[sflag:s12] =	ssyncadd.s32 $0xFFFFFC00  }
0x4cf: {  	_ =	swait.ge [sflag:s12], $0x400  }
0x4d0: {  	[sflag:s12] =	ssyncset.done $0x0  }
0x4d1: {  	[sflag:s12] =	ssyncadd.s32 $0xFFFFFC00  }
0x4d2: {  	_ =	swait.ge [sflag:s12], $0x400  }
0x4d3: {  	[sflag:s12] =	ssyncset.done $0x0  }
0x4d4: {  	[sflag:s12] =	ssyncadd.s32 $0xFFFFFC00  }
0x4d5: {  	_ =	swait.ge [sflag:s12], $0x400  }
0x4d6: {  	[sflag:s12] =	ssyncset.done $0x0  }
0x4d7: {  	[sflag:s12] =	ssyncadd.s32 $0xFFFFFC00  }
0x4d8: {  	_ =	swait.ge [sflag:s12], $0x400  }
0x4d9: {  	[sflag:s12] =	ssyncset.done $0x0  }
0x4da: {  	[sflag:s12] =	ssyncadd.s32 $0xFFFFFC00  }
0x4db: {  	_ =	swait.ge [sflag:s12], $0x400  }
0x4dc: {  	s14 =	sld [smem:$0x7FB];
	_ =	sdelay $0x2  }
0x4dd: {  	s13 =	rddreg [dreg:$0x13];
	s14 =	sadd.s32 $0x1, s14  }
0x4de: {  	p0 =	sne.s32 s14, s13  }
.Ltmp3:
0x4df: {  	_ = 	snop;
	(pc) =	sbr.rel @p0 .LBB2_1-.Ltmp3, $3  }
0x4e0: {  	_ =	sdelay $0x1  }
0x4e1: {  	[sflag:s12] =	ssyncset.done $0x0  }
0x4e2: {  	[sflag:s12] =	ssyncadd.s32 $0xFFFFFC00  }
0x4e3: {  	_ =	sfence.sel $0x180000  }
0x4e4: {  	[bflag:$0x0] =	sbarrier.arrive $0xFFFF  }
0x4e5: {  	_ =	strace $0x90000047  }
0x4e6: {  	s0 =	stileid.u32;
	[bflag:$0x2] =	sbarrier.arrive $0xFFFF  }
0x4e7: {  	p0 =	sne.s32 s0, $0x0;
	s0 =	rddreg [dreg:$0x3]  }
0x4e8: {  	s0 =	sadd.s32 @!p0 $0x100000, s0  }
0x4e9: {  	[sflag:s0] =	ssyncadd.tile.s32 @!p0 $0x1;
	_ =	shalt  }
.Lfunc_end2:
_tile_overlayer_lowered:
.L_overlay_start_2:
0x4ea: {  	(tag) =	ssettag $0x2  }
0x4eb: {  	s0 =	rddreg [dreg:$0x0];
	s2 =	stileid.u32  }
0x4ec: {  	s1 =	rddreg [dreg:$0x1];
	p0 =	sne.s32 s2, $0x0  }
0x4ed: {  	s3 =	rddreg [dreg:$0x2];
	[bflag:$0x3] =	sbarrier.arrive $0xFFFF;
	s2 =	simm.s32 @!p0 $0x1C07  }
0x4ee: {  	[timem:s3], [sflag:s2] =	dma.local @!p0 [hbm:s0], s1  }
0x4ef: {  	s0 =	simm.s32 @!p0 $0x7  }
0x4f0: {  	_ =	swait.ge @!p0 [sflag:s0], s1  }
0x4f1: {  	s1 =	ssub.s32 @!p0 $0x0, s1;
	[sflag:s0] =	ssyncset.done @!p0 $0x0  }
0x4f2: {  	[sflag:s0] =	ssyncadd.s32 @!p0 s1  }
0x4f3: {  	[bflag:$0x3] =	sbarrier.arrive $0xFFFF  }
0x4f4: {  	_ =	shalt  }

</sc_bundles>
